<compile_context>
chip_gen: v7x
topology: tpu7x:2x2x1
jax: 0.10.2.dev20260603
libtpu: 0.0.44.dev20260713+nightly
codegen_flags: <defaults>
</compile_context>

<pallas_src>
import jax
import jax.numpy as jnp
from jax import lax
from jax.experimental import pallas as pl
from jax.experimental.pallas import tpu as pltpu
from jax.experimental.pallas import tpu_sc as plsc

NW = 32
LANES = 16
CHUNK = 8192


def _body(xt_hbm, params_hbm, table_hbm, out_hbm,
          xb0, xb1, yb0, yb1, ob0, ob1, table_v, params_v,
          isx0, isx1, isy0, isy1, osem0, osem1):
    n = xt_hbm.shape[1]
    rows_w = n // NW
    n_chunks = rows_w // CHUNK
    xbs = (xb0, xb1)
    ybs = (yb0, yb1)
    obs = (ob0, ob1)
    isxs = (isx0, isx1)
    isys = (isy0, isy1)
    osems = (osem0, osem1)

    wid = lax.axis_index("s") * 2 + lax.axis_index("c")
    row0 = wid * rows_w

    pltpu.sync_copy(table_hbm, table_v)
    pltpu.sync_copy(params_hbm, params_v)
    axv = params_v[0]
    ayv = params_v[1]
    bxv = params_v[2]
    byv = params_v[3]

    def start_in(j):
        b = j % 2
        col = row0 + j * CHUNK
        dx = pltpu.async_copy(xt_hbm.at[0, pl.ds(col, CHUNK)], xbs[b], isxs[b])
        dy = pltpu.async_copy(xt_hbm.at[1, pl.ds(col, CHUNK)], ybs[b], isys[b])
        return (dx, dy)

    def start_out(j):
        b = j % 2
        return pltpu.async_copy(
            obs[b], out_hbm.at[pl.ds(row0 + j * CHUNK, CHUNK)], osems[b])

    in_d = [None, None]
    out_d = [None, None]
    in_d[0] = start_in(0)
    for j in range(n_chunks):
        b = j % 2
        if j + 1 < n_chunks:
            in_d[1 - b] = start_in(j + 1)
        in_d[b][0].wait()
        in_d[b][1].wait()
        if out_d[b] is not None:
            out_d[b].wait()
        xb = xbs[b]
        yb = ybs[b]
        ob = obs[b]

        @plsc.parallel_loop(0, CHUNK // LANES, 1, unroll=8)
        def _grp(i):
            xv = xb[pl.ds(i * LANES, LANES)]
            yv = yb[pl.ds(i * LANES, LANES)]
            tx = jnp.minimum(jnp.maximum(xv * axv + bxv, 0.0), 31.0)
            ty = jnp.minimum(jnp.maximum(yv * ayv + byv, 0.0), 31.0)
            ix = tx.astype(jnp.int32)
            iy = ty.astype(jnp.int32)
            bins = ix * 32 + iy
            ob[pl.ds(i * LANES, LANES)] = plsc.load_gather(table_v, [bins])

        out_d[b] = start_out(j)
    out_d[0].wait()
    out_d[1].wait()


def kernel(x, mean, std, xedges, yedges, bin_accuracies):
    n = x.shape[0]
    nbx = xedges.shape[0] - 1
    nby = yedges.shape[0] - 1

    inv_x = nbx / (xedges[-1] - xedges[0])
    inv_y = nby / (yedges[-1] - yedges[0])
    ax = inv_x / std[0, 0]
    ay = inv_y / std[0, 1]
    bx = (-mean[0, 0] / std[0, 0] - xedges[0]) * inv_x
    by = (-mean[0, 1] / std[0, 1] - yedges[0]) * inv_y
    ones = jnp.ones((LANES,), jnp.float32)
    params = jnp.stack([ax * ones, ay * ones, bx * ones, by * ones])

    xt = x.T

    mesh = plsc.VectorSubcoreMesh(core_axis_name="c", subcore_axis_name="s")
    f = pl.kernel(
        _body,
        out_type=jax.ShapeDtypeStruct((n,), jnp.float32),
        mesh=mesh,
        compiler_params=pltpu.CompilerParams(needs_layout_passes=False),
        scratch_types=[
            pltpu.VMEM((CHUNK,), jnp.float32),
            pltpu.VMEM((CHUNK,), jnp.float32),
            pltpu.VMEM((CHUNK,), jnp.float32),
            pltpu.VMEM((CHUNK,), jnp.float32),
            pltpu.VMEM((CHUNK,), jnp.float32),
            pltpu.VMEM((CHUNK,), jnp.float32),
            pltpu.VMEM((1024,), jnp.float32),
            pltpu.VMEM((4, LANES), jnp.float32),
            pltpu.SemaphoreType.DMA,
            pltpu.SemaphoreType.DMA,
            pltpu.SemaphoreType.DMA,
            pltpu.SemaphoreType.DMA,
            pltpu.SemaphoreType.DMA,
            pltpu.SemaphoreType.DMA,
        ],
    )
    return f(xt, params, bin_accuracies)

# --- scband reference (transcript-rebuilt; emitter-appended) ---
"""Pipeline reference for scband-box-accuracy-21131239096552 (READ-ONLY COPY).

The authoritative reference and input builder live on the scoring server;
editing this copy changes nothing except your own understanding.
"""

import jax, jax.numpy as jnp
import numpy as np


def _binning(vals, num_bins):
    # Binning_method: equal-width histogram edges over the data range
    lo = jnp.min(vals)
    hi = jnp.max(vals)
    return jnp.linspace(lo, hi, num_bins + 1)


def setup_inputs(seed: int = 0) -> dict:
    key = jax.random.key(seed)
    k1, k2, k3, k4 = jax.random.split(key, 4)
    calib_n = 100000
    num_bins = 1024
    nb = int(np.sqrt(num_bins))  # 32 edges per axis -> 32x32 grid

    confidence1 = jax.random.normal(k1, (calib_n,), dtype=jnp.float32)
    confidence2 = jax.random.normal(k2, (calib_n,), dtype=jnp.float32)
    accuracy = jax.random.uniform(k3, (calib_n,), dtype=jnp.float32)

    conf = jnp.stack([confidence1, confidence2], axis=1)
    mean = jnp.mean(conf, axis=0, keepdims=True)
    std = jnp.std(conf, axis=0, keepdims=True)
    confn = (conf - mean) / std

    xedges = _binning(confn[:, 0], nb)
    yedges = _binning(confn[:, 1], nb)

    # np.digitize(v, edges) == searchsorted(edges, v, side='right')
    ix = jnp.clip(jnp.searchsorted(xedges, confn[:, 0], side='right') - 1, 0, nb - 1)
    iy = jnp.clip(jnp.searchsorted(yedges, confn[:, 1], side='right') - 1, 0, nb - 1)
    binnumber = ix * nb + iy

    sums = jax.ops.segment_sum(accuracy, binnumber, num_segments=nb * nb)
    counts = jax.ops.segment_sum(jnp.ones_like(accuracy), binnumber, num_segments=nb * nb)
    bin_accuracies = jnp.where(counts > 0, sums / jnp.maximum(counts, 1.0), 0.0).astype(jnp.float32)

    x = jax.random.normal(k4, (4194304, 2), dtype=jnp.float32)

    return {
        "x": x,
        "mean": mean,
        "std": std,
        "xedges": xedges,
        "yedges": yedges,
        "bin_accuracies": bin_accuracies,
    }


def reference(x, mean, std, xedges, yedges, bin_accuracies):
    xn = (x - mean) / std
    nbx = xedges.shape[0] - 1
    nby = yedges.shape[0] - 1
    ix = jnp.clip(jnp.searchsorted(xedges, xn[:, 0], side='right') - 1, 0, nbx - 1)
    iy = jnp.clip(jnp.searchsorted(yedges, xn[:, 1], side='right') - 1, 0, nby - 1)
    binnumber = ix * nby + iy
    return jnp.take(bin_accuracies, binnumber, axis=0)

if __name__ == "__main__":
    import jax
    _d = setup_inputs()
    print(jax.jit(kernel)(*tuple(_d.values())))

</pallas_src>

<mosaic_0001>
#map = affine_map<(d0, d1) -> (0, 0)>
#map1 = affine_map<(d0, d1) -> (0)>
module attributes {stable_mosaic.version = 14 : i64} {
  func.func @_body(%arg0: i32, %arg1: i32, %arg2: memref<2x4194304xf32, #tpu.memory_space<hbm>>, %arg3: memref<4x16xf32, #tpu.memory_space<hbm>>, %arg4: memref<1024xf32, #tpu.memory_space<hbm>>, %arg5: memref<4194304xf32, #tpu.memory_space<hbm>>, %arg6: memref<8192xf32, #tpu.memory_space<vmem>>, %arg7: memref<8192xf32, #tpu.memory_space<vmem>>, %arg8: memref<8192xf32, #tpu.memory_space<vmem>>, %arg9: memref<8192xf32, #tpu.memory_space<vmem>>, %arg10: memref<8192xf32, #tpu.memory_space<vmem>>, %arg11: memref<8192xf32, #tpu.memory_space<vmem>>, %arg12: memref<1024xf32, #tpu.memory_space<vmem>>, %arg13: memref<4x16xf32, #tpu.memory_space<vmem>>, %arg14: memref<!tpu.dma_semaphore, #tpu.memory_space<semaphore_mem>>, %arg15: memref<!tpu.dma_semaphore, #tpu.memory_space<semaphore_mem>>, %arg16: memref<!tpu.dma_semaphore, #tpu.memory_space<semaphore_mem>>, %arg17: memref<!tpu.dma_semaphore, #tpu.memory_space<semaphore_mem>>, %arg18: memref<!tpu.dma_semaphore, #tpu.memory_space<semaphore_mem>>, %arg19: memref<!tpu.dma_semaphore, #tpu.memory_space<semaphore_mem>>) attributes {dimension_semantics = [#tpu.dimension_semantics<core_parallel>, #tpu.dimension_semantics<subcore_parallel>], iteration_bounds = array<i64: 2, 16>, scalar_prefetch = 0 : i64, scratch_operands = 14 : i64, tpu.core_type = #tpu.core_type<sc_vector_subcore>, window_params = [{transform_indices = #map}, {transform_indices = #map}, {transform_indices = #map1}, {transform_indices = #map1}]} {
    %mul3A = arith.constant 2 : i32
    %mul3A_0 = arith.muli %arg1, %mul3A : i32
    %add3A = arith.addi %mul3A_0, %arg0 : i32
    %mul3A_1 = arith.constant 131072 : i32
    %mul3A_2 = arith.muli %add3A, %mul3A_1 : i32
    "tpu.region"() ({
      %run_scoped3A = tpu.sem_alloc : memref<!tpu.dma_semaphore, #tpu.memory_space<semaphore_mem>>
      tpu.enqueue_dma source(%arg4 : memref<1024xf32, #tpu.memory_space<hbm>>) target(%arg12 : memref<1024xf32, #tpu.memory_space<vmem>>) target_semaphore(%run_scoped3A : memref<!tpu.dma_semaphore, #tpu.memory_space<semaphore_mem>>)
      tpu.wait_dma2 semaphore(%run_scoped3A : memref<!tpu.dma_semaphore, #tpu.memory_space<semaphore_mem>>) src(%arg4 : memref<1024xf32, #tpu.memory_space<hbm>>) dst(%arg12 : memref<1024xf32, #tpu.memory_space<vmem>>)
      tpu.yield
    }) : () -> ()
    "tpu.region"() ({
      %run_scoped3A = tpu.sem_alloc : memref<!tpu.dma_semaphore, #tpu.memory_space<semaphore_mem>>
      tpu.enqueue_dma source(%arg3 : memref<4x16xf32, #tpu.memory_space<hbm>>) target(%arg13 : memref<4x16xf32, #tpu.memory_space<vmem>>) target_semaphore(%run_scoped3A : memref<!tpu.dma_semaphore, #tpu.memory_space<semaphore_mem>>)
      tpu.wait_dma2 semaphore(%run_scoped3A : memref<!tpu.dma_semaphore, #tpu.memory_space<semaphore_mem>>) src(%arg3 : memref<4x16xf32, #tpu.memory_space<hbm>>) dst(%arg13 : memref<4x16xf32, #tpu.memory_space<vmem>>)
      tpu.yield
    }) : () -> ()
    %get3A = arith.constant 0 : i32
    %get3A_3 = arith.index_cast %get3A : i32 to index
    %get3A_4 = arith.constant 0 : index
    %get3A_5 = tpu.vector_load %arg13[%get3A_3, %get3A_4] {strides = array<i32>} : memref<4x16xf32, #tpu.memory_space<vmem>>, vector<16xf32>,
    %get3A_6 = arith.constant 1 : i32
    %get3A_7 = arith.index_cast %get3A_6 : i32 to index
    %get3A_8 = arith.constant 0 : index
    %get3A_9 = tpu.vector_load %arg13[%get3A_7, %get3A_8] {strides = array<i32>} : memref<4x16xf32, #tpu.memory_space<vmem>>, vector<16xf32>,
    %get3A_10 = arith.constant 2 : i32
    %get3A_11 = arith.index_cast %get3A_10 : i32 to index
    %get3A_12 = arith.constant 0 : index
    %get3A_13 = tpu.vector_load %arg13[%get3A_11, %get3A_12] {strides = array<i32>} : memref<4x16xf32, #tpu.memory_space<vmem>>, vector<16xf32>,
    %get3A_14 = arith.constant 3 : i32
    %get3A_15 = arith.index_cast %get3A_14 : i32 to index
    %get3A_16 = arith.constant 0 : index
    %get3A_17 = tpu.vector_load %arg13[%get3A_15, %get3A_16] {strides = array<i32>} : memref<4x16xf32, #tpu.memory_space<vmem>>, vector<16xf32>,
    %add3A_18 = arith.constant 0 : i32
    %add3A_19 = arith.addi %mul3A_2, %add3A_18 : i32
    %dma_start3A = arith.constant 0 : i32
    %dma_start3A_20 = tpu.memref_slice %arg2[%dma_start3A, %add3A_19] : memref<2x4194304xf32, #tpu.memory_space<hbm>> -> memref<1x8192xf32, #tpu.memory_space<hbm>>
    %dma_start3A_21 = tpu.memref_squeeze %dma_start3A_20 : memref<1x8192xf32, #tpu.memory_space<hbm>> -> memref<8192xf32, #tpu.memory_space<hbm>>
    %dma_start3A_22 = tpu.memref_slice %arg2[%dma_start3A, %add3A_19] : memref<2x4194304xf32, #tpu.memory_space<hbm>> -> memref<1x8192xf32, #tpu.memory_space<hbm>>
    %dma_start3A_23 = tpu.memref_squeeze %dma_start3A_22 : memref<1x8192xf32, #tpu.memory_space<hbm>> -> memref<8192xf32, #tpu.memory_space<hbm>>
    tpu.enqueue_dma source(%dma_start3A_23 : memref<8192xf32, #tpu.memory_space<hbm>>) target(%arg6 : memref<8192xf32, #tpu.memory_space<vmem>>) target_semaphore(%arg14 : memref<!tpu.dma_semaphore, #tpu.memory_space<semaphore_mem>>)
    %dma_start3A_24 = arith.constant 1 : i32
    %dma_start3A_25 = tpu.memref_slice %arg2[%dma_start3A_24, %add3A_19] : memref<2x4194304xf32, #tpu.memory_space<hbm>> -> memref<1x8192xf32, #tpu.memory_space<hbm>>
    %dma_start3A_26 = tpu.memref_squeeze %dma_start3A_25 : memref<1x8192xf32, #tpu.memory_space<hbm>> -> memref<8192xf32, #tpu.memory_space<hbm>>
    %dma_start3A_27 = tpu.memref_slice %arg2[%dma_start3A_24, %add3A_19] : memref<2x4194304xf32, #tpu.memory_space<hbm>> -> memref<1x8192xf32, #tpu.memory_space<hbm>>
    %dma_start3A_28 = tpu.memref_squeeze %dma_start3A_27 : memref<1x8192xf32, #tpu.memory_space<hbm>> -> memref<8192xf32, #tpu.memory_space<hbm>>
    tpu.enqueue_dma source(%dma_start3A_28 : memref<8192xf32, #tpu.memory_space<hbm>>) target(%arg8 : memref<8192xf32, #tpu.memory_space<vmem>>) target_semaphore(%arg16 : memref<!tpu.dma_semaphore, #tpu.memory_space<semaphore_mem>>)
    %add3A_29 = arith.constant 8192 : i32
    %add3A_30 = arith.addi %mul3A_2, %add3A_29 : i32
    %dma_start3A_31 = arith.constant 0 : i32
    %dma_start3A_32 = tpu.memref_slice %arg2[%dma_start3A_31, %add3A_30] : memref<2x4194304xf32, #tpu.memory_space<hbm>> -> memref<1x8192xf32, #tpu.memory_space<hbm>>
    %dma_start3A_33 = tpu.memref_squeeze %dma_start3A_32 : memref<1x8192xf32, #tpu.memory_space<hbm>> -> memref<8192xf32, #tpu.memory_space<hbm>>
    %dma_start3A_34 = tpu.memref_slice %arg2[%dma_start3A_31, %add3A_30] : memref<2x4194304xf32, #tpu.memory_space<hbm>> -> memref<1x8192xf32, #tpu.memory_space<hbm>>
    %dma_start3A_35 = tpu.memref_squeeze %dma_start3A_34 : memref<1x8192xf32, #tpu.memory_space<hbm>> -> memref<8192xf32, #tpu.memory_space<hbm>>
    tpu.enqueue_dma source(%dma_start3A_35 : memref<8192xf32, #tpu.memory_space<hbm>>) target(%arg7 : memref<8192xf32, #tpu.memory_space<vmem>>) target_semaphore(%arg15 : memref<!tpu.dma_semaphore, #tpu.memory_space<semaphore_mem>>)
    %dma_start3A_36 = arith.constant 1 : i32
    %dma_start3A_37 = tpu.memref_slice %arg2[%dma_start3A_36, %add3A_30] : memref<2x4194304xf32, #tpu.memory_space<hbm>> -> memref<1x8192xf32, #tpu.memory_space<hbm>>
    %dma_start3A_38 = tpu.memref_squeeze %dma_start3A_37 : memref<1x8192xf32, #tpu.memory_space<hbm>> -> memref<8192xf32, #tpu.memory_space<hbm>>
    %dma_start3A_39 = tpu.memref_slice %arg2[%dma_start3A_36, %add3A_30] : memref<2x4194304xf32, #tpu.memory_space<hbm>> -> memref<1x8192xf32, #tpu.memory_space<hbm>>
    %dma_start3A_40 = tpu.memref_squeeze %dma_start3A_39 : memref<1x8192xf32, #tpu.memory_space<hbm>> -> memref<8192xf32, #tpu.memory_space<hbm>>
    tpu.enqueue_dma source(%dma_start3A_40 : memref<8192xf32, #tpu.memory_space<hbm>>) target(%arg9 : memref<8192xf32, #tpu.memory_space<vmem>>) target_semaphore(%arg17 : memref<!tpu.dma_semaphore, #tpu.memory_space<semaphore_mem>>)
    %dma_wait3A = arith.constant 0 : i32
    %dma_wait3A_41 = tpu.memref_slice %arg2[%dma_wait3A, %add3A_19] : memref<2x4194304xf32, #tpu.memory_space<hbm>> -> memref<1x8192xf32, #tpu.memory_space<hbm>>
    %dma_wait3A_42 = tpu.memref_squeeze %dma_wait3A_41 : memref<1x8192xf32, #tpu.memory_space<hbm>> -> memref<8192xf32, #tpu.memory_space<hbm>>
    %dma_wait3A_43 = tpu.memref_slice %arg2[%dma_wait3A, %add3A_19] : memref<2x4194304xf32, #tpu.memory_space<hbm>> -> memref<1x8192xf32, #tpu.memory_space<hbm>>
    %dma_wait3A_44 = tpu.memref_squeeze %dma_wait3A_43 : memref<1x8192xf32, #tpu.memory_space<hbm>> -> memref<8192xf32, #tpu.memory_space<hbm>>
    tpu.wait_dma2 semaphore(%arg14 : memref<!tpu.dma_semaphore, #tpu.memory_space<semaphore_mem>>) src(%dma_wait3A_44 : memref<8192xf32, #tpu.memory_space<hbm>>) dst(%arg6 : memref<8192xf32, #tpu.memory_space<vmem>>)
    %dma_wait3A_45 = arith.constant 1 : i32
    %dma_wait3A_46 = tpu.memref_slice %arg2[%dma_wait3A_45, %add3A_19] : memref<2x4194304xf32, #tpu.memory_space<hbm>> -> memref<1x8192xf32, #tpu.memory_space<hbm>>
    %dma_wait3A_47 = tpu.memref_squeeze %dma_wait3A_46 : memref<1x8192xf32, #tpu.memory_space<hbm>> -> memref<8192xf32, #tpu.memory_space<hbm>>
    %dma_wait3A_48 = tpu.memref_slice %arg2[%dma_wait3A_45, %add3A_19] : memref<2x4194304xf32, #tpu.memory_space<hbm>> -> memref<1x8192xf32, #tpu.memory_space<hbm>>
    %dma_wait3A_49 = tpu.memref_squeeze %dma_wait3A_48 : memref<1x8192xf32, #tpu.memory_space<hbm>> -> memref<8192xf32, #tpu.memory_space<hbm>>
    tpu.wait_dma2 semaphore(%arg16 : memref<!tpu.dma_semaphore, #tpu.memory_space<semaphore_mem>>) src(%dma_wait3A_49 : memref<8192xf32, #tpu.memory_space<hbm>>) dst(%arg8 : memref<8192xf32, #tpu.memory_space<vmem>>)
    %parallel_loop3A = arith.constant 0 : i32
    %parallel_loop3A_50 = arith.constant 512 : i32
    %parallel_loop3A_51 = arith.constant 1 : i32
    scf.for %parallel_loop3A_511 = %parallel_loop3A to %parallel_loop3A_50 step %parallel_loop3A_51  : i32 {
      %parallel_loop3A_512 = arith.constant 16 : i32
      %parallel_loop3A_513 = arith.muli %parallel_loop3A_511, %parallel_loop3A_512 : i32
      %parallel_loop3A_514 = arith.index_cast %parallel_loop3A_513 : i32 to index
      %parallel_loop3A_515 = tpu.vector_load %arg6[%parallel_loop3A_514] {strides = array<i32>} : memref<8192xf32, #tpu.memory_space<vmem>>, vector<16xf32>,
      %parallel_loop3A_516 = arith.constant 16 : i32
      %parallel_loop3A_517 = arith.muli %parallel_loop3A_511, %parallel_loop3A_516 : i32
      %parallel_loop3A_518 = arith.index_cast %parallel_loop3A_517 : i32 to index
      %parallel_loop3A_519 = tpu.vector_load %arg8[%parallel_loop3A_518] {strides = array<i32>} : memref<8192xf32, #tpu.memory_space<vmem>>, vector<16xf32>,
      %parallel_loop3A_520 = arith.mulf %parallel_loop3A_515, %get3A_5 : vector<16xf32>
      %parallel_loop3A_521 = arith.addf %parallel_loop3A_520, %get3A_13 : vector<16xf32>
      %parallel_loop3A_522 = arith.constant 0.000000e+00 : f32
      %parallel_loop3A_523 = vector.broadcast %parallel_loop3A_522 : f32 to vector<16xf32>
      %parallel_loop3A_524 = arith.maximumf %parallel_loop3A_521, %parallel_loop3A_523 : vector<16xf32>
      %parallel_loop3A_525 = arith.constant 3.100000e+01 : f32
      %parallel_loop3A_526 = vector.broadcast %parallel_loop3A_525 : f32 to vector<16xf32>
      %parallel_loop3A_527 = arith.minimumf %parallel_loop3A_524, %parallel_loop3A_526 : vector<16xf32>
      %parallel_loop3A_528 = arith.mulf %parallel_loop3A_519, %get3A_9 : vector<16xf32>
      %parallel_loop3A_529 = arith.addf %parallel_loop3A_528, %get3A_17 : vector<16xf32>
      %parallel_loop3A_530 = arith.constant 0.000000e+00 : f32
      %parallel_loop3A_531 = vector.broadcast %parallel_loop3A_530 : f32 to vector<16xf32>
      %parallel_loop3A_532 = arith.maximumf %parallel_loop3A_529, %parallel_loop3A_531 : vector<16xf32>
      %parallel_loop3A_533 = arith.constant 3.100000e+01 : f32
      %parallel_loop3A_534 = vector.broadcast %parallel_loop3A_533 : f32 to vector<16xf32>
      %parallel_loop3A_535 = arith.minimumf %parallel_loop3A_532, %parallel_loop3A_534 : vector<16xf32>
      %parallel_loop3A_536 = arith.fptosi %parallel_loop3A_527 : vector<16xf32> to vector<16xi32>
      %parallel_loop3A_537 = arith.fptosi %parallel_loop3A_535 : vector<16xf32> to vector<16xi32>
      %parallel_loop3A_538 = arith.constant 32 : i32
      %parallel_loop3A_539 = vector.broadcast %parallel_loop3A_538 : i32 to vector<16xi32>
      %parallel_loop3A_540 = arith.muli %parallel_loop3A_536, %parallel_loop3A_539 : vector<16xi32>
      %parallel_loop3A_541 = arith.addi %parallel_loop3A_540, %parallel_loop3A_537 : vector<16xi32>
      %parallel_loop3A_542 = tpu.vector_load_idx %arg12[%parallel_loop3A_541] : memref<1024xf32, #tpu.memory_space<vmem>>[vector<16xi32>], vector<16xf32>,
      %parallel_loop3A_543 = arith.constant 16 : i32
      %parallel_loop3A_544 = arith.muli %parallel_loop3A_511, %parallel_loop3A_543 : i32
      %parallel_loop3A_545 = arith.index_cast %parallel_loop3A_544 : i32 to index
      %parallel_loop3A_546 = tpu.vector_load %arg10[%parallel_loop3A_545] {strides = array<i32>} : memref<8192xf32, #tpu.memory_space<vmem>>, vector<16xf32>,
      tpu.vector_store %arg10[%parallel_loop3A_545], %parallel_loop3A_542 {strides = array<i32>} : memref<8192xf32, #tpu.memory_space<vmem>>, vector<16xf32>,
    } {sc.loop_unroll_factor = 8 : i64, sc.parallel_access}
    %add3A_52 = arith.constant 0 : i32
    %add3A_53 = arith.addi %mul3A_2, %add3A_52 : i32
    %dma_start3A_54 = tpu.memref_slice %arg5[%add3A_53] : memref<4194304xf32, #tpu.memory_space<hbm>> -> memref<8192xf32, #tpu.memory_space<hbm>>
    %dma_start3A_55 = tpu.memref_slice %arg5[%add3A_53] : memref<4194304xf32, #tpu.memory_space<hbm>> -> memref<8192xf32, #tpu.memory_space<hbm>>
    tpu.enqueue_dma source(%arg10 : memref<8192xf32, #tpu.memory_space<vmem>>) target(%dma_start3A_55 : memref<8192xf32, #tpu.memory_space<hbm>>) target_semaphore(%arg18 : memref<!tpu.dma_semaphore, #tpu.memory_space<semaphore_mem>>)
    %add3A_56 = arith.constant 16384 : i32
    %add3A_57 = arith.addi %mul3A_2, %add3A_56 : i32
    %dma_start3A_58 = arith.constant 0 : i32
    %dma_start3A_59 = tpu.memref_slice %arg2[%dma_start3A_58, %add3A_57] : memref<2x4194304xf32, #tpu.memory_space<hbm>> -> memref<1x8192xf32, #tpu.memory_space<hbm>>
    %dma_start3A_60 = tpu.memref_squeeze %dma_start3A_59 : memref<1x8192xf32, #tpu.memory_space<hbm>> -> memref<8192xf32, #tpu.memory_space<hbm>>
    %dma_start3A_61 = tpu.memref_slice %arg2[%dma_start3A_58, %add3A_57] : memref<2x4194304xf32, #tpu.memory_space<hbm>> -> memref<1x8192xf32, #tpu.memory_space<hbm>>
    %dma_start3A_62 = tpu.memref_squeeze %dma_start3A_61 : memref<1x8192xf32, #tpu.memory_space<hbm>> -> memref<8192xf32, #tpu.memory_space<hbm>>
    tpu.enqueue_dma source(%dma_start3A_62 : memref<8192xf32, #tpu.memory_space<hbm>>) target(%arg6 : memref<8192xf32, #tpu.memory_space<vmem>>) target_semaphore(%arg14 : memref<!tpu.dma_semaphore, #tpu.memory_space<semaphore_mem>>)
    %dma_start3A_63 = arith.constant 1 : i32
    %dma_start3A_64 = tpu.memref_slice %arg2[%dma_start3A_63, %add3A_57] : memref<2x4194304xf32, #tpu.memory_space<hbm>> -> memref<1x8192xf32, #tpu.memory_space<hbm>>
    %dma_start3A_65 = tpu.memref_squeeze %dma_start3A_64 : memref<1x8192xf32, #tpu.memory_space<hbm>> -> memref<8192xf32, #tpu.memory_space<hbm>>
    %dma_start3A_66 = tpu.memref_slice %arg2[%dma_start3A_63, %add3A_57] : memref<2x4194304xf32, #tpu.memory_space<hbm>> -> memref<1x8192xf32, #tpu.memory_space<hbm>>
    %dma_start3A_67 = tpu.memref_squeeze %dma_start3A_66 : memref<1x8192xf32, #tpu.memory_space<hbm>> -> memref<8192xf32, #tpu.memory_space<hbm>>
    tpu.enqueue_dma source(%dma_start3A_67 : memref<8192xf32, #tpu.memory_space<hbm>>) target(%arg8 : memref<8192xf32, #tpu.memory_space<vmem>>) target_semaphore(%arg16 : memref<!tpu.dma_semaphore, #tpu.memory_space<semaphore_mem>>)
    %dma_wait3A_68 = arith.constant 0 : i32
    %dma_wait3A_69 = tpu.memref_slice %arg2[%dma_wait3A_68, %add3A_30] : memref<2x4194304xf32, #tpu.memory_space<hbm>> -> memref<1x8192xf32, #tpu.memory_space<hbm>>
    %dma_wait3A_70 = tpu.memref_squeeze %dma_wait3A_69 : memref<1x8192xf32, #tpu.memory_space<hbm>> -> memref<8192xf32, #tpu.memory_space<hbm>>
    %dma_wait3A_71 = tpu.memref_slice %arg2[%dma_wait3A_68, %add3A_30] : memref<2x4194304xf32, #tpu.memory_space<hbm>> -> memref<1x8192xf32, #tpu.memory_space<hbm>>
    %dma_wait3A_72 = tpu.memref_squeeze %dma_wait3A_71 : memref<1x8192xf32, #tpu.memory_space<hbm>> -> memref<8192xf32, #tpu.memory_space<hbm>>
    tpu.wait_dma2 semaphore(%arg15 : memref<!tpu.dma_semaphore, #tpu.memory_space<semaphore_mem>>) src(%dma_wait3A_72 : memref<8192xf32, #tpu.memory_space<hbm>>) dst(%arg7 : memref<8192xf32, #tpu.memory_space<vmem>>)
    %dma_wait3A_73 = arith.constant 1 : i32
    %dma_wait3A_74 = tpu.memref_slice %arg2[%dma_wait3A_73, %add3A_30] : memref<2x4194304xf32, #tpu.memory_space<hbm>> -> memref<1x8192xf32, #tpu.memory_space<hbm>>
    %dma_wait3A_75 = tpu.memref_squeeze %dma_wait3A_74 : memref<1x8192xf32, #tpu.memory_space<hbm>> -> memref<8192xf32, #tpu.memory_space<hbm>>
    %dma_wait3A_76 = tpu.memref_slice %arg2[%dma_wait3A_73, %add3A_30] : memref<2x4194304xf32, #tpu.memory_space<hbm>> -> memref<1x8192xf32, #tpu.memory_space<hbm>>
    %dma_wait3A_77 = tpu.memref_squeeze %dma_wait3A_76 : memref<1x8192xf32, #tpu.memory_space<hbm>> -> memref<8192xf32, #tpu.memory_space<hbm>>
    tpu.wait_dma2 semaphore(%arg17 : memref<!tpu.dma_semaphore, #tpu.memory_space<semaphore_mem>>) src(%dma_wait3A_77 : memref<8192xf32, #tpu.memory_space<hbm>>) dst(%arg9 : memref<8192xf32, #tpu.memory_space<vmem>>)
    %parallel_loop3A_78 = arith.constant 0 : i32
    %parallel_loop3A_79 = arith.constant 512 : i32
    %parallel_loop3A_80 = arith.constant 1 : i32
    scf.for %parallel_loop3A_511 = %parallel_loop3A_78 to %parallel_loop3A_79 step %parallel_loop3A_80  : i32 {
      %parallel_loop3A_512 = arith.constant 16 : i32
      %parallel_loop3A_513 = arith.muli %parallel_loop3A_511, %parallel_loop3A_512 : i32
      %parallel_loop3A_514 = arith.index_cast %parallel_loop3A_513 : i32 to index
      %parallel_loop3A_515 = tpu.vector_load %arg7[%parallel_loop3A_514] {strides = array<i32>} : memref<8192xf32, #tpu.memory_space<vmem>>, vector<16xf32>,
      %parallel_loop3A_516 = arith.constant 16 : i32
      %parallel_loop3A_517 = arith.muli %parallel_loop3A_511, %parallel_loop3A_516 : i32
      %parallel_loop3A_518 = arith.index_cast %parallel_loop3A_517 : i32 to index
      %parallel_loop3A_519 = tpu.vector_load %arg9[%parallel_loop3A_518] {strides = array<i32>} : memref<8192xf32, #tpu.memory_space<vmem>>, vector<16xf32>,
      %parallel_loop3A_520 = arith.mulf %parallel_loop3A_515, %get3A_5 : vector<16xf32>
      %parallel_loop3A_521 = arith.addf %parallel_loop3A_520, %get3A_13 : vector<16xf32>
      %parallel_loop3A_522 = arith.constant 0.000000e+00 : f32
      %parallel_loop3A_523 = vector.broadcast %parallel_loop3A_522 : f32 to vector<16xf32>
      %parallel_loop3A_524 = arith.maximumf %parallel_loop3A_521, %parallel_loop3A_523 : vector<16xf32>
      %parallel_loop3A_525 = arith.constant 3.100000e+01 : f32
      %parallel_loop3A_526 = vector.broadcast %parallel_loop3A_525 : f32 to vector<16xf32>
      %parallel_loop3A_527 = arith.minimumf %parallel_loop3A_524, %parallel_loop3A_526 : vector<16xf32>
      %parallel_loop3A_528 = arith.mulf %parallel_loop3A_519, %get3A_9 : vector<16xf32>
      %parallel_loop3A_529 = arith.addf %parallel_loop3A_528, %get3A_17 : vector<16xf32>
      %parallel_loop3A_530 = arith.constant 0.000000e+00 : f32
      %parallel_loop3A_531 = vector.broadcast %parallel_loop3A_530 : f32 to vector<16xf32>
      %parallel_loop3A_532 = arith.maximumf %parallel_loop3A_529, %parallel_loop3A_531 : vector<16xf32>
      %parallel_loop3A_533 = arith.constant 3.100000e+01 : f32
      %parallel_loop3A_534 = vector.broadcast %parallel_loop3A_533 : f32 to vector<16xf32>
      %parallel_loop3A_535 = arith.minimumf %parallel_loop3A_532, %parallel_loop3A_534 : vector<16xf32>
      %parallel_loop3A_536 = arith.fptosi %parallel_loop3A_527 : vector<16xf32> to vector<16xi32>
      %parallel_loop3A_537 = arith.fptosi %parallel_loop3A_535 : vector<16xf32> to vector<16xi32>
      %parallel_loop3A_538 = arith.constant 32 : i32
      %parallel_loop3A_539 = vector.broadcast %parallel_loop3A_538 : i32 to vector<16xi32>
      %parallel_loop3A_540 = arith.muli %parallel_loop3A_536, %parallel_loop3A_539 : vector<16xi32>
      %parallel_loop3A_541 = arith.addi %parallel_loop3A_540, %parallel_loop3A_537 : vector<16xi32>
      %parallel_loop3A_542 = tpu.vector_load_idx %arg12[%parallel_loop3A_541] : memref<1024xf32, #tpu.memory_space<vmem>>[vector<16xi32>], vector<16xf32>,
      %parallel_loop3A_543 = arith.constant 16 : i32
      %parallel_loop3A_544 = arith.muli %parallel_loop3A_511, %parallel_loop3A_543 : i32
      %parallel_loop3A_545 = arith.index_cast %parallel_loop3A_544 : i32 to index
      %parallel_loop3A_546 = tpu.vector_load %arg11[%parallel_loop3A_545] {strides = array<i32>} : memref<8192xf32, #tpu.memory_space<vmem>>, vector<16xf32>,
      tpu.vector_store %arg11[%parallel_loop3A_545], %parallel_loop3A_542 {strides = array<i32>} : memref<8192xf32, #tpu.memory_space<vmem>>, vector<16xf32>,
    } {sc.loop_unroll_factor = 8 : i64, sc.parallel_access}
    %add3A_81 = arith.constant 8192 : i32
    %add3A_82 = arith.addi %mul3A_2, %add3A_81 : i32
    %dma_start3A_83 = tpu.memref_slice %arg5[%add3A_82] : memref<4194304xf32, #tpu.memory_space<hbm>> -> memref<8192xf32, #tpu.memory_space<hbm>>
    %dma_start3A_84 = tpu.memref_slice %arg5[%add3A_82] : memref<4194304xf32, #tpu.memory_space<hbm>> -> memref<8192xf32, #tpu.memory_space<hbm>>
    tpu.enqueue_dma source(%arg11 : memref<8192xf32, #tpu.memory_space<vmem>>) target(%dma_start3A_84 : memref<8192xf32, #tpu.memory_space<hbm>>) target_semaphore(%arg19 : memref<!tpu.dma_semaphore, #tpu.memory_space<semaphore_mem>>)
    %add3A_85 = arith.constant 24576 : i32
    %add3A_86 = arith.addi %mul3A_2, %add3A_85 : i32
    %dma_start3A_87 = arith.constant 0 : i32
    %dma_start3A_88 = tpu.memref_slice %arg2[%dma_start3A_87, %add3A_86] : memref<2x4194304xf32, #tpu.memory_space<hbm>> -> memref<1x8192xf32, #tpu.memory_space<hbm>>
    %dma_start3A_89 = tpu.memref_squeeze %dma_start3A_88 : memref<1x8192xf32, #tpu.memory_space<hbm>> -> memref<8192xf32, #tpu.memory_space<hbm>>
    %dma_start3A_90 = tpu.memref_slice %arg2[%dma_start3A_87, %add3A_86] : memref<2x4194304xf32, #tpu.memory_space<hbm>> -> memref<1x8192xf32, #tpu.memory_space<hbm>>
    %dma_start3A_91 = tpu.memref_squeeze %dma_start3A_90 : memref<1x8192xf32, #tpu.memory_space<hbm>> -> memref<8192xf32, #tpu.memory_space<hbm>>
    tpu.enqueue_dma source(%dma_start3A_91 : memref<8192xf32, #tpu.memory_space<hbm>>) target(%arg7 : memref<8192xf32, #tpu.memory_space<vmem>>) target_semaphore(%arg15 : memref<!tpu.dma_semaphore, #tpu.memory_space<semaphore_mem>>)
    %dma_start3A_92 = arith.constant 1 : i32
    %dma_start3A_93 = tpu.memref_slice %arg2[%dma_start3A_92, %add3A_86] : memref<2x4194304xf32, #tpu.memory_space<hbm>> -> memref<1x8192xf32, #tpu.memory_space<hbm>>
    %dma_start3A_94 = tpu.memref_squeeze %dma_start3A_93 : memref<1x8192xf32, #tpu.memory_space<hbm>> -> memref<8192xf32, #tpu.memory_space<hbm>>
    %dma_start3A_95 = tpu.memref_slice %arg2[%dma_start3A_92, %add3A_86] : memref<2x4194304xf32, #tpu.memory_space<hbm>> -> memref<1x8192xf32, #tpu.memory_space<hbm>>
    %dma_start3A_96 = tpu.memref_squeeze %dma_start3A_95 : memref<1x8192xf32, #tpu.memory_space<hbm>> -> memref<8192xf32, #tpu.memory_space<hbm>>
    tpu.enqueue_dma source(%dma_start3A_96 : memref<8192xf32, #tpu.memory_space<hbm>>) target(%arg9 : memref<8192xf32, #tpu.memory_space<vmem>>) target_semaphore(%arg17 : memref<!tpu.dma_semaphore, #tpu.memory_space<semaphore_mem>>)
    %dma_wait3A_97 = arith.constant 0 : i32
    %dma_wait3A_98 = tpu.memref_slice %arg2[%dma_wait3A_97, %add3A_57] : memref<2x4194304xf32, #tpu.memory_space<hbm>> -> memref<1x8192xf32, #tpu.memory_space<hbm>>
    %dma_wait3A_99 = tpu.memref_squeeze %dma_wait3A_98 : memref<1x8192xf32, #tpu.memory_space<hbm>> -> memref<8192xf32, #tpu.memory_space<hbm>>
    %dma_wait3A_100 = tpu.memref_slice %arg2[%dma_wait3A_97, %add3A_57] : memref<2x4194304xf32, #tpu.memory_space<hbm>> -> memref<1x8192xf32, #tpu.memory_space<hbm>>
    %dma_wait3A_101 = tpu.memref_squeeze %dma_wait3A_100 : memref<1x8192xf32, #tpu.memory_space<hbm>> -> memref<8192xf32, #tpu.memory_space<hbm>>
    tpu.wait_dma2 semaphore(%arg14 : memref<!tpu.dma_semaphore, #tpu.memory_space<semaphore_mem>>) src(%dma_wait3A_101 : memref<8192xf32, #tpu.memory_space<hbm>>) dst(%arg6 : memref<8192xf32, #tpu.memory_space<vmem>>)
    %dma_wait3A_102 = arith.constant 1 : i32
    %dma_wait3A_103 = tpu.memref_slice %arg2[%dma_wait3A_102, %add3A_57] : memref<2x4194304xf32, #tpu.memory_space<hbm>> -> memref<1x8192xf32, #tpu.memory_space<hbm>>
    %dma_wait3A_104 = tpu.memref_squeeze %dma_wait3A_103 : memref<1x8192xf32, #tpu.memory_space<hbm>> -> memref<8192xf32, #tpu.memory_space<hbm>>
    %dma_wait3A_105 = tpu.memref_slice %arg2[%dma_wait3A_102, %add3A_57] : memref<2x4194304xf32, #tpu.memory_space<hbm>> -> memref<1x8192xf32, #tpu.memory_space<hbm>>
    %dma_wait3A_106 = tpu.memref_squeeze %dma_wait3A_105 : memref<1x8192xf32, #tpu.memory_space<hbm>> -> memref<8192xf32, #tpu.memory_space<hbm>>
    tpu.wait_dma2 semaphore(%arg16 : memref<!tpu.dma_semaphore, #tpu.memory_space<semaphore_mem>>) src(%dma_wait3A_106 : memref<8192xf32, #tpu.memory_space<hbm>>) dst(%arg8 : memref<8192xf32, #tpu.memory_space<vmem>>)
    %dma_wait3A_107 = tpu.memref_slice %arg5[%add3A_53] : memref<4194304xf32, #tpu.memory_space<hbm>> -> memref<8192xf32, #tpu.memory_space<hbm>>
    %dma_wait3A_108 = tpu.memref_slice %arg5[%add3A_53] : memref<4194304xf32, #tpu.memory_space<hbm>> -> memref<8192xf32, #tpu.memory_space<hbm>>
    tpu.wait_dma2 semaphore(%arg18 : memref<!tpu.dma_semaphore, #tpu.memory_space<semaphore_mem>>) src(%arg10 : memref<8192xf32, #tpu.memory_space<vmem>>) dst(%dma_wait3A_108 : memref<8192xf32, #tpu.memory_space<hbm>>)
    %parallel_loop3A_109 = arith.constant 0 : i32
    %parallel_loop3A_110 = arith.constant 512 : i32
    %parallel_loop3A_111 = arith.constant 1 : i32
    scf.for %parallel_loop3A_511 = %parallel_loop3A_109 to %parallel_loop3A_110 step %parallel_loop3A_111  : i32 {
      %parallel_loop3A_512 = arith.constant 16 : i32
      %parallel_loop3A_513 = arith.muli %parallel_loop3A_511, %parallel_loop3A_512 : i32
      %parallel_loop3A_514 = arith.index_cast %parallel_loop3A_513 : i32 to index
      %parallel_loop3A_515 = tpu.vector_load %arg6[%parallel_loop3A_514] {strides = array<i32>} : memref<8192xf32, #tpu.memory_space<vmem>>, vector<16xf32>,
      %parallel_loop3A_516 = arith.constant 16 : i32
      %parallel_loop3A_517 = arith.muli %parallel_loop3A_511, %parallel_loop3A_516 : i32
      %parallel_loop3A_518 = arith.index_cast %parallel_loop3A_517 : i32 to index
      %parallel_loop3A_519 = tpu.vector_load %arg8[%parallel_loop3A_518] {strides = array<i32>} : memref<8192xf32, #tpu.memory_space<vmem>>, vector<16xf32>,
      %parallel_loop3A_520 = arith.mulf %parallel_loop3A_515, %get3A_5 : vector<16xf32>
      %parallel_loop3A_521 = arith.addf %parallel_loop3A_520, %get3A_13 : vector<16xf32>
      %parallel_loop3A_522 = arith.constant 0.000000e+00 : f32
      %parallel_loop3A_523 = vector.broadcast %parallel_loop3A_522 : f32 to vector<16xf32>
      %parallel_loop3A_524 = arith.maximumf %parallel_loop3A_521, %parallel_loop3A_523 : vector<16xf32>
      %parallel_loop3A_525 = arith.constant 3.100000e+01 : f32
      %parallel_loop3A_526 = vector.broadcast %parallel_loop3A_525 : f32 to vector<16xf32>
      %parallel_loop3A_527 = arith.minimumf %parallel_loop3A_524, %parallel_loop3A_526 : vector<16xf32>
      %parallel_loop3A_528 = arith.mulf %parallel_loop3A_519, %get3A_9 : vector<16xf32>
      %parallel_loop3A_529 = arith.addf %parallel_loop3A_528, %get3A_17 : vector<16xf32>
      %parallel_loop3A_530 = arith.constant 0.000000e+00 : f32
      %parallel_loop3A_531 = vector.broadcast %parallel_loop3A_530 : f32 to vector<16xf32>
      %parallel_loop3A_532 = arith.maximumf %parallel_loop3A_529, %parallel_loop3A_531 : vector<16xf32>
      %parallel_loop3A_533 = arith.constant 3.100000e+01 : f32
      %parallel_loop3A_534 = vector.broadcast %parallel_loop3A_533 : f32 to vector<16xf32>
      %parallel_loop3A_535 = arith.minimumf %parallel_loop3A_532, %parallel_loop3A_534 : vector<16xf32>
      %parallel_loop3A_536 = arith.fptosi %parallel_loop3A_527 : vector<16xf32> to vector<16xi32>
      %parallel_loop3A_537 = arith.fptosi %parallel_loop3A_535 : vector<16xf32> to vector<16xi32>
      %parallel_loop3A_538 = arith.constant 32 : i32
      %parallel_loop3A_539 = vector.broadcast %parallel_loop3A_538 : i32 to vector<16xi32>
      %parallel_loop3A_540 = arith.muli %parallel_loop3A_536, %parallel_loop3A_539 : vector<16xi32>
      %parallel_loop3A_541 = arith.addi %parallel_loop3A_540, %parallel_loop3A_537 : vector<16xi32>
      %parallel_loop3A_542 = tpu.vector_load_idx %arg12[%parallel_loop3A_541] : memref<1024xf32, #tpu.memory_space<vmem>>[vector<16xi32>], vector<16xf32>,
      %parallel_loop3A_543 = arith.constant 16 : i32
      %parallel_loop3A_544 = arith.muli %parallel_loop3A_511, %parallel_loop3A_543 : i32
      %parallel_loop3A_545 = arith.index_cast %parallel_loop3A_544 : i32 to index
      %parallel_loop3A_546 = tpu.vector_load %arg10[%parallel_loop3A_545] {strides = array<i32>} : memref<8192xf32, #tpu.memory_space<vmem>>, vector<16xf32>,
      tpu.vector_store %arg10[%parallel_loop3A_545], %parallel_loop3A_542 {strides = array<i32>} : memref<8192xf32, #tpu.memory_space<vmem>>, vector<16xf32>,
    } {sc.loop_unroll_factor = 8 : i64, sc.parallel_access}
    %add3A_112 = arith.constant 16384 : i32
    %add3A_113 = arith.addi %mul3A_2, %add3A_112 : i32
    %dma_start3A_114 = tpu.memref_slice %arg5[%add3A_113] : memref<4194304xf32, #tpu.memory_space<hbm>> -> memref<8192xf32, #tpu.memory_space<hbm>>
    %dma_start3A_115 = tpu.memref_slice %arg5[%add3A_113] : memref<4194304xf32, #tpu.memory_space<hbm>> -> memref<8192xf32, #tpu.memory_space<hbm>>
    tpu.enqueue_dma source(%arg10 : memref<8192xf32, #tpu.memory_space<vmem>>) target(%dma_start3A_115 : memref<8192xf32, #tpu.memory_space<hbm>>) target_semaphore(%arg18 : memref<!tpu.dma_semaphore, #tpu.memory_space<semaphore_mem>>)
    %add3A_116 = arith.constant 32768 : i32
    %add3A_117 = arith.addi %mul3A_2, %add3A_116 : i32
    %dma_start3A_118 = arith.constant 0 : i32
    %dma_start3A_119 = tpu.memref_slice %arg2[%dma_start3A_118, %add3A_117] : memref<2x4194304xf32, #tpu.memory_space<hbm>> -> memref<1x8192xf32, #tpu.memory_space<hbm>>
    %dma_start3A_120 = tpu.memref_squeeze %dma_start3A_119 : memref<1x8192xf32, #tpu.memory_space<hbm>> -> memref<8192xf32, #tpu.memory_space<hbm>>
    %dma_start3A_121 = tpu.memref_slice %arg2[%dma_start3A_118, %add3A_117] : memref<2x4194304xf32, #tpu.memory_space<hbm>> -> memref<1x8192xf32, #tpu.memory_space<hbm>>
    %dma_start3A_122 = tpu.memref_squeeze %dma_start3A_121 : memref<1x8192xf32, #tpu.memory_space<hbm>> -> memref<8192xf32, #tpu.memory_space<hbm>>
    tpu.enqueue_dma source(%dma_start3A_122 : memref<8192xf32, #tpu.memory_space<hbm>>) target(%arg6 : memref<8192xf32, #tpu.memory_space<vmem>>) target_semaphore(%arg14 : memref<!tpu.dma_semaphore, #tpu.memory_space<semaphore_mem>>)
    %dma_start3A_123 = arith.constant 1 : i32
    %dma_start3A_124 = tpu.memref_slice %arg2[%dma_start3A_123, %add3A_117] : memref<2x4194304xf32, #tpu.memory_space<hbm>> -> memref<1x8192xf32, #tpu.memory_space<hbm>>
    %dma_start3A_125 = tpu.memref_squeeze %dma_start3A_124 : memref<1x8192xf32, #tpu.memory_space<hbm>> -> memref<8192xf32, #tpu.memory_space<hbm>>
    %dma_start3A_126 = tpu.memref_slice %arg2[%dma_start3A_123, %add3A_117] : memref<2x4194304xf32, #tpu.memory_space<hbm>> -> memref<1x8192xf32, #tpu.memory_space<hbm>>
    %dma_start3A_127 = tpu.memref_squeeze %dma_start3A_126 : memref<1x8192xf32, #tpu.memory_space<hbm>> -> memref<8192xf32, #tpu.memory_space<hbm>>
    tpu.enqueue_dma source(%dma_start3A_127 : memref<8192xf32, #tpu.memory_space<hbm>>) target(%arg8 : memref<8192xf32, #tpu.memory_space<vmem>>) target_semaphore(%arg16 : memref<!tpu.dma_semaphore, #tpu.memory_space<semaphore_mem>>)
    %dma_wait3A_128 = arith.constant 0 : i32
    %dma_wait3A_129 = tpu.memref_slice %arg2[%dma_wait3A_128, %add3A_86] : memref<2x4194304xf32, #tpu.memory_space<hbm>> -> memref<1x8192xf32, #tpu.memory_space<hbm>>
    %dma_wait3A_130 = tpu.memref_squeeze %dma_wait3A_129 : memref<1x8192xf32, #tpu.memory_space<hbm>> -> memref<8192xf32, #tpu.memory_space<hbm>>
    %dma_wait3A_131 = tpu.memref_slice %arg2[%dma_wait3A_128, %add3A_86] : memref<2x4194304xf32, #tpu.memory_space<hbm>> -> memref<1x8192xf32, #tpu.memory_space<hbm>>
    %dma_wait3A_132 = tpu.memref_squeeze %dma_wait3A_131 : memref<1x8192xf32, #tpu.memory_space<hbm>> -> memref<8192xf32, #tpu.memory_space<hbm>>
    tpu.wait_dma2 semaphore(%arg15 : memref<!tpu.dma_semaphore, #tpu.memory_space<semaphore_mem>>) src(%dma_wait3A_132 : memref<8192xf32, #tpu.memory_space<hbm>>) dst(%arg7 : memref<8192xf32, #tpu.memory_space<vmem>>)
    %dma_wait3A_133 = arith.constant 1 : i32
    %dma_wait3A_134 = tpu.memref_slice %arg2[%dma_wait3A_133, %add3A_86] : memref<2x4194304xf32, #tpu.memory_space<hbm>> -> memref<1x8192xf32, #tpu.memory_space<hbm>>
    %dma_wait3A_135 = tpu.memref_squeeze %dma_wait3A_134 : memref<1x8192xf32, #tpu.memory_space<hbm>> -> memref<8192xf32, #tpu.memory_space<hbm>>
    %dma_wait3A_136 = tpu.memref_slice %arg2[%dma_wait3A_133, %add3A_86] : memref<2x4194304xf32, #tpu.memory_space<hbm>> -> memref<1x8192xf32, #tpu.memory_space<hbm>>
    %dma_wait3A_137 = tpu.memref_squeeze %dma_wait3A_136 : memref<1x8192xf32, #tpu.memory_space<hbm>> -> memref<8192xf32, #tpu.memory_space<hbm>>
    tpu.wait_dma2 semaphore(%arg17 : memref<!tpu.dma_semaphore, #tpu.memory_space<semaphore_mem>>) src(%dma_wait3A_137 : memref<8192xf32, #tpu.memory_space<hbm>>) dst(%arg9 : memref<8192xf32, #tpu.memory_space<vmem>>)
    %dma_wait3A_138 = tpu.memref_slice %arg5[%add3A_82] : memref<4194304xf32, #tpu.memory_space<hbm>> -> memref<8192xf32, #tpu.memory_space<hbm>>
    %dma_wait3A_139 = tpu.memref_slice %arg5[%add3A_82] : memref<4194304xf32, #tpu.memory_space<hbm>> -> memref<8192xf32, #tpu.memory_space<hbm>>
    tpu.wait_dma2 semaphore(%arg19 : memref<!tpu.dma_semaphore, #tpu.memory_space<semaphore_mem>>) src(%arg11 : memref<8192xf32, #tpu.memory_space<vmem>>) dst(%dma_wait3A_139 : memref<8192xf32, #tpu.memory_space<hbm>>)
    %parallel_loop3A_140 = arith.constant 0 : i32
    %parallel_loop3A_141 = arith.constant 512 : i32
    %parallel_loop3A_142 = arith.constant 1 : i32
    scf.for %parallel_loop3A_511 = %parallel_loop3A_140 to %parallel_loop3A_141 step %parallel_loop3A_142  : i32 {
      %parallel_loop3A_512 = arith.constant 16 : i32
      %parallel_loop3A_513 = arith.muli %parallel_loop3A_511, %parallel_loop3A_512 : i32
      %parallel_loop3A_514 = arith.index_cast %parallel_loop3A_513 : i32 to index
      %parallel_loop3A_515 = tpu.vector_load %arg7[%parallel_loop3A_514] {strides = array<i32>} : memref<8192xf32, #tpu.memory_space<vmem>>, vector<16xf32>,
      %parallel_loop3A_516 = arith.constant 16 : i32
      %parallel_loop3A_517 = arith.muli %parallel_loop3A_511, %parallel_loop3A_516 : i32
      %parallel_loop3A_518 = arith.index_cast %parallel_loop3A_517 : i32 to index
      %parallel_loop3A_519 = tpu.vector_load %arg9[%parallel_loop3A_518] {strides = array<i32>} : memref<8192xf32, #tpu.memory_space<vmem>>, vector<16xf32>,
      %parallel_loop3A_520 = arith.mulf %parallel_loop3A_515, %get3A_5 : vector<16xf32>
      %parallel_loop3A_521 = arith.addf %parallel_loop3A_520, %get3A_13 : vector<16xf32>
      %parallel_loop3A_522 = arith.constant 0.000000e+00 : f32
      %parallel_loop3A_523 = vector.broadcast %parallel_loop3A_522 : f32 to vector<16xf32>
      %parallel_loop3A_524 = arith.maximumf %parallel_loop3A_521, %parallel_loop3A_523 : vector<16xf32>
      %parallel_loop3A_525 = arith.constant 3.100000e+01 : f32
      %parallel_loop3A_526 = vector.broadcast %parallel_loop3A_525 : f32 to vector<16xf32>
      %parallel_loop3A_527 = arith.minimumf %parallel_loop3A_524, %parallel_loop3A_526 : vector<16xf32>
      %parallel_loop3A_528 = arith.mulf %parallel_loop3A_519, %get3A_9 : vector<16xf32>
      %parallel_loop3A_529 = arith.addf %parallel_loop3A_528, %get3A_17 : vector<16xf32>
      %parallel_loop3A_530 = arith.constant 0.000000e+00 : f32
      %parallel_loop3A_531 = vector.broadcast %parallel_loop3A_530 : f32 to vector<16xf32>
      %parallel_loop3A_532 = arith.maximumf %parallel_loop3A_529, %parallel_loop3A_531 : vector<16xf32>
      %parallel_loop3A_533 = arith.constant 3.100000e+01 : f32
      %parallel_loop3A_534 = vector.broadcast %parallel_loop3A_533 : f32 to vector<16xf32>
      %parallel_loop3A_535 = arith.minimumf %parallel_loop3A_532, %parallel_loop3A_534 : vector<16xf32>
      %parallel_loop3A_536 = arith.fptosi %parallel_loop3A_527 : vector<16xf32> to vector<16xi32>
      %parallel_loop3A_537 = arith.fptosi %parallel_loop3A_535 : vector<16xf32> to vector<16xi32>
      %parallel_loop3A_538 = arith.constant 32 : i32
      %parallel_loop3A_539 = vector.broadcast %parallel_loop3A_538 : i32 to vector<16xi32>
      %parallel_loop3A_540 = arith.muli %parallel_loop3A_536, %parallel_loop3A_539 : vector<16xi32>
      %parallel_loop3A_541 = arith.addi %parallel_loop3A_540, %parallel_loop3A_537 : vector<16xi32>
      %parallel_loop3A_542 = tpu.vector_load_idx %arg12[%parallel_loop3A_541] : memref<1024xf32, #tpu.memory_space<vmem>>[vector<16xi32>], vector<16xf32>,
      %parallel_loop3A_543 = arith.constant 16 : i32
      %parallel_loop3A_544 = arith.muli %parallel_loop3A_511, %parallel_loop3A_543 : i32
      %parallel_loop3A_545 = arith.index_cast %parallel_loop3A_544 : i32 to index
      %parallel_loop3A_546 = tpu.vector_load %arg11[%parallel_loop3A_545] {strides = array<i32>} : memref<8192xf32, #tpu.memory_space<vmem>>, vector<16xf32>,
      tpu.vector_store %arg11[%parallel_loop3A_545], %parallel_loop3A_542 {strides = array<i32>} : memref<8192xf32, #tpu.memory_space<vmem>>, vector<16xf32>,
    } {sc.loop_unroll_factor = 8 : i64, sc.parallel_access}
    %add3A_143 = arith.constant 24576 : i32
    %add3A_144 = arith.addi %mul3A_2, %add3A_143 : i32
    %dma_start3A_145 = tpu.memref_slice %arg5[%add3A_144] : memref<4194304xf32, #tpu.memory_space<hbm>> -> memref<8192xf32, #tpu.memory_space<hbm>>
    %dma_start3A_146 = tpu.memref_slice %arg5[%add3A_144] : memref<4194304xf32, #tpu.memory_space<hbm>> -> memref<8192xf32, #tpu.memory_space<hbm>>
    tpu.enqueue_dma source(%arg11 : memref<8192xf32, #tpu.memory_space<vmem>>) target(%dma_start3A_146 : memref<8192xf32, #tpu.memory_space<hbm>>) target_semaphore(%arg19 : memref<!tpu.dma_semaphore, #tpu.memory_space<semaphore_mem>>)
    %add3A_147 = arith.constant 40960 : i32
    %add3A_148 = arith.addi %mul3A_2, %add3A_147 : i32
    %dma_start3A_149 = arith.constant 0 : i32
    %dma_start3A_150 = tpu.memref_slice %arg2[%dma_start3A_149, %add3A_148] : memref<2x4194304xf32, #tpu.memory_space<hbm>> -> memref<1x8192xf32, #tpu.memory_space<hbm>>
    %dma_start3A_151 = tpu.memref_squeeze %dma_start3A_150 : memref<1x8192xf32, #tpu.memory_space<hbm>> -> memref<8192xf32, #tpu.memory_space<hbm>>
    %dma_start3A_152 = tpu.memref_slice %arg2[%dma_start3A_149, %add3A_148] : memref<2x4194304xf32, #tpu.memory_space<hbm>> -> memref<1x8192xf32, #tpu.memory_space<hbm>>
    %dma_start3A_153 = tpu.memref_squeeze %dma_start3A_152 : memref<1x8192xf32, #tpu.memory_space<hbm>> -> memref<8192xf32, #tpu.memory_space<hbm>>
    tpu.enqueue_dma source(%dma_start3A_153 : memref<8192xf32, #tpu.memory_space<hbm>>) target(%arg7 : memref<8192xf32, #tpu.memory_space<vmem>>) target_semaphore(%arg15 : memref<!tpu.dma_semaphore, #tpu.memory_space<semaphore_mem>>)
    %dma_start3A_154 = arith.constant 1 : i32
    %dma_start3A_155 = tpu.memref_slice %arg2[%dma_start3A_154, %add3A_148] : memref<2x4194304xf32, #tpu.memory_space<hbm>> -> memref<1x8192xf32, #tpu.memory_space<hbm>>
    %dma_start3A_156 = tpu.memref_squeeze %dma_start3A_155 : memref<1x8192xf32, #tpu.memory_space<hbm>> -> memref<8192xf32, #tpu.memory_space<hbm>>
    %dma_start3A_157 = tpu.memref_slice %arg2[%dma_start3A_154, %add3A_148] : memref<2x4194304xf32, #tpu.memory_space<hbm>> -> memref<1x8192xf32, #tpu.memory_space<hbm>>
    %dma_start3A_158 = tpu.memref_squeeze %dma_start3A_157 : memref<1x8192xf32, #tpu.memory_space<hbm>> -> memref<8192xf32, #tpu.memory_space<hbm>>
    tpu.enqueue_dma source(%dma_start3A_158 : memref<8192xf32, #tpu.memory_space<hbm>>) target(%arg9 : memref<8192xf32, #tpu.memory_space<vmem>>) target_semaphore(%arg17 : memref<!tpu.dma_semaphore, #tpu.memory_space<semaphore_mem>>)
    %dma_wait3A_159 = arith.constant 0 : i32
    %dma_wait3A_160 = tpu.memref_slice %arg2[%dma_wait3A_159, %add3A_117] : memref<2x4194304xf32, #tpu.memory_space<hbm>> -> memref<1x8192xf32, #tpu.memory_space<hbm>>
    %dma_wait3A_161 = tpu.memref_squeeze %dma_wait3A_160 : memref<1x8192xf32, #tpu.memory_space<hbm>> -> memref<8192xf32, #tpu.memory_space<hbm>>
    %dma_wait3A_162 = tpu.memref_slice %arg2[%dma_wait3A_159, %add3A_117] : memref<2x4194304xf32, #tpu.memory_space<hbm>> -> memref<1x8192xf32, #tpu.memory_space<hbm>>
    %dma_wait3A_163 = tpu.memref_squeeze %dma_wait3A_162 : memref<1x8192xf32, #tpu.memory_space<hbm>> -> memref<8192xf32, #tpu.memory_space<hbm>>
    tpu.wait_dma2 semaphore(%arg14 : memref<!tpu.dma_semaphore, #tpu.memory_space<semaphore_mem>>) src(%dma_wait3A_163 : memref<8192xf32, #tpu.memory_space<hbm>>) dst(%arg6 : memref<8192xf32, #tpu.memory_space<vmem>>)
    %dma_wait3A_164 = arith.constant 1 : i32
    %dma_wait3A_165 = tpu.memref_slice %arg2[%dma_wait3A_164, %add3A_117] : memref<2x4194304xf32, #tpu.memory_space<hbm>> -> memref<1x8192xf32, #tpu.memory_space<hbm>>
    %dma_wait3A_166 = tpu.memref_squeeze %dma_wait3A_165 : memref<1x8192xf32, #tpu.memory_space<hbm>> -> memref<8192xf32, #tpu.memory_space<hbm>>
    %dma_wait3A_167 = tpu.memref_slice %arg2[%dma_wait3A_164, %add3A_117] : memref<2x4194304xf32, #tpu.memory_space<hbm>> -> memref<1x8192xf32, #tpu.memory_space<hbm>>
    %dma_wait3A_168 = tpu.memref_squeeze %dma_wait3A_167 : memref<1x8192xf32, #tpu.memory_space<hbm>> -> memref<8192xf32, #tpu.memory_space<hbm>>
    tpu.wait_dma2 semaphore(%arg16 : memref<!tpu.dma_semaphore, #tpu.memory_space<semaphore_mem>>) src(%dma_wait3A_168 : memref<8192xf32, #tpu.memory_space<hbm>>) dst(%arg8 : memref<8192xf32, #tpu.memory_space<vmem>>)
    %dma_wait3A_169 = tpu.memref_slice %arg5[%add3A_113] : memref<4194304xf32, #tpu.memory_space<hbm>> -> memref<8192xf32, #tpu.memory_space<hbm>>
    %dma_wait3A_170 = tpu.memref_slice %arg5[%add3A_113] : memref<4194304xf32, #tpu.memory_space<hbm>> -> memref<8192xf32, #tpu.memory_space<hbm>>
    tpu.wait_dma2 semaphore(%arg18 : memref<!tpu.dma_semaphore, #tpu.memory_space<semaphore_mem>>) src(%arg10 : memref<8192xf32, #tpu.memory_space<vmem>>) dst(%dma_wait3A_170 : memref<8192xf32, #tpu.memory_space<hbm>>)
    %parallel_loop3A_171 = arith.constant 0 : i32
    %parallel_loop3A_172 = arith.constant 512 : i32
    %parallel_loop3A_173 = arith.constant 1 : i32
    scf.for %parallel_loop3A_511 = %parallel_loop3A_171 to %parallel_loop3A_172 step %parallel_loop3A_173  : i32 {
      %parallel_loop3A_512 = arith.constant 16 : i32
      %parallel_loop3A_513 = arith.muli %parallel_loop3A_511, %parallel_loop3A_512 : i32
      %parallel_loop3A_514 = arith.index_cast %parallel_loop3A_513 : i32 to index
      %parallel_loop3A_515 = tpu.vector_load %arg6[%parallel_loop3A_514] {strides = array<i32>} : memref<8192xf32, #tpu.memory_space<vmem>>, vector<16xf32>,
      %parallel_loop3A_516 = arith.constant 16 : i32
      %parallel_loop3A_517 = arith.muli %parallel_loop3A_511, %parallel_loop3A_516 : i32
      %parallel_loop3A_518 = arith.index_cast %parallel_loop3A_517 : i32 to index
      %parallel_loop3A_519 = tpu.vector_load %arg8[%parallel_loop3A_518] {strides = array<i32>} : memref<8192xf32, #tpu.memory_space<vmem>>, vector<16xf32>,
      %parallel_loop3A_520 = arith.mulf %parallel_loop3A_515, %get3A_5 : vector<16xf32>
      %parallel_loop3A_521 = arith.addf %parallel_loop3A_520, %get3A_13 : vector<16xf32>
      %parallel_loop3A_522 = arith.constant 0.000000e+00 : f32
      %parallel_loop3A_523 = vector.broadcast %parallel_loop3A_522 : f32 to vector<16xf32>
      %parallel_loop3A_524 = arith.maximumf %parallel_loop3A_521, %parallel_loop3A_523 : vector<16xf32>
      %parallel_loop3A_525 = arith.constant 3.100000e+01 : f32
      %parallel_loop3A_526 = vector.broadcast %parallel_loop3A_525 : f32 to vector<16xf32>
      %parallel_loop3A_527 = arith.minimumf %parallel_loop3A_524, %parallel_loop3A_526 : vector<16xf32>
      %parallel_loop3A_528 = arith.mulf %parallel_loop3A_519, %get3A_9 : vector<16xf32>
      %parallel_loop3A_529 = arith.addf %parallel_loop3A_528, %get3A_17 : vector<16xf32>
      %parallel_loop3A_530 = arith.constant 0.000000e+00 : f32
      %parallel_loop3A_531 = vector.broadcast %parallel_loop3A_530 : f32 to vector<16xf32>
      %parallel_loop3A_532 = arith.maximumf %parallel_loop3A_529, %parallel_loop3A_531 : vector<16xf32>
      %parallel_loop3A_533 = arith.constant 3.100000e+01 : f32
      %parallel_loop3A_534 = vector.broadcast %parallel_loop3A_533 : f32 to vector<16xf32>
      %parallel_loop3A_535 = arith.minimumf %parallel_loop3A_532, %parallel_loop3A_534 : vector<16xf32>
      %parallel_loop3A_536 = arith.fptosi %parallel_loop3A_527 : vector<16xf32> to vector<16xi32>
      %parallel_loop3A_537 = arith.fptosi %parallel_loop3A_535 : vector<16xf32> to vector<16xi32>
      %parallel_loop3A_538 = arith.constant 32 : i32
      %parallel_loop3A_539 = vector.broadcast %parallel_loop3A_538 : i32 to vector<16xi32>
      %parallel_loop3A_540 = arith.muli %parallel_loop3A_536, %parallel_loop3A_539 : vector<16xi32>
      %parallel_loop3A_541 = arith.addi %parallel_loop3A_540, %parallel_loop3A_537 : vector<16xi32>
      %parallel_loop3A_542 = tpu.vector_load_idx %arg12[%parallel_loop3A_541] : memref<1024xf32, #tpu.memory_space<vmem>>[vector<16xi32>], vector<16xf32>,
      %parallel_loop3A_543 = arith.constant 16 : i32
      %parallel_loop3A_544 = arith.muli %parallel_loop3A_511, %parallel_loop3A_543 : i32
      %parallel_loop3A_545 = arith.index_cast %parallel_loop3A_544 : i32 to index
      %parallel_loop3A_546 = tpu.vector_load %arg10[%parallel_loop3A_545] {strides = array<i32>} : memref<8192xf32, #tpu.memory_space<vmem>>, vector<16xf32>,
      tpu.vector_store %arg10[%parallel_loop3A_545], %parallel_loop3A_542 {strides = array<i32>} : memref<8192xf32, #tpu.memory_space<vmem>>, vector<16xf32>,
    } {sc.loop_unroll_factor = 8 : i64, sc.parallel_access}
    %add3A_174 = arith.constant 32768 : i32
    %add3A_175 = arith.addi %mul3A_2, %add3A_174 : i32
    %dma_start3A_176 = tpu.memref_slice %arg5[%add3A_175] : memref<4194304xf32, #tpu.memory_space<hbm>> -> memref<8192xf32, #tpu.memory_space<hbm>>
    %dma_start3A_177 = tpu.memref_slice %arg5[%add3A_175] : memref<4194304xf32, #tpu.memory_space<hbm>> -> memref<8192xf32, #tpu.memory_space<hbm>>
    tpu.enqueue_dma source(%arg10 : memref<8192xf32, #tpu.memory_space<vmem>>) target(%dma_start3A_177 : memref<8192xf32, #tpu.memory_space<hbm>>) target_semaphore(%arg18 : memref<!tpu.dma_semaphore, #tpu.memory_space<semaphore_mem>>)
    %add3A_178 = arith.constant 49152 : i32
    %add3A_179 = arith.addi %mul3A_2, %add3A_178 : i32
    %dma_start3A_180 = arith.constant 0 : i32
    %dma_start3A_181 = tpu.memref_slice %arg2[%dma_start3A_180, %add3A_179] : memref<2x4194304xf32, #tpu.memory_space<hbm>> -> memref<1x8192xf32, #tpu.memory_space<hbm>>
    %dma_start3A_182 = tpu.memref_squeeze %dma_start3A_181 : memref<1x8192xf32, #tpu.memory_space<hbm>> -> memref<8192xf32, #tpu.memory_space<hbm>>
    %dma_start3A_183 = tpu.memref_slice %arg2[%dma_start3A_180, %add3A_179] : memref<2x4194304xf32, #tpu.memory_space<hbm>> -> memref<1x8192xf32, #tpu.memory_space<hbm>>
    %dma_start3A_184 = tpu.memref_squeeze %dma_start3A_183 : memref<1x8192xf32, #tpu.memory_space<hbm>> -> memref<8192xf32, #tpu.memory_space<hbm>>
    tpu.enqueue_dma source(%dma_start3A_184 : memref<8192xf32, #tpu.memory_space<hbm>>) target(%arg6 : memref<8192xf32, #tpu.memory_space<vmem>>) target_semaphore(%arg14 : memref<!tpu.dma_semaphore, #tpu.memory_space<semaphore_mem>>)
    %dma_start3A_185 = arith.constant 1 : i32
    %dma_start3A_186 = tpu.memref_slice %arg2[%dma_start3A_185, %add3A_179] : memref<2x4194304xf32, #tpu.memory_space<hbm>> -> memref<1x8192xf32, #tpu.memory_space<hbm>>
    %dma_start3A_187 = tpu.memref_squeeze %dma_start3A_186 : memref<1x8192xf32, #tpu.memory_space<hbm>> -> memref<8192xf32, #tpu.memory_space<hbm>>
    %dma_start3A_188 = tpu.memref_slice %arg2[%dma_start3A_185, %add3A_179] : memref<2x4194304xf32, #tpu.memory_space<hbm>> -> memref<1x8192xf32, #tpu.memory_space<hbm>>
    %dma_start3A_189 = tpu.memref_squeeze %dma_start3A_188 : memref<1x8192xf32, #tpu.memory_space<hbm>> -> memref<8192xf32, #tpu.memory_space<hbm>>
    tpu.enqueue_dma source(%dma_start3A_189 : memref<8192xf32, #tpu.memory_space<hbm>>) target(%arg8 : memref<8192xf32, #tpu.memory_space<vmem>>) target_semaphore(%arg16 : memref<!tpu.dma_semaphore, #tpu.memory_space<semaphore_mem>>)
    %dma_wait3A_190 = arith.constant 0 : i32
    %dma_wait3A_191 = tpu.memref_slice %arg2[%dma_wait3A_190, %add3A_148] : memref<2x4194304xf32, #tpu.memory_space<hbm>> -> memref<1x8192xf32, #tpu.memory_space<hbm>>
    %dma_wait3A_192 = tpu.memref_squeeze %dma_wait3A_191 : memref<1x8192xf32, #tpu.memory_space<hbm>> -> memref<8192xf32, #tpu.memory_space<hbm>>
    %dma_wait3A_193 = tpu.memref_slice %arg2[%dma_wait3A_190, %add3A_148] : memref<2x4194304xf32, #tpu.memory_space<hbm>> -> memref<1x8192xf32, #tpu.memory_space<hbm>>
    %dma_wait3A_194 = tpu.memref_squeeze %dma_wait3A_193 : memref<1x8192xf32, #tpu.memory_space<hbm>> -> memref<8192xf32, #tpu.memory_space<hbm>>
    tpu.wait_dma2 semaphore(%arg15 : memref<!tpu.dma_semaphore, #tpu.memory_space<semaphore_mem>>) src(%dma_wait3A_194 : memref<8192xf32, #tpu.memory_space<hbm>>) dst(%arg7 : memref<8192xf32, #tpu.memory_space<vmem>>)
    %dma_wait3A_195 = arith.constant 1 : i32
    %dma_wait3A_196 = tpu.memref_slice %arg2[%dma_wait3A_195, %add3A_148] : memref<2x4194304xf32, #tpu.memory_space<hbm>> -> memref<1x8192xf32, #tpu.memory_space<hbm>>
    %dma_wait3A_197 = tpu.memref_squeeze %dma_wait3A_196 : memref<1x8192xf32, #tpu.memory_space<hbm>> -> memref<8192xf32, #tpu.memory_space<hbm>>
    %dma_wait3A_198 = tpu.memref_slice %arg2[%dma_wait3A_195, %add3A_148] : memref<2x4194304xf32, #tpu.memory_space<hbm>> -> memref<1x8192xf32, #tpu.memory_space<hbm>>
    %dma_wait3A_199 = tpu.memref_squeeze %dma_wait3A_198 : memref<1x8192xf32, #tpu.memory_space<hbm>> -> memref<8192xf32, #tpu.memory_space<hbm>>
    tpu.wait_dma2 semaphore(%arg17 : memref<!tpu.dma_semaphore, #tpu.memory_space<semaphore_mem>>) src(%dma_wait3A_199 : memref<8192xf32, #tpu.memory_space<hbm>>) dst(%arg9 : memref<8192xf32, #tpu.memory_space<vmem>>)
    %dma_wait3A_200 = tpu.memref_slice %arg5[%add3A_144] : memref<4194304xf32, #tpu.memory_space<hbm>> -> memref<8192xf32, #tpu.memory_space<hbm>>
    %dma_wait3A_201 = tpu.memref_slice %arg5[%add3A_144] : memref<4194304xf32, #tpu.memory_space<hbm>> -> memref<8192xf32, #tpu.memory_space<hbm>>
    tpu.wait_dma2 semaphore(%arg19 : memref<!tpu.dma_semaphore, #tpu.memory_space<semaphore_mem>>) src(%arg11 : memref<8192xf32, #tpu.memory_space<vmem>>) dst(%dma_wait3A_201 : memref<8192xf32, #tpu.memory_space<hbm>>)
    %parallel_loop3A_202 = arith.constant 0 : i32
    %parallel_loop3A_203 = arith.constant 512 : i32
    %parallel_loop3A_204 = arith.constant 1 : i32
    scf.for %parallel_loop3A_511 = %parallel_loop3A_202 to %parallel_loop3A_203 step %parallel_loop3A_204  : i32 {
      %parallel_loop3A_512 = arith.constant 16 : i32
      %parallel_loop3A_513 = arith.muli %parallel_loop3A_511, %parallel_loop3A_512 : i32
      %parallel_loop3A_514 = arith.index_cast %parallel_loop3A_513 : i32 to index
      %parallel_loop3A_515 = tpu.vector_load %arg7[%parallel_loop3A_514] {strides = array<i32>} : memref<8192xf32, #tpu.memory_space<vmem>>, vector<16xf32>,
      %parallel_loop3A_516 = arith.constant 16 : i32
      %parallel_loop3A_517 = arith.muli %parallel_loop3A_511, %parallel_loop3A_516 : i32
      %parallel_loop3A_518 = arith.index_cast %parallel_loop3A_517 : i32 to index
      %parallel_loop3A_519 = tpu.vector_load %arg9[%parallel_loop3A_518] {strides = array<i32>} : memref<8192xf32, #tpu.memory_space<vmem>>, vector<16xf32>,
      %parallel_loop3A_520 = arith.mulf %parallel_loop3A_515, %get3A_5 : vector<16xf32>
      %parallel_loop3A_521 = arith.addf %parallel_loop3A_520, %get3A_13 : vector<16xf32>
      %parallel_loop3A_522 = arith.constant 0.000000e+00 : f32
      %parallel_loop3A_523 = vector.broadcast %parallel_loop3A_522 : f32 to vector<16xf32>
      %parallel_loop3A_524 = arith.maximumf %parallel_loop3A_521, %parallel_loop3A_523 : vector<16xf32>
      %parallel_loop3A_525 = arith.constant 3.100000e+01 : f32
      %parallel_loop3A_526 = vector.broadcast %parallel_loop3A_525 : f32 to vector<16xf32>
      %parallel_loop3A_527 = arith.minimumf %parallel_loop3A_524, %parallel_loop3A_526 : vector<16xf32>
      %parallel_loop3A_528 = arith.mulf %parallel_loop3A_519, %get3A_9 : vector<16xf32>
      %parallel_loop3A_529 = arith.addf %parallel_loop3A_528, %get3A_17 : vector<16xf32>
      %parallel_loop3A_530 = arith.constant 0.000000e+00 : f32
      %parallel_loop3A_531 = vector.broadcast %parallel_loop3A_530 : f32 to vector<16xf32>
      %parallel_loop3A_532 = arith.maximumf %parallel_loop3A_529, %parallel_loop3A_531 : vector<16xf32>
      %parallel_loop3A_533 = arith.constant 3.100000e+01 : f32
      %parallel_loop3A_534 = vector.broadcast %parallel_loop3A_533 : f32 to vector<16xf32>
      %parallel_loop3A_535 = arith.minimumf %parallel_loop3A_532, %parallel_loop3A_534 : vector<16xf32>
      %parallel_loop3A_536 = arith.fptosi %parallel_loop3A_527 : vector<16xf32> to vector<16xi32>
      %parallel_loop3A_537 = arith.fptosi %parallel_loop3A_535 : vector<16xf32> to vector<16xi32>
      %parallel_loop3A_538 = arith.constant 32 : i32
      %parallel_loop3A_539 = vector.broadcast %parallel_loop3A_538 : i32 to vector<16xi32>
      %parallel_loop3A_540 = arith.muli %parallel_loop3A_536, %parallel_loop3A_539 : vector<16xi32>
      %parallel_loop3A_541 = arith.addi %parallel_loop3A_540, %parallel_loop3A_537 : vector<16xi32>
      %parallel_loop3A_542 = tpu.vector_load_idx %arg12[%parallel_loop3A_541] : memref<1024xf32, #tpu.memory_space<vmem>>[vector<16xi32>], vector<16xf32>,
      %parallel_loop3A_543 = arith.constant 16 : i32
      %parallel_loop3A_544 = arith.muli %parallel_loop3A_511, %parallel_loop3A_543 : i32
      %parallel_loop3A_545 = arith.index_cast %parallel_loop3A_544 : i32 to index
      %parallel_loop3A_546 = tpu.vector_load %arg11[%parallel_loop3A_545] {strides = array<i32>} : memref<8192xf32, #tpu.memory_space<vmem>>, vector<16xf32>,
      tpu.vector_store %arg11[%parallel_loop3A_545], %parallel_loop3A_542 {strides = array<i32>} : memref<8192xf32, #tpu.memory_space<vmem>>, vector<16xf32>,
    } {sc.loop_unroll_factor = 8 : i64, sc.parallel_access}
    %add3A_205 = arith.constant 40960 : i32
    %add3A_206 = arith.addi %mul3A_2, %add3A_205 : i32
    %dma_start3A_207 = tpu.memref_slice %arg5[%add3A_206] : memref<4194304xf32, #tpu.memory_space<hbm>> -> memref<8192xf32, #tpu.memory_space<hbm>>
    %dma_start3A_208 = tpu.memref_slice %arg5[%add3A_206] : memref<4194304xf32, #tpu.memory_space<hbm>> -> memref<8192xf32, #tpu.memory_space<hbm>>
    tpu.enqueue_dma source(%arg11 : memref<8192xf32, #tpu.memory_space<vmem>>) target(%dma_start3A_208 : memref<8192xf32, #tpu.memory_space<hbm>>) target_semaphore(%arg19 : memref<!tpu.dma_semaphore, #tpu.memory_space<semaphore_mem>>)
    %add3A_209 = arith.constant 57344 : i32
    %add3A_210 = arith.addi %mul3A_2, %add3A_209 : i32
    %dma_start3A_211 = arith.constant 0 : i32
    %dma_start3A_212 = tpu.memref_slice %arg2[%dma_start3A_211, %add3A_210] : memref<2x4194304xf32, #tpu.memory_space<hbm>> -> memref<1x8192xf32, #tpu.memory_space<hbm>>
    %dma_start3A_213 = tpu.memref_squeeze %dma_start3A_212 : memref<1x8192xf32, #tpu.memory_space<hbm>> -> memref<8192xf32, #tpu.memory_space<hbm>>
    %dma_start3A_214 = tpu.memref_slice %arg2[%dma_start3A_211, %add3A_210] : memref<2x4194304xf32, #tpu.memory_space<hbm>> -> memref<1x8192xf32, #tpu.memory_space<hbm>>
    %dma_start3A_215 = tpu.memref_squeeze %dma_start3A_214 : memref<1x8192xf32, #tpu.memory_space<hbm>> -> memref<8192xf32, #tpu.memory_space<hbm>>
    tpu.enqueue_dma source(%dma_start3A_215 : memref<8192xf32, #tpu.memory_space<hbm>>) target(%arg7 : memref<8192xf32, #tpu.memory_space<vmem>>) target_semaphore(%arg15 : memref<!tpu.dma_semaphore, #tpu.memory_space<semaphore_mem>>)
    %dma_start3A_216 = arith.constant 1 : i32
    %dma_start3A_217 = tpu.memref_slice %arg2[%dma_start3A_216, %add3A_210] : memref<2x4194304xf32, #tpu.memory_space<hbm>> -> memref<1x8192xf32, #tpu.memory_space<hbm>>
    %dma_start3A_218 = tpu.memref_squeeze %dma_start3A_217 : memref<1x8192xf32, #tpu.memory_space<hbm>> -> memref<8192xf32, #tpu.memory_space<hbm>>
    %dma_start3A_219 = tpu.memref_slice %arg2[%dma_start3A_216, %add3A_210] : memref<2x4194304xf32, #tpu.memory_space<hbm>> -> memref<1x8192xf32, #tpu.memory_space<hbm>>
    %dma_start3A_220 = tpu.memref_squeeze %dma_start3A_219 : memref<1x8192xf32, #tpu.memory_space<hbm>> -> memref<8192xf32, #tpu.memory_space<hbm>>
    tpu.enqueue_dma source(%dma_start3A_220 : memref<8192xf32, #tpu.memory_space<hbm>>) target(%arg9 : memref<8192xf32, #tpu.memory_space<vmem>>) target_semaphore(%arg17 : memref<!tpu.dma_semaphore, #tpu.memory_space<semaphore_mem>>)
    %dma_wait3A_221 = arith.constant 0 : i32
    %dma_wait3A_222 = tpu.memref_slice %arg2[%dma_wait3A_221, %add3A_179] : memref<2x4194304xf32, #tpu.memory_space<hbm>> -> memref<1x8192xf32, #tpu.memory_space<hbm>>
    %dma_wait3A_223 = tpu.memref_squeeze %dma_wait3A_222 : memref<1x8192xf32, #tpu.memory_space<hbm>> -> memref<8192xf32, #tpu.memory_space<hbm>>
    %dma_wait3A_224 = tpu.memref_slice %arg2[%dma_wait3A_221, %add3A_179] : memref<2x4194304xf32, #tpu.memory_space<hbm>> -> memref<1x8192xf32, #tpu.memory_space<hbm>>
    %dma_wait3A_225 = tpu.memref_squeeze %dma_wait3A_224 : memref<1x8192xf32, #tpu.memory_space<hbm>> -> memref<8192xf32, #tpu.memory_space<hbm>>
    tpu.wait_dma2 semaphore(%arg14 : memref<!tpu.dma_semaphore, #tpu.memory_space<semaphore_mem>>) src(%dma_wait3A_225 : memref<8192xf32, #tpu.memory_space<hbm>>) dst(%arg6 : memref<8192xf32, #tpu.memory_space<vmem>>)
    %dma_wait3A_226 = arith.constant 1 : i32
    %dma_wait3A_227 = tpu.memref_slice %arg2[%dma_wait3A_226, %add3A_179] : memref<2x4194304xf32, #tpu.memory_space<hbm>> -> memref<1x8192xf32, #tpu.memory_space<hbm>>
    %dma_wait3A_228 = tpu.memref_squeeze %dma_wait3A_227 : memref<1x8192xf32, #tpu.memory_space<hbm>> -> memref<8192xf32, #tpu.memory_space<hbm>>
    %dma_wait3A_229 = tpu.memref_slice %arg2[%dma_wait3A_226, %add3A_179] : memref<2x4194304xf32, #tpu.memory_space<hbm>> -> memref<1x8192xf32, #tpu.memory_space<hbm>>
    %dma_wait3A_230 = tpu.memref_squeeze %dma_wait3A_229 : memref<1x8192xf32, #tpu.memory_space<hbm>> -> memref<8192xf32, #tpu.memory_space<hbm>>
    tpu.wait_dma2 semaphore(%arg16 : memref<!tpu.dma_semaphore, #tpu.memory_space<semaphore_mem>>) src(%dma_wait3A_230 : memref<8192xf32, #tpu.memory_space<hbm>>) dst(%arg8 : memref<8192xf32, #tpu.memory_space<vmem>>)
    %dma_wait3A_231 = tpu.memref_slice %arg5[%add3A_175] : memref<4194304xf32, #tpu.memory_space<hbm>> -> memref<8192xf32, #tpu.memory_space<hbm>>
    %dma_wait3A_232 = tpu.memref_slice %arg5[%add3A_175] : memref<4194304xf32, #tpu.memory_space<hbm>> -> memref<8192xf32, #tpu.memory_space<hbm>>
    tpu.wait_dma2 semaphore(%arg18 : memref<!tpu.dma_semaphore, #tpu.memory_space<semaphore_mem>>) src(%arg10 : memref<8192xf32, #tpu.memory_space<vmem>>) dst(%dma_wait3A_232 : memref<8192xf32, #tpu.memory_space<hbm>>)
    %parallel_loop3A_233 = arith.constant 0 : i32
    %parallel_loop3A_234 = arith.constant 512 : i32
    %parallel_loop3A_235 = arith.constant 1 : i32
    scf.for %parallel_loop3A_511 = %parallel_loop3A_233 to %parallel_loop3A_234 step %parallel_loop3A_235  : i32 {
      %parallel_loop3A_512 = arith.constant 16 : i32
      %parallel_loop3A_513 = arith.muli %parallel_loop3A_511, %parallel_loop3A_512 : i32
      %parallel_loop3A_514 = arith.index_cast %parallel_loop3A_513 : i32 to index
      %parallel_loop3A_515 = tpu.vector_load %arg6[%parallel_loop3A_514] {strides = array<i32>} : memref<8192xf32, #tpu.memory_space<vmem>>, vector<16xf32>,
      %parallel_loop3A_516 = arith.constant 16 : i32
      %parallel_loop3A_517 = arith.muli %parallel_loop3A_511, %parallel_loop3A_516 : i32
      %parallel_loop3A_518 = arith.index_cast %parallel_loop3A_517 : i32 to index
      %parallel_loop3A_519 = tpu.vector_load %arg8[%parallel_loop3A_518] {strides = array<i32>} : memref<8192xf32, #tpu.memory_space<vmem>>, vector<16xf32>,
      %parallel_loop3A_520 = arith.mulf %parallel_loop3A_515, %get3A_5 : vector<16xf32>
      %parallel_loop3A_521 = arith.addf %parallel_loop3A_520, %get3A_13 : vector<16xf32>
      %parallel_loop3A_522 = arith.constant 0.000000e+00 : f32
      %parallel_loop3A_523 = vector.broadcast %parallel_loop3A_522 : f32 to vector<16xf32>
      %parallel_loop3A_524 = arith.maximumf %parallel_loop3A_521, %parallel_loop3A_523 : vector<16xf32>
      %parallel_loop3A_525 = arith.constant 3.100000e+01 : f32
      %parallel_loop3A_526 = vector.broadcast %parallel_loop3A_525 : f32 to vector<16xf32>
      %parallel_loop3A_527 = arith.minimumf %parallel_loop3A_524, %parallel_loop3A_526 : vector<16xf32>
      %parallel_loop3A_528 = arith.mulf %parallel_loop3A_519, %get3A_9 : vector<16xf32>
      %parallel_loop3A_529 = arith.addf %parallel_loop3A_528, %get3A_17 : vector<16xf32>
      %parallel_loop3A_530 = arith.constant 0.000000e+00 : f32
      %parallel_loop3A_531 = vector.broadcast %parallel_loop3A_530 : f32 to vector<16xf32>
      %parallel_loop3A_532 = arith.maximumf %parallel_loop3A_529, %parallel_loop3A_531 : vector<16xf32>
      %parallel_loop3A_533 = arith.constant 3.100000e+01 : f32
      %parallel_loop3A_534 = vector.broadcast %parallel_loop3A_533 : f32 to vector<16xf32>
      %parallel_loop3A_535 = arith.minimumf %parallel_loop3A_532, %parallel_loop3A_534 : vector<16xf32>
      %parallel_loop3A_536 = arith.fptosi %parallel_loop3A_527 : vector<16xf32> to vector<16xi32>
      %parallel_loop3A_537 = arith.fptosi %parallel_loop3A_535 : vector<16xf32> to vector<16xi32>
      %parallel_loop3A_538 = arith.constant 32 : i32
      %parallel_loop3A_539 = vector.broadcast %parallel_loop3A_538 : i32 to vector<16xi32>
      %parallel_loop3A_540 = arith.muli %parallel_loop3A_536, %parallel_loop3A_539 : vector<16xi32>
      %parallel_loop3A_541 = arith.addi %parallel_loop3A_540, %parallel_loop3A_537 : vector<16xi32>
      %parallel_loop3A_542 = tpu.vector_load_idx %arg12[%parallel_loop3A_541] : memref<1024xf32, #tpu.memory_space<vmem>>[vector<16xi32>], vector<16xf32>,
      %parallel_loop3A_543 = arith.constant 16 : i32
      %parallel_loop3A_544 = arith.muli %parallel_loop3A_511, %parallel_loop3A_543 : i32
      %parallel_loop3A_545 = arith.index_cast %parallel_loop3A_544 : i32 to index
      %parallel_loop3A_546 = tpu.vector_load %arg10[%parallel_loop3A_545] {strides = array<i32>} : memref<8192xf32, #tpu.memory_space<vmem>>, vector<16xf32>,
      tpu.vector_store %arg10[%parallel_loop3A_545], %parallel_loop3A_542 {strides = array<i32>} : memref<8192xf32, #tpu.memory_space<vmem>>, vector<16xf32>,
    } {sc.loop_unroll_factor = 8 : i64, sc.parallel_access}
    %add3A_236 = arith.constant 49152 : i32
    %add3A_237 = arith.addi %mul3A_2, %add3A_236 : i32
    %dma_start3A_238 = tpu.memref_slice %arg5[%add3A_237] : memref<4194304xf32, #tpu.memory_space<hbm>> -> memref<8192xf32, #tpu.memory_space<hbm>>
    %dma_start3A_239 = tpu.memref_slice %arg5[%add3A_237] : memref<4194304xf32, #tpu.memory_space<hbm>> -> memref<8192xf32, #tpu.memory_space<hbm>>
    tpu.enqueue_dma source(%arg10 : memref<8192xf32, #tpu.memory_space<vmem>>) target(%dma_start3A_239 : memref<8192xf32, #tpu.memory_space<hbm>>) target_semaphore(%arg18 : memref<!tpu.dma_semaphore, #tpu.memory_space<semaphore_mem>>)
    %add3A_240 = arith.constant 65536 : i32
    %add3A_241 = arith.addi %mul3A_2, %add3A_240 : i32
    %dma_start3A_242 = arith.constant 0 : i32
    %dma_start3A_243 = tpu.memref_slice %arg2[%dma_start3A_242, %add3A_241] : memref<2x4194304xf32, #tpu.memory_space<hbm>> -> memref<1x8192xf32, #tpu.memory_space<hbm>>
    %dma_start3A_244 = tpu.memref_squeeze %dma_start3A_243 : memref<1x8192xf32, #tpu.memory_space<hbm>> -> memref<8192xf32, #tpu.memory_space<hbm>>
    %dma_start3A_245 = tpu.memref_slice %arg2[%dma_start3A_242, %add3A_241] : memref<2x4194304xf32, #tpu.memory_space<hbm>> -> memref<1x8192xf32, #tpu.memory_space<hbm>>
    %dma_start3A_246 = tpu.memref_squeeze %dma_start3A_245 : memref<1x8192xf32, #tpu.memory_space<hbm>> -> memref<8192xf32, #tpu.memory_space<hbm>>
    tpu.enqueue_dma source(%dma_start3A_246 : memref<8192xf32, #tpu.memory_space<hbm>>) target(%arg6 : memref<8192xf32, #tpu.memory_space<vmem>>) target_semaphore(%arg14 : memref<!tpu.dma_semaphore, #tpu.memory_space<semaphore_mem>>)
    %dma_start3A_247 = arith.constant 1 : i32
    %dma_start3A_248 = tpu.memref_slice %arg2[%dma_start3A_247, %add3A_241] : memref<2x4194304xf32, #tpu.memory_space<hbm>> -> memref<1x8192xf32, #tpu.memory_space<hbm>>
    %dma_start3A_249 = tpu.memref_squeeze %dma_start3A_248 : memref<1x8192xf32, #tpu.memory_space<hbm>> -> memref<8192xf32, #tpu.memory_space<hbm>>
    %dma_start3A_250 = tpu.memref_slice %arg2[%dma_start3A_247, %add3A_241] : memref<2x4194304xf32, #tpu.memory_space<hbm>> -> memref<1x8192xf32, #tpu.memory_space<hbm>>
    %dma_start3A_251 = tpu.memref_squeeze %dma_start3A_250 : memref<1x8192xf32, #tpu.memory_space<hbm>> -> memref<8192xf32, #tpu.memory_space<hbm>>
    tpu.enqueue_dma source(%dma_start3A_251 : memref<8192xf32, #tpu.memory_space<hbm>>) target(%arg8 : memref<8192xf32, #tpu.memory_space<vmem>>) target_semaphore(%arg16 : memref<!tpu.dma_semaphore, #tpu.memory_space<semaphore_mem>>)
    %dma_wait3A_252 = arith.constant 0 : i32
    %dma_wait3A_253 = tpu.memref_slice %arg2[%dma_wait3A_252, %add3A_210] : memref<2x4194304xf32, #tpu.memory_space<hbm>> -> memref<1x8192xf32, #tpu.memory_space<hbm>>
    %dma_wait3A_254 = tpu.memref_squeeze %dma_wait3A_253 : memref<1x8192xf32, #tpu.memory_space<hbm>> -> memref<8192xf32, #tpu.memory_space<hbm>>
    %dma_wait3A_255 = tpu.memref_slice %arg2[%dma_wait3A_252, %add3A_210] : memref<2x4194304xf32, #tpu.memory_space<hbm>> -> memref<1x8192xf32, #tpu.memory_space<hbm>>
    %dma_wait3A_256 = tpu.memref_squeeze %dma_wait3A_255 : memref<1x8192xf32, #tpu.memory_space<hbm>> -> memref<8192xf32, #tpu.memory_space<hbm>>
    tpu.wait_dma2 semaphore(%arg15 : memref<!tpu.dma_semaphore, #tpu.memory_space<semaphore_mem>>) src(%dma_wait3A_256 : memref<8192xf32, #tpu.memory_space<hbm>>) dst(%arg7 : memref<8192xf32, #tpu.memory_space<vmem>>)
    %dma_wait3A_257 = arith.constant 1 : i32
    %dma_wait3A_258 = tpu.memref_slice %arg2[%dma_wait3A_257, %add3A_210] : memref<2x4194304xf32, #tpu.memory_space<hbm>> -> memref<1x8192xf32, #tpu.memory_space<hbm>>
    %dma_wait3A_259 = tpu.memref_squeeze %dma_wait3A_258 : memref<1x8192xf32, #tpu.memory_space<hbm>> -> memref<8192xf32, #tpu.memory_space<hbm>>
    %dma_wait3A_260 = tpu.memref_slice %arg2[%dma_wait3A_257, %add3A_210] : memref<2x4194304xf32, #tpu.memory_space<hbm>> -> memref<1x8192xf32, #tpu.memory_space<hbm>>
    %dma_wait3A_261 = tpu.memref_squeeze %dma_wait3A_260 : memref<1x8192xf32, #tpu.memory_space<hbm>> -> memref<8192xf32, #tpu.memory_space<hbm>>
    tpu.wait_dma2 semaphore(%arg17 : memref<!tpu.dma_semaphore, #tpu.memory_space<semaphore_mem>>) src(%dma_wait3A_261 : memref<8192xf32, #tpu.memory_space<hbm>>) dst(%arg9 : memref<8192xf32, #tpu.memory_space<vmem>>)
    %dma_wait3A_262 = tpu.memref_slice %arg5[%add3A_206] : memref<4194304xf32, #tpu.memory_space<hbm>> -> memref<8192xf32, #tpu.memory_space<hbm>>
    %dma_wait3A_263 = tpu.memref_slice %arg5[%add3A_206] : memref<4194304xf32, #tpu.memory_space<hbm>> -> memref<8192xf32, #tpu.memory_space<hbm>>
    tpu.wait_dma2 semaphore(%arg19 : memref<!tpu.dma_semaphore, #tpu.memory_space<semaphore_mem>>) src(%arg11 : memref<8192xf32, #tpu.memory_space<vmem>>) dst(%dma_wait3A_263 : memref<8192xf32, #tpu.memory_space<hbm>>)
    %parallel_loop3A_264 = arith.constant 0 : i32
    %parallel_loop3A_265 = arith.constant 512 : i32
    %parallel_loop3A_266 = arith.constant 1 : i32
    scf.for %parallel_loop3A_511 = %parallel_loop3A_264 to %parallel_loop3A_265 step %parallel_loop3A_266  : i32 {
      %parallel_loop3A_512 = arith.constant 16 : i32
      %parallel_loop3A_513 = arith.muli %parallel_loop3A_511, %parallel_loop3A_512 : i32
      %parallel_loop3A_514 = arith.index_cast %parallel_loop3A_513 : i32 to index
      %parallel_loop3A_515 = tpu.vector_load %arg7[%parallel_loop3A_514] {strides = array<i32>} : memref<8192xf32, #tpu.memory_space<vmem>>, vector<16xf32>,
      %parallel_loop3A_516 = arith.constant 16 : i32
      %parallel_loop3A_517 = arith.muli %parallel_loop3A_511, %parallel_loop3A_516 : i32
      %parallel_loop3A_518 = arith.index_cast %parallel_loop3A_517 : i32 to index
      %parallel_loop3A_519 = tpu.vector_load %arg9[%parallel_loop3A_518] {strides = array<i32>} : memref<8192xf32, #tpu.memory_space<vmem>>, vector<16xf32>,
      %parallel_loop3A_520 = arith.mulf %parallel_loop3A_515, %get3A_5 : vector<16xf32>
      %parallel_loop3A_521 = arith.addf %parallel_loop3A_520, %get3A_13 : vector<16xf32>
      %parallel_loop3A_522 = arith.constant 0.000000e+00 : f32
      %parallel_loop3A_523 = vector.broadcast %parallel_loop3A_522 : f32 to vector<16xf32>
      %parallel_loop3A_524 = arith.maximumf %parallel_loop3A_521, %parallel_loop3A_523 : vector<16xf32>
      %parallel_loop3A_525 = arith.constant 3.100000e+01 : f32
      %parallel_loop3A_526 = vector.broadcast %parallel_loop3A_525 : f32 to vector<16xf32>
      %parallel_loop3A_527 = arith.minimumf %parallel_loop3A_524, %parallel_loop3A_526 : vector<16xf32>
      %parallel_loop3A_528 = arith.mulf %parallel_loop3A_519, %get3A_9 : vector<16xf32>
      %parallel_loop3A_529 = arith.addf %parallel_loop3A_528, %get3A_17 : vector<16xf32>
      %parallel_loop3A_530 = arith.constant 0.000000e+00 : f32
      %parallel_loop3A_531 = vector.broadcast %parallel_loop3A_530 : f32 to vector<16xf32>
      %parallel_loop3A_532 = arith.maximumf %parallel_loop3A_529, %parallel_loop3A_531 : vector<16xf32>
      %parallel_loop3A_533 = arith.constant 3.100000e+01 : f32
      %parallel_loop3A_534 = vector.broadcast %parallel_loop3A_533 : f32 to vector<16xf32>
      %parallel_loop3A_535 = arith.minimumf %parallel_loop3A_532, %parallel_loop3A_534 : vector<16xf32>
      %parallel_loop3A_536 = arith.fptosi %parallel_loop3A_527 : vector<16xf32> to vector<16xi32>
      %parallel_loop3A_537 = arith.fptosi %parallel_loop3A_535 : vector<16xf32> to vector<16xi32>
      %parallel_loop3A_538 = arith.constant 32 : i32
      %parallel_loop3A_539 = vector.broadcast %parallel_loop3A_538 : i32 to vector<16xi32>
      %parallel_loop3A_540 = arith.muli %parallel_loop3A_536, %parallel_loop3A_539 : vector<16xi32>
      %parallel_loop3A_541 = arith.addi %parallel_loop3A_540, %parallel_loop3A_537 : vector<16xi32>
      %parallel_loop3A_542 = tpu.vector_load_idx %arg12[%parallel_loop3A_541] : memref<1024xf32, #tpu.memory_space<vmem>>[vector<16xi32>], vector<16xf32>,
      %parallel_loop3A_543 = arith.constant 16 : i32
      %parallel_loop3A_544 = arith.muli %parallel_loop3A_511, %parallel_loop3A_543 : i32
      %parallel_loop3A_545 = arith.index_cast %parallel_loop3A_544 : i32 to index
      %parallel_loop3A_546 = tpu.vector_load %arg11[%parallel_loop3A_545] {strides = array<i32>} : memref<8192xf32, #tpu.memory_space<vmem>>, vector<16xf32>,
      tpu.vector_store %arg11[%parallel_loop3A_545], %parallel_loop3A_542 {strides = array<i32>} : memref<8192xf32, #tpu.memory_space<vmem>>, vector<16xf32>,
    } {sc.loop_unroll_factor = 8 : i64, sc.parallel_access}
    %add3A_267 = arith.constant 57344 : i32
    %add3A_268 = arith.addi %mul3A_2, %add3A_267 : i32
    %dma_start3A_269 = tpu.memref_slice %arg5[%add3A_268] : memref<4194304xf32, #tpu.memory_space<hbm>> -> memref<8192xf32, #tpu.memory_space<hbm>>
    %dma_start3A_270 = tpu.memref_slice %arg5[%add3A_268] : memref<4194304xf32, #tpu.memory_space<hbm>> -> memref<8192xf32, #tpu.memory_space<hbm>>
    tpu.enqueue_dma source(%arg11 : memref<8192xf32, #tpu.memory_space<vmem>>) target(%dma_start3A_270 : memref<8192xf32, #tpu.memory_space<hbm>>) target_semaphore(%arg19 : memref<!tpu.dma_semaphore, #tpu.memory_space<semaphore_mem>>)
    %add3A_271 = arith.constant 73728 : i32
    %add3A_272 = arith.addi %mul3A_2, %add3A_271 : i32
    %dma_start3A_273 = arith.constant 0 : i32
    %dma_start3A_274 = tpu.memref_slice %arg2[%dma_start3A_273, %add3A_272] : memref<2x4194304xf32, #tpu.memory_space<hbm>> -> memref<1x8192xf32, #tpu.memory_space<hbm>>
    %dma_start3A_275 = tpu.memref_squeeze %dma_start3A_274 : memref<1x8192xf32, #tpu.memory_space<hbm>> -> memref<8192xf32, #tpu.memory_space<hbm>>
    %dma_start3A_276 = tpu.memref_slice %arg2[%dma_start3A_273, %add3A_272] : memref<2x4194304xf32, #tpu.memory_space<hbm>> -> memref<1x8192xf32, #tpu.memory_space<hbm>>
    %dma_start3A_277 = tpu.memref_squeeze %dma_start3A_276 : memref<1x8192xf32, #tpu.memory_space<hbm>> -> memref<8192xf32, #tpu.memory_space<hbm>>
    tpu.enqueue_dma source(%dma_start3A_277 : memref<8192xf32, #tpu.memory_space<hbm>>) target(%arg7 : memref<8192xf32, #tpu.memory_space<vmem>>) target_semaphore(%arg15 : memref<!tpu.dma_semaphore, #tpu.memory_space<semaphore_mem>>)
    %dma_start3A_278 = arith.constant 1 : i32
    %dma_start3A_279 = tpu.memref_slice %arg2[%dma_start3A_278, %add3A_272] : memref<2x4194304xf32, #tpu.memory_space<hbm>> -> memref<1x8192xf32, #tpu.memory_space<hbm>>
    %dma_start3A_280 = tpu.memref_squeeze %dma_start3A_279 : memref<1x8192xf32, #tpu.memory_space<hbm>> -> memref<8192xf32, #tpu.memory_space<hbm>>
    %dma_start3A_281 = tpu.memref_slice %arg2[%dma_start3A_278, %add3A_272] : memref<2x4194304xf32, #tpu.memory_space<hbm>> -> memref<1x8192xf32, #tpu.memory_space<hbm>>
    %dma_start3A_282 = tpu.memref_squeeze %dma_start3A_281 : memref<1x8192xf32, #tpu.memory_space<hbm>> -> memref<8192xf32, #tpu.memory_space<hbm>>
    tpu.enqueue_dma source(%dma_start3A_282 : memref<8192xf32, #tpu.memory_space<hbm>>) target(%arg9 : memref<8192xf32, #tpu.memory_space<vmem>>) target_semaphore(%arg17 : memref<!tpu.dma_semaphore, #tpu.memory_space<semaphore_mem>>)
    %dma_wait3A_283 = arith.constant 0 : i32
    %dma_wait3A_284 = tpu.memref_slice %arg2[%dma_wait3A_283, %add3A_241] : memref<2x4194304xf32, #tpu.memory_space<hbm>> -> memref<1x8192xf32, #tpu.memory_space<hbm>>
    %dma_wait3A_285 = tpu.memref_squeeze %dma_wait3A_284 : memref<1x8192xf32, #tpu.memory_space<hbm>> -> memref<8192xf32, #tpu.memory_space<hbm>>
    %dma_wait3A_286 = tpu.memref_slice %arg2[%dma_wait3A_283, %add3A_241] : memref<2x4194304xf32, #tpu.memory_space<hbm>> -> memref<1x8192xf32, #tpu.memory_space<hbm>>
    %dma_wait3A_287 = tpu.memref_squeeze %dma_wait3A_286 : memref<1x8192xf32, #tpu.memory_space<hbm>> -> memref<8192xf32, #tpu.memory_space<hbm>>
    tpu.wait_dma2 semaphore(%arg14 : memref<!tpu.dma_semaphore, #tpu.memory_space<semaphore_mem>>) src(%dma_wait3A_287 : memref<8192xf32, #tpu.memory_space<hbm>>) dst(%arg6 : memref<8192xf32, #tpu.memory_space<vmem>>)
    %dma_wait3A_288 = arith.constant 1 : i32
    %dma_wait3A_289 = tpu.memref_slice %arg2[%dma_wait3A_288, %add3A_241] : memref<2x4194304xf32, #tpu.memory_space<hbm>> -> memref<1x8192xf32, #tpu.memory_space<hbm>>
    %dma_wait3A_290 = tpu.memref_squeeze %dma_wait3A_289 : memref<1x8192xf32, #tpu.memory_space<hbm>> -> memref<8192xf32, #tpu.memory_space<hbm>>
    %dma_wait3A_291 = tpu.memref_slice %arg2[%dma_wait3A_288, %add3A_241] : memref<2x4194304xf32, #tpu.memory_space<hbm>> -> memref<1x8192xf32, #tpu.memory_space<hbm>>
    %dma_wait3A_292 = tpu.memref_squeeze %dma_wait3A_291 : memref<1x8192xf32, #tpu.memory_space<hbm>> -> memref<8192xf32, #tpu.memory_space<hbm>>
    tpu.wait_dma2 semaphore(%arg16 : memref<!tpu.dma_semaphore, #tpu.memory_space<semaphore_mem>>) src(%dma_wait3A_292 : memref<8192xf32, #tpu.memory_space<hbm>>) dst(%arg8 : memref<8192xf32, #tpu.memory_space<vmem>>)
    %dma_wait3A_293 = tpu.memref_slice %arg5[%add3A_237] : memref<4194304xf32, #tpu.memory_space<hbm>> -> memref<8192xf32, #tpu.memory_space<hbm>>
    %dma_wait3A_294 = tpu.memref_slice %arg5[%add3A_237] : memref<4194304xf32, #tpu.memory_space<hbm>> -> memref<8192xf32, #tpu.memory_space<hbm>>
    tpu.wait_dma2 semaphore(%arg18 : memref<!tpu.dma_semaphore, #tpu.memory_space<semaphore_mem>>) src(%arg10 : memref<8192xf32, #tpu.memory_space<vmem>>) dst(%dma_wait3A_294 : memref<8192xf32, #tpu.memory_space<hbm>>)
    %parallel_loop3A_295 = arith.constant 0 : i32
    %parallel_loop3A_296 = arith.constant 512 : i32
    %parallel_loop3A_297 = arith.constant 1 : i32
    scf.for %parallel_loop3A_511 = %parallel_loop3A_295 to %parallel_loop3A_296 step %parallel_loop3A_297  : i32 {
      %parallel_loop3A_512 = arith.constant 16 : i32
      %parallel_loop3A_513 = arith.muli %parallel_loop3A_511, %parallel_loop3A_512 : i32
      %parallel_loop3A_514 = arith.index_cast %parallel_loop3A_513 : i32 to index
      %parallel_loop3A_515 = tpu.vector_load %arg6[%parallel_loop3A_514] {strides = array<i32>} : memref<8192xf32, #tpu.memory_space<vmem>>, vector<16xf32>,
      %parallel_loop3A_516 = arith.constant 16 : i32
      %parallel_loop3A_517 = arith.muli %parallel_loop3A_511, %parallel_loop3A_516 : i32
      %parallel_loop3A_518 = arith.index_cast %parallel_loop3A_517 : i32 to index
      %parallel_loop3A_519 = tpu.vector_load %arg8[%parallel_loop3A_518] {strides = array<i32>} : memref<8192xf32, #tpu.memory_space<vmem>>, vector<16xf32>,
      %parallel_loop3A_520 = arith.mulf %parallel_loop3A_515, %get3A_5 : vector<16xf32>
      %parallel_loop3A_521 = arith.addf %parallel_loop3A_520, %get3A_13 : vector<16xf32>
      %parallel_loop3A_522 = arith.constant 0.000000e+00 : f32
      %parallel_loop3A_523 = vector.broadcast %parallel_loop3A_522 : f32 to vector<16xf32>
      %parallel_loop3A_524 = arith.maximumf %parallel_loop3A_521, %parallel_loop3A_523 : vector<16xf32>
      %parallel_loop3A_525 = arith.constant 3.100000e+01 : f32
      %parallel_loop3A_526 = vector.broadcast %parallel_loop3A_525 : f32 to vector<16xf32>
      %parallel_loop3A_527 = arith.minimumf %parallel_loop3A_524, %parallel_loop3A_526 : vector<16xf32>
      %parallel_loop3A_528 = arith.mulf %parallel_loop3A_519, %get3A_9 : vector<16xf32>
      %parallel_loop3A_529 = arith.addf %parallel_loop3A_528, %get3A_17 : vector<16xf32>
      %parallel_loop3A_530 = arith.constant 0.000000e+00 : f32
      %parallel_loop3A_531 = vector.broadcast %parallel_loop3A_530 : f32 to vector<16xf32>
      %parallel_loop3A_532 = arith.maximumf %parallel_loop3A_529, %parallel_loop3A_531 : vector<16xf32>
      %parallel_loop3A_533 = arith.constant 3.100000e+01 : f32
      %parallel_loop3A_534 = vector.broadcast %parallel_loop3A_533 : f32 to vector<16xf32>
      %parallel_loop3A_535 = arith.minimumf %parallel_loop3A_532, %parallel_loop3A_534 : vector<16xf32>
      %parallel_loop3A_536 = arith.fptosi %parallel_loop3A_527 : vector<16xf32> to vector<16xi32>
      %parallel_loop3A_537 = arith.fptosi %parallel_loop3A_535 : vector<16xf32> to vector<16xi32>
      %parallel_loop3A_538 = arith.constant 32 : i32
      %parallel_loop3A_539 = vector.broadcast %parallel_loop3A_538 : i32 to vector<16xi32>
      %parallel_loop3A_540 = arith.muli %parallel_loop3A_536, %parallel_loop3A_539 : vector<16xi32>
      %parallel_loop3A_541 = arith.addi %parallel_loop3A_540, %parallel_loop3A_537 : vector<16xi32>
      %parallel_loop3A_542 = tpu.vector_load_idx %arg12[%parallel_loop3A_541] : memref<1024xf32, #tpu.memory_space<vmem>>[vector<16xi32>], vector<16xf32>,
      %parallel_loop3A_543 = arith.constant 16 : i32
      %parallel_loop3A_544 = arith.muli %parallel_loop3A_511, %parallel_loop3A_543 : i32
      %parallel_loop3A_545 = arith.index_cast %parallel_loop3A_544 : i32 to index
      %parallel_loop3A_546 = tpu.vector_load %arg10[%parallel_loop3A_545] {strides = array<i32>} : memref<8192xf32, #tpu.memory_space<vmem>>, vector<16xf32>,
      tpu.vector_store %arg10[%parallel_loop3A_545], %parallel_loop3A_542 {strides = array<i32>} : memref<8192xf32, #tpu.memory_space<vmem>>, vector<16xf32>,
    } {sc.loop_unroll_factor = 8 : i64, sc.parallel_access}
    %add3A_298 = arith.constant 65536 : i32
    %add3A_299 = arith.addi %mul3A_2, %add3A_298 : i32
    %dma_start3A_300 = tpu.memref_slice %arg5[%add3A_299] : memref<4194304xf32, #tpu.memory_space<hbm>> -> memref<8192xf32, #tpu.memory_space<hbm>>
    %dma_start3A_301 = tpu.memref_slice %arg5[%add3A_299] : memref<4194304xf32, #tpu.memory_space<hbm>> -> memref<8192xf32, #tpu.memory_space<hbm>>
    tpu.enqueue_dma source(%arg10 : memref<8192xf32, #tpu.memory_space<vmem>>) target(%dma_start3A_301 : memref<8192xf32, #tpu.memory_space<hbm>>) target_semaphore(%arg18 : memref<!tpu.dma_semaphore, #tpu.memory_space<semaphore_mem>>)
    %add3A_302 = arith.constant 81920 : i32
    %add3A_303 = arith.addi %mul3A_2, %add3A_302 : i32
    %dma_start3A_304 = arith.constant 0 : i32
    %dma_start3A_305 = tpu.memref_slice %arg2[%dma_start3A_304, %add3A_303] : memref<2x4194304xf32, #tpu.memory_space<hbm>> -> memref<1x8192xf32, #tpu.memory_space<hbm>>
    %dma_start3A_306 = tpu.memref_squeeze %dma_start3A_305 : memref<1x8192xf32, #tpu.memory_space<hbm>> -> memref<8192xf32, #tpu.memory_space<hbm>>
    %dma_start3A_307 = tpu.memref_slice %arg2[%dma_start3A_304, %add3A_303] : memref<2x4194304xf32, #tpu.memory_space<hbm>> -> memref<1x8192xf32, #tpu.memory_space<hbm>>
    %dma_start3A_308 = tpu.memref_squeeze %dma_start3A_307 : memref<1x8192xf32, #tpu.memory_space<hbm>> -> memref<8192xf32, #tpu.memory_space<hbm>>
    tpu.enqueue_dma source(%dma_start3A_308 : memref<8192xf32, #tpu.memory_space<hbm>>) target(%arg6 : memref<8192xf32, #tpu.memory_space<vmem>>) target_semaphore(%arg14 : memref<!tpu.dma_semaphore, #tpu.memory_space<semaphore_mem>>)
    %dma_start3A_309 = arith.constant 1 : i32
    %dma_start3A_310 = tpu.memref_slice %arg2[%dma_start3A_309, %add3A_303] : memref<2x4194304xf32, #tpu.memory_space<hbm>> -> memref<1x8192xf32, #tpu.memory_space<hbm>>
    %dma_start3A_311 = tpu.memref_squeeze %dma_start3A_310 : memref<1x8192xf32, #tpu.memory_space<hbm>> -> memref<8192xf32, #tpu.memory_space<hbm>>
    %dma_start3A_312 = tpu.memref_slice %arg2[%dma_start3A_309, %add3A_303] : memref<2x4194304xf32, #tpu.memory_space<hbm>> -> memref<1x8192xf32, #tpu.memory_space<hbm>>
    %dma_start3A_313 = tpu.memref_squeeze %dma_start3A_312 : memref<1x8192xf32, #tpu.memory_space<hbm>> -> memref<8192xf32, #tpu.memory_space<hbm>>
    tpu.enqueue_dma source(%dma_start3A_313 : memref<8192xf32, #tpu.memory_space<hbm>>) target(%arg8 : memref<8192xf32, #tpu.memory_space<vmem>>) target_semaphore(%arg16 : memref<!tpu.dma_semaphore, #tpu.memory_space<semaphore_mem>>)
    %dma_wait3A_314 = arith.constant 0 : i32
    %dma_wait3A_315 = tpu.memref_slice %arg2[%dma_wait3A_314, %add3A_272] : memref<2x4194304xf32, #tpu.memory_space<hbm>> -> memref<1x8192xf32, #tpu.memory_space<hbm>>
    %dma_wait3A_316 = tpu.memref_squeeze %dma_wait3A_315 : memref<1x8192xf32, #tpu.memory_space<hbm>> -> memref<8192xf32, #tpu.memory_space<hbm>>
    %dma_wait3A_317 = tpu.memref_slice %arg2[%dma_wait3A_314, %add3A_272] : memref<2x4194304xf32, #tpu.memory_space<hbm>> -> memref<1x8192xf32, #tpu.memory_space<hbm>>
    %dma_wait3A_318 = tpu.memref_squeeze %dma_wait3A_317 : memref<1x8192xf32, #tpu.memory_space<hbm>> -> memref<8192xf32, #tpu.memory_space<hbm>>
    tpu.wait_dma2 semaphore(%arg15 : memref<!tpu.dma_semaphore, #tpu.memory_space<semaphore_mem>>) src(%dma_wait3A_318 : memref<8192xf32, #tpu.memory_space<hbm>>) dst(%arg7 : memref<8192xf32, #tpu.memory_space<vmem>>)
    %dma_wait3A_319 = arith.constant 1 : i32
    %dma_wait3A_320 = tpu.memref_slice %arg2[%dma_wait3A_319, %add3A_272] : memref<2x4194304xf32, #tpu.memory_space<hbm>> -> memref<1x8192xf32, #tpu.memory_space<hbm>>
    %dma_wait3A_321 = tpu.memref_squeeze %dma_wait3A_320 : memref<1x8192xf32, #tpu.memory_space<hbm>> -> memref<8192xf32, #tpu.memory_space<hbm>>
    %dma_wait3A_322 = tpu.memref_slice %arg2[%dma_wait3A_319, %add3A_272] : memref<2x4194304xf32, #tpu.memory_space<hbm>> -> memref<1x8192xf32, #tpu.memory_space<hbm>>
    %dma_wait3A_323 = tpu.memref_squeeze %dma_wait3A_322 : memref<1x8192xf32, #tpu.memory_space<hbm>> -> memref<8192xf32, #tpu.memory_space<hbm>>
    tpu.wait_dma2 semaphore(%arg17 : memref<!tpu.dma_semaphore, #tpu.memory_space<semaphore_mem>>) src(%dma_wait3A_323 : memref<8192xf32, #tpu.memory_space<hbm>>) dst(%arg9 : memref<8192xf32, #tpu.memory_space<vmem>>)
    %dma_wait3A_324 = tpu.memref_slice %arg5[%add3A_268] : memref<4194304xf32, #tpu.memory_space<hbm>> -> memref<8192xf32, #tpu.memory_space<hbm>>
    %dma_wait3A_325 = tpu.memref_slice %arg5[%add3A_268] : memref<4194304xf32, #tpu.memory_space<hbm>> -> memref<8192xf32, #tpu.memory_space<hbm>>
    tpu.wait_dma2 semaphore(%arg19 : memref<!tpu.dma_semaphore, #tpu.memory_space<semaphore_mem>>) src(%arg11 : memref<8192xf32, #tpu.memory_space<vmem>>) dst(%dma_wait3A_325 : memref<8192xf32, #tpu.memory_space<hbm>>)
    %parallel_loop3A_326 = arith.constant 0 : i32
    %parallel_loop3A_327 = arith.constant 512 : i32
    %parallel_loop3A_328 = arith.constant 1 : i32
    scf.for %parallel_loop3A_511 = %parallel_loop3A_326 to %parallel_loop3A_327 step %parallel_loop3A_328  : i32 {
      %parallel_loop3A_512 = arith.constant 16 : i32
      %parallel_loop3A_513 = arith.muli %parallel_loop3A_511, %parallel_loop3A_512 : i32
      %parallel_loop3A_514 = arith.index_cast %parallel_loop3A_513 : i32 to index
      %parallel_loop3A_515 = tpu.vector_load %arg7[%parallel_loop3A_514] {strides = array<i32>} : memref<8192xf32, #tpu.memory_space<vmem>>, vector<16xf32>,
      %parallel_loop3A_516 = arith.constant 16 : i32
      %parallel_loop3A_517 = arith.muli %parallel_loop3A_511, %parallel_loop3A_516 : i32
      %parallel_loop3A_518 = arith.index_cast %parallel_loop3A_517 : i32 to index
      %parallel_loop3A_519 = tpu.vector_load %arg9[%parallel_loop3A_518] {strides = array<i32>} : memref<8192xf32, #tpu.memory_space<vmem>>, vector<16xf32>,
      %parallel_loop3A_520 = arith.mulf %parallel_loop3A_515, %get3A_5 : vector<16xf32>
      %parallel_loop3A_521 = arith.addf %parallel_loop3A_520, %get3A_13 : vector<16xf32>
      %parallel_loop3A_522 = arith.constant 0.000000e+00 : f32
      %parallel_loop3A_523 = vector.broadcast %parallel_loop3A_522 : f32 to vector<16xf32>
      %parallel_loop3A_524 = arith.maximumf %parallel_loop3A_521, %parallel_loop3A_523 : vector<16xf32>
      %parallel_loop3A_525 = arith.constant 3.100000e+01 : f32
      %parallel_loop3A_526 = vector.broadcast %parallel_loop3A_525 : f32 to vector<16xf32>
      %parallel_loop3A_527 = arith.minimumf %parallel_loop3A_524, %parallel_loop3A_526 : vector<16xf32>
      %parallel_loop3A_528 = arith.mulf %parallel_loop3A_519, %get3A_9 : vector<16xf32>
      %parallel_loop3A_529 = arith.addf %parallel_loop3A_528, %get3A_17 : vector<16xf32>
      %parallel_loop3A_530 = arith.constant 0.000000e+00 : f32
      %parallel_loop3A_531 = vector.broadcast %parallel_loop3A_530 : f32 to vector<16xf32>
      %parallel_loop3A_532 = arith.maximumf %parallel_loop3A_529, %parallel_loop3A_531 : vector<16xf32>
      %parallel_loop3A_533 = arith.constant 3.100000e+01 : f32
      %parallel_loop3A_534 = vector.broadcast %parallel_loop3A_533 : f32 to vector<16xf32>
      %parallel_loop3A_535 = arith.minimumf %parallel_loop3A_532, %parallel_loop3A_534 : vector<16xf32>
      %parallel_loop3A_536 = arith.fptosi %parallel_loop3A_527 : vector<16xf32> to vector<16xi32>
      %parallel_loop3A_537 = arith.fptosi %parallel_loop3A_535 : vector<16xf32> to vector<16xi32>
      %parallel_loop3A_538 = arith.constant 32 : i32
      %parallel_loop3A_539 = vector.broadcast %parallel_loop3A_538 : i32 to vector<16xi32>
      %parallel_loop3A_540 = arith.muli %parallel_loop3A_536, %parallel_loop3A_539 : vector<16xi32>
      %parallel_loop3A_541 = arith.addi %parallel_loop3A_540, %parallel_loop3A_537 : vector<16xi32>
      %parallel_loop3A_542 = tpu.vector_load_idx %arg12[%parallel_loop3A_541] : memref<1024xf32, #tpu.memory_space<vmem>>[vector<16xi32>], vector<16xf32>,
      %parallel_loop3A_543 = arith.constant 16 : i32
      %parallel_loop3A_544 = arith.muli %parallel_loop3A_511, %parallel_loop3A_543 : i32
      %parallel_loop3A_545 = arith.index_cast %parallel_loop3A_544 : i32 to index
      %parallel_loop3A_546 = tpu.vector_load %arg11[%parallel_loop3A_545] {strides = array<i32>} : memref<8192xf32, #tpu.memory_space<vmem>>, vector<16xf32>,
      tpu.vector_store %arg11[%parallel_loop3A_545], %parallel_loop3A_542 {strides = array<i32>} : memref<8192xf32, #tpu.memory_space<vmem>>, vector<16xf32>,
    } {sc.loop_unroll_factor = 8 : i64, sc.parallel_access}
    %add3A_329 = arith.constant 73728 : i32
    %add3A_330 = arith.addi %mul3A_2, %add3A_329 : i32
    %dma_start3A_331 = tpu.memref_slice %arg5[%add3A_330] : memref<4194304xf32, #tpu.memory_space<hbm>> -> memref<8192xf32, #tpu.memory_space<hbm>>
    %dma_start3A_332 = tpu.memref_slice %arg5[%add3A_330] : memref<4194304xf32, #tpu.memory_space<hbm>> -> memref<8192xf32, #tpu.memory_space<hbm>>
    tpu.enqueue_dma source(%arg11 : memref<8192xf32, #tpu.memory_space<vmem>>) target(%dma_start3A_332 : memref<8192xf32, #tpu.memory_space<hbm>>) target_semaphore(%arg19 : memref<!tpu.dma_semaphore, #tpu.memory_space<semaphore_mem>>)
    %add3A_333 = arith.constant 90112 : i32
    %add3A_334 = arith.addi %mul3A_2, %add3A_333 : i32
    %dma_start3A_335 = arith.constant 0 : i32
    %dma_start3A_336 = tpu.memref_slice %arg2[%dma_start3A_335, %add3A_334] : memref<2x4194304xf32, #tpu.memory_space<hbm>> -> memref<1x8192xf32, #tpu.memory_space<hbm>>
    %dma_start3A_337 = tpu.memref_squeeze %dma_start3A_336 : memref<1x8192xf32, #tpu.memory_space<hbm>> -> memref<8192xf32, #tpu.memory_space<hbm>>
    %dma_start3A_338 = tpu.memref_slice %arg2[%dma_start3A_335, %add3A_334] : memref<2x4194304xf32, #tpu.memory_space<hbm>> -> memref<1x8192xf32, #tpu.memory_space<hbm>>
    %dma_start3A_339 = tpu.memref_squeeze %dma_start3A_338 : memref<1x8192xf32, #tpu.memory_space<hbm>> -> memref<8192xf32, #tpu.memory_space<hbm>>
    tpu.enqueue_dma source(%dma_start3A_339 : memref<8192xf32, #tpu.memory_space<hbm>>) target(%arg7 : memref<8192xf32, #tpu.memory_space<vmem>>) target_semaphore(%arg15 : memref<!tpu.dma_semaphore, #tpu.memory_space<semaphore_mem>>)
    %dma_start3A_340 = arith.constant 1 : i32
    %dma_start3A_341 = tpu.memref_slice %arg2[%dma_start3A_340, %add3A_334] : memref<2x4194304xf32, #tpu.memory_space<hbm>> -> memref<1x8192xf32, #tpu.memory_space<hbm>>
    %dma_start3A_342 = tpu.memref_squeeze %dma_start3A_341 : memref<1x8192xf32, #tpu.memory_space<hbm>> -> memref<8192xf32, #tpu.memory_space<hbm>>
    %dma_start3A_343 = tpu.memref_slice %arg2[%dma_start3A_340, %add3A_334] : memref<2x4194304xf32, #tpu.memory_space<hbm>> -> memref<1x8192xf32, #tpu.memory_space<hbm>>
    %dma_start3A_344 = tpu.memref_squeeze %dma_start3A_343 : memref<1x8192xf32, #tpu.memory_space<hbm>> -> memref<8192xf32, #tpu.memory_space<hbm>>
    tpu.enqueue_dma source(%dma_start3A_344 : memref<8192xf32, #tpu.memory_space<hbm>>) target(%arg9 : memref<8192xf32, #tpu.memory_space<vmem>>) target_semaphore(%arg17 : memref<!tpu.dma_semaphore, #tpu.memory_space<semaphore_mem>>)
    %dma_wait3A_345 = arith.constant 0 : i32
    %dma_wait3A_346 = tpu.memref_slice %arg2[%dma_wait3A_345, %add3A_303] : memref<2x4194304xf32, #tpu.memory_space<hbm>> -> memref<1x8192xf32, #tpu.memory_space<hbm>>
    %dma_wait3A_347 = tpu.memref_squeeze %dma_wait3A_346 : memref<1x8192xf32, #tpu.memory_space<hbm>> -> memref<8192xf32, #tpu.memory_space<hbm>>
    %dma_wait3A_348 = tpu.memref_slice %arg2[%dma_wait3A_345, %add3A_303] : memref<2x4194304xf32, #tpu.memory_space<hbm>> -> memref<1x8192xf32, #tpu.memory_space<hbm>>
    %dma_wait3A_349 = tpu.memref_squeeze %dma_wait3A_348 : memref<1x8192xf32, #tpu.memory_space<hbm>> -> memref<8192xf32, #tpu.memory_space<hbm>>
    tpu.wait_dma2 semaphore(%arg14 : memref<!tpu.dma_semaphore, #tpu.memory_space<semaphore_mem>>) src(%dma_wait3A_349 : memref<8192xf32, #tpu.memory_space<hbm>>) dst(%arg6 : memref<8192xf32, #tpu.memory_space<vmem>>)
    %dma_wait3A_350 = arith.constant 1 : i32
    %dma_wait3A_351 = tpu.memref_slice %arg2[%dma_wait3A_350, %add3A_303] : memref<2x4194304xf32, #tpu.memory_space<hbm>> -> memref<1x8192xf32, #tpu.memory_space<hbm>>
    %dma_wait3A_352 = tpu.memref_squeeze %dma_wait3A_351 : memref<1x8192xf32, #tpu.memory_space<hbm>> -> memref<8192xf32, #tpu.memory_space<hbm>>
    %dma_wait3A_353 = tpu.memref_slice %arg2[%dma_wait3A_350, %add3A_303] : memref<2x4194304xf32, #tpu.memory_space<hbm>> -> memref<1x8192xf32, #tpu.memory_space<hbm>>
    %dma_wait3A_354 = tpu.memref_squeeze %dma_wait3A_353 : memref<1x8192xf32, #tpu.memory_space<hbm>> -> memref<8192xf32, #tpu.memory_space<hbm>>
    tpu.wait_dma2 semaphore(%arg16 : memref<!tpu.dma_semaphore, #tpu.memory_space<semaphore_mem>>) src(%dma_wait3A_354 : memref<8192xf32, #tpu.memory_space<hbm>>) dst(%arg8 : memref<8192xf32, #tpu.memory_space<vmem>>)
    %dma_wait3A_355 = tpu.memref_slice %arg5[%add3A_299] : memref<4194304xf32, #tpu.memory_space<hbm>> -> memref<8192xf32, #tpu.memory_space<hbm>>
    %dma_wait3A_356 = tpu.memref_slice %arg5[%add3A_299] : memref<4194304xf32, #tpu.memory_space<hbm>> -> memref<8192xf32, #tpu.memory_space<hbm>>
    tpu.wait_dma2 semaphore(%arg18 : memref<!tpu.dma_semaphore, #tpu.memory_space<semaphore_mem>>) src(%arg10 : memref<8192xf32, #tpu.memory_space<vmem>>) dst(%dma_wait3A_356 : memref<8192xf32, #tpu.memory_space<hbm>>)
    %parallel_loop3A_357 = arith.constant 0 : i32
    %parallel_loop3A_358 = arith.constant 512 : i32
    %parallel_loop3A_359 = arith.constant 1 : i32
    scf.for %parallel_loop3A_511 = %parallel_loop3A_357 to %parallel_loop3A_358 step %parallel_loop3A_359  : i32 {
      %parallel_loop3A_512 = arith.constant 16 : i32
      %parallel_loop3A_513 = arith.muli %parallel_loop3A_511, %parallel_loop3A_512 : i32
      %parallel_loop3A_514 = arith.index_cast %parallel_loop3A_513 : i32 to index
      %parallel_loop3A_515 = tpu.vector_load %arg6[%parallel_loop3A_514] {strides = array<i32>} : memref<8192xf32, #tpu.memory_space<vmem>>, vector<16xf32>,
      %parallel_loop3A_516 = arith.constant 16 : i32
      %parallel_loop3A_517 = arith.muli %parallel_loop3A_511, %parallel_loop3A_516 : i32
      %parallel_loop3A_518 = arith.index_cast %parallel_loop3A_517 : i32 to index
      %parallel_loop3A_519 = tpu.vector_load %arg8[%parallel_loop3A_518] {strides = array<i32>} : memref<8192xf32, #tpu.memory_space<vmem>>, vector<16xf32>,
      %parallel_loop3A_520 = arith.mulf %parallel_loop3A_515, %get3A_5 : vector<16xf32>
      %parallel_loop3A_521 = arith.addf %parallel_loop3A_520, %get3A_13 : vector<16xf32>
      %parallel_loop3A_522 = arith.constant 0.000000e+00 : f32
      %parallel_loop3A_523 = vector.broadcast %parallel_loop3A_522 : f32 to vector<16xf32>
      %parallel_loop3A_524 = arith.maximumf %parallel_loop3A_521, %parallel_loop3A_523 : vector<16xf32>
      %parallel_loop3A_525 = arith.constant 3.100000e+01 : f32
      %parallel_loop3A_526 = vector.broadcast %parallel_loop3A_525 : f32 to vector<16xf32>
      %parallel_loop3A_527 = arith.minimumf %parallel_loop3A_524, %parallel_loop3A_526 : vector<16xf32>
      %parallel_loop3A_528 = arith.mulf %parallel_loop3A_519, %get3A_9 : vector<16xf32>
      %parallel_loop3A_529 = arith.addf %parallel_loop3A_528, %get3A_17 : vector<16xf32>
      %parallel_loop3A_530 = arith.constant 0.000000e+00 : f32
      %parallel_loop3A_531 = vector.broadcast %parallel_loop3A_530 : f32 to vector<16xf32>
      %parallel_loop3A_532 = arith.maximumf %parallel_loop3A_529, %parallel_loop3A_531 : vector<16xf32>
      %parallel_loop3A_533 = arith.constant 3.100000e+01 : f32
      %parallel_loop3A_534 = vector.broadcast %parallel_loop3A_533 : f32 to vector<16xf32>
      %parallel_loop3A_535 = arith.minimumf %parallel_loop3A_532, %parallel_loop3A_534 : vector<16xf32>
      %parallel_loop3A_536 = arith.fptosi %parallel_loop3A_527 : vector<16xf32> to vector<16xi32>
      %parallel_loop3A_537 = arith.fptosi %parallel_loop3A_535 : vector<16xf32> to vector<16xi32>
      %parallel_loop3A_538 = arith.constant 32 : i32
      %parallel_loop3A_539 = vector.broadcast %parallel_loop3A_538 : i32 to vector<16xi32>
      %parallel_loop3A_540 = arith.muli %parallel_loop3A_536, %parallel_loop3A_539 : vector<16xi32>
      %parallel_loop3A_541 = arith.addi %parallel_loop3A_540, %parallel_loop3A_537 : vector<16xi32>
      %parallel_loop3A_542 = tpu.vector_load_idx %arg12[%parallel_loop3A_541] : memref<1024xf32, #tpu.memory_space<vmem>>[vector<16xi32>], vector<16xf32>,
      %parallel_loop3A_543 = arith.constant 16 : i32
      %parallel_loop3A_544 = arith.muli %parallel_loop3A_511, %parallel_loop3A_543 : i32
      %parallel_loop3A_545 = arith.index_cast %parallel_loop3A_544 : i32 to index
      %parallel_loop3A_546 = tpu.vector_load %arg10[%parallel_loop3A_545] {strides = array<i32>} : memref<8192xf32, #tpu.memory_space<vmem>>, vector<16xf32>,
      tpu.vector_store %arg10[%parallel_loop3A_545], %parallel_loop3A_542 {strides = array<i32>} : memref<8192xf32, #tpu.memory_space<vmem>>, vector<16xf32>,
    } {sc.loop_unroll_factor = 8 : i64, sc.parallel_access}
    %add3A_360 = arith.constant 81920 : i32
    %add3A_361 = arith.addi %mul3A_2, %add3A_360 : i32
    %dma_start3A_362 = tpu.memref_slice %arg5[%add3A_361] : memref<4194304xf32, #tpu.memory_space<hbm>> -> memref<8192xf32, #tpu.memory_space<hbm>>
    %dma_start3A_363 = tpu.memref_slice %arg5[%add3A_361] : memref<4194304xf32, #tpu.memory_space<hbm>> -> memref<8192xf32, #tpu.memory_space<hbm>>
    tpu.enqueue_dma source(%arg10 : memref<8192xf32, #tpu.memory_space<vmem>>) target(%dma_start3A_363 : memref<8192xf32, #tpu.memory_space<hbm>>) target_semaphore(%arg18 : memref<!tpu.dma_semaphore, #tpu.memory_space<semaphore_mem>>)
    %add3A_364 = arith.constant 98304 : i32
    %add3A_365 = arith.addi %mul3A_2, %add3A_364 : i32
    %dma_start3A_366 = arith.constant 0 : i32
    %dma_start3A_367 = tpu.memref_slice %arg2[%dma_start3A_366, %add3A_365] : memref<2x4194304xf32, #tpu.memory_space<hbm>> -> memref<1x8192xf32, #tpu.memory_space<hbm>>
    %dma_start3A_368 = tpu.memref_squeeze %dma_start3A_367 : memref<1x8192xf32, #tpu.memory_space<hbm>> -> memref<8192xf32, #tpu.memory_space<hbm>>
    %dma_start3A_369 = tpu.memref_slice %arg2[%dma_start3A_366, %add3A_365] : memref<2x4194304xf32, #tpu.memory_space<hbm>> -> memref<1x8192xf32, #tpu.memory_space<hbm>>
    %dma_start3A_370 = tpu.memref_squeeze %dma_start3A_369 : memref<1x8192xf32, #tpu.memory_space<hbm>> -> memref<8192xf32, #tpu.memory_space<hbm>>
    tpu.enqueue_dma source(%dma_start3A_370 : memref<8192xf32, #tpu.memory_space<hbm>>) target(%arg6 : memref<8192xf32, #tpu.memory_space<vmem>>) target_semaphore(%arg14 : memref<!tpu.dma_semaphore, #tpu.memory_space<semaphore_mem>>)
    %dma_start3A_371 = arith.constant 1 : i32
    %dma_start3A_372 = tpu.memref_slice %arg2[%dma_start3A_371, %add3A_365] : memref<2x4194304xf32, #tpu.memory_space<hbm>> -> memref<1x8192xf32, #tpu.memory_space<hbm>>
    %dma_start3A_373 = tpu.memref_squeeze %dma_start3A_372 : memref<1x8192xf32, #tpu.memory_space<hbm>> -> memref<8192xf32, #tpu.memory_space<hbm>>
    %dma_start3A_374 = tpu.memref_slice %arg2[%dma_start3A_371, %add3A_365] : memref<2x4194304xf32, #tpu.memory_space<hbm>> -> memref<1x8192xf32, #tpu.memory_space<hbm>>
    %dma_start3A_375 = tpu.memref_squeeze %dma_start3A_374 : memref<1x8192xf32, #tpu.memory_space<hbm>> -> memref<8192xf32, #tpu.memory_space<hbm>>
    tpu.enqueue_dma source(%dma_start3A_375 : memref<8192xf32, #tpu.memory_space<hbm>>) target(%arg8 : memref<8192xf32, #tpu.memory_space<vmem>>) target_semaphore(%arg16 : memref<!tpu.dma_semaphore, #tpu.memory_space<semaphore_mem>>)
    %dma_wait3A_376 = arith.constant 0 : i32
    %dma_wait3A_377 = tpu.memref_slice %arg2[%dma_wait3A_376, %add3A_334] : memref<2x4194304xf32, #tpu.memory_space<hbm>> -> memref<1x8192xf32, #tpu.memory_space<hbm>>
    %dma_wait3A_378 = tpu.memref_squeeze %dma_wait3A_377 : memref<1x8192xf32, #tpu.memory_space<hbm>> -> memref<8192xf32, #tpu.memory_space<hbm>>
    %dma_wait3A_379 = tpu.memref_slice %arg2[%dma_wait3A_376, %add3A_334] : memref<2x4194304xf32, #tpu.memory_space<hbm>> -> memref<1x8192xf32, #tpu.memory_space<hbm>>
    %dma_wait3A_380 = tpu.memref_squeeze %dma_wait3A_379 : memref<1x8192xf32, #tpu.memory_space<hbm>> -> memref<8192xf32, #tpu.memory_space<hbm>>
    tpu.wait_dma2 semaphore(%arg15 : memref<!tpu.dma_semaphore, #tpu.memory_space<semaphore_mem>>) src(%dma_wait3A_380 : memref<8192xf32, #tpu.memory_space<hbm>>) dst(%arg7 : memref<8192xf32, #tpu.memory_space<vmem>>)
    %dma_wait3A_381 = arith.constant 1 : i32
    %dma_wait3A_382 = tpu.memref_slice %arg2[%dma_wait3A_381, %add3A_334] : memref<2x4194304xf32, #tpu.memory_space<hbm>> -> memref<1x8192xf32, #tpu.memory_space<hbm>>
    %dma_wait3A_383 = tpu.memref_squeeze %dma_wait3A_382 : memref<1x8192xf32, #tpu.memory_space<hbm>> -> memref<8192xf32, #tpu.memory_space<hbm>>
    %dma_wait3A_384 = tpu.memref_slice %arg2[%dma_wait3A_381, %add3A_334] : memref<2x4194304xf32, #tpu.memory_space<hbm>> -> memref<1x8192xf32, #tpu.memory_space<hbm>>
    %dma_wait3A_385 = tpu.memref_squeeze %dma_wait3A_384 : memref<1x8192xf32, #tpu.memory_space<hbm>> -> memref<8192xf32, #tpu.memory_space<hbm>>
    tpu.wait_dma2 semaphore(%arg17 : memref<!tpu.dma_semaphore, #tpu.memory_space<semaphore_mem>>) src(%dma_wait3A_385 : memref<8192xf32, #tpu.memory_space<hbm>>) dst(%arg9 : memref<8192xf32, #tpu.memory_space<vmem>>)
    %dma_wait3A_386 = tpu.memref_slice %arg5[%add3A_330] : memref<4194304xf32, #tpu.memory_space<hbm>> -> memref<8192xf32, #tpu.memory_space<hbm>>
    %dma_wait3A_387 = tpu.memref_slice %arg5[%add3A_330] : memref<4194304xf32, #tpu.memory_space<hbm>> -> memref<8192xf32, #tpu.memory_space<hbm>>
    tpu.wait_dma2 semaphore(%arg19 : memref<!tpu.dma_semaphore, #tpu.memory_space<semaphore_mem>>) src(%arg11 : memref<8192xf32, #tpu.memory_space<vmem>>) dst(%dma_wait3A_387 : memref<8192xf32, #tpu.memory_space<hbm>>)
    %parallel_loop3A_388 = arith.constant 0 : i32
    %parallel_loop3A_389 = arith.constant 512 : i32
    %parallel_loop3A_390 = arith.constant 1 : i32
    scf.for %parallel_loop3A_511 = %parallel_loop3A_388 to %parallel_loop3A_389 step %parallel_loop3A_390  : i32 {
      %parallel_loop3A_512 = arith.constant 16 : i32
      %parallel_loop3A_513 = arith.muli %parallel_loop3A_511, %parallel_loop3A_512 : i32
      %parallel_loop3A_514 = arith.index_cast %parallel_loop3A_513 : i32 to index
      %parallel_loop3A_515 = tpu.vector_load %arg7[%parallel_loop3A_514] {strides = array<i32>} : memref<8192xf32, #tpu.memory_space<vmem>>, vector<16xf32>,
      %parallel_loop3A_516 = arith.constant 16 : i32
      %parallel_loop3A_517 = arith.muli %parallel_loop3A_511, %parallel_loop3A_516 : i32
      %parallel_loop3A_518 = arith.index_cast %parallel_loop3A_517 : i32 to index
      %parallel_loop3A_519 = tpu.vector_load %arg9[%parallel_loop3A_518] {strides = array<i32>} : memref<8192xf32, #tpu.memory_space<vmem>>, vector<16xf32>,
      %parallel_loop3A_520 = arith.mulf %parallel_loop3A_515, %get3A_5 : vector<16xf32>
      %parallel_loop3A_521 = arith.addf %parallel_loop3A_520, %get3A_13 : vector<16xf32>
      %parallel_loop3A_522 = arith.constant 0.000000e+00 : f32
      %parallel_loop3A_523 = vector.broadcast %parallel_loop3A_522 : f32 to vector<16xf32>
      %parallel_loop3A_524 = arith.maximumf %parallel_loop3A_521, %parallel_loop3A_523 : vector<16xf32>
      %parallel_loop3A_525 = arith.constant 3.100000e+01 : f32
      %parallel_loop3A_526 = vector.broadcast %parallel_loop3A_525 : f32 to vector<16xf32>
      %parallel_loop3A_527 = arith.minimumf %parallel_loop3A_524, %parallel_loop3A_526 : vector<16xf32>
      %parallel_loop3A_528 = arith.mulf %parallel_loop3A_519, %get3A_9 : vector<16xf32>
      %parallel_loop3A_529 = arith.addf %parallel_loop3A_528, %get3A_17 : vector<16xf32>
      %parallel_loop3A_530 = arith.constant 0.000000e+00 : f32
      %parallel_loop3A_531 = vector.broadcast %parallel_loop3A_530 : f32 to vector<16xf32>
      %parallel_loop3A_532 = arith.maximumf %parallel_loop3A_529, %parallel_loop3A_531 : vector<16xf32>
      %parallel_loop3A_533 = arith.constant 3.100000e+01 : f32
      %parallel_loop3A_534 = vector.broadcast %parallel_loop3A_533 : f32 to vector<16xf32>
      %parallel_loop3A_535 = arith.minimumf %parallel_loop3A_532, %parallel_loop3A_534 : vector<16xf32>
      %parallel_loop3A_536 = arith.fptosi %parallel_loop3A_527 : vector<16xf32> to vector<16xi32>
      %parallel_loop3A_537 = arith.fptosi %parallel_loop3A_535 : vector<16xf32> to vector<16xi32>
      %parallel_loop3A_538 = arith.constant 32 : i32
      %parallel_loop3A_539 = vector.broadcast %parallel_loop3A_538 : i32 to vector<16xi32>
      %parallel_loop3A_540 = arith.muli %parallel_loop3A_536, %parallel_loop3A_539 : vector<16xi32>
      %parallel_loop3A_541 = arith.addi %parallel_loop3A_540, %parallel_loop3A_537 : vector<16xi32>
      %parallel_loop3A_542 = tpu.vector_load_idx %arg12[%parallel_loop3A_541] : memref<1024xf32, #tpu.memory_space<vmem>>[vector<16xi32>], vector<16xf32>,
      %parallel_loop3A_543 = arith.constant 16 : i32
      %parallel_loop3A_544 = arith.muli %parallel_loop3A_511, %parallel_loop3A_543 : i32
      %parallel_loop3A_545 = arith.index_cast %parallel_loop3A_544 : i32 to index
      %parallel_loop3A_546 = tpu.vector_load %arg11[%parallel_loop3A_545] {strides = array<i32>} : memref<8192xf32, #tpu.memory_space<vmem>>, vector<16xf32>,
      tpu.vector_store %arg11[%parallel_loop3A_545], %parallel_loop3A_542 {strides = array<i32>} : memref<8192xf32, #tpu.memory_space<vmem>>, vector<16xf32>,
    } {sc.loop_unroll_factor = 8 : i64, sc.parallel_access}
    %add3A_391 = arith.constant 90112 : i32
    %add3A_392 = arith.addi %mul3A_2, %add3A_391 : i32
    %dma_start3A_393 = tpu.memref_slice %arg5[%add3A_392] : memref<4194304xf32, #tpu.memory_space<hbm>> -> memref<8192xf32, #tpu.memory_space<hbm>>
    %dma_start3A_394 = tpu.memref_slice %arg5[%add3A_392] : memref<4194304xf32, #tpu.memory_space<hbm>> -> memref<8192xf32, #tpu.memory_space<hbm>>
    tpu.enqueue_dma source(%arg11 : memref<8192xf32, #tpu.memory_space<vmem>>) target(%dma_start3A_394 : memref<8192xf32, #tpu.memory_space<hbm>>) target_semaphore(%arg19 : memref<!tpu.dma_semaphore, #tpu.memory_space<semaphore_mem>>)
    %add3A_395 = arith.constant 106496 : i32
    %add3A_396 = arith.addi %mul3A_2, %add3A_395 : i32
    %dma_start3A_397 = arith.constant 0 : i32
    %dma_start3A_398 = tpu.memref_slice %arg2[%dma_start3A_397, %add3A_396] : memref<2x4194304xf32, #tpu.memory_space<hbm>> -> memref<1x8192xf32, #tpu.memory_space<hbm>>
    %dma_start3A_399 = tpu.memref_squeeze %dma_start3A_398 : memref<1x8192xf32, #tpu.memory_space<hbm>> -> memref<8192xf32, #tpu.memory_space<hbm>>
    %dma_start3A_400 = tpu.memref_slice %arg2[%dma_start3A_397, %add3A_396] : memref<2x4194304xf32, #tpu.memory_space<hbm>> -> memref<1x8192xf32, #tpu.memory_space<hbm>>
    %dma_start3A_401 = tpu.memref_squeeze %dma_start3A_400 : memref<1x8192xf32, #tpu.memory_space<hbm>> -> memref<8192xf32, #tpu.memory_space<hbm>>
    tpu.enqueue_dma source(%dma_start3A_401 : memref<8192xf32, #tpu.memory_space<hbm>>) target(%arg7 : memref<8192xf32, #tpu.memory_space<vmem>>) target_semaphore(%arg15 : memref<!tpu.dma_semaphore, #tpu.memory_space<semaphore_mem>>)
    %dma_start3A_402 = arith.constant 1 : i32
    %dma_start3A_403 = tpu.memref_slice %arg2[%dma_start3A_402, %add3A_396] : memref<2x4194304xf32, #tpu.memory_space<hbm>> -> memref<1x8192xf32, #tpu.memory_space<hbm>>
    %dma_start3A_404 = tpu.memref_squeeze %dma_start3A_403 : memref<1x8192xf32, #tpu.memory_space<hbm>> -> memref<8192xf32, #tpu.memory_space<hbm>>
    %dma_start3A_405 = tpu.memref_slice %arg2[%dma_start3A_402, %add3A_396] : memref<2x4194304xf32, #tpu.memory_space<hbm>> -> memref<1x8192xf32, #tpu.memory_space<hbm>>
    %dma_start3A_406 = tpu.memref_squeeze %dma_start3A_405 : memref<1x8192xf32, #tpu.memory_space<hbm>> -> memref<8192xf32, #tpu.memory_space<hbm>>
    tpu.enqueue_dma source(%dma_start3A_406 : memref<8192xf32, #tpu.memory_space<hbm>>) target(%arg9 : memref<8192xf32, #tpu.memory_space<vmem>>) target_semaphore(%arg17 : memref<!tpu.dma_semaphore, #tpu.memory_space<semaphore_mem>>)
    %dma_wait3A_407 = arith.constant 0 : i32
    %dma_wait3A_408 = tpu.memref_slice %arg2[%dma_wait3A_407, %add3A_365] : memref<2x4194304xf32, #tpu.memory_space<hbm>> -> memref<1x8192xf32, #tpu.memory_space<hbm>>
    %dma_wait3A_409 = tpu.memref_squeeze %dma_wait3A_408 : memref<1x8192xf32, #tpu.memory_space<hbm>> -> memref<8192xf32, #tpu.memory_space<hbm>>
    %dma_wait3A_410 = tpu.memref_slice %arg2[%dma_wait3A_407, %add3A_365] : memref<2x4194304xf32, #tpu.memory_space<hbm>> -> memref<1x8192xf32, #tpu.memory_space<hbm>>
    %dma_wait3A_411 = tpu.memref_squeeze %dma_wait3A_410 : memref<1x8192xf32, #tpu.memory_space<hbm>> -> memref<8192xf32, #tpu.memory_space<hbm>>
    tpu.wait_dma2 semaphore(%arg14 : memref<!tpu.dma_semaphore, #tpu.memory_space<semaphore_mem>>) src(%dma_wait3A_411 : memref<8192xf32, #tpu.memory_space<hbm>>) dst(%arg6 : memref<8192xf32, #tpu.memory_space<vmem>>)
    %dma_wait3A_412 = arith.constant 1 : i32
    %dma_wait3A_413 = tpu.memref_slice %arg2[%dma_wait3A_412, %add3A_365] : memref<2x4194304xf32, #tpu.memory_space<hbm>> -> memref<1x8192xf32, #tpu.memory_space<hbm>>
    %dma_wait3A_414 = tpu.memref_squeeze %dma_wait3A_413 : memref<1x8192xf32, #tpu.memory_space<hbm>> -> memref<8192xf32, #tpu.memory_space<hbm>>
    %dma_wait3A_415 = tpu.memref_slice %arg2[%dma_wait3A_412, %add3A_365] : memref<2x4194304xf32, #tpu.memory_space<hbm>> -> memref<1x8192xf32, #tpu.memory_space<hbm>>
    %dma_wait3A_416 = tpu.memref_squeeze %dma_wait3A_415 : memref<1x8192xf32, #tpu.memory_space<hbm>> -> memref<8192xf32, #tpu.memory_space<hbm>>
    tpu.wait_dma2 semaphore(%arg16 : memref<!tpu.dma_semaphore, #tpu.memory_space<semaphore_mem>>) src(%dma_wait3A_416 : memref<8192xf32, #tpu.memory_space<hbm>>) dst(%arg8 : memref<8192xf32, #tpu.memory_space<vmem>>)
    %dma_wait3A_417 = tpu.memref_slice %arg5[%add3A_361] : memref<4194304xf32, #tpu.memory_space<hbm>> -> memref<8192xf32, #tpu.memory_space<hbm>>
    %dma_wait3A_418 = tpu.memref_slice %arg5[%add3A_361] : memref<4194304xf32, #tpu.memory_space<hbm>> -> memref<8192xf32, #tpu.memory_space<hbm>>
    tpu.wait_dma2 semaphore(%arg18 : memref<!tpu.dma_semaphore, #tpu.memory_space<semaphore_mem>>) src(%arg10 : memref<8192xf32, #tpu.memory_space<vmem>>) dst(%dma_wait3A_418 : memref<8192xf32, #tpu.memory_space<hbm>>)
    %parallel_loop3A_419 = arith.constant 0 : i32
    %parallel_loop3A_420 = arith.constant 512 : i32
    %parallel_loop3A_421 = arith.constant 1 : i32
    scf.for %parallel_loop3A_511 = %parallel_loop3A_419 to %parallel_loop3A_420 step %parallel_loop3A_421  : i32 {
      %parallel_loop3A_512 = arith.constant 16 : i32
      %parallel_loop3A_513 = arith.muli %parallel_loop3A_511, %parallel_loop3A_512 : i32
      %parallel_loop3A_514 = arith.index_cast %parallel_loop3A_513 : i32 to index
      %parallel_loop3A_515 = tpu.vector_load %arg6[%parallel_loop3A_514] {strides = array<i32>} : memref<8192xf32, #tpu.memory_space<vmem>>, vector<16xf32>,
      %parallel_loop3A_516 = arith.constant 16 : i32
      %parallel_loop3A_517 = arith.muli %parallel_loop3A_511, %parallel_loop3A_516 : i32
      %parallel_loop3A_518 = arith.index_cast %parallel_loop3A_517 : i32 to index
      %parallel_loop3A_519 = tpu.vector_load %arg8[%parallel_loop3A_518] {strides = array<i32>} : memref<8192xf32, #tpu.memory_space<vmem>>, vector<16xf32>,
      %parallel_loop3A_520 = arith.mulf %parallel_loop3A_515, %get3A_5 : vector<16xf32>
      %parallel_loop3A_521 = arith.addf %parallel_loop3A_520, %get3A_13 : vector<16xf32>
      %parallel_loop3A_522 = arith.constant 0.000000e+00 : f32
      %parallel_loop3A_523 = vector.broadcast %parallel_loop3A_522 : f32 to vector<16xf32>
      %parallel_loop3A_524 = arith.maximumf %parallel_loop3A_521, %parallel_loop3A_523 : vector<16xf32>
      %parallel_loop3A_525 = arith.constant 3.100000e+01 : f32
      %parallel_loop3A_526 = vector.broadcast %parallel_loop3A_525 : f32 to vector<16xf32>
      %parallel_loop3A_527 = arith.minimumf %parallel_loop3A_524, %parallel_loop3A_526 : vector<16xf32>
      %parallel_loop3A_528 = arith.mulf %parallel_loop3A_519, %get3A_9 : vector<16xf32>
      %parallel_loop3A_529 = arith.addf %parallel_loop3A_528, %get3A_17 : vector<16xf32>
      %parallel_loop3A_530 = arith.constant 0.000000e+00 : f32
      %parallel_loop3A_531 = vector.broadcast %parallel_loop3A_530 : f32 to vector<16xf32>
      %parallel_loop3A_532 = arith.maximumf %parallel_loop3A_529, %parallel_loop3A_531 : vector<16xf32>
      %parallel_loop3A_533 = arith.constant 3.100000e+01 : f32
      %parallel_loop3A_534 = vector.broadcast %parallel_loop3A_533 : f32 to vector<16xf32>
      %parallel_loop3A_535 = arith.minimumf %parallel_loop3A_532, %parallel_loop3A_534 : vector<16xf32>
      %parallel_loop3A_536 = arith.fptosi %parallel_loop3A_527 : vector<16xf32> to vector<16xi32>
      %parallel_loop3A_537 = arith.fptosi %parallel_loop3A_535 : vector<16xf32> to vector<16xi32>
      %parallel_loop3A_538 = arith.constant 32 : i32
      %parallel_loop3A_539 = vector.broadcast %parallel_loop3A_538 : i32 to vector<16xi32>
      %parallel_loop3A_540 = arith.muli %parallel_loop3A_536, %parallel_loop3A_539 : vector<16xi32>
      %parallel_loop3A_541 = arith.addi %parallel_loop3A_540, %parallel_loop3A_537 : vector<16xi32>
      %parallel_loop3A_542 = tpu.vector_load_idx %arg12[%parallel_loop3A_541] : memref<1024xf32, #tpu.memory_space<vmem>>[vector<16xi32>], vector<16xf32>,
      %parallel_loop3A_543 = arith.constant 16 : i32
      %parallel_loop3A_544 = arith.muli %parallel_loop3A_511, %parallel_loop3A_543 : i32
      %parallel_loop3A_545 = arith.index_cast %parallel_loop3A_544 : i32 to index
      %parallel_loop3A_546 = tpu.vector_load %arg10[%parallel_loop3A_545] {strides = array<i32>} : memref<8192xf32, #tpu.memory_space<vmem>>, vector<16xf32>,
      tpu.vector_store %arg10[%parallel_loop3A_545], %parallel_loop3A_542 {strides = array<i32>} : memref<8192xf32, #tpu.memory_space<vmem>>, vector<16xf32>,
    } {sc.loop_unroll_factor = 8 : i64, sc.parallel_access}
    %add3A_422 = arith.constant 98304 : i32
    %add3A_423 = arith.addi %mul3A_2, %add3A_422 : i32
    %dma_start3A_424 = tpu.memref_slice %arg5[%add3A_423] : memref<4194304xf32, #tpu.memory_space<hbm>> -> memref<8192xf32, #tpu.memory_space<hbm>>
    %dma_start3A_425 = tpu.memref_slice %arg5[%add3A_423] : memref<4194304xf32, #tpu.memory_space<hbm>> -> memref<8192xf32, #tpu.memory_space<hbm>>
    tpu.enqueue_dma source(%arg10 : memref<8192xf32, #tpu.memory_space<vmem>>) target(%dma_start3A_425 : memref<8192xf32, #tpu.memory_space<hbm>>) target_semaphore(%arg18 : memref<!tpu.dma_semaphore, #tpu.memory_space<semaphore_mem>>)
    %add3A_426 = arith.constant 114688 : i32
    %add3A_427 = arith.addi %mul3A_2, %add3A_426 : i32
    %dma_start3A_428 = arith.constant 0 : i32
    %dma_start3A_429 = tpu.memref_slice %arg2[%dma_start3A_428, %add3A_427] : memref<2x4194304xf32, #tpu.memory_space<hbm>> -> memref<1x8192xf32, #tpu.memory_space<hbm>>
    %dma_start3A_430 = tpu.memref_squeeze %dma_start3A_429 : memref<1x8192xf32, #tpu.memory_space<hbm>> -> memref<8192xf32, #tpu.memory_space<hbm>>
    %dma_start3A_431 = tpu.memref_slice %arg2[%dma_start3A_428, %add3A_427] : memref<2x4194304xf32, #tpu.memory_space<hbm>> -> memref<1x8192xf32, #tpu.memory_space<hbm>>
    %dma_start3A_432 = tpu.memref_squeeze %dma_start3A_431 : memref<1x8192xf32, #tpu.memory_space<hbm>> -> memref<8192xf32, #tpu.memory_space<hbm>>
    tpu.enqueue_dma source(%dma_start3A_432 : memref<8192xf32, #tpu.memory_space<hbm>>) target(%arg6 : memref<8192xf32, #tpu.memory_space<vmem>>) target_semaphore(%arg14 : memref<!tpu.dma_semaphore, #tpu.memory_space<semaphore_mem>>)
    %dma_start3A_433 = arith.constant 1 : i32
    %dma_start3A_434 = tpu.memref_slice %arg2[%dma_start3A_433, %add3A_427] : memref<2x4194304xf32, #tpu.memory_space<hbm>> -> memref<1x8192xf32, #tpu.memory_space<hbm>>
    %dma_start3A_435 = tpu.memref_squeeze %dma_start3A_434 : memref<1x8192xf32, #tpu.memory_space<hbm>> -> memref<8192xf32, #tpu.memory_space<hbm>>
    %dma_start3A_436 = tpu.memref_slice %arg2[%dma_start3A_433, %add3A_427] : memref<2x4194304xf32, #tpu.memory_space<hbm>> -> memref<1x8192xf32, #tpu.memory_space<hbm>>
    %dma_start3A_437 = tpu.memref_squeeze %dma_start3A_436 : memref<1x8192xf32, #tpu.memory_space<hbm>> -> memref<8192xf32, #tpu.memory_space<hbm>>
    tpu.enqueue_dma source(%dma_start3A_437 : memref<8192xf32, #tpu.memory_space<hbm>>) target(%arg8 : memref<8192xf32, #tpu.memory_space<vmem>>) target_semaphore(%arg16 : memref<!tpu.dma_semaphore, #tpu.memory_space<semaphore_mem>>)
    %dma_wait3A_438 = arith.constant 0 : i32
    %dma_wait3A_439 = tpu.memref_slice %arg2[%dma_wait3A_438, %add3A_396] : memref<2x4194304xf32, #tpu.memory_space<hbm>> -> memref<1x8192xf32, #tpu.memory_space<hbm>>
    %dma_wait3A_440 = tpu.memref_squeeze %dma_wait3A_439 : memref<1x8192xf32, #tpu.memory_space<hbm>> -> memref<8192xf32, #tpu.memory_space<hbm>>
    %dma_wait3A_441 = tpu.memref_slice %arg2[%dma_wait3A_438, %add3A_396] : memref<2x4194304xf32, #tpu.memory_space<hbm>> -> memref<1x8192xf32, #tpu.memory_space<hbm>>
    %dma_wait3A_442 = tpu.memref_squeeze %dma_wait3A_441 : memref<1x8192xf32, #tpu.memory_space<hbm>> -> memref<8192xf32, #tpu.memory_space<hbm>>
    tpu.wait_dma2 semaphore(%arg15 : memref<!tpu.dma_semaphore, #tpu.memory_space<semaphore_mem>>) src(%dma_wait3A_442 : memref<8192xf32, #tpu.memory_space<hbm>>) dst(%arg7 : memref<8192xf32, #tpu.memory_space<vmem>>)
    %dma_wait3A_443 = arith.constant 1 : i32
    %dma_wait3A_444 = tpu.memref_slice %arg2[%dma_wait3A_443, %add3A_396] : memref<2x4194304xf32, #tpu.memory_space<hbm>> -> memref<1x8192xf32, #tpu.memory_space<hbm>>
    %dma_wait3A_445 = tpu.memref_squeeze %dma_wait3A_444 : memref<1x8192xf32, #tpu.memory_space<hbm>> -> memref<8192xf32, #tpu.memory_space<hbm>>
    %dma_wait3A_446 = tpu.memref_slice %arg2[%dma_wait3A_443, %add3A_396] : memref<2x4194304xf32, #tpu.memory_space<hbm>> -> memref<1x8192xf32, #tpu.memory_space<hbm>>
    %dma_wait3A_447 = tpu.memref_squeeze %dma_wait3A_446 : memref<1x8192xf32, #tpu.memory_space<hbm>> -> memref<8192xf32, #tpu.memory_space<hbm>>
    tpu.wait_dma2 semaphore(%arg17 : memref<!tpu.dma_semaphore, #tpu.memory_space<semaphore_mem>>) src(%dma_wait3A_447 : memref<8192xf32, #tpu.memory_space<hbm>>) dst(%arg9 : memref<8192xf32, #tpu.memory_space<vmem>>)
    %dma_wait3A_448 = tpu.memref_slice %arg5[%add3A_392] : memref<4194304xf32, #tpu.memory_space<hbm>> -> memref<8192xf32, #tpu.memory_space<hbm>>
    %dma_wait3A_449 = tpu.memref_slice %arg5[%add3A_392] : memref<4194304xf32, #tpu.memory_space<hbm>> -> memref<8192xf32, #tpu.memory_space<hbm>>
    tpu.wait_dma2 semaphore(%arg19 : memref<!tpu.dma_semaphore, #tpu.memory_space<semaphore_mem>>) src(%arg11 : memref<8192xf32, #tpu.memory_space<vmem>>) dst(%dma_wait3A_449 : memref<8192xf32, #tpu.memory_space<hbm>>)
    %parallel_loop3A_450 = arith.constant 0 : i32
    %parallel_loop3A_451 = arith.constant 512 : i32
    %parallel_loop3A_452 = arith.constant 1 : i32
    scf.for %parallel_loop3A_511 = %parallel_loop3A_450 to %parallel_loop3A_451 step %parallel_loop3A_452  : i32 {
      %parallel_loop3A_512 = arith.constant 16 : i32
      %parallel_loop3A_513 = arith.muli %parallel_loop3A_511, %parallel_loop3A_512 : i32
      %parallel_loop3A_514 = arith.index_cast %parallel_loop3A_513 : i32 to index
      %parallel_loop3A_515 = tpu.vector_load %arg7[%parallel_loop3A_514] {strides = array<i32>} : memref<8192xf32, #tpu.memory_space<vmem>>, vector<16xf32>,
      %parallel_loop3A_516 = arith.constant 16 : i32
      %parallel_loop3A_517 = arith.muli %parallel_loop3A_511, %parallel_loop3A_516 : i32
      %parallel_loop3A_518 = arith.index_cast %parallel_loop3A_517 : i32 to index
      %parallel_loop3A_519 = tpu.vector_load %arg9[%parallel_loop3A_518] {strides = array<i32>} : memref<8192xf32, #tpu.memory_space<vmem>>, vector<16xf32>,
      %parallel_loop3A_520 = arith.mulf %parallel_loop3A_515, %get3A_5 : vector<16xf32>
      %parallel_loop3A_521 = arith.addf %parallel_loop3A_520, %get3A_13 : vector<16xf32>
      %parallel_loop3A_522 = arith.constant 0.000000e+00 : f32
      %parallel_loop3A_523 = vector.broadcast %parallel_loop3A_522 : f32 to vector<16xf32>
      %parallel_loop3A_524 = arith.maximumf %parallel_loop3A_521, %parallel_loop3A_523 : vector<16xf32>
      %parallel_loop3A_525 = arith.constant 3.100000e+01 : f32
      %parallel_loop3A_526 = vector.broadcast %parallel_loop3A_525 : f32 to vector<16xf32>
      %parallel_loop3A_527 = arith.minimumf %parallel_loop3A_524, %parallel_loop3A_526 : vector<16xf32>
      %parallel_loop3A_528 = arith.mulf %parallel_loop3A_519, %get3A_9 : vector<16xf32>
      %parallel_loop3A_529 = arith.addf %parallel_loop3A_528, %get3A_17 : vector<16xf32>
      %parallel_loop3A_530 = arith.constant 0.000000e+00 : f32
      %parallel_loop3A_531 = vector.broadcast %parallel_loop3A_530 : f32 to vector<16xf32>
      %parallel_loop3A_532 = arith.maximumf %parallel_loop3A_529, %parallel_loop3A_531 : vector<16xf32>
      %parallel_loop3A_533 = arith.constant 3.100000e+01 : f32
      %parallel_loop3A_534 = vector.broadcast %parallel_loop3A_533 : f32 to vector<16xf32>
      %parallel_loop3A_535 = arith.minimumf %parallel_loop3A_532, %parallel_loop3A_534 : vector<16xf32>
      %parallel_loop3A_536 = arith.fptosi %parallel_loop3A_527 : vector<16xf32> to vector<16xi32>
      %parallel_loop3A_537 = arith.fptosi %parallel_loop3A_535 : vector<16xf32> to vector<16xi32>
      %parallel_loop3A_538 = arith.constant 32 : i32
      %parallel_loop3A_539 = vector.broadcast %parallel_loop3A_538 : i32 to vector<16xi32>
      %parallel_loop3A_540 = arith.muli %parallel_loop3A_536, %parallel_loop3A_539 : vector<16xi32>
      %parallel_loop3A_541 = arith.addi %parallel_loop3A_540, %parallel_loop3A_537 : vector<16xi32>
      %parallel_loop3A_542 = tpu.vector_load_idx %arg12[%parallel_loop3A_541] : memref<1024xf32, #tpu.memory_space<vmem>>[vector<16xi32>], vector<16xf32>,
      %parallel_loop3A_543 = arith.constant 16 : i32
      %parallel_loop3A_544 = arith.muli %parallel_loop3A_511, %parallel_loop3A_543 : i32
      %parallel_loop3A_545 = arith.index_cast %parallel_loop3A_544 : i32 to index
      %parallel_loop3A_546 = tpu.vector_load %arg11[%parallel_loop3A_545] {strides = array<i32>} : memref<8192xf32, #tpu.memory_space<vmem>>, vector<16xf32>,
      tpu.vector_store %arg11[%parallel_loop3A_545], %parallel_loop3A_542 {strides = array<i32>} : memref<8192xf32, #tpu.memory_space<vmem>>, vector<16xf32>,
    } {sc.loop_unroll_factor = 8 : i64, sc.parallel_access}
    %add3A_453 = arith.constant 106496 : i32
    %add3A_454 = arith.addi %mul3A_2, %add3A_453 : i32
    %dma_start3A_455 = tpu.memref_slice %arg5[%add3A_454] : memref<4194304xf32, #tpu.memory_space<hbm>> -> memref<8192xf32, #tpu.memory_space<hbm>>
    %dma_start3A_456 = tpu.memref_slice %arg5[%add3A_454] : memref<4194304xf32, #tpu.memory_space<hbm>> -> memref<8192xf32, #tpu.memory_space<hbm>>
    tpu.enqueue_dma source(%arg11 : memref<8192xf32, #tpu.memory_space<vmem>>) target(%dma_start3A_456 : memref<8192xf32, #tpu.memory_space<hbm>>) target_semaphore(%arg19 : memref<!tpu.dma_semaphore, #tpu.memory_space<semaphore_mem>>)
    %add3A_457 = arith.constant 122880 : i32
    %add3A_458 = arith.addi %mul3A_2, %add3A_457 : i32
    %dma_start3A_459 = arith.constant 0 : i32
    %dma_start3A_460 = tpu.memref_slice %arg2[%dma_start3A_459, %add3A_458] : memref<2x4194304xf32, #tpu.memory_space<hbm>> -> memref<1x8192xf32, #tpu.memory_space<hbm>>
    %dma_start3A_461 = tpu.memref_squeeze %dma_start3A_460 : memref<1x8192xf32, #tpu.memory_space<hbm>> -> memref<8192xf32, #tpu.memory_space<hbm>>
    %dma_start3A_462 = tpu.memref_slice %arg2[%dma_start3A_459, %add3A_458] : memref<2x4194304xf32, #tpu.memory_space<hbm>> -> memref<1x8192xf32, #tpu.memory_space<hbm>>
    %dma_start3A_463 = tpu.memref_squeeze %dma_start3A_462 : memref<1x8192xf32, #tpu.memory_space<hbm>> -> memref<8192xf32, #tpu.memory_space<hbm>>
    tpu.enqueue_dma source(%dma_start3A_463 : memref<8192xf32, #tpu.memory_space<hbm>>) target(%arg7 : memref<8192xf32, #tpu.memory_space<vmem>>) target_semaphore(%arg15 : memref<!tpu.dma_semaphore, #tpu.memory_space<semaphore_mem>>)
    %dma_start3A_464 = arith.constant 1 : i32
    %dma_start3A_465 = tpu.memref_slice %arg2[%dma_start3A_464, %add3A_458] : memref<2x4194304xf32, #tpu.memory_space<hbm>> -> memref<1x8192xf32, #tpu.memory_space<hbm>>
    %dma_start3A_466 = tpu.memref_squeeze %dma_start3A_465 : memref<1x8192xf32, #tpu.memory_space<hbm>> -> memref<8192xf32, #tpu.memory_space<hbm>>
    %dma_start3A_467 = tpu.memref_slice %arg2[%dma_start3A_464, %add3A_458] : memref<2x4194304xf32, #tpu.memory_space<hbm>> -> memref<1x8192xf32, #tpu.memory_space<hbm>>
    %dma_start3A_468 = tpu.memref_squeeze %dma_start3A_467 : memref<1x8192xf32, #tpu.memory_space<hbm>> -> memref<8192xf32, #tpu.memory_space<hbm>>
    tpu.enqueue_dma source(%dma_start3A_468 : memref<8192xf32, #tpu.memory_space<hbm>>) target(%arg9 : memref<8192xf32, #tpu.memory_space<vmem>>) target_semaphore(%arg17 : memref<!tpu.dma_semaphore, #tpu.memory_space<semaphore_mem>>)
    %dma_wait3A_469 = arith.constant 0 : i32
    %dma_wait3A_470 = tpu.memref_slice %arg2[%dma_wait3A_469, %add3A_427] : memref<2x4194304xf32, #tpu.memory_space<hbm>> -> memref<1x8192xf32, #tpu.memory_space<hbm>>
    %dma_wait3A_471 = tpu.memref_squeeze %dma_wait3A_470 : memref<1x8192xf32, #tpu.memory_space<hbm>> -> memref<8192xf32, #tpu.memory_space<hbm>>
    %dma_wait3A_472 = tpu.memref_slice %arg2[%dma_wait3A_469, %add3A_427] : memref<2x4194304xf32, #tpu.memory_space<hbm>> -> memref<1x8192xf32, #tpu.memory_space<hbm>>
    %dma_wait3A_473 = tpu.memref_squeeze %dma_wait3A_472 : memref<1x8192xf32, #tpu.memory_space<hbm>> -> memref<8192xf32, #tpu.memory_space<hbm>>
    tpu.wait_dma2 semaphore(%arg14 : memref<!tpu.dma_semaphore, #tpu.memory_space<semaphore_mem>>) src(%dma_wait3A_473 : memref<8192xf32, #tpu.memory_space<hbm>>) dst(%arg6 : memref<8192xf32, #tpu.memory_space<vmem>>)
    %dma_wait3A_474 = arith.constant 1 : i32
    %dma_wait3A_475 = tpu.memref_slice %arg2[%dma_wait3A_474, %add3A_427] : memref<2x4194304xf32, #tpu.memory_space<hbm>> -> memref<1x8192xf32, #tpu.memory_space<hbm>>
    %dma_wait3A_476 = tpu.memref_squeeze %dma_wait3A_475 : memref<1x8192xf32, #tpu.memory_space<hbm>> -> memref<8192xf32, #tpu.memory_space<hbm>>
    %dma_wait3A_477 = tpu.memref_slice %arg2[%dma_wait3A_474, %add3A_427] : memref<2x4194304xf32, #tpu.memory_space<hbm>> -> memref<1x8192xf32, #tpu.memory_space<hbm>>
    %dma_wait3A_478 = tpu.memref_squeeze %dma_wait3A_477 : memref<1x8192xf32, #tpu.memory_space<hbm>> -> memref<8192xf32, #tpu.memory_space<hbm>>
    tpu.wait_dma2 semaphore(%arg16 : memref<!tpu.dma_semaphore, #tpu.memory_space<semaphore_mem>>) src(%dma_wait3A_478 : memref<8192xf32, #tpu.memory_space<hbm>>) dst(%arg8 : memref<8192xf32, #tpu.memory_space<vmem>>)
    %dma_wait3A_479 = tpu.memref_slice %arg5[%add3A_423] : memref<4194304xf32, #tpu.memory_space<hbm>> -> memref<8192xf32, #tpu.memory_space<hbm>>
    %dma_wait3A_480 = tpu.memref_slice %arg5[%add3A_423] : memref<4194304xf32, #tpu.memory_space<hbm>> -> memref<8192xf32, #tpu.memory_space<hbm>>
    tpu.wait_dma2 semaphore(%arg18 : memref<!tpu.dma_semaphore, #tpu.memory_space<semaphore_mem>>) src(%arg10 : memref<8192xf32, #tpu.memory_space<vmem>>) dst(%dma_wait3A_480 : memref<8192xf32, #tpu.memory_space<hbm>>)
    %parallel_loop3A_481 = arith.constant 0 : i32
    %parallel_loop3A_482 = arith.constant 512 : i32
    %parallel_loop3A_483 = arith.constant 1 : i32
    scf.for %parallel_loop3A_511 = %parallel_loop3A_481 to %parallel_loop3A_482 step %parallel_loop3A_483  : i32 {
      %parallel_loop3A_512 = arith.constant 16 : i32
      %parallel_loop3A_513 = arith.muli %parallel_loop3A_511, %parallel_loop3A_512 : i32
      %parallel_loop3A_514 = arith.index_cast %parallel_loop3A_513 : i32 to index
      %parallel_loop3A_515 = tpu.vector_load %arg6[%parallel_loop3A_514] {strides = array<i32>} : memref<8192xf32, #tpu.memory_space<vmem>>, vector<16xf32>,
      %parallel_loop3A_516 = arith.constant 16 : i32
      %parallel_loop3A_517 = arith.muli %parallel_loop3A_511, %parallel_loop3A_516 : i32
      %parallel_loop3A_518 = arith.index_cast %parallel_loop3A_517 : i32 to index
      %parallel_loop3A_519 = tpu.vector_load %arg8[%parallel_loop3A_518] {strides = array<i32>} : memref<8192xf32, #tpu.memory_space<vmem>>, vector<16xf32>,
      %parallel_loop3A_520 = arith.mulf %parallel_loop3A_515, %get3A_5 : vector<16xf32>
      %parallel_loop3A_521 = arith.addf %parallel_loop3A_520, %get3A_13 : vector<16xf32>
      %parallel_loop3A_522 = arith.constant 0.000000e+00 : f32
      %parallel_loop3A_523 = vector.broadcast %parallel_loop3A_522 : f32 to vector<16xf32>
      %parallel_loop3A_524 = arith.maximumf %parallel_loop3A_521, %parallel_loop3A_523 : vector<16xf32>
      %parallel_loop3A_525 = arith.constant 3.100000e+01 : f32
      %parallel_loop3A_526 = vector.broadcast %parallel_loop3A_525 : f32 to vector<16xf32>
      %parallel_loop3A_527 = arith.minimumf %parallel_loop3A_524, %parallel_loop3A_526 : vector<16xf32>
      %parallel_loop3A_528 = arith.mulf %parallel_loop3A_519, %get3A_9 : vector<16xf32>
      %parallel_loop3A_529 = arith.addf %parallel_loop3A_528, %get3A_17 : vector<16xf32>
      %parallel_loop3A_530 = arith.constant 0.000000e+00 : f32
      %parallel_loop3A_531 = vector.broadcast %parallel_loop3A_530 : f32 to vector<16xf32>
      %parallel_loop3A_532 = arith.maximumf %parallel_loop3A_529, %parallel_loop3A_531 : vector<16xf32>
      %parallel_loop3A_533 = arith.constant 3.100000e+01 : f32
      %parallel_loop3A_534 = vector.broadcast %parallel_loop3A_533 : f32 to vector<16xf32>
      %parallel_loop3A_535 = arith.minimumf %parallel_loop3A_532, %parallel_loop3A_534 : vector<16xf32>
      %parallel_loop3A_536 = arith.fptosi %parallel_loop3A_527 : vector<16xf32> to vector<16xi32>
      %parallel_loop3A_537 = arith.fptosi %parallel_loop3A_535 : vector<16xf32> to vector<16xi32>
      %parallel_loop3A_538 = arith.constant 32 : i32
      %parallel_loop3A_539 = vector.broadcast %parallel_loop3A_538 : i32 to vector<16xi32>
      %parallel_loop3A_540 = arith.muli %parallel_loop3A_536, %parallel_loop3A_539 : vector<16xi32>
      %parallel_loop3A_541 = arith.addi %parallel_loop3A_540, %parallel_loop3A_537 : vector<16xi32>
      %parallel_loop3A_542 = tpu.vector_load_idx %arg12[%parallel_loop3A_541] : memref<1024xf32, #tpu.memory_space<vmem>>[vector<16xi32>], vector<16xf32>,
      %parallel_loop3A_543 = arith.constant 16 : i32
      %parallel_loop3A_544 = arith.muli %parallel_loop3A_511, %parallel_loop3A_543 : i32
      %parallel_loop3A_545 = arith.index_cast %parallel_loop3A_544 : i32 to index
      %parallel_loop3A_546 = tpu.vector_load %arg10[%parallel_loop3A_545] {strides = array<i32>} : memref<8192xf32, #tpu.memory_space<vmem>>, vector<16xf32>,
      tpu.vector_store %arg10[%parallel_loop3A_545], %parallel_loop3A_542 {strides = array<i32>} : memref<8192xf32, #tpu.memory_space<vmem>>, vector<16xf32>,
    } {sc.loop_unroll_factor = 8 : i64, sc.parallel_access}
    %add3A_484 = arith.constant 114688 : i32
    %add3A_485 = arith.addi %mul3A_2, %add3A_484 : i32
    %dma_start3A_486 = tpu.memref_slice %arg5[%add3A_485] : memref<4194304xf32, #tpu.memory_space<hbm>> -> memref<8192xf32, #tpu.memory_space<hbm>>
    %dma_start3A_487 = tpu.memref_slice %arg5[%add3A_485] : memref<4194304xf32, #tpu.memory_space<hbm>> -> memref<8192xf32, #tpu.memory_space<hbm>>
    tpu.enqueue_dma source(%arg10 : memref<8192xf32, #tpu.memory_space<vmem>>) target(%dma_start3A_487 : memref<8192xf32, #tpu.memory_space<hbm>>) target_semaphore(%arg18 : memref<!tpu.dma_semaphore, #tpu.memory_space<semaphore_mem>>)
    %dma_wait3A_488 = arith.constant 0 : i32
    %dma_wait3A_489 = tpu.memref_slice %arg2[%dma_wait3A_488, %add3A_458] : memref<2x4194304xf32, #tpu.memory_space<hbm>> -> memref<1x8192xf32, #tpu.memory_space<hbm>>
    %dma_wait3A_490 = tpu.memref_squeeze %dma_wait3A_489 : memref<1x8192xf32, #tpu.memory_space<hbm>> -> memref<8192xf32, #tpu.memory_space<hbm>>
    %dma_wait3A_491 = tpu.memref_slice %arg2[%dma_wait3A_488, %add3A_458] : memref<2x4194304xf32, #tpu.memory_space<hbm>> -> memref<1x8192xf32, #tpu.memory_space<hbm>>
    %dma_wait3A_492 = tpu.memref_squeeze %dma_wait3A_491 : memref<1x8192xf32, #tpu.memory_space<hbm>> -> memref<8192xf32, #tpu.memory_space<hbm>>
    tpu.wait_dma2 semaphore(%arg15 : memref<!tpu.dma_semaphore, #tpu.memory_space<semaphore_mem>>) src(%dma_wait3A_492 : memref<8192xf32, #tpu.memory_space<hbm>>) dst(%arg7 : memref<8192xf32, #tpu.memory_space<vmem>>)
    %dma_wait3A_493 = arith.constant 1 : i32
    %dma_wait3A_494 = tpu.memref_slice %arg2[%dma_wait3A_493, %add3A_458] : memref<2x4194304xf32, #tpu.memory_space<hbm>> -> memref<1x8192xf32, #tpu.memory_space<hbm>>
    %dma_wait3A_495 = tpu.memref_squeeze %dma_wait3A_494 : memref<1x8192xf32, #tpu.memory_space<hbm>> -> memref<8192xf32, #tpu.memory_space<hbm>>
    %dma_wait3A_496 = tpu.memref_slice %arg2[%dma_wait3A_493, %add3A_458] : memref<2x4194304xf32, #tpu.memory_space<hbm>> -> memref<1x8192xf32, #tpu.memory_space<hbm>>
    %dma_wait3A_497 = tpu.memref_squeeze %dma_wait3A_496 : memref<1x8192xf32, #tpu.memory_space<hbm>> -> memref<8192xf32, #tpu.memory_space<hbm>>
    tpu.wait_dma2 semaphore(%arg17 : memref<!tpu.dma_semaphore, #tpu.memory_space<semaphore_mem>>) src(%dma_wait3A_497 : memref<8192xf32, #tpu.memory_space<hbm>>) dst(%arg9 : memref<8192xf32, #tpu.memory_space<vmem>>)
    %dma_wait3A_498 = tpu.memref_slice %arg5[%add3A_454] : memref<4194304xf32, #tpu.memory_space<hbm>> -> memref<8192xf32, #tpu.memory_space<hbm>>
    %dma_wait3A_499 = tpu.memref_slice %arg5[%add3A_454] : memref<4194304xf32, #tpu.memory_space<hbm>> -> memref<8192xf32, #tpu.memory_space<hbm>>
    tpu.wait_dma2 semaphore(%arg19 : memref<!tpu.dma_semaphore, #tpu.memory_space<semaphore_mem>>) src(%arg11 : memref<8192xf32, #tpu.memory_space<vmem>>) dst(%dma_wait3A_499 : memref<8192xf32, #tpu.memory_space<hbm>>)
    %parallel_loop3A_500 = arith.constant 0 : i32
    %parallel_loop3A_501 = arith.constant 512 : i32
    %parallel_loop3A_502 = arith.constant 1 : i32
    scf.for %parallel_loop3A_511 = %parallel_loop3A_500 to %parallel_loop3A_501 step %parallel_loop3A_502  : i32 {
      %parallel_loop3A_512 = arith.constant 16 : i32
      %parallel_loop3A_513 = arith.muli %parallel_loop3A_511, %parallel_loop3A_512 : i32
      %parallel_loop3A_514 = arith.index_cast %parallel_loop3A_513 : i32 to index
      %parallel_loop3A_515 = tpu.vector_load %arg7[%parallel_loop3A_514] {strides = array<i32>} : memref<8192xf32, #tpu.memory_space<vmem>>, vector<16xf32>,
      %parallel_loop3A_516 = arith.constant 16 : i32
      %parallel_loop3A_517 = arith.muli %parallel_loop3A_511, %parallel_loop3A_516 : i32
      %parallel_loop3A_518 = arith.index_cast %parallel_loop3A_517 : i32 to index
      %parallel_loop3A_519 = tpu.vector_load %arg9[%parallel_loop3A_518] {strides = array<i32>} : memref<8192xf32, #tpu.memory_space<vmem>>, vector<16xf32>,
      %parallel_loop3A_520 = arith.mulf %parallel_loop3A_515, %get3A_5 : vector<16xf32>
      %parallel_loop3A_521 = arith.addf %parallel_loop3A_520, %get3A_13 : vector<16xf32>
      %parallel_loop3A_522 = arith.constant 0.000000e+00 : f32
      %parallel_loop3A_523 = vector.broadcast %parallel_loop3A_522 : f32 to vector<16xf32>
      %parallel_loop3A_524 = arith.maximumf %parallel_loop3A_521, %parallel_loop3A_523 : vector<16xf32>
      %parallel_loop3A_525 = arith.constant 3.100000e+01 : f32
      %parallel_loop3A_526 = vector.broadcast %parallel_loop3A_525 : f32 to vector<16xf32>
      %parallel_loop3A_527 = arith.minimumf %parallel_loop3A_524, %parallel_loop3A_526 : vector<16xf32>
      %parallel_loop3A_528 = arith.mulf %parallel_loop3A_519, %get3A_9 : vector<16xf32>
      %parallel_loop3A_529 = arith.addf %parallel_loop3A_528, %get3A_17 : vector<16xf32>
      %parallel_loop3A_530 = arith.constant 0.000000e+00 : f32
      %parallel_loop3A_531 = vector.broadcast %parallel_loop3A_530 : f32 to vector<16xf32>
      %parallel_loop3A_532 = arith.maximumf %parallel_loop3A_529, %parallel_loop3A_531 : vector<16xf32>
      %parallel_loop3A_533 = arith.constant 3.100000e+01 : f32
      %parallel_loop3A_534 = vector.broadcast %parallel_loop3A_533 : f32 to vector<16xf32>
      %parallel_loop3A_535 = arith.minimumf %parallel_loop3A_532, %parallel_loop3A_534 : vector<16xf32>
      %parallel_loop3A_536 = arith.fptosi %parallel_loop3A_527 : vector<16xf32> to vector<16xi32>
      %parallel_loop3A_537 = arith.fptosi %parallel_loop3A_535 : vector<16xf32> to vector<16xi32>
      %parallel_loop3A_538 = arith.constant 32 : i32
      %parallel_loop3A_539 = vector.broadcast %parallel_loop3A_538 : i32 to vector<16xi32>
      %parallel_loop3A_540 = arith.muli %parallel_loop3A_536, %parallel_loop3A_539 : vector<16xi32>
      %parallel_loop3A_541 = arith.addi %parallel_loop3A_540, %parallel_loop3A_537 : vector<16xi32>
      %parallel_loop3A_542 = tpu.vector_load_idx %arg12[%parallel_loop3A_541] : memref<1024xf32, #tpu.memory_space<vmem>>[vector<16xi32>], vector<16xf32>,
      %parallel_loop3A_543 = arith.constant 16 : i32
      %parallel_loop3A_544 = arith.muli %parallel_loop3A_511, %parallel_loop3A_543 : i32
      %parallel_loop3A_545 = arith.index_cast %parallel_loop3A_544 : i32 to index
      %parallel_loop3A_546 = tpu.vector_load %arg11[%parallel_loop3A_545] {strides = array<i32>} : memref<8192xf32, #tpu.memory_space<vmem>>, vector<16xf32>,
      tpu.vector_store %arg11[%parallel_loop3A_545], %parallel_loop3A_542 {strides = array<i32>} : memref<8192xf32, #tpu.memory_space<vmem>>, vector<16xf32>,
    } {sc.loop_unroll_factor = 8 : i64, sc.parallel_access}
    %add3A_503 = arith.constant 122880 : i32
    %add3A_504 = arith.addi %mul3A_2, %add3A_503 : i32
    %dma_start3A_505 = tpu.memref_slice %arg5[%add3A_504] : memref<4194304xf32, #tpu.memory_space<hbm>> -> memref<8192xf32, #tpu.memory_space<hbm>>
    %dma_start3A_506 = tpu.memref_slice %arg5[%add3A_504] : memref<4194304xf32, #tpu.memory_space<hbm>> -> memref<8192xf32, #tpu.memory_space<hbm>>
    tpu.enqueue_dma source(%arg11 : memref<8192xf32, #tpu.memory_space<vmem>>) target(%dma_start3A_506 : memref<8192xf32, #tpu.memory_space<hbm>>) target_semaphore(%arg19 : memref<!tpu.dma_semaphore, #tpu.memory_space<semaphore_mem>>)
    %dma_wait3A_507 = tpu.memref_slice %arg5[%add3A_485] : memref<4194304xf32, #tpu.memory_space<hbm>> -> memref<8192xf32, #tpu.memory_space<hbm>>
    %dma_wait3A_508 = tpu.memref_slice %arg5[%add3A_485] : memref<4194304xf32, #tpu.memory_space<hbm>> -> memref<8192xf32, #tpu.memory_space<hbm>>
    tpu.wait_dma2 semaphore(%arg18 : memref<!tpu.dma_semaphore, #tpu.memory_space<semaphore_mem>>) src(%arg10 : memref<8192xf32, #tpu.memory_space<vmem>>) dst(%dma_wait3A_508 : memref<8192xf32, #tpu.memory_space<hbm>>)
    %dma_wait3A_509 = tpu.memref_slice %arg5[%add3A_504] : memref<4194304xf32, #tpu.memory_space<hbm>> -> memref<8192xf32, #tpu.memory_space<hbm>>
    %dma_wait3A_510 = tpu.memref_slice %arg5[%add3A_504] : memref<4194304xf32, #tpu.memory_space<hbm>> -> memref<8192xf32, #tpu.memory_space<hbm>>
    tpu.wait_dma2 semaphore(%arg19 : memref<!tpu.dma_semaphore, #tpu.memory_space<semaphore_mem>>) src(%arg11 : memref<8192xf32, #tpu.memory_space<vmem>>) dst(%dma_wait3A_510 : memref<8192xf32, #tpu.memory_space<hbm>>)
    return
  }
}

</mosaic_0001>

<sc_bundles>
// kernel: kernel.3.cloned.1.call-start
scs
__scs_entry_jumppad:
0x0: {  	(pc) =	sbr.rel $0x88, $3  }
0x1: {  	(tag) =	ssettag $0x0;
	lr =	simm.s32 $0x1  }
0x2: {  	[smem:$0x3F9B] =	sst lr;
	_ =	strace $0xD0000000  }
0x3: {  	_ = 	snop  }
0x4: {  	_ = 	snop  }
0x5: {  	_ = 	snop  }
0x6: {  	_ = 	snop  }
0x7: {  	_ = 	snop  }
__scs_overlays_trampoline_lowered:
0x8: {  	[smem:$0x3FAA] =	sst s0  }
0x9: {  	[smem:$0x3FAB] =	sst s1  }
0xa: {  	[smem:$0x3FAC] =	sst s2  }
0xb: {  	[smem:$0x3FAD] =	sst s3  }
0xc: {  	[smem:$0x3FAE] =	sst s4  }
0xd: {  	[smem:$0x3FAF] =	sst s5  }
0xe: {  	[smem:$0x3FB0] =	sst s6  }
0xf: {  	[smem:$0x3FB1] =	sst s7  }
0x10: {  	[smem:$0x3FB2] =	sst s8  }
0x11: {  	[smem:$0x3FB3] =	sst s9;
	s0 =	simm.s32 @!p0 $0x0  }
0x12: {  	s1 =	sld [smem:$0x3F99];
	s0 =	simm.s32 @p0 $0x1  }
0x13: {  	[smem:$0x3FB4] =	sst s0;
	s0 =	simm.s32 @!p1 $0x0  }
0x14: {  	s2 =	sld [smem:$0x3F98];
	s0 =	simm.s32 @p1 $0x1  }
0x15: {  	[smem:$0x3FB5] =	sst s0;
	s0 =	simm.s32 @!p2 $0x0  }
0x16: {  	s3 =	sld [smem:$0x3FDB];
	s0 =	simm.s32 @p2 $0x1  }
0x17: {  	s4 =	simm.s32 $0x1BF5;
	[smem:$0x3FB7] =	sst s0  }
0x18: {  	s0 =	sld [smem:$0x3F9A];
	_ =	swait.ge [sflag:s4], $0x0  }
0x19: {  	s7 =	sld [smem:$0x3F9B]  }
0x1a: {  	s8 =	sadd.s32 $0xFFFFE003, lr  }
0x1b: {  	s9 =	sadd.s32 $0xFFFFFEF7, lr;
	s5 =	simm.s32 $0xFFFFFFFF;
	p2 =	slt.u32 s8, $0xFFFFF086  }
0x1c: {  	p1 =	slt.u32 s9, $0xF7A;
	s5 =	simm.s32 @!p2 $0x0  }
0x1d: {  	s5 =	simm.s32 @p1 $0x1;
	p0 =	seq.s32 s7, s2  }
0x1e: {  	s7 =	smul.u32 @!p0 $0xF7A, s2;
	p2 =	seq.s32 @!p0 s5, $0x0  }
0x1f: {  	s9 =	smul.u32 $0xF7A, s1;
	s8 =	simm.s32 @!p0 $0x1BF5;
	p2 =	por !p2, p0  }
0x20: {  	[sflag:s8] =	ssyncset.s32 @!p0 $0xFFFFF086;
	s6 =	sadd.s32 @!p0 s3, s7;
	s7 =	simm.s32 @!p0 $0x108  }
0x21: {  	s3 =	sadd.s32 s3, s9;
	s6 =	sadd.s32 @!p0 $0x88, s6;
	s7 =	simm.s32 @p2 $0x1082  }
0x22: {  	[simem:s7], [sflag:s8] =	dma.local @!p0 [hbm:s6], $0xF7A  }
0x23: {  	s9 =	sor.u32 $0xD0000000, s2;
	s6 =	simm.s32 $0x108;
	_ =	swait.ge @!p0 [sflag:s8], $0x0  }
0x24: {  	s3 =	sadd.s32 $0x88, s3;
	s6 =	simm.s32 @!p1 $0x1082;
	[sflag:s4] =	ssyncset.s32 $0xFFFFF086  }
0x25: {  	[simem:s6], [sflag:s4] =	dma.local [hbm:s3], $0xF7A  }
0x26: {  	[smem:$0x3F9B] =	sst s1;
	(tag) =	ssettag s2;
	_ =	strace s9  }
0x27: {  	s1 =	sld [smem:$0x3FAB]  }
0x28: {  	s2 =	sld [smem:$0x3FAC]  }
0x29: {  	s4 =	sld [smem:$0x3FAE]  }
0x2a: {  	p0 =	seq.s32 s5, $0x0;
	s5 =	sld [smem:$0x3FAF]  }
0x2b: {  	s6 =	sld [smem:$0x3FB0]  }
0x2c: {  	s7 =	sld [smem:$0x3FB1]  }
0x2d: {  	s3 =	simm.s32 $0x108;
	s8 =	sld [smem:$0x3FB2]  }
0x2e: {  	s3 =	simm.s32 @!p0 $0x1082;
	s9 =	sld [smem:$0x3FB3]  }
0x2f: {  	lr =	sadd.s32 s0, s3;
	s0 =	sld [smem:$0x3FAA]  }
0x30: {  	s3 =	sld [smem:$0x3FAD]  }
0x31: {  	[smem:$0x3FB6] =	sst s10  }
0x32: {  	s10 =	sld [smem:$0x3FB4];
	_ =	sdelay $0x3  }
0x33: {  	p0 =	seq.s32 s10, $0x1;
	s10 =	sld [smem:$0x3FB6];
	_ =	sdelay $0x3  }
0x34: {  	[smem:$0x3FB6] =	sst s10  }
0x35: {  	s10 =	sld [smem:$0x3FB5];
	_ =	sdelay $0x3  }
0x36: {  	p1 =	seq.s32 s10, $0x1;
	s10 =	sld [smem:$0x3FB6];
	_ =	sdelay $0x3  }
0x37: {  	[smem:$0x3FB6] =	sst s10  }
0x38: {  	s10 =	sld [smem:$0x3FB7]  }
0x39: {  	_ = 	snop;
	(pc) =	sbr.ind lr, $3  }
0x3a: {  	_ = 	snop  }
0x3b: {  	_ = 	snop  }
0x3c: {  	p2 =	seq.s32 s10, $0x1;
	s10 =	sld [smem:$0x3FB6]  }
0x3d: {  	_ =	shalt  }
0x3e: {  	_ =	shalt  }
0x3f: {  	_ =	shalt  }
0x40: {  	_ =	shalt  }
0x41: {  	_ =	shalt  }
0x42: {  	_ =	shalt  }
0x43: {  	_ =	shalt  }
0x44: {  	_ =	shalt  }
0x45: {  	_ =	shalt  }
0x46: {  	_ =	shalt  }
0x47: {  	_ =	shalt  }
0x48: {  	_ =	shalt  }
0x49: {  	_ =	shalt  }
0x4a: {  	_ =	shalt  }
0x4b: {  	_ =	shalt  }
0x4c: {  	_ =	shalt  }
0x4d: {  	_ =	shalt  }
0x4e: {  	_ =	shalt  }
0x4f: {  	_ =	shalt  }
0x50: {  	_ =	shalt  }
0x51: {  	_ =	shalt  }
0x52: {  	_ =	shalt  }
0x53: {  	_ =	shalt  }
0x54: {  	_ =	shalt  }
0x55: {  	_ =	shalt  }
0x56: {  	_ =	shalt  }
0x57: {  	_ =	shalt  }
0x58: {  	_ =	shalt  }
0x59: {  	_ =	shalt  }
0x5a: {  	_ =	shalt  }
0x5b: {  	_ =	shalt  }
0x5c: {  	_ =	shalt  }
0x5d: {  	_ =	shalt  }
0x5e: {  	_ =	shalt  }
0x5f: {  	_ =	shalt  }
0x60: {  	_ =	shalt  }
0x61: {  	_ =	shalt  }
0x62: {  	_ =	shalt  }
0x63: {  	_ =	shalt  }
0x64: {  	_ =	shalt  }
0x65: {  	_ =	shalt  }
0x66: {  	_ =	shalt  }
0x67: {  	_ =	shalt  }
0x68: {  	_ =	shalt  }
0x69: {  	_ =	shalt  }
0x6a: {  	_ =	shalt  }
0x6b: {  	_ =	shalt  }
0x6c: {  	_ =	shalt  }
0x6d: {  	_ =	shalt  }
0x6e: {  	_ =	shalt  }
0x6f: {  	_ =	shalt  }
0x70: {  	_ =	shalt  }
0x71: {  	_ =	shalt  }
0x72: {  	_ =	shalt  }
0x73: {  	_ =	shalt  }
0x74: {  	_ =	shalt  }
0x75: {  	_ =	shalt  }
0x76: {  	_ =	shalt  }
0x77: {  	_ =	shalt  }
0x78: {  	_ =	shalt  }
0x79: {  	_ =	shalt  }
0x7a: {  	_ =	shalt  }
0x7b: {  	_ =	shalt  }
0x7c: {  	_ =	shalt  }
0x7d: {  	_ =	shalt  }
0x7e: {  	_ =	shalt  }
0x7f: {  	_ =	shalt  }
0x80: {  	_ =	shalt  }
0x81: {  	_ =	shalt  }
0x82: {  	_ =	shalt  }
0x83: {  	_ =	shalt  }
0x84: {  	_ =	shalt  }
0x85: {  	_ =	shalt  }
0x86: {  	_ =	shalt  }
0x87: {  	_ =	shalt  }
.Lfunc_end0:
.L_simem_size_0:
called_computation_lowered:
.L_overlay_start_0:
0x88: {  	s2 =	sld [smem:$0x3FD9]  }
0x89: {  	s3 =	sld [smem:$0x3FFE];
	_ =	sdelay $0x1  }
0x8a: {  	s1 =	srdreg.scid  }
0x8b: {  	s0 =	sand.u32 $0x1, s1  }
0x8c: {  	s17 =	sshll.u32 s0, $0xA;
	s2 =	sadd.s32 s3, s2  }
0x8d: {  	s2 =	sadd.s32 s2, s17  }
0x8e: {  	[smem:$0x3FC2] =	sst s2  }
0x8f: {  	_ = 	snop  }
0x90: {  	s2 =	sld [smem:$0x3FC9]  }
0x91: {  	s18 =	sld [smem:$0x3FC4]  }
0x92: {  	s4 =	sld [smem:$0x3FD0];
	(tm) =	ssettm $0x1  }
0x93: {  	s5 =	sld [smem:$0x3FFB];
	_ =	sdelay $0x3  }
0x94: {  	_ =	strace s5  }
0x95: {  	s5 =	sld [smem:$0x3FFC];
	_ =	sdelay $0x3  }
0x96: {  	_ =	strace s5  }
0x97: {  	s5 =	sld [smem:$0x3FFD];
	_ =	sdelay $0x3  }
0x98: {  	_ =	strace s5  }
0x99: {  	_ =	strace $0x8FFFFFFF  }
0x9a: {  	s19 =	sld [smem:$0x3FDB];
	_ =	sdelay $0x1  }
0x9b: {  	s6 =	simm.s32 $_scs_section_size  }
0x9c: {  	s7 =	simm.s32 $_size__tile_overlayer_lowered;
	s8 =	simm.s32 $_tile_overlayer_lowered  }
0x9d: {  	s22 =	simm.s32 $0x1BFF;
	s21 =	sshll.u32 s8, $0x1;
	s5 =	sadd.s32 s6, s19  }
0x9e: {  	s9 =	simm.s32 $0x0;
	s20 =	sshll.u32 s7, $0x1;
	s7 =	sadd.s32 s21, s5  }
0x9f: {  	[timem:s9], [sflag:s22] =	dma.local [hbm:s7], s20  }
0xa0: {  	_ =	swait.ge [sflag:s22], s20  }
0xa1: {  	s6 =	ssub.s32 $0x0, s20;
	[sflag:s22] =	ssyncset.done $0x0  }
0xa2: {  	[sflag:s22] =	ssyncadd.s32 s6;
	_ =	sdelay $0x1  }
0xa3: {  	s23 =	simm.s32 $0x1B8B  }
0xa4: {  	_ =	swait.ge [sflag:s23], $0x1  }
0xa5: {  	[sflag:s23] =	ssyncset.done $0x0  }
0xa6: {  	s25 =	simm.s32 $0x1B8E;
	s24 =	sld [smem:$0x3FFE];
	[sflag:s23] =	ssyncadd.s32 $0xFFFFFFFF  }
0xa7: {  	s26 =	simm.s32 $execute0_lowered;
	[smem:$0x3FD2] =	sst s25  }
0xa8: {  	s7 =	sshll.u32 s26, $0x1;
	_ =	strace $0x80000046;
	[dreg:$0x1] =	wrdreg $0xFFFFFFFF  }
0xa9: {  	s28 =	simm.s32 $_size_execute0_lowered;
	s5 =	sadd.s32 s5, s7;
	[dreg:$0x0] =	wrdreg $0x0  }
0xaa: {  	s7 =	sshll.u32 s28, $0x1;
	[dreg:$0x2] =	wrdreg s5  }
0xab: {  	[dreg:$0x3] =	wrdreg s7  }
0xac: {  	[dreg:$0x4] =	wrdreg $0xC0  }
0xad: {  	_ =	task [dreg:s9], $0x5FFFF  }
0xae: {  	[dreg:$0x1] =	wrdreg $0xFFFFFFFF  }
0xaf: {  	[dreg:$0x0] =	wrdreg $0x60  }
0xb0: {  	[dreg:$0x2] =	wrdreg s2  }
0xb1: {  	[dreg:$0x3] =	wrdreg s24  }
0xb2: {  	[dreg:$0x4] =	wrdreg s18  }
0xb3: {  	[dreg:$0x5] =	wrdreg s4  }
0xb4: {  	[dreg:$0x6] =	wrdreg $0x9  }
0xb5: {  	_ =	task.clear_ibuf [dreg:s9], $0x7FFFF;
	_ =	strace $0x90000046  }
0xb6: {  	s29 =	simm.s32 $0x9;
	_ =	strace $0x80000048  }
0xb7: {  	_ =	swait.ge [sflag:s29], $0x1  }
0xb8: {  	[sflag:s29] =	ssyncadd.s32 $0xFFFFFFFF  }
0xb9: {  	_ =	strace $0x90000048  }
0xba: {  	_ =	sfence  }
0xbb: {  	s30 =	sld [smem:$0x0];
	_ =	sdelay $0x2  }
0xbc: {  	s31 =	sshll.u32 s1, $0xD;
	s1 =	sshrl.u32 s1, $0x2  }
0xbd: {  	s3 =	sand.u32 $0x4000, s31;
	s1 =	sadd.s32 s1, s30  }
0xbe: {  	s0 =	sor.u32 s3, s0;
	s1 =	sshll.u32 s1, $0x11  }
0xbf: {  	s0 =	sor.u32 s1, s0  }
0xc0: {  	s0 =	sadd.s32 $0x8F2B, s0  }
0xc1: {  	[sflag:s0] =	ssyncadd.remote.s32 $0x1  }
0xc2: {  	_ =	sfence.sel $0xFFFF  }
0xc3: {  	[dreg:$0x0] =	wrdreg $0xFFFFFFFF;
	(pc) =	sbr.abs _section_cstart, $3  }
0xc4: {  	[dreg:$0x1] =	wrdreg $0xFFFFFFFF  }
0xc5: {  	_ =	task.clear_ibuf [dreg:s9], $0x2FFFF;
	_ =	strace $0x9FFFFFFF  }
0xc6: {  	(tm) =	ssettm $0x7FFFFFFF  }
0xc7: {  	_ =	shalt  }
tec
execute0_lowered:
.L_overlay_start_1:
0x0: {  	(tag) =	ssettag $0x1  }
0x1: {  	s0 =	srdreg.scid;
	s2 =	rddreg [dreg:$0x0]  }
0x2: {  	s3 =	stileid.u32;
	s1 =	simm.s32 $0x0;
	s0 =	sand.u32 $0x1, s0  }
0x3: {  	s3 =	sshll.u32 s3, $0x12;
	[smem:$0x7FF] =	sst s1;
	s4 =	sshll.u32 s0, $0x11  }
0x4: {  	s8 =	sadd.s32 $0x10, s2;
	s0 =	ssub.s32 $0x2, s0;
	s3 =	sor.u32 s4, s3  }
0x5: {  	s11 =	sshrl.u32 s0, $0x1;
	s6 =	sshrl.u32 s3, $0x2;
	s7 =	sshrl.u32 s3, $0x7  }
0x6: {  	s0 =	ssub.s32 s0, s11;
	s12 =	sadd.s32 s2, s6;
	s4 =	sor.u32 $0x40, s7  }
0x7: {  	s6 =	sadd.s32 s6, s8;
	[dreg:$0x5] =	wrdreg s12;
	s9 =	sshll.u32 s4, $0x5  }
0x8: {  	s5 =	sor.u32 $0x80, s7;
	[dreg:$0x6] =	wrdreg s6;
	s13 =	sadd.s32 s2, s9  }
0x9: {  	s14 =	sshll.u32 s5, $0x5;
	s9 =	sadd.s32 s9, s8;
	[dreg:$0x7] =	wrdreg s13  }
0xa: {  	s10 =	sor.u32 $0x100, s7;
	s15 =	sadd.s32 s2, s14;
	[dreg:$0x8] =	wrdreg s9  }
0xb: {  	s17 =	sshll.u32 s10, $0x5;
	s6 =	sadd.s32 s14, s8;
	[dreg:$0x9] =	wrdreg s15  }
0xc: {  	s12 =	sor.u32 $0x140, s7;
	s18 =	sadd.s32 s2, s17;
	[dreg:$0xa] =	wrdreg s6  }
0xd: {  	s19 =	sshll.u32 s12, $0x5;
	s9 =	sor.u32 $0xC0, s7;
	[dreg:$0xd] =	wrdreg s18  }
0xe: {  	s20 =	sadd.s32 s2, s19;
	s13 =	sor.u32 $0x1C0, s7;
	s16 =	sshll.u32 s9, $0x5  }
0xf: {  	s15 =	sor.u32 $0x200, s7;
	[dreg:$0xf] =	wrdreg s20;
	s11 =	sadd.s32 s2, s16  }
0x10: {  	s22 =	sshll.u32 s13, $0x5;
	s6 =	sadd.s32 s16, s8;
	[dreg:$0xb] =	wrdreg s11  }
0x11: {  	s24 =	sshll.u32 s15, $0x5;
	s23 =	sadd.s32 s2, s22;
	[dreg:$0xc] =	wrdreg s6  }
0x12: {  	s25 =	sadd.s32 s2, s24;
	s16 =	sor.u32 $0x280, s7;
	[dreg:$0x13] =	wrdreg s23  }
0x13: {  	s11 =	sadd.s32 s17, s8;
	s6 =	sadd.s32 s19, s8;
	[dreg:$0x15] =	wrdreg s25  }
0x14: {  	s19 =	sshll.u32 s16, $0x5;
	[dreg:$0xe] =	wrdreg s11;
	s11 =	sor.u32 $0x180, s7  }
0x15: {  	[dreg:$0x10] =	wrdreg s6;
	s20 =	sadd.s32 s2, s19;
	s21 =	sshll.u32 s11, $0x5  }
0x16: {  	[dreg:$0x19] =	wrdreg s20;
	s14 =	sadd.s32 s2, s21  }
0x17: {  	s18 =	sor.u32 $0x2C0, s7;
	s6 =	sadd.s32 s21, s8;
	[dreg:$0x11] =	wrdreg s14  }
0x18: {  	s21 =	sshll.u32 s18, $0x5;
	[dreg:$0x12] =	wrdreg s6;
	s14 =	sadd.s32 s22, s8  }
0x19: {  	s6 =	sadd.s32 s24, s8;
	[dreg:$0x14] =	wrdreg s14;
	s14 =	sor.u32 $0x240, s7  }
0x1a: {  	s22 =	sadd.s32 s2, s21;
	[dreg:$0x16] =	wrdreg s6;
	s26 =	sshll.u32 s14, $0x5  }
0x1b: {  	[dreg:$0x1b] =	wrdreg s22;
	s17 =	sadd.s32 s2, s26  }
0x1c: {  	s28 =	simm.s32 $0x2000;
	s6 =	sadd.s32 s26, s8;
	[dreg:$0x17] =	wrdreg s17  }
0x1d: {  	s29 =	simm.s32 $0x6000;
	s30 =	simm.s32 $0x1;
	[dreg:$0x18] =	wrdreg s6  }
0x1e: {  	s17 =	sadd.s32 s19, s8;
	s6 =	sadd.s32 s21, s8;
	s19 =	sor.u32 $0x340, s7  }
0x1f: {  	[dreg:$0x1a] =	wrdreg s17;
	s17 =	sor.u32 $0x300, s7;
	s24 =	sshll.u32 s19, $0x5  }
0x20: {  	[dreg:$0x1c] =	wrdreg s6;
	s23 =	sshll.u32 s17, $0x5;
	s21 =	sadd.s32 s2, s24  }
0x21: {  	s31 =	simm.s32 $0x3;
	s20 =	sadd.s32 s2, s23;
	[dreg:$0x1f] =	wrdreg s21  }
0x22: {  	s16 =	sshll.u32 s16, $0x4;
	s6 =	sadd.s32 s23, s8;
	[dreg:$0x1d] =	wrdreg s20  }
0x23: {  	s21 =	sshll.u32 s18, $0x4;
	[dreg:$0x1e] =	wrdreg s6;
	s20 =	sor.u32 $0x380, s7  }
0x24: {  	s6 =	sadd.s32 s24, s8;
	s24 =	sshrl.u32 s3, $0x3;
	s3 =	rddreg [dreg:$0x3]  }
0x25: {  	s7 =	sor.u32 $0x3C0, s7;
	[smem:$0x7F0] =	sst s6;
	s25 =	sshll.u32 s20, $0x5  }
0x26: {  	s26 =	sshll.u32 s7, $0x5;
	s22 =	sadd.s32 s2, s25;
	s6 =	sadd.s32 s25, s8  }
0x27: {  	s2 =	sadd.s32 s2, s26;
	s23 =	sadd.s32 s26, s8;
	s25 =	sshll.u32 s4, $0x4  }
0x28: {  	s26 =	sshll.u32 s5, $0x4;
	s5 =	sshll.u32 s9, $0x4;
	[smem:$0x7F1] =	sst s22  }
0x29: {  	s8 =	sshll.u32 s12, $0x4;
	s12 =	sshll.u32 s15, $0x4;
	[smem:$0x7F2] =	sst s6  }
0x2a: {  	s15 =	sshll.u32 s14, $0x4;
	s14 =	sadd.s32 s3, s16;
	[smem:$0x7F3] =	sst s2  }
0x2b: {  	[smem:$0x7F4] =	sst s23;
	s2 =	sadd.s32 s3, s24;
	s4 =	sadd.s32 s3, s26  }
0x2c: {  	s6 =	sshll.u32 s10, $0x4;
	s9 =	sadd.s32 s3, s8;
	s24 =	rddreg [dreg:$0x1]  }
0x2d: {  	s10 =	sshll.u32 s11, $0x4;
	s11 =	sshll.u32 s13, $0x4;
	[smem:$0x7F5] =	sst s2  }
0x2e: {  	s13 =	sadd.s32 s3, s12;
	s22 =	sshll.u32 s17, $0x4;
	[smem:$0x7F7] =	sst s4  }
0x2f: {  	s23 =	sshll.u32 s19, $0x4;
	s26 =	sshll.u32 s7, $0x4;
	[smem:$0x7FA] =	sst s9  }
0x30: {  	s7 =	simm.s32 $0x0;
	s2 =	sadd.s32 s3, s25;
	[smem:$0x7FD] =	sst s13  }
0x31: {  	s13 =	sadd.s32 s3, s15;
	s15 =	sadd.s32 s3, s21;
	s16 =	sadd.s32 s3, s22  }
0x32: {  	s17 =	sadd.s32 s3, s23;
	s25 =	sshll.u32 s20, $0x4;
	s19 =	sadd.s32 s3, s26  }
0x33: {  	s20 =	sadd.s32 $0xC00, s24;
	s21 =	smax.u32 s0, $0x1;
	s22 =	simm.s32 $0xC000  }
0x34: {  	s23 =	simm.s32 $0x7;
	s24 =	simm.s32 $0x80;
	s26 =	simm.s32 $0x4000  }
0x35: {  	s0 =	simm.s32 $0x8000;
	[smem:$0x7F6] =	sst s2;
	s2 =	sadd.s32 s3, s5  }
0x36: {  	s4 =	simm.s32 $0xA000;
	[smem:$0x7F8] =	sst s2;
	s2 =	sadd.s32 s3, s6  }
0x37: {  	s18 =	sadd.s32 s3, s25;
	[smem:$0x7F9] =	sst s2;
	s2 =	sadd.s32 s3, s10  }
0x38: {  	s25 =	simm.s32 $0x100;
	[smem:$0x7FB] =	sst s2;
	s2 =	sadd.s32 s3, s11  }
0x39: {  	s5 =	simm.s32 $0x5;
	s6 =	simm.s32 $0x6;
	[smem:$0x7FC] =	sst s2  }
0x3a: {  	s3 =	simm.s32 $0x4;
	s2 =	simm.s32 $0x2;
	_ =	strace $0x80000047  }
.LBB2_1:
0x3b: {  	s8 =	rddreg [dreg:$0x2]  }
0x3c: {  	[tilespmem:s22], [sflag:$0x7] =	stream.linear.gather [hbm4b:s8+s1], $0x400, $0x38;
	[tilespmem:$0xC600] =	vst v63  }
0x3d: {  	_ =	swait.ge [sflag:s23], $0x400  }
0x3e: {  	[sflag:s23] =	ssyncset.done $0x0  }
0x3f: {  	s12 =	simm.s32 $0xC400;
	[sflag:s23] =	ssyncadd.s32 $0xFFFFFC00  }
0x40: {  	[tilespmem:s12], [sflag:$0x7] =	stream.linear.gather [hbm4b:s20+s1], $0x200, $0x38;
	[tilespmem:$0xC600] =	vst v63  }
0x41: {  	_ =	swait.ge [sflag:s23], $0x200  }
0x42: {  	[sflag:s23] =	ssyncset.done $0x0  }
0x43: {  	[sflag:s23] =	ssyncadd.s32 $0xFFFFFE00  }
0x44: {  	v0 =	vld [tilespmem:$0xC400]  }
0x45: {  	v1 =	vld [tilespmem:$0xC480]  }
0x46: {  	s9 =	rddreg [dreg:$0x5];
	v2 =	vld [tilespmem:$0xC500]  }
0x47: {  	v3 =	vld [tilespmem:$0xC580];
	[tilespmem:s1], [sflag:$0x1] =	stream.strided.gather [hbm4b:s9+s24], $0x2000, s25, s24, $0x38  }
0x48: {  	s10 =	rddreg [dreg:$0x6]  }
0x49: {  	[tilespmem:s26], [sflag:$0x3] =	stream.strided.gather [hbm4b:s10+s24], $0x2000, s25, s24, $0x38;
	[tilespmem:$0xC600] =	vst v63  }
0x4a: {  	s11 =	rddreg [dreg:$0x7]  }
0x4b: {  	[tilespmem:s28], [sflag:$0x2] =	stream.strided.gather [hbm4b:s11+s24], $0x2000, s25, s24, $0x38;
	[tilespmem:$0xC600] =	vst v63  }
0x4c: {  	s12 =	rddreg [dreg:$0x8]  }
0x4d: {  	[tilespmem:s29], [sflag:$0x4] =	stream.strided.gather [hbm4b:s12+s24], $0x2000, s25, s24, $0x38;
	[tilespmem:$0xC600] =	vst v63  }
0x4e: {  	_ =	swait.ge [sflag:s30], $0x2000  }
0x4f: {  	[sflag:s30] =	ssyncset.done $0x0  }
0x50: {  	[sflag:s30] =	ssyncadd.s32 $0xFFFFE000  }
0x51: {  	_ =	swait.ge [sflag:s31], $0x2000  }
0x52: {  	[sflag:s31] =	ssyncset.done $0x0  }
0x53: {  	s9 =	simm.s32 $0x40;
	[sflag:s31] =	ssyncadd.s32 $0xFFFFE000  }
0x54: {  	s8 =	simm.s32 $0x4040;
	v4 =	vld [tilespmem:s9+$0x30]  }
0x55: {  	v5 =	vld [tilespmem:s8+$0x30]  }
0x56: {  	v6 =	vld [tilespmem:s9+$0xFFFFFFD0]  }
0x57: {  	v7 =	vld [tilespmem:s9+$0xFFFFFFE0]  }
0x58: {  	v8 =	vld [tilespmem:s9+$0xFFFFFFF0]  }
0x59: {  	v9 =	vld [tilespmem:s9+$0x0]  }
0x5a: {  	v10 =	vld [tilespmem:s9+$0x10]  }
0x5b: {  	v12 =	vld [tilespmem:s9+$0xFFFFFFC0]  }
0x5c: {  	v13 =	vld [tilespmem:s8+$0xFFFFFFC0]  }
0x5d: {  	v11 =	vld [tilespmem:s9+$0x20];
	v4 =	vmul.f32 v4, v0;
	v5 =	vmul.f32 v5, v1  }
0x5e: {  	v14 =	vld [tilespmem:s8+$0xFFFFFFD0];
	v6 =	vmul.f32 v6, v0;
	v7 =	vmul.f32 v7, v0  }
0x5f: {  	v8 =	vmul.f32 v8, v0;
	v9 =	vmul.f32 v9, v0  }
0x60: {  	v10 =	vmul.f32 v10, v0;
	v12 =	vmul.f32 v12, v0;
	v4 =	vadd.f32 v4, v2  }
0x61: {  	v13 =	vmul.f32 v13, v1;
	v5 =	vadd.f32 v5, v3;
	v6 =	vadd.f32 v6, v2  }
0x62: {  	v11 =	vmul.f32 v11, v0;
	v7 =	vadd.f32 v7, v2;
	v8 =	vadd.f32 v8, v2  }
0x63: {  	v14 =	vmul.f32 v14, v1;
	v12 =	vadd.f32 v12, v2;
	v9 =	vadd.f32 v9, v2  }
0x64: {  	v10 =	vadd.f32 v10, v2;
	v13 =	vadd.f32 v13, v3  }
0x65: {  	v11 =	vadd.f32 v11, v2;
	v14 =	vadd.f32 v14, v3;
	v4 =	vmax.f32 v4, $0.0e+00  }
0x66: {  	v5 =	vmax.f32 v5, $0.0e+00;
	v12 =	vmax.f32 v12, $0.0e+00;
	v6 =	vmax.f32 v6, $0.0e+00  }
0x67: {  	v7 =	vmax.f32 v7, $0.0e+00;
	v8 =	vmax.f32 v8, $0.0e+00;
	v9 =	vmax.f32 v9, $0.0e+00  }
0x68: {  	v15 =	vld [tilespmem:s8+$0xFFFFFFE0];
	v10 =	vmax.f32 v10, $0.0e+00;
	v11 =	vmax.f32 v11, $0.0e+00;
	v13 =	vmax.f32 v13, $0.0e+00  }
0x69: {  	v16 =	vld [tilespmem:s8+$0xFFFFFFF0];
	v14 =	vmax.f32 v14, $0.0e+00;
	v4 =	vmin.f32 v4, $3.100000000e+01;
	v5 =	vmin.f32 v5, $3.100000000e+01  }
0x6a: {  	v17 =	vld [tilespmem:s8+$0x0];
	v12 =	vmin.f32 v12, $3.100000000e+01;
	v6 =	vmin.f32 v6, $3.100000000e+01;
	v7 =	vmin.f32 v7, $3.100000000e+01  }
0x6b: {  	v18 =	vld [tilespmem:s8+$0x10];
	v8 =	vmin.f32 v8, $3.100000000e+01;
	v9 =	vmin.f32 v9, $3.100000000e+01;
	v4 =	vtrunc.f32 v4  }
0x6c: {  	v19 =	vld [tilespmem:s8+$0x20];
	v10 =	vmin.f32 v10, $3.100000000e+01;
	v5 =	vtrunc.f32 v5;
	v4 =	vcvt.f32.s32 v4  }
0x6d: {  	v11 =	vmin.f32 v11, $3.100000000e+01;
	v12 =	vtrunc.f32 v12;
	v5 =	vcvt.f32.s32 v5  }
0x6e: {  	v6 =	vtrunc.f32 v6;
	v20 =	vtrunc.f32 v8;
	v4 =	vshll.u32 v4, $0x5  }
0x6f: {  	v4 =	vadd.s32 v5, v4;
	v5 =	vmul.f32 v15, v1;
	v15 =	vmul.f32 v16, v1  }
0x70: {  	v14 =	vmin.f32 v14, $3.100000000e+01;
	v16 =	vmul.f32 v17, v1;
	v17 =	vmul.f32 v18, v1  }
0x71: {  	v18 =	vmul.f32 v19, v1;
	v5 =	vadd.f32 v5, v3;
	v15 =	vadd.f32 v15, v3  }
0x72: {  	v19 =	vmin.f32 v13, $3.100000000e+01;
	v16 =	vadd.f32 v16, v3;
	v17 =	vadd.f32 v17, v3  }
0x73: {  	v13 =	vtrunc.f32 v7;
	v18 =	vadd.f32 v18, v3;
	v5 =	vmax.f32 v5, $0.0e+00  }
0x74: {  	v15 =	vmax.f32 v15, $0.0e+00;
	v16 =	vmax.f32 v16, $0.0e+00;
	v17 =	vmax.f32 v17, $0.0e+00  }
0x75: {  	v18 =	vmax.f32 v18, $0.0e+00;
	v21 =	vmin.f32 v5, $3.100000000e+01;
	v5 =	vtrunc.f32 v9  }
0x76: {  	v9 =	vtrunc.f32 v10;
	v22 =	vmin.f32 v15, $3.100000000e+01;
	v10 =	vtrunc.f32 v11  }
0x77: {  	v7 =	vmin.f32 v16, $3.100000000e+01;
	v23 =	vld.idx.msk [tilespmem:v4+s22+$0x0], $0xffff;
	v11 =	vcvt.f32.s32 v12;
	v12 =	vcvt.f32.s32 v6  }
0x78: {  	v8 =	vmin.f32 v17, $3.100000000e+01;
	v17 =	vcvt.f32.s32 v13;
	v16 =	vtrunc.f32 v19  }
0x79: {  	v4 =	vmin.f32 v18, $3.100000000e+01;
	v15 =	vtrunc.f32 v14;
	v13 =	vcvt.f32.s32 v5  }
0x7a: {  	v14 =	vtrunc.f32 v22;
	v6 =	vshll.u32 v11, $0x5;
	v11 =	vcvt.f32.s32 v20  }
0x7b: {  	s9 =	simm.s32 $0x8040;
	v5 =	vshll.u32 v12, $0x5;
	v12 =	vcvt.f32.s32 v9;
	v9 =	vcvt.f32.s32 v10  }
0x7c: {  	s10 =	simm.s32 $0x8040;
	s11 =	simm.s32 $0x0;
	s12 =	simm.s32 $0xC0;
	v10 =	vshll.u32 v17, $0x5;
	v17 =	vtrunc.f32 v21;
	v11 =	vshll.u32 v11, $0x5;
	[tilespmem:s9+$0x30] =	vst v23  }
.LBB2_2:
0x7d: {  	v18 =	vld [tilespmem:s12+$0x30];
	s11 =	sadd.s32 $0x8, s11;
	v7 =	vtrunc.f32 v7;
	v13 =	vshll.u32 v13, $0x5;
	v8 =	vtrunc.f32 v8;
	s8 =	sadd.s32 $0x80, s8  }
0x7e: {  	v16 =	vcvt.f32.s32 v16;
	v12 =	vshll.u32 v12, $0x5;
	v4 =	vtrunc.f32 v4;
	v19 =	vld [tilespmem:s8+$0x30];
	p0 =	slt.u32 s11, $0x1F8  }
0x7f: {  	v15 =	vcvt.f32.s32 v15;
	v17 =	vcvt.f32.s32 v17;
	v9 =	vshll.u32 v9, $0x5;
	v20 =	vld [tilespmem:s12+$0xFFFFFFD0]  }
0x80: {  	v14 =	vcvt.f32.s32 v14;
	v7 =	vcvt.f32.s32 v7;
	v6 =	vadd.s32 v16, v6;
	v21 =	vld [tilespmem:s12+$0xFFFFFFE0]  }
0x81: {  	v8 =	vcvt.f32.s32 v8;
	v4 =	vcvt.f32.s32 v4;
	v5 =	vadd.s32 v15, v5;
	v16 =	vld [tilespmem:s12+$0xFFFFFFF0]  }
0x82: {  	v10 =	vadd.s32 v17, v10;
	v11 =	vadd.s32 v14, v11;
	v15 =	vld [tilespmem:s12+$0x0];
	v18 =	vmul.f32 v18, v0  }
0x83: {  	v7 =	vadd.s32 v7, v13;
	v8 =	vadd.s32 v8, v12;
	v14 =	vld [tilespmem:s12+$0x10];
	v17 =	vmul.f32 v19, v1  }
0x84: {  	v4 =	vadd.s32 v4, v9;
	v12 =	vmul.f32 v20, v0;
	v13 =	vld [tilespmem:s12+$0x20];
	v18 =	vadd.f32 v18, v2  }
0x85: {  	v9 =	vld [tilespmem:s12+$0xFFFFFFC0];
	v19 =	vmul.f32 v21, v0;
	v17 =	vadd.f32 v17, v3  }
0x86: {  	v20 =	vld [tilespmem:s8+$0xFFFFFFC0];
	v12 =	vadd.f32 v12, v2;
	v16 =	vmul.f32 v16, v0;
	v18 =	vmax.f32 v18, $0.0e+00  }
0x87: {  	v21 =	vld [tilespmem:s8+$0xFFFFFFD0];
	v15 =	vmul.f32 v15, v0;
	v18 =	vmin.f32 v18, $3.100000000e+01;
	v17 =	vmax.f32 v17, $0.0e+00  }
0x88: {  	v22 =	vld [tilespmem:s8+$0xFFFFFFE0];
	v14 =	vmul.f32 v14, v0;
	v17 =	vmin.f32 v17, $3.100000000e+01;
	v18 =	vtrunc.f32 v18  }
0x89: {  	v19 =	vadd.f32 v19, v2;
	v23 =	vld [tilespmem:s8+$0xFFFFFFF0];
	v18 =	vcvt.f32.s32 v18;
	v17 =	vtrunc.f32 v17  }
0x8a: {  	v16 =	vadd.f32 v16, v2;
	v9 =	vmul.f32 v9, v0;
	v24 =	vld [tilespmem:s8+$0x0];
	v17 =	vcvt.f32.s32 v17  }
0x8b: {  	v13 =	vmul.f32 v13, v0;
	v20 =	vmul.f32 v20, v1;
	v25 =	vld [tilespmem:s8+$0x10];
	v18 =	vshll.u32 v18, $0x5  }
0x8c: {  	v9 =	vadd.f32 v9, v2;
	v21 =	vmul.f32 v21, v1;
	v26 =	vld [tilespmem:s8+$0x20];
	v17 =	vadd.s32 v17, v18  }
0x8d: {  	v15 =	vadd.f32 v15, v2;
	v14 =	vadd.f32 v14, v2;
	v18 =	vmul.f32 v22, v1;
	v6 =	vld.idx.msk [tilespmem:v6+s22+$0x0], $0xffff  }
0x8e: {  	v13 =	vadd.f32 v13, v2;
	v20 =	vadd.f32 v20, v3;
	v22 =	vmul.f32 v23, v1;
	v5 =	vld.idx.msk [tilespmem:v5+s22+$0x0], $0xffff  }
0x8f: {  	v21 =	vadd.f32 v21, v3;
	v18 =	vadd.f32 v18, v3;
	v23 =	vmul.f32 v24, v1;
	v10 =	vld.idx.msk [tilespmem:v10+s22+$0x0], $0xffff  }
0x90: {  	v9 =	vmax.f32 v9, $0.0e+00;
	v22 =	vadd.f32 v22, v3;
	v24 =	vmul.f32 v25, v1;
	v11 =	vld.idx.msk [tilespmem:v11+s22+$0x0], $0xffff  }
0x91: {  	v12 =	vmax.f32 v12, $0.0e+00;
	v23 =	vadd.f32 v23, v3;
	v25 =	vmul.f32 v26, v1;
	v17 =	vld.idx.msk [tilespmem:v17+s22+$0x0], $0xffff  }
0x92: {  	v19 =	vmax.f32 v19, $0.0e+00;
	v16 =	vmax.f32 v16, $0.0e+00;
	v24 =	vadd.f32 v24, v3;
	v7 =	vld.idx.msk [tilespmem:v7+s22+$0x0], $0xffff  }
0x93: {  	v15 =	vmax.f32 v15, $0.0e+00;
	v14 =	vmax.f32 v14, $0.0e+00;
	v25 =	vadd.f32 v25, v3;
	[tilespmem:s9+$0xFFFFFFC0] =	vst v6;
	v6 =	vld.idx.msk [tilespmem:v8+s22+$0x0], $0xffff  }
0x94: {  	v8 =	vmin.f32 v9, $3.100000000e+01;
	v9 =	vmin.f32 v12, $3.100000000e+01;
	v12 =	vmax.f32 v13, $0.0e+00;
	[tilespmem:s9+$0xFFFFFFD0] =	vst v5;
	v4 =	vld.idx.msk [tilespmem:v4+s22+$0x0], $0xffff  }
0x95: {  	v15 =	vmin.f32 v15, $3.100000000e+01;
	v13 =	vmin.f32 v16, $3.100000000e+01;
	v5 =	vmin.f32 v19, $3.100000000e+01;
	[tilespmem:s9+$0xFFFFFFE0] =	vst v10  }
0x96: {  	v14 =	vmin.f32 v14, $3.100000000e+01;
	v12 =	vmin.f32 v12, $3.100000000e+01;
	v10 =	vmax.f32 v20, $0.0e+00;
	s9 =	sadd.s32 $0x80, s9;
	[tilespmem:s10+$0xFFFFFFF0] =	vst v11  }
0x97: {  	v16 =	vmax.f32 v18, $0.0e+00;
	v18 =	vmax.f32 v22, $0.0e+00;
	v11 =	vmax.f32 v21, $0.0e+00;
	[tilespmem:s9+$0x30] =	vst v17  }
0x98: {  	v19 =	vmax.f32 v24, $0.0e+00;
	v20 =	vmax.f32 v25, $0.0e+00;
	v17 =	vmax.f32 v23, $0.0e+00;
	[tilespmem:s10+$0x0] =	vst v7  }
0x99: {  	v8 =	vtrunc.f32 v8;
	v9 =	vtrunc.f32 v9;
	v10 =	vmin.f32 v10, $3.100000000e+01;
	[tilespmem:s10+$0x10] =	vst v6  }
0x9a: {  	v13 =	vtrunc.f32 v13;
	v5 =	vtrunc.f32 v5;
	v11 =	vmin.f32 v11, $3.100000000e+01;
	[tilespmem:s10+$0x20] =	vst v4;
	s10 =	smov.u32 s9  }
0x9b: {  	v15 =	vtrunc.f32 v15;
	v14 =	vtrunc.f32 v14;
	v21 =	vmin.f32 v16, $3.100000000e+01  }
0x9c: {  	v18 =	vmin.f32 v18, $3.100000000e+01;
	v16 =	vtrunc.f32 v12;
	v7 =	vmin.f32 v17, $3.100000000e+01  }
0x9d: {  	v6 =	vcvt.f32.s32 v8;
	v8 =	vmin.f32 v19, $3.100000000e+01;
	v4 =	vmin.f32 v20, $3.100000000e+01  }
.Ltmp0:
0x9e: {  	v9 =	vcvt.f32.s32 v9;
	v17 =	vcvt.f32.s32 v5;
	(pc) =	sbr.rel @p0 .LBB2_2-.Ltmp0, $4  }
0x9f: {  	v19 =	vcvt.f32.s32 v13;
	v13 =	vcvt.f32.s32 v15;
	v6 =	vshll.u32 v6, $0x5  }
0xa0: {  	v12 =	vcvt.f32.s32 v14;
	v5 =	vshll.u32 v9, $0x5;
	v9 =	vcvt.f32.s32 v16  }
0xa1: {  	v16 =	vtrunc.f32 v10;
	v15 =	vtrunc.f32 v11;
	v10 =	vshll.u32 v17, $0x5  }
0xa2: {  	s12 =	sadd.s32 $0x80, s12;
	v14 =	vtrunc.f32 v18;
	v17 =	vtrunc.f32 v21;
	v11 =	vshll.u32 v19, $0x5  }
0xa3: {  	v16 =	vcvt.f32.s32 v16  }
0xa4: {  	v15 =	vcvt.f32.s32 v15  }
0xa5: {  	v7 =	vtrunc.f32 v7;
	v17 =	vcvt.f32.s32 v17;
	v6 =	vadd.s32 v16, v6  }
0xa6: {  	v13 =	vshll.u32 v13, $0x5;
	v14 =	vcvt.f32.s32 v14;
	v5 =	vadd.s32 v15, v5  }
0xa7: {  	v4 =	vtrunc.f32 v4;
	v7 =	vcvt.f32.s32 v7;
	v10 =	vadd.s32 v17, v10  }
0xa8: {  	v8 =	vtrunc.f32 v8;
	v4 =	vcvt.f32.s32 v4;
	v11 =	vadd.s32 v14, v11  }
0xa9: {  	v9 =	vshll.u32 v9, $0x5;
	v8 =	vcvt.f32.s32 v8;
	v7 =	vadd.s32 v7, v13  }
0xaa: {  	v12 =	vshll.u32 v12, $0x5;
	v4 =	vadd.s32 v4, v9;
	v6 =	vld.idx.msk [tilespmem:v6+s22+$0x0], $0xffff  }
0xab: {  	v8 =	vadd.s32 v8, v12;
	v5 =	vld.idx.msk [tilespmem:v5+s22+$0x0], $0xffff  }
0xac: {  	v9 =	vld.idx.msk [tilespmem:v10+s22+$0x0], $0xffff  }
0xad: {  	v10 =	vld.idx.msk [tilespmem:v11+s22+$0x0], $0xffff  }
0xae: {  	v7 =	vld.idx.msk [tilespmem:v7+s22+$0x0], $0xffff  }
0xaf: {  	v4 =	vld.idx.msk [tilespmem:v4+s22+$0x0], $0xffff;
	[tilespmem:s9+$0xFFFFFFC0] =	vst v6  }
0xb0: {  	v6 =	vld.idx.msk [tilespmem:v8+s22+$0x0], $0xffff;
	[tilespmem:s9+$0xFFFFFFD0] =	vst v5  }
0xb1: {  	[tilespmem:s9+$0xFFFFFFE0] =	vst v9  }
0xb2: {  	[tilespmem:s10+$0xFFFFFFF0] =	vst v10  }
0xb3: {  	[tilespmem:s10+$0x0] =	vst v7  }
0xb4: {  	[tilespmem:s10+$0x20] =	vst v4  }
0xb5: {  	[tilespmem:s10+$0x10] =	vst v6  }
0xb6: {  	s8 =	sld [smem:$0x7F5];
	_ =	sdelay $0x2  }
0xb7: {  	[hbm4b:s8+s1] =	stream.linear.scatter [tilespmem:s0], [sflag:$0x5], $0x2000, $0x38;
	[tilespmem:$0xC600] =	vst v63  }
0xb8: {  	s10 =	rddreg [dreg:$0x9]  }
0xb9: {  	[tilespmem:s1], [sflag:$0x1] =	stream.strided.gather [hbm4b:s10+s24], $0x2000, s25, s24, $0x38;
	[tilespmem:$0xC600] =	vst v63  }
0xba: {  	s11 =	rddreg [dreg:$0xa]  }
0xbb: {  	[tilespmem:s26], [sflag:$0x3] =	stream.strided.gather [hbm4b:s11+s24], $0x2000, s25, s24, $0x38;
	[tilespmem:$0xC600] =	vst v63  }
0xbc: {  	_ =	swait.ge [sflag:s2], $0x2000  }
0xbd: {  	[sflag:s2] =	ssyncset.done $0x0  }
0xbe: {  	[sflag:s2] =	ssyncadd.s32 $0xFFFFE000  }
0xbf: {  	_ =	swait.ge [sflag:s3], $0x2000  }
0xc0: {  	[sflag:s3] =	ssyncset.done $0x0  }
0xc1: {  	s12 =	simm.s32 $0x2040;
	[sflag:s3] =	ssyncadd.s32 $0xFFFFE000  }
0xc2: {  	s8 =	simm.s32 $0x6040;
	v4 =	vld [tilespmem:s12+$0x30]  }
0xc3: {  	v5 =	vld [tilespmem:s8+$0x30]  }
0xc4: {  	v6 =	vld [tilespmem:s12+$0xFFFFFFD0]  }
0xc5: {  	v7 =	vld [tilespmem:s12+$0xFFFFFFE0]  }
0xc6: {  	v8 =	vld [tilespmem:s12+$0xFFFFFFF0]  }
0xc7: {  	v9 =	vld [tilespmem:s12+$0x0]  }
0xc8: {  	v10 =	vld [tilespmem:s12+$0x10]  }
0xc9: {  	v12 =	vld [tilespmem:s12+$0xFFFFFFC0]  }
0xca: {  	v13 =	vld [tilespmem:s8+$0xFFFFFFC0]  }
0xcb: {  	v11 =	vld [tilespmem:s12+$0x20];
	v4 =	vmul.f32 v4, v0;
	v5 =	vmul.f32 v5, v1  }
0xcc: {  	v14 =	vld [tilespmem:s8+$0xFFFFFFD0];
	v6 =	vmul.f32 v6, v0;
	v7 =	vmul.f32 v7, v0  }
0xcd: {  	v8 =	vmul.f32 v8, v0;
	v9 =	vmul.f32 v9, v0  }
0xce: {  	v10 =	vmul.f32 v10, v0;
	v12 =	vmul.f32 v12, v0;
	v4 =	vadd.f32 v4, v2  }
0xcf: {  	v13 =	vmul.f32 v13, v1;
	v5 =	vadd.f32 v5, v3;
	v6 =	vadd.f32 v6, v2  }
0xd0: {  	v11 =	vmul.f32 v11, v0;
	v7 =	vadd.f32 v7, v2;
	v8 =	vadd.f32 v8, v2  }
0xd1: {  	v14 =	vmul.f32 v14, v1;
	v12 =	vadd.f32 v12, v2;
	v9 =	vadd.f32 v9, v2  }
0xd2: {  	v10 =	vadd.f32 v10, v2;
	v13 =	vadd.f32 v13, v3  }
0xd3: {  	v11 =	vadd.f32 v11, v2;
	v14 =	vadd.f32 v14, v3;
	v4 =	vmax.f32 v4, $0.0e+00  }
0xd4: {  	v5 =	vmax.f32 v5, $0.0e+00;
	v12 =	vmax.f32 v12, $0.0e+00;
	v6 =	vmax.f32 v6, $0.0e+00  }
0xd5: {  	v7 =	vmax.f32 v7, $0.0e+00;
	v8 =	vmax.f32 v8, $0.0e+00;
	v9 =	vmax.f32 v9, $0.0e+00  }
0xd6: {  	v15 =	vld [tilespmem:s8+$0xFFFFFFE0];
	v10 =	vmax.f32 v10, $0.0e+00;
	v11 =	vmax.f32 v11, $0.0e+00;
	v13 =	vmax.f32 v13, $0.0e+00  }
0xd7: {  	v16 =	vld [tilespmem:s8+$0xFFFFFFF0];
	v14 =	vmax.f32 v14, $0.0e+00;
	v4 =	vmin.f32 v4, $3.100000000e+01;
	v5 =	vmin.f32 v5, $3.100000000e+01  }
0xd8: {  	v17 =	vld [tilespmem:s8+$0x0];
	v12 =	vmin.f32 v12, $3.100000000e+01;
	v6 =	vmin.f32 v6, $3.100000000e+01;
	v7 =	vmin.f32 v7, $3.100000000e+01  }
0xd9: {  	v18 =	vld [tilespmem:s8+$0x10];
	v8 =	vmin.f32 v8, $3.100000000e+01;
	v9 =	vmin.f32 v9, $3.100000000e+01;
	v4 =	vtrunc.f32 v4  }
0xda: {  	v19 =	vld [tilespmem:s8+$0x20];
	v10 =	vmin.f32 v10, $3.100000000e+01;
	v5 =	vtrunc.f32 v5;
	v4 =	vcvt.f32.s32 v4  }
0xdb: {  	v11 =	vmin.f32 v11, $3.100000000e+01;
	v12 =	vtrunc.f32 v12;
	v5 =	vcvt.f32.s32 v5  }
0xdc: {  	v6 =	vtrunc.f32 v6;
	v20 =	vtrunc.f32 v8;
	v4 =	vshll.u32 v4, $0x5  }
0xdd: {  	v4 =	vadd.s32 v5, v4;
	v5 =	vmul.f32 v15, v1;
	v15 =	vmul.f32 v16, v1  }
0xde: {  	v14 =	vmin.f32 v14, $3.100000000e+01;
	v16 =	vmul.f32 v17, v1;
	v17 =	vmul.f32 v18, v1  }
0xdf: {  	v18 =	vmul.f32 v19, v1;
	v5 =	vadd.f32 v5, v3;
	v15 =	vadd.f32 v15, v3  }
0xe0: {  	v19 =	vmin.f32 v13, $3.100000000e+01;
	v16 =	vadd.f32 v16, v3;
	v17 =	vadd.f32 v17, v3  }
0xe1: {  	v13 =	vtrunc.f32 v7;
	v18 =	vadd.f32 v18, v3;
	v5 =	vmax.f32 v5, $0.0e+00  }
0xe2: {  	v15 =	vmax.f32 v15, $0.0e+00;
	v16 =	vmax.f32 v16, $0.0e+00;
	v17 =	vmax.f32 v17, $0.0e+00  }
0xe3: {  	v18 =	vmax.f32 v18, $0.0e+00;
	v21 =	vmin.f32 v5, $3.100000000e+01;
	v5 =	vtrunc.f32 v9  }
0xe4: {  	v9 =	vtrunc.f32 v10;
	v22 =	vmin.f32 v15, $3.100000000e+01;
	v10 =	vtrunc.f32 v11  }
0xe5: {  	v7 =	vmin.f32 v16, $3.100000000e+01;
	v23 =	vld.idx.msk [tilespmem:v4+s22+$0x0], $0xffff;
	v11 =	vcvt.f32.s32 v12;
	v12 =	vcvt.f32.s32 v6  }
0xe6: {  	v8 =	vmin.f32 v17, $3.100000000e+01;
	v17 =	vcvt.f32.s32 v13;
	v16 =	vtrunc.f32 v19  }
0xe7: {  	v4 =	vmin.f32 v18, $3.100000000e+01;
	v15 =	vtrunc.f32 v14;
	v13 =	vcvt.f32.s32 v5  }
0xe8: {  	v14 =	vtrunc.f32 v22;
	v6 =	vshll.u32 v11, $0x5;
	v11 =	vcvt.f32.s32 v20  }
0xe9: {  	s9 =	simm.s32 $0xA040;
	v5 =	vshll.u32 v12, $0x5;
	v12 =	vcvt.f32.s32 v9;
	v9 =	vcvt.f32.s32 v10  }
0xea: {  	s10 =	simm.s32 $0xA040;
	s11 =	simm.s32 $0x0;
	s12 =	simm.s32 $0x20C0;
	v10 =	vshll.u32 v17, $0x5;
	v17 =	vtrunc.f32 v21;
	v11 =	vshll.u32 v11, $0x5;
	[tilespmem:s9+$0x30] =	vst v23  }
.LBB2_4:
0xeb: {  	v18 =	vld [tilespmem:s12+$0x30];
	s11 =	sadd.s32 $0x8, s11;
	v7 =	vtrunc.f32 v7;
	v13 =	vshll.u32 v13, $0x5;
	v8 =	vtrunc.f32 v8;
	s8 =	sadd.s32 $0x80, s8  }
0xec: {  	v16 =	vcvt.f32.s32 v16;
	v12 =	vshll.u32 v12, $0x5;
	v4 =	vtrunc.f32 v4;
	v19 =	vld [tilespmem:s8+$0x30];
	p0 =	slt.u32 s11, $0x1F8  }
0xed: {  	v15 =	vcvt.f32.s32 v15;
	v17 =	vcvt.f32.s32 v17;
	v9 =	vshll.u32 v9, $0x5;
	v20 =	vld [tilespmem:s12+$0xFFFFFFD0]  }
0xee: {  	v14 =	vcvt.f32.s32 v14;
	v7 =	vcvt.f32.s32 v7;
	v6 =	vadd.s32 v16, v6;
	v21 =	vld [tilespmem:s12+$0xFFFFFFE0]  }
0xef: {  	v8 =	vcvt.f32.s32 v8;
	v4 =	vcvt.f32.s32 v4;
	v5 =	vadd.s32 v15, v5;
	v16 =	vld [tilespmem:s12+$0xFFFFFFF0]  }
0xf0: {  	v10 =	vadd.s32 v17, v10;
	v11 =	vadd.s32 v14, v11;
	v15 =	vld [tilespmem:s12+$0x0];
	v18 =	vmul.f32 v18, v0  }
0xf1: {  	v7 =	vadd.s32 v7, v13;
	v8 =	vadd.s32 v8, v12;
	v14 =	vld [tilespmem:s12+$0x10];
	v17 =	vmul.f32 v19, v1  }
0xf2: {  	v4 =	vadd.s32 v4, v9;
	v12 =	vmul.f32 v20, v0;
	v13 =	vld [tilespmem:s12+$0x20];
	v18 =	vadd.f32 v18, v2  }
0xf3: {  	v9 =	vld [tilespmem:s12+$0xFFFFFFC0];
	v19 =	vmul.f32 v21, v0;
	v17 =	vadd.f32 v17, v3  }
0xf4: {  	v20 =	vld [tilespmem:s8+$0xFFFFFFC0];
	v12 =	vadd.f32 v12, v2;
	v16 =	vmul.f32 v16, v0;
	v18 =	vmax.f32 v18, $0.0e+00  }
0xf5: {  	v21 =	vld [tilespmem:s8+$0xFFFFFFD0];
	v15 =	vmul.f32 v15, v0;
	v18 =	vmin.f32 v18, $3.100000000e+01;
	v17 =	vmax.f32 v17, $0.0e+00  }
0xf6: {  	v22 =	vld [tilespmem:s8+$0xFFFFFFE0];
	v14 =	vmul.f32 v14, v0;
	v17 =	vmin.f32 v17, $3.100000000e+01;
	v18 =	vtrunc.f32 v18  }
0xf7: {  	v19 =	vadd.f32 v19, v2;
	v23 =	vld [tilespmem:s8+$0xFFFFFFF0];
	v18 =	vcvt.f32.s32 v18;
	v17 =	vtrunc.f32 v17  }
0xf8: {  	v16 =	vadd.f32 v16, v2;
	v9 =	vmul.f32 v9, v0;
	v24 =	vld [tilespmem:s8+$0x0];
	v17 =	vcvt.f32.s32 v17  }
0xf9: {  	v13 =	vmul.f32 v13, v0;
	v20 =	vmul.f32 v20, v1;
	v25 =	vld [tilespmem:s8+$0x10];
	v18 =	vshll.u32 v18, $0x5  }
0xfa: {  	v9 =	vadd.f32 v9, v2;
	v21 =	vmul.f32 v21, v1;
	v26 =	vld [tilespmem:s8+$0x20];
	v17 =	vadd.s32 v17, v18  }
0xfb: {  	v15 =	vadd.f32 v15, v2;
	v14 =	vadd.f32 v14, v2;
	v18 =	vmul.f32 v22, v1;
	v6 =	vld.idx.msk [tilespmem:v6+s22+$0x0], $0xffff  }
0xfc: {  	v13 =	vadd.f32 v13, v2;
	v20 =	vadd.f32 v20, v3;
	v22 =	vmul.f32 v23, v1;
	v5 =	vld.idx.msk [tilespmem:v5+s22+$0x0], $0xffff  }
0xfd: {  	v21 =	vadd.f32 v21, v3;
	v18 =	vadd.f32 v18, v3;
	v23 =	vmul.f32 v24, v1;
	v10 =	vld.idx.msk [tilespmem:v10+s22+$0x0], $0xffff  }
0xfe: {  	v9 =	vmax.f32 v9, $0.0e+00;
	v22 =	vadd.f32 v22, v3;
	v24 =	vmul.f32 v25, v1;
	v11 =	vld.idx.msk [tilespmem:v11+s22+$0x0], $0xffff  }
0xff: {  	v12 =	vmax.f32 v12, $0.0e+00;
	v23 =	vadd.f32 v23, v3;
	v25 =	vmul.f32 v26, v1;
	v17 =	vld.idx.msk [tilespmem:v17+s22+$0x0], $0xffff  }
0x100: {  	v19 =	vmax.f32 v19, $0.0e+00;
	v16 =	vmax.f32 v16, $0.0e+00;
	v24 =	vadd.f32 v24, v3;
	v7 =	vld.idx.msk [tilespmem:v7+s22+$0x0], $0xffff  }
0x101: {  	v15 =	vmax.f32 v15, $0.0e+00;
	v14 =	vmax.f32 v14, $0.0e+00;
	v25 =	vadd.f32 v25, v3;
	[tilespmem:s9+$0xFFFFFFC0] =	vst v6;
	v6 =	vld.idx.msk [tilespmem:v8+s22+$0x0], $0xffff  }
0x102: {  	v8 =	vmin.f32 v9, $3.100000000e+01;
	v9 =	vmin.f32 v12, $3.100000000e+01;
	v12 =	vmax.f32 v13, $0.0e+00;
	[tilespmem:s9+$0xFFFFFFD0] =	vst v5;
	v4 =	vld.idx.msk [tilespmem:v4+s22+$0x0], $0xffff  }
0x103: {  	v15 =	vmin.f32 v15, $3.100000000e+01;
	v13 =	vmin.f32 v16, $3.100000000e+01;
	v5 =	vmin.f32 v19, $3.100000000e+01;
	[tilespmem:s9+$0xFFFFFFE0] =	vst v10  }
0x104: {  	v14 =	vmin.f32 v14, $3.100000000e+01;
	v12 =	vmin.f32 v12, $3.100000000e+01;
	v10 =	vmax.f32 v20, $0.0e+00;
	s9 =	sadd.s32 $0x80, s9;
	[tilespmem:s10+$0xFFFFFFF0] =	vst v11  }
0x105: {  	v16 =	vmax.f32 v18, $0.0e+00;
	v18 =	vmax.f32 v22, $0.0e+00;
	v11 =	vmax.f32 v21, $0.0e+00;
	[tilespmem:s9+$0x30] =	vst v17  }
0x106: {  	v19 =	vmax.f32 v24, $0.0e+00;
	v20 =	vmax.f32 v25, $0.0e+00;
	v17 =	vmax.f32 v23, $0.0e+00;
	[tilespmem:s10+$0x0] =	vst v7  }
0x107: {  	v8 =	vtrunc.f32 v8;
	v9 =	vtrunc.f32 v9;
	v10 =	vmin.f32 v10, $3.100000000e+01;
	[tilespmem:s10+$0x10] =	vst v6  }
0x108: {  	v13 =	vtrunc.f32 v13;
	v5 =	vtrunc.f32 v5;
	v11 =	vmin.f32 v11, $3.100000000e+01;
	[tilespmem:s10+$0x20] =	vst v4;
	s10 =	smov.u32 s9  }
0x109: {  	v15 =	vtrunc.f32 v15;
	v14 =	vtrunc.f32 v14;
	v21 =	vmin.f32 v16, $3.100000000e+01  }
0x10a: {  	v18 =	vmin.f32 v18, $3.100000000e+01;
	v16 =	vtrunc.f32 v12;
	v7 =	vmin.f32 v17, $3.100000000e+01  }
0x10b: {  	v6 =	vcvt.f32.s32 v8;
	v8 =	vmin.f32 v19, $3.100000000e+01;
	v4 =	vmin.f32 v20, $3.100000000e+01  }
.Ltmp1:
0x10c: {  	v9 =	vcvt.f32.s32 v9;
	v17 =	vcvt.f32.s32 v5;
	(pc) =	sbr.rel @p0 .LBB2_4-.Ltmp1, $4  }
0x10d: {  	v19 =	vcvt.f32.s32 v13;
	v13 =	vcvt.f32.s32 v15;
	v6 =	vshll.u32 v6, $0x5  }
0x10e: {  	v12 =	vcvt.f32.s32 v14;
	v5 =	vshll.u32 v9, $0x5;
	v9 =	vcvt.f32.s32 v16  }
0x10f: {  	v16 =	vtrunc.f32 v10;
	v15 =	vtrunc.f32 v11;
	v10 =	vshll.u32 v17, $0x5  }
0x110: {  	s12 =	sadd.s32 $0x80, s12;
	v14 =	vtrunc.f32 v18;
	v17 =	vtrunc.f32 v21;
	v11 =	vshll.u32 v19, $0x5  }
0x111: {  	v16 =	vcvt.f32.s32 v16  }
0x112: {  	v15 =	vcvt.f32.s32 v15  }
0x113: {  	v7 =	vtrunc.f32 v7;
	v17 =	vcvt.f32.s32 v17;
	v6 =	vadd.s32 v16, v6  }
0x114: {  	v13 =	vshll.u32 v13, $0x5;
	v14 =	vcvt.f32.s32 v14;
	v5 =	vadd.s32 v15, v5  }
0x115: {  	v4 =	vtrunc.f32 v4;
	v7 =	vcvt.f32.s32 v7;
	v10 =	vadd.s32 v17, v10  }
0x116: {  	v8 =	vtrunc.f32 v8;
	v4 =	vcvt.f32.s32 v4;
	v11 =	vadd.s32 v14, v11  }
0x117: {  	v9 =	vshll.u32 v9, $0x5;
	v8 =	vcvt.f32.s32 v8;
	v7 =	vadd.s32 v7, v13  }
0x118: {  	v12 =	vshll.u32 v12, $0x5;
	v4 =	vadd.s32 v4, v9;
	v6 =	vld.idx.msk [tilespmem:v6+s22+$0x0], $0xffff  }
0x119: {  	v8 =	vadd.s32 v8, v12;
	v5 =	vld.idx.msk [tilespmem:v5+s22+$0x0], $0xffff  }
0x11a: {  	v9 =	vld.idx.msk [tilespmem:v10+s22+$0x0], $0xffff  }
0x11b: {  	v10 =	vld.idx.msk [tilespmem:v11+s22+$0x0], $0xffff  }
0x11c: {  	v7 =	vld.idx.msk [tilespmem:v7+s22+$0x0], $0xffff  }
0x11d: {  	v4 =	vld.idx.msk [tilespmem:v4+s22+$0x0], $0xffff;
	[tilespmem:s9+$0xFFFFFFC0] =	vst v6  }
0x11e: {  	v6 =	vld.idx.msk [tilespmem:v8+s22+$0x0], $0xffff;
	[tilespmem:s9+$0xFFFFFFD0] =	vst v5  }
0x11f: {  	[tilespmem:s9+$0xFFFFFFE0] =	vst v9  }
0x120: {  	[tilespmem:s10+$0xFFFFFFF0] =	vst v10  }
0x121: {  	[tilespmem:s10+$0x0] =	vst v7  }
0x122: {  	[tilespmem:s10+$0x20] =	vst v4  }
0x123: {  	[tilespmem:s10+$0x10] =	vst v6  }
0x124: {  	s8 =	sld [smem:$0x7F6];
	_ =	sdelay $0x2  }
0x125: {  	[hbm4b:s8+s1] =	stream.linear.scatter [tilespmem:s4], [sflag:$0x6], $0x2000, $0x38;
	[tilespmem:$0xC600] =	vst v63  }
0x126: {  	s10 =	rddreg [dreg:$0xb]  }
0x127: {  	[tilespmem:s28], [sflag:$0x2] =	stream.strided.gather [hbm4b:s10+s24], $0x2000, s25, s24, $0x38;
	[tilespmem:$0xC600] =	vst v63  }
0x128: {  	s11 =	rddreg [dreg:$0xc]  }
0x129: {  	[tilespmem:s29], [sflag:$0x4] =	stream.strided.gather [hbm4b:s11+s24], $0x2000, s25, s24, $0x38;
	[tilespmem:$0xC600] =	vst v63  }
0x12a: {  	_ =	swait.ge [sflag:s30], $0x2000  }
0x12b: {  	[sflag:s30] =	ssyncset.done $0x0  }
0x12c: {  	[sflag:s30] =	ssyncadd.s32 $0xFFFFE000  }
0x12d: {  	_ =	swait.ge [sflag:s31], $0x2000  }
0x12e: {  	[sflag:s31] =	ssyncset.done $0x0  }
0x12f: {  	[sflag:s31] =	ssyncadd.s32 $0xFFFFE000  }
0x130: {  	_ =	swait.ge [sflag:s5], $0x2000  }
0x131: {  	[sflag:s5] =	ssyncset.done $0x0  }
0x132: {  	s12 =	simm.s32 $0x40;
	[sflag:s5] =	ssyncadd.s32 $0xFFFFE000  }
0x133: {  	s8 =	simm.s32 $0x4040;
	v4 =	vld [tilespmem:s12+$0x30]  }
0x134: {  	v5 =	vld [tilespmem:s8+$0x30]  }
0x135: {  	v6 =	vld [tilespmem:s12+$0xFFFFFFD0]  }
0x136: {  	v7 =	vld [tilespmem:s12+$0xFFFFFFE0]  }
0x137: {  	v8 =	vld [tilespmem:s12+$0xFFFFFFF0]  }
0x138: {  	v9 =	vld [tilespmem:s12+$0x0]  }
0x139: {  	v10 =	vld [tilespmem:s12+$0x10]  }
0x13a: {  	v12 =	vld [tilespmem:s12+$0xFFFFFFC0]  }
0x13b: {  	v13 =	vld [tilespmem:s8+$0xFFFFFFC0]  }
0x13c: {  	v11 =	vld [tilespmem:s12+$0x20];
	v4 =	vmul.f32 v4, v0;
	v5 =	vmul.f32 v5, v1  }
0x13d: {  	v14 =	vld [tilespmem:s8+$0xFFFFFFD0];
	v6 =	vmul.f32 v6, v0;
	v7 =	vmul.f32 v7, v0  }
0x13e: {  	v8 =	vmul.f32 v8, v0;
	v9 =	vmul.f32 v9, v0  }
0x13f: {  	v10 =	vmul.f32 v10, v0;
	v12 =	vmul.f32 v12, v0;
	v4 =	vadd.f32 v4, v2  }
0x140: {  	v13 =	vmul.f32 v13, v1;
	v5 =	vadd.f32 v5, v3;
	v6 =	vadd.f32 v6, v2  }
0x141: {  	v11 =	vmul.f32 v11, v0;
	v7 =	vadd.f32 v7, v2;
	v8 =	vadd.f32 v8, v2  }
0x142: {  	v14 =	vmul.f32 v14, v1;
	v12 =	vadd.f32 v12, v2;
	v9 =	vadd.f32 v9, v2  }
0x143: {  	v10 =	vadd.f32 v10, v2;
	v13 =	vadd.f32 v13, v3  }
0x144: {  	v11 =	vadd.f32 v11, v2;
	v14 =	vadd.f32 v14, v3;
	v4 =	vmax.f32 v4, $0.0e+00  }
0x145: {  	v5 =	vmax.f32 v5, $0.0e+00;
	v12 =	vmax.f32 v12, $0.0e+00;
	v6 =	vmax.f32 v6, $0.0e+00  }
0x146: {  	v7 =	vmax.f32 v7, $0.0e+00;
	v8 =	vmax.f32 v8, $0.0e+00;
	v9 =	vmax.f32 v9, $0.0e+00  }
0x147: {  	v15 =	vld [tilespmem:s8+$0xFFFFFFE0];
	v10 =	vmax.f32 v10, $0.0e+00;
	v11 =	vmax.f32 v11, $0.0e+00;
	v13 =	vmax.f32 v13, $0.0e+00  }
0x148: {  	v16 =	vld [tilespmem:s8+$0xFFFFFFF0];
	v14 =	vmax.f32 v14, $0.0e+00;
	v4 =	vmin.f32 v4, $3.100000000e+01;
	v5 =	vmin.f32 v5, $3.100000000e+01  }
0x149: {  	v17 =	vld [tilespmem:s8+$0x0];
	v12 =	vmin.f32 v12, $3.100000000e+01;
	v6 =	vmin.f32 v6, $3.100000000e+01;
	v7 =	vmin.f32 v7, $3.100000000e+01  }
0x14a: {  	v18 =	vld [tilespmem:s8+$0x10];
	v8 =	vmin.f32 v8, $3.100000000e+01;
	v9 =	vmin.f32 v9, $3.100000000e+01;
	v4 =	vtrunc.f32 v4  }
0x14b: {  	v19 =	vld [tilespmem:s8+$0x20];
	v10 =	vmin.f32 v10, $3.100000000e+01;
	v5 =	vtrunc.f32 v5;
	v4 =	vcvt.f32.s32 v4  }
0x14c: {  	v11 =	vmin.f32 v11, $3.100000000e+01;
	v12 =	vtrunc.f32 v12;
	v5 =	vcvt.f32.s32 v5  }
0x14d: {  	v6 =	vtrunc.f32 v6;
	v20 =	vtrunc.f32 v8;
	v4 =	vshll.u32 v4, $0x5  }
0x14e: {  	v4 =	vadd.s32 v5, v4;
	v5 =	vmul.f32 v15, v1;
	v15 =	vmul.f32 v16, v1  }
0x14f: {  	v14 =	vmin.f32 v14, $3.100000000e+01;
	v16 =	vmul.f32 v17, v1;
	v17 =	vmul.f32 v18, v1  }
0x150: {  	v18 =	vmul.f32 v19, v1;
	v5 =	vadd.f32 v5, v3;
	v15 =	vadd.f32 v15, v3  }
0x151: {  	v19 =	vmin.f32 v13, $3.100000000e+01;
	v16 =	vadd.f32 v16, v3;
	v17 =	vadd.f32 v17, v3  }
0x152: {  	v13 =	vtrunc.f32 v7;
	v18 =	vadd.f32 v18, v3;
	v5 =	vmax.f32 v5, $0.0e+00  }
0x153: {  	v15 =	vmax.f32 v15, $0.0e+00;
	v16 =	vmax.f32 v16, $0.0e+00;
	v17 =	vmax.f32 v17, $0.0e+00  }
0x154: {  	v18 =	vmax.f32 v18, $0.0e+00;
	v21 =	vmin.f32 v5, $3.100000000e+01;
	v5 =	vtrunc.f32 v9  }
0x155: {  	v9 =	vtrunc.f32 v10;
	v22 =	vmin.f32 v15, $3.100000000e+01;
	v10 =	vtrunc.f32 v11  }
0x156: {  	v7 =	vmin.f32 v16, $3.100000000e+01;
	v23 =	vld.idx.msk [tilespmem:v4+s22+$0x0], $0xffff;
	v11 =	vcvt.f32.s32 v12;
	v12 =	vcvt.f32.s32 v6  }
0x157: {  	v8 =	vmin.f32 v17, $3.100000000e+01;
	v17 =	vcvt.f32.s32 v13;
	v16 =	vtrunc.f32 v19  }
0x158: {  	v4 =	vmin.f32 v18, $3.100000000e+01;
	v15 =	vtrunc.f32 v14;
	v13 =	vcvt.f32.s32 v5  }
0x159: {  	v14 =	vtrunc.f32 v22;
	v6 =	vshll.u32 v11, $0x5;
	v11 =	vcvt.f32.s32 v20  }
0x15a: {  	s9 =	simm.s32 $0x8040;
	v5 =	vshll.u32 v12, $0x5;
	v12 =	vcvt.f32.s32 v9;
	v9 =	vcvt.f32.s32 v10  }
0x15b: {  	s10 =	simm.s32 $0x8040;
	s11 =	simm.s32 $0x0;
	s12 =	simm.s32 $0xC0;
	v10 =	vshll.u32 v17, $0x5;
	v17 =	vtrunc.f32 v21;
	v11 =	vshll.u32 v11, $0x5;
	[tilespmem:s9+$0x30] =	vst v23  }
.LBB2_6:
0x15c: {  	v18 =	vld [tilespmem:s12+$0x30];
	s11 =	sadd.s32 $0x8, s11;
	v7 =	vtrunc.f32 v7;
	v13 =	vshll.u32 v13, $0x5;
	v8 =	vtrunc.f32 v8;
	s8 =	sadd.s32 $0x80, s8  }
0x15d: {  	v16 =	vcvt.f32.s32 v16;
	v12 =	vshll.u32 v12, $0x5;
	v4 =	vtrunc.f32 v4;
	v19 =	vld [tilespmem:s8+$0x30];
	p0 =	slt.u32 s11, $0x1F8  }
0x15e: {  	v15 =	vcvt.f32.s32 v15;
	v17 =	vcvt.f32.s32 v17;
	v9 =	vshll.u32 v9, $0x5;
	v20 =	vld [tilespmem:s12+$0xFFFFFFD0]  }
0x15f: {  	v14 =	vcvt.f32.s32 v14;
	v7 =	vcvt.f32.s32 v7;
	v6 =	vadd.s32 v16, v6;
	v21 =	vld [tilespmem:s12+$0xFFFFFFE0]  }
0x160: {  	v8 =	vcvt.f32.s32 v8;
	v4 =	vcvt.f32.s32 v4;
	v5 =	vadd.s32 v15, v5;
	v16 =	vld [tilespmem:s12+$0xFFFFFFF0]  }
0x161: {  	v10 =	vadd.s32 v17, v10;
	v11 =	vadd.s32 v14, v11;
	v15 =	vld [tilespmem:s12+$0x0];
	v18 =	vmul.f32 v18, v0  }
0x162: {  	v7 =	vadd.s32 v7, v13;
	v8 =	vadd.s32 v8, v12;
	v14 =	vld [tilespmem:s12+$0x10];
	v17 =	vmul.f32 v19, v1  }
0x163: {  	v4 =	vadd.s32 v4, v9;
	v12 =	vmul.f32 v20, v0;
	v13 =	vld [tilespmem:s12+$0x20];
	v18 =	vadd.f32 v18, v2  }
0x164: {  	v9 =	vld [tilespmem:s12+$0xFFFFFFC0];
	v19 =	vmul.f32 v21, v0;
	v17 =	vadd.f32 v17, v3  }
0x165: {  	v20 =	vld [tilespmem:s8+$0xFFFFFFC0];
	v12 =	vadd.f32 v12, v2;
	v16 =	vmul.f32 v16, v0;
	v18 =	vmax.f32 v18, $0.0e+00  }
0x166: {  	v21 =	vld [tilespmem:s8+$0xFFFFFFD0];
	v15 =	vmul.f32 v15, v0;
	v18 =	vmin.f32 v18, $3.100000000e+01;
	v17 =	vmax.f32 v17, $0.0e+00  }
0x167: {  	v22 =	vld [tilespmem:s8+$0xFFFFFFE0];
	v14 =	vmul.f32 v14, v0;
	v17 =	vmin.f32 v17, $3.100000000e+01;
	v18 =	vtrunc.f32 v18  }
0x168: {  	v19 =	vadd.f32 v19, v2;
	v23 =	vld [tilespmem:s8+$0xFFFFFFF0];
	v18 =	vcvt.f32.s32 v18;
	v17 =	vtrunc.f32 v17  }
0x169: {  	v16 =	vadd.f32 v16, v2;
	v9 =	vmul.f32 v9, v0;
	v24 =	vld [tilespmem:s8+$0x0];
	v17 =	vcvt.f32.s32 v17  }
0x16a: {  	v13 =	vmul.f32 v13, v0;
	v20 =	vmul.f32 v20, v1;
	v25 =	vld [tilespmem:s8+$0x10];
	v18 =	vshll.u32 v18, $0x5  }
0x16b: {  	v9 =	vadd.f32 v9, v2;
	v21 =	vmul.f32 v21, v1;
	v26 =	vld [tilespmem:s8+$0x20];
	v17 =	vadd.s32 v17, v18  }
0x16c: {  	v15 =	vadd.f32 v15, v2;
	v14 =	vadd.f32 v14, v2;
	v18 =	vmul.f32 v22, v1;
	v6 =	vld.idx.msk [tilespmem:v6+s22+$0x0], $0xffff  }
0x16d: {  	v13 =	vadd.f32 v13, v2;
	v20 =	vadd.f32 v20, v3;
	v22 =	vmul.f32 v23, v1;
	v5 =	vld.idx.msk [tilespmem:v5+s22+$0x0], $0xffff  }
0x16e: {  	v21 =	vadd.f32 v21, v3;
	v18 =	vadd.f32 v18, v3;
	v23 =	vmul.f32 v24, v1;
	v10 =	vld.idx.msk [tilespmem:v10+s22+$0x0], $0xffff  }
0x16f: {  	v9 =	vmax.f32 v9, $0.0e+00;
	v22 =	vadd.f32 v22, v3;
	v24 =	vmul.f32 v25, v1;
	v11 =	vld.idx.msk [tilespmem:v11+s22+$0x0], $0xffff  }
0x170: {  	v12 =	vmax.f32 v12, $0.0e+00;
	v23 =	vadd.f32 v23, v3;
	v25 =	vmul.f32 v26, v1;
	v17 =	vld.idx.msk [tilespmem:v17+s22+$0x0], $0xffff  }
0x171: {  	v19 =	vmax.f32 v19, $0.0e+00;
	v16 =	vmax.f32 v16, $0.0e+00;
	v24 =	vadd.f32 v24, v3;
	v7 =	vld.idx.msk [tilespmem:v7+s22+$0x0], $0xffff  }
0x172: {  	v15 =	vmax.f32 v15, $0.0e+00;
	v14 =	vmax.f32 v14, $0.0e+00;
	v25 =	vadd.f32 v25, v3;
	[tilespmem:s9+$0xFFFFFFC0] =	vst v6;
	v6 =	vld.idx.msk [tilespmem:v8+s22+$0x0], $0xffff  }
0x173: {  	v8 =	vmin.f32 v9, $3.100000000e+01;
	v9 =	vmin.f32 v12, $3.100000000e+01;
	v12 =	vmax.f32 v13, $0.0e+00;
	[tilespmem:s9+$0xFFFFFFD0] =	vst v5;
	v4 =	vld.idx.msk [tilespmem:v4+s22+$0x0], $0xffff  }
0x174: {  	v15 =	vmin.f32 v15, $3.100000000e+01;
	v13 =	vmin.f32 v16, $3.100000000e+01;
	v5 =	vmin.f32 v19, $3.100000000e+01;
	[tilespmem:s9+$0xFFFFFFE0] =	vst v10  }
0x175: {  	v14 =	vmin.f32 v14, $3.100000000e+01;
	v12 =	vmin.f32 v12, $3.100000000e+01;
	v10 =	vmax.f32 v20, $0.0e+00;
	s9 =	sadd.s32 $0x80, s9;
	[tilespmem:s10+$0xFFFFFFF0] =	vst v11  }
0x176: {  	v16 =	vmax.f32 v18, $0.0e+00;
	v18 =	vmax.f32 v22, $0.0e+00;
	v11 =	vmax.f32 v21, $0.0e+00;
	[tilespmem:s9+$0x30] =	vst v17  }
0x177: {  	v19 =	vmax.f32 v24, $0.0e+00;
	v20 =	vmax.f32 v25, $0.0e+00;
	v17 =	vmax.f32 v23, $0.0e+00;
	[tilespmem:s10+$0x0] =	vst v7  }
0x178: {  	v8 =	vtrunc.f32 v8;
	v9 =	vtrunc.f32 v9;
	v10 =	vmin.f32 v10, $3.100000000e+01;
	[tilespmem:s10+$0x10] =	vst v6  }
0x179: {  	v13 =	vtrunc.f32 v13;
	v5 =	vtrunc.f32 v5;
	v11 =	vmin.f32 v11, $3.100000000e+01;
	[tilespmem:s10+$0x20] =	vst v4;
	s10 =	smov.u32 s9  }
0x17a: {  	v15 =	vtrunc.f32 v15;
	v14 =	vtrunc.f32 v14;
	v21 =	vmin.f32 v16, $3.100000000e+01  }
0x17b: {  	v18 =	vmin.f32 v18, $3.100000000e+01;
	v16 =	vtrunc.f32 v12;
	v7 =	vmin.f32 v17, $3.100000000e+01  }
0x17c: {  	v6 =	vcvt.f32.s32 v8;
	v8 =	vmin.f32 v19, $3.100000000e+01;
	v4 =	vmin.f32 v20, $3.100000000e+01  }
.Ltmp2:
0x17d: {  	v9 =	vcvt.f32.s32 v9;
	v17 =	vcvt.f32.s32 v5;
	(pc) =	sbr.rel @p0 .LBB2_6-.Ltmp2, $4  }
0x17e: {  	v19 =	vcvt.f32.s32 v13;
	v13 =	vcvt.f32.s32 v15;
	v6 =	vshll.u32 v6, $0x5  }
0x17f: {  	v12 =	vcvt.f32.s32 v14;
	v5 =	vshll.u32 v9, $0x5;
	v9 =	vcvt.f32.s32 v16  }
0x180: {  	v16 =	vtrunc.f32 v10;
	v15 =	vtrunc.f32 v11;
	v10 =	vshll.u32 v17, $0x5  }
0x181: {  	s12 =	sadd.s32 $0x80, s12;
	v14 =	vtrunc.f32 v18;
	v17 =	vtrunc.f32 v21;
	v11 =	vshll.u32 v19, $0x5  }
0x182: {  	v16 =	vcvt.f32.s32 v16  }
0x183: {  	v15 =	vcvt.f32.s32 v15  }
0x184: {  	v7 =	vtrunc.f32 v7;
	v17 =	vcvt.f32.s32 v17;
	v6 =	vadd.s32 v16, v6  }
0x185: {  	v13 =	vshll.u32 v13, $0x5;
	v14 =	vcvt.f32.s32 v14;
	v5 =	vadd.s32 v15, v5  }
0x186: {  	v4 =	vtrunc.f32 v4;
	v7 =	vcvt.f32.s32 v7;
	v10 =	vadd.s32 v17, v10  }
0x187: {  	v8 =	vtrunc.f32 v8;
	v4 =	vcvt.f32.s32 v4;
	v11 =	vadd.s32 v14, v11  }
0x188: {  	v9 =	vshll.u32 v9, $0x5;
	v8 =	vcvt.f32.s32 v8;
	v7 =	vadd.s32 v7, v13  }
0x189: {  	v12 =	vshll.u32 v12, $0x5;
	v4 =	vadd.s32 v4, v9;
	v6 =	vld.idx.msk [tilespmem:v6+s22+$0x0], $0xffff  }
0x18a: {  	v8 =	vadd.s32 v8, v12;
	v5 =	vld.idx.msk [tilespmem:v5+s22+$0x0], $0xffff  }
0x18b: {  	v9 =	vld.idx.msk [tilespmem:v10+s22+$0x0], $0xffff  }
0x18c: {  	v10 =	vld.idx.msk [tilespmem:v11+s22+$0x0], $0xffff  }
0x18d: {  	v7 =	vld.idx.msk [tilespmem:v7+s22+$0x0], $0xffff  }
0x18e: {  	v4 =	vld.idx.msk [tilespmem:v4+s22+$0x0], $0xffff;
	[tilespmem:s9+$0xFFFFFFC0] =	vst v6  }
0x18f: {  	v6 =	vld.idx.msk [tilespmem:v8+s22+$0x0], $0xffff;
	[tilespmem:s9+$0xFFFFFFD0] =	vst v5  }
0x190: {  	[tilespmem:s9+$0xFFFFFFE0] =	vst v9  }
0x191: {  	[tilespmem:s10+$0xFFFFFFF0] =	vst v10  }
0x192: {  	[tilespmem:s10+$0x0] =	vst v7  }
0x193: {  	[tilespmem:s10+$0x20] =	vst v4  }
0x194: {  	[tilespmem:s10+$0x10] =	vst v6  }
0x195: {  	s8 =	sld [smem:$0x7F7];
	_ =	sdelay $0x2  }
0x196: {  	[hbm4b:s8+s1] =	stream.linear.scatter [tilespmem:s0], [sflag:$0x5], $0x2000, $0x38;
	[tilespmem:$0xC600] =	vst v63  }
0x197: {  	s10 =	rddreg [dreg:$0xd]  }
0x198: {  	[tilespmem:s1], [sflag:$0x1] =	stream.strided.gather [hbm4b:s10+s24], $0x2000, s25, s24, $0x38;
	[tilespmem:$0xC600] =	vst v63  }
0x199: {  	s11 =	rddreg [dreg:$0xe]  }
0x19a: {  	[tilespmem:s26], [sflag:$0x3] =	stream.strided.gather [hbm4b:s11+s24], $0x2000, s25, s24, $0x38;
	[tilespmem:$0xC600] =	vst v63  }
0x19b: {  	_ =	swait.ge [sflag:s2], $0x2000  }
0x19c: {  	[sflag:s2] =	ssyncset.done $0x0  }
0x19d: {  	[sflag:s2] =	ssyncadd.s32 $0xFFFFE000  }
0x19e: {  	_ =	swait.ge [sflag:s3], $0x2000  }
0x19f: {  	[sflag:s3] =	ssyncset.done $0x0  }
0x1a0: {  	[sflag:s3] =	ssyncadd.s32 $0xFFFFE000  }
0x1a1: {  	_ =	swait.ge [sflag:s6], $0x2000  }
0x1a2: {  	[sflag:s6] =	ssyncset.done $0x0  }
0x1a3: {  	s12 =	simm.s32 $0x2040;
	[sflag:s6] =	ssyncadd.s32 $0xFFFFE000  }
0x1a4: {  	s8 =	simm.s32 $0x6040;
	v4 =	vld [tilespmem:s12+$0x30]  }
0x1a5: {  	v5 =	vld [tilespmem:s8+$0x30]  }
0x1a6: {  	v6 =	vld [tilespmem:s12+$0xFFFFFFD0]  }
0x1a7: {  	v7 =	vld [tilespmem:s12+$0xFFFFFFE0]  }
0x1a8: {  	v8 =	vld [tilespmem:s12+$0xFFFFFFF0]  }
0x1a9: {  	v9 =	vld [tilespmem:s12+$0x0]  }
0x1aa: {  	v10 =	vld [tilespmem:s12+$0x10]  }
0x1ab: {  	v12 =	vld [tilespmem:s12+$0xFFFFFFC0]  }
0x1ac: {  	v13 =	vld [tilespmem:s8+$0xFFFFFFC0]  }
0x1ad: {  	v11 =	vld [tilespmem:s12+$0x20];
	v4 =	vmul.f32 v4, v0;
	v5 =	vmul.f32 v5, v1  }
0x1ae: {  	v14 =	vld [tilespmem:s8+$0xFFFFFFD0];
	v6 =	vmul.f32 v6, v0;
	v7 =	vmul.f32 v7, v0  }
0x1af: {  	v8 =	vmul.f32 v8, v0;
	v9 =	vmul.f32 v9, v0  }
0x1b0: {  	v10 =	vmul.f32 v10, v0;
	v12 =	vmul.f32 v12, v0;
	v4 =	vadd.f32 v4, v2  }
0x1b1: {  	v13 =	vmul.f32 v13, v1;
	v5 =	vadd.f32 v5, v3;
	v6 =	vadd.f32 v6, v2  }
0x1b2: {  	v11 =	vmul.f32 v11, v0;
	v7 =	vadd.f32 v7, v2;
	v8 =	vadd.f32 v8, v2  }
0x1b3: {  	v14 =	vmul.f32 v14, v1;
	v12 =	vadd.f32 v12, v2;
	v9 =	vadd.f32 v9, v2  }
0x1b4: {  	v10 =	vadd.f32 v10, v2;
	v13 =	vadd.f32 v13, v3  }
0x1b5: {  	v11 =	vadd.f32 v11, v2;
	v14 =	vadd.f32 v14, v3;
	v4 =	vmax.f32 v4, $0.0e+00  }
0x1b6: {  	v5 =	vmax.f32 v5, $0.0e+00;
	v12 =	vmax.f32 v12, $0.0e+00;
	v6 =	vmax.f32 v6, $0.0e+00  }
0x1b7: {  	v7 =	vmax.f32 v7, $0.0e+00;
	v8 =	vmax.f32 v8, $0.0e+00;
	v9 =	vmax.f32 v9, $0.0e+00  }
0x1b8: {  	v15 =	vld [tilespmem:s8+$0xFFFFFFE0];
	v10 =	vmax.f32 v10, $0.0e+00;
	v11 =	vmax.f32 v11, $0.0e+00;
	v13 =	vmax.f32 v13, $0.0e+00  }
0x1b9: {  	v16 =	vld [tilespmem:s8+$0xFFFFFFF0];
	v14 =	vmax.f32 v14, $0.0e+00;
	v4 =	vmin.f32 v4, $3.100000000e+01;
	v5 =	vmin.f32 v5, $3.100000000e+01  }
0x1ba: {  	v17 =	vld [tilespmem:s8+$0x0];
	v12 =	vmin.f32 v12, $3.100000000e+01;
	v6 =	vmin.f32 v6, $3.100000000e+01;
	v7 =	vmin.f32 v7, $3.100000000e+01  }
0x1bb: {  	v18 =	vld [tilespmem:s8+$0x10];
	v8 =	vmin.f32 v8, $3.100000000e+01;
	v9 =	vmin.f32 v9, $3.100000000e+01;
	v4 =	vtrunc.f32 v4  }
0x1bc: {  	v19 =	vld [tilespmem:s8+$0x20];
	v10 =	vmin.f32 v10, $3.100000000e+01;
	v5 =	vtrunc.f32 v5;
	v4 =	vcvt.f32.s32 v4  }
0x1bd: {  	v11 =	vmin.f32 v11, $3.100000000e+01;
	v12 =	vtrunc.f32 v12;
	v5 =	vcvt.f32.s32 v5  }
0x1be: {  	v6 =	vtrunc.f32 v6;
	v20 =	vtrunc.f32 v8;
	v4 =	vshll.u32 v4, $0x5  }
0x1bf: {  	v4 =	vadd.s32 v5, v4;
	v5 =	vmul.f32 v15, v1;
	v15 =	vmul.f32 v16, v1  }
0x1c0: {  	v14 =	vmin.f32 v14, $3.100000000e+01;
	v16 =	vmul.f32 v17, v1;
	v17 =	vmul.f32 v18, v1  }
0x1c1: {  	v18 =	vmul.f32 v19, v1;
	v5 =	vadd.f32 v5, v3;
	v15 =	vadd.f32 v15, v3  }
0x1c2: {  	v19 =	vmin.f32 v13, $3.100000000e+01;
	v16 =	vadd.f32 v16, v3;
	v17 =	vadd.f32 v17, v3  }
0x1c3: {  	v13 =	vtrunc.f32 v7;
	v18 =	vadd.f32 v18, v3;
	v5 =	vmax.f32 v5, $0.0e+00  }
0x1c4: {  	v15 =	vmax.f32 v15, $0.0e+00;
	v16 =	vmax.f32 v16, $0.0e+00;
	v17 =	vmax.f32 v17, $0.0e+00  }
0x1c5: {  	v18 =	vmax.f32 v18, $0.0e+00;
	v21 =	vmin.f32 v5, $3.100000000e+01;
	v5 =	vtrunc.f32 v9  }
0x1c6: {  	v9 =	vtrunc.f32 v10;
	v22 =	vmin.f32 v15, $3.100000000e+01;
	v10 =	vtrunc.f32 v11  }
0x1c7: {  	v7 =	vmin.f32 v16, $3.100000000e+01;
	v23 =	vld.idx.msk [tilespmem:v4+s22+$0x0], $0xffff;
	v11 =	vcvt.f32.s32 v12;
	v12 =	vcvt.f32.s32 v6  }
0x1c8: {  	v8 =	vmin.f32 v17, $3.100000000e+01;
	v17 =	vcvt.f32.s32 v13;
	v16 =	vtrunc.f32 v19  }
0x1c9: {  	v4 =	vmin.f32 v18, $3.100000000e+01;
	v15 =	vtrunc.f32 v14;
	v13 =	vcvt.f32.s32 v5  }
0x1ca: {  	v14 =	vtrunc.f32 v22;
	v6 =	vshll.u32 v11, $0x5;
	v11 =	vcvt.f32.s32 v20  }
0x1cb: {  	s9 =	simm.s32 $0xA040;
	v5 =	vshll.u32 v12, $0x5;
	v12 =	vcvt.f32.s32 v9;
	v9 =	vcvt.f32.s32 v10  }
0x1cc: {  	s10 =	simm.s32 $0xA040;
	s11 =	simm.s32 $0x0;
	s12 =	simm.s32 $0x20C0;
	v10 =	vshll.u32 v17, $0x5;
	v17 =	vtrunc.f32 v21;
	v11 =	vshll.u32 v11, $0x5;
	[tilespmem:s9+$0x30] =	vst v23  }
.LBB2_8:
0x1cd: {  	v18 =	vld [tilespmem:s12+$0x30];
	s11 =	sadd.s32 $0x8, s11;
	v7 =	vtrunc.f32 v7;
	v13 =	vshll.u32 v13, $0x5;
	v8 =	vtrunc.f32 v8;
	s8 =	sadd.s32 $0x80, s8  }
0x1ce: {  	v16 =	vcvt.f32.s32 v16;
	v12 =	vshll.u32 v12, $0x5;
	v4 =	vtrunc.f32 v4;
	v19 =	vld [tilespmem:s8+$0x30];
	p0 =	slt.u32 s11, $0x1F8  }
0x1cf: {  	v15 =	vcvt.f32.s32 v15;
	v17 =	vcvt.f32.s32 v17;
	v9 =	vshll.u32 v9, $0x5;
	v20 =	vld [tilespmem:s12+$0xFFFFFFD0]  }
0x1d0: {  	v14 =	vcvt.f32.s32 v14;
	v7 =	vcvt.f32.s32 v7;
	v6 =	vadd.s32 v16, v6;
	v21 =	vld [tilespmem:s12+$0xFFFFFFE0]  }
0x1d1: {  	v8 =	vcvt.f32.s32 v8;
	v4 =	vcvt.f32.s32 v4;
	v5 =	vadd.s32 v15, v5;
	v16 =	vld [tilespmem:s12+$0xFFFFFFF0]  }
0x1d2: {  	v10 =	vadd.s32 v17, v10;
	v11 =	vadd.s32 v14, v11;
	v15 =	vld [tilespmem:s12+$0x0];
	v18 =	vmul.f32 v18, v0  }
0x1d3: {  	v7 =	vadd.s32 v7, v13;
	v8 =	vadd.s32 v8, v12;
	v14 =	vld [tilespmem:s12+$0x10];
	v17 =	vmul.f32 v19, v1  }
0x1d4: {  	v4 =	vadd.s32 v4, v9;
	v12 =	vmul.f32 v20, v0;
	v13 =	vld [tilespmem:s12+$0x20];
	v18 =	vadd.f32 v18, v2  }
0x1d5: {  	v9 =	vld [tilespmem:s12+$0xFFFFFFC0];
	v19 =	vmul.f32 v21, v0;
	v17 =	vadd.f32 v17, v3  }
0x1d6: {  	v20 =	vld [tilespmem:s8+$0xFFFFFFC0];
	v12 =	vadd.f32 v12, v2;
	v16 =	vmul.f32 v16, v0;
	v18 =	vmax.f32 v18, $0.0e+00  }
0x1d7: {  	v21 =	vld [tilespmem:s8+$0xFFFFFFD0];
	v15 =	vmul.f32 v15, v0;
	v18 =	vmin.f32 v18, $3.100000000e+01;
	v17 =	vmax.f32 v17, $0.0e+00  }
0x1d8: {  	v22 =	vld [tilespmem:s8+$0xFFFFFFE0];
	v14 =	vmul.f32 v14, v0;
	v17 =	vmin.f32 v17, $3.100000000e+01;
	v18 =	vtrunc.f32 v18  }
0x1d9: {  	v19 =	vadd.f32 v19, v2;
	v23 =	vld [tilespmem:s8+$0xFFFFFFF0];
	v18 =	vcvt.f32.s32 v18;
	v17 =	vtrunc.f32 v17  }
0x1da: {  	v16 =	vadd.f32 v16, v2;
	v9 =	vmul.f32 v9, v0;
	v24 =	vld [tilespmem:s8+$0x0];
	v17 =	vcvt.f32.s32 v17  }
0x1db: {  	v13 =	vmul.f32 v13, v0;
	v20 =	vmul.f32 v20, v1;
	v25 =	vld [tilespmem:s8+$0x10];
	v18 =	vshll.u32 v18, $0x5  }
0x1dc: {  	v9 =	vadd.f32 v9, v2;
	v21 =	vmul.f32 v21, v1;
	v26 =	vld [tilespmem:s8+$0x20];
	v17 =	vadd.s32 v17, v18  }
0x1dd: {  	v15 =	vadd.f32 v15, v2;
	v14 =	vadd.f32 v14, v2;
	v18 =	vmul.f32 v22, v1;
	v6 =	vld.idx.msk [tilespmem:v6+s22+$0x0], $0xffff  }
0x1de: {  	v13 =	vadd.f32 v13, v2;
	v20 =	vadd.f32 v20, v3;
	v22 =	vmul.f32 v23, v1;
	v5 =	vld.idx.msk [tilespmem:v5+s22+$0x0], $0xffff  }
0x1df: {  	v21 =	vadd.f32 v21, v3;
	v18 =	vadd.f32 v18, v3;
	v23 =	vmul.f32 v24, v1;
	v10 =	vld.idx.msk [tilespmem:v10+s22+$0x0], $0xffff  }
0x1e0: {  	v9 =	vmax.f32 v9, $0.0e+00;
	v22 =	vadd.f32 v22, v3;
	v24 =	vmul.f32 v25, v1;
	v11 =	vld.idx.msk [tilespmem:v11+s22+$0x0], $0xffff  }
0x1e1: {  	v12 =	vmax.f32 v12, $0.0e+00;
	v23 =	vadd.f32 v23, v3;
	v25 =	vmul.f32 v26, v1;
	v17 =	vld.idx.msk [tilespmem:v17+s22+$0x0], $0xffff  }
0x1e2: {  	v19 =	vmax.f32 v19, $0.0e+00;
	v16 =	vmax.f32 v16, $0.0e+00;
	v24 =	vadd.f32 v24, v3;
	v7 =	vld.idx.msk [tilespmem:v7+s22+$0x0], $0xffff  }
0x1e3: {  	v15 =	vmax.f32 v15, $0.0e+00;
	v14 =	vmax.f32 v14, $0.0e+00;
	v25 =	vadd.f32 v25, v3;
	[tilespmem:s9+$0xFFFFFFC0] =	vst v6;
	v6 =	vld.idx.msk [tilespmem:v8+s22+$0x0], $0xffff  }
0x1e4: {  	v8 =	vmin.f32 v9, $3.100000000e+01;
	v9 =	vmin.f32 v12, $3.100000000e+01;
	v12 =	vmax.f32 v13, $0.0e+00;
	[tilespmem:s9+$0xFFFFFFD0] =	vst v5;
	v4 =	vld.idx.msk [tilespmem:v4+s22+$0x0], $0xffff  }
0x1e5: {  	v15 =	vmin.f32 v15, $3.100000000e+01;
	v13 =	vmin.f32 v16, $3.100000000e+01;
	v5 =	vmin.f32 v19, $3.100000000e+01;
	[tilespmem:s9+$0xFFFFFFE0] =	vst v10  }
0x1e6: {  	v14 =	vmin.f32 v14, $3.100000000e+01;
	v12 =	vmin.f32 v12, $3.100000000e+01;
	v10 =	vmax.f32 v20, $0.0e+00;
	s9 =	sadd.s32 $0x80, s9;
	[tilespmem:s10+$0xFFFFFFF0] =	vst v11  }
0x1e7: {  	v16 =	vmax.f32 v18, $0.0e+00;
	v18 =	vmax.f32 v22, $0.0e+00;
	v11 =	vmax.f32 v21, $0.0e+00;
	[tilespmem:s9+$0x30] =	vst v17  }
0x1e8: {  	v19 =	vmax.f32 v24, $0.0e+00;
	v20 =	vmax.f32 v25, $0.0e+00;
	v17 =	vmax.f32 v23, $0.0e+00;
	[tilespmem:s10+$0x0] =	vst v7  }
0x1e9: {  	v8 =	vtrunc.f32 v8;
	v9 =	vtrunc.f32 v9;
	v10 =	vmin.f32 v10, $3.100000000e+01;
	[tilespmem:s10+$0x10] =	vst v6  }
0x1ea: {  	v13 =	vtrunc.f32 v13;
	v5 =	vtrunc.f32 v5;
	v11 =	vmin.f32 v11, $3.100000000e+01;
	[tilespmem:s10+$0x20] =	vst v4;
	s10 =	smov.u32 s9  }
0x1eb: {  	v15 =	vtrunc.f32 v15;
	v14 =	vtrunc.f32 v14;
	v21 =	vmin.f32 v16, $3.100000000e+01  }
0x1ec: {  	v18 =	vmin.f32 v18, $3.100000000e+01;
	v16 =	vtrunc.f32 v12;
	v7 =	vmin.f32 v17, $3.100000000e+01  }
0x1ed: {  	v6 =	vcvt.f32.s32 v8;
	v8 =	vmin.f32 v19, $3.100000000e+01;
	v4 =	vmin.f32 v20, $3.100000000e+01  }
.Ltmp3:
0x1ee: {  	v9 =	vcvt.f32.s32 v9;
	v17 =	vcvt.f32.s32 v5;
	(pc) =	sbr.rel @p0 .LBB2_8-.Ltmp3, $4  }
0x1ef: {  	v19 =	vcvt.f32.s32 v13;
	v13 =	vcvt.f32.s32 v15;
	v6 =	vshll.u32 v6, $0x5  }
0x1f0: {  	v12 =	vcvt.f32.s32 v14;
	v5 =	vshll.u32 v9, $0x5;
	v9 =	vcvt.f32.s32 v16  }
0x1f1: {  	v16 =	vtrunc.f32 v10;
	v15 =	vtrunc.f32 v11;
	v10 =	vshll.u32 v17, $0x5  }
0x1f2: {  	s12 =	sadd.s32 $0x80, s12;
	v14 =	vtrunc.f32 v18;
	v17 =	vtrunc.f32 v21;
	v11 =	vshll.u32 v19, $0x5  }
0x1f3: {  	v16 =	vcvt.f32.s32 v16  }
0x1f4: {  	v15 =	vcvt.f32.s32 v15  }
0x1f5: {  	v7 =	vtrunc.f32 v7;
	v17 =	vcvt.f32.s32 v17;
	v6 =	vadd.s32 v16, v6  }
0x1f6: {  	v13 =	vshll.u32 v13, $0x5;
	v14 =	vcvt.f32.s32 v14;
	v5 =	vadd.s32 v15, v5  }
0x1f7: {  	v4 =	vtrunc.f32 v4;
	v7 =	vcvt.f32.s32 v7;
	v10 =	vadd.s32 v17, v10  }
0x1f8: {  	v8 =	vtrunc.f32 v8;
	v4 =	vcvt.f32.s32 v4;
	v11 =	vadd.s32 v14, v11  }
0x1f9: {  	v9 =	vshll.u32 v9, $0x5;
	v8 =	vcvt.f32.s32 v8;
	v7 =	vadd.s32 v7, v13  }
0x1fa: {  	v12 =	vshll.u32 v12, $0x5;
	v4 =	vadd.s32 v4, v9;
	v6 =	vld.idx.msk [tilespmem:v6+s22+$0x0], $0xffff  }
0x1fb: {  	v8 =	vadd.s32 v8, v12;
	v5 =	vld.idx.msk [tilespmem:v5+s22+$0x0], $0xffff  }
0x1fc: {  	v9 =	vld.idx.msk [tilespmem:v10+s22+$0x0], $0xffff  }
0x1fd: {  	v10 =	vld.idx.msk [tilespmem:v11+s22+$0x0], $0xffff  }
0x1fe: {  	v7 =	vld.idx.msk [tilespmem:v7+s22+$0x0], $0xffff  }
0x1ff: {  	v4 =	vld.idx.msk [tilespmem:v4+s22+$0x0], $0xffff;
	[tilespmem:s9+$0xFFFFFFC0] =	vst v6  }
0x200: {  	v6 =	vld.idx.msk [tilespmem:v8+s22+$0x0], $0xffff;
	[tilespmem:s9+$0xFFFFFFD0] =	vst v5  }
0x201: {  	[tilespmem:s9+$0xFFFFFFE0] =	vst v9  }
0x202: {  	[tilespmem:s10+$0xFFFFFFF0] =	vst v10  }
0x203: {  	[tilespmem:s10+$0x0] =	vst v7  }
0x204: {  	[tilespmem:s10+$0x20] =	vst v4  }
0x205: {  	[tilespmem:s10+$0x10] =	vst v6  }
0x206: {  	s8 =	sld [smem:$0x7F8];
	_ =	sdelay $0x2  }
0x207: {  	[hbm4b:s8+s1] =	stream.linear.scatter [tilespmem:s4], [sflag:$0x6], $0x2000, $0x38;
	[tilespmem:$0xC600] =	vst v63  }
0x208: {  	s10 =	rddreg [dreg:$0xf]  }
0x209: {  	[tilespmem:s28], [sflag:$0x2] =	stream.strided.gather [hbm4b:s10+s24], $0x2000, s25, s24, $0x38;
	[tilespmem:$0xC600] =	vst v63  }
0x20a: {  	s11 =	rddreg [dreg:$0x10]  }
0x20b: {  	[tilespmem:s29], [sflag:$0x4] =	stream.strided.gather [hbm4b:s11+s24], $0x2000, s25, s24, $0x38;
	[tilespmem:$0xC600] =	vst v63  }
0x20c: {  	_ =	swait.ge [sflag:s30], $0x2000  }
0x20d: {  	[sflag:s30] =	ssyncset.done $0x0  }
0x20e: {  	[sflag:s30] =	ssyncadd.s32 $0xFFFFE000  }
0x20f: {  	_ =	swait.ge [sflag:s31], $0x2000  }
0x210: {  	[sflag:s31] =	ssyncset.done $0x0  }
0x211: {  	[sflag:s31] =	ssyncadd.s32 $0xFFFFE000  }
0x212: {  	_ =	swait.ge [sflag:s5], $0x2000  }
0x213: {  	[sflag:s5] =	ssyncset.done $0x0  }
0x214: {  	s12 =	simm.s32 $0x40;
	[sflag:s5] =	ssyncadd.s32 $0xFFFFE000  }
0x215: {  	s8 =	simm.s32 $0x4040;
	v4 =	vld [tilespmem:s12+$0x30]  }
0x216: {  	v5 =	vld [tilespmem:s8+$0x30]  }
0x217: {  	v6 =	vld [tilespmem:s12+$0xFFFFFFD0]  }
0x218: {  	v7 =	vld [tilespmem:s12+$0xFFFFFFE0]  }
0x219: {  	v8 =	vld [tilespmem:s12+$0xFFFFFFF0]  }
0x21a: {  	v9 =	vld [tilespmem:s12+$0x0]  }
0x21b: {  	v10 =	vld [tilespmem:s12+$0x10]  }
0x21c: {  	v12 =	vld [tilespmem:s12+$0xFFFFFFC0]  }
0x21d: {  	v13 =	vld [tilespmem:s8+$0xFFFFFFC0]  }
0x21e: {  	v11 =	vld [tilespmem:s12+$0x20];
	v4 =	vmul.f32 v4, v0;
	v5 =	vmul.f32 v5, v1  }
0x21f: {  	v14 =	vld [tilespmem:s8+$0xFFFFFFD0];
	v6 =	vmul.f32 v6, v0;
	v7 =	vmul.f32 v7, v0  }
0x220: {  	v8 =	vmul.f32 v8, v0;
	v9 =	vmul.f32 v9, v0  }
0x221: {  	v10 =	vmul.f32 v10, v0;
	v12 =	vmul.f32 v12, v0;
	v4 =	vadd.f32 v4, v2  }
0x222: {  	v13 =	vmul.f32 v13, v1;
	v5 =	vadd.f32 v5, v3;
	v6 =	vadd.f32 v6, v2  }
0x223: {  	v11 =	vmul.f32 v11, v0;
	v7 =	vadd.f32 v7, v2;
	v8 =	vadd.f32 v8, v2  }
0x224: {  	v14 =	vmul.f32 v14, v1;
	v12 =	vadd.f32 v12, v2;
	v9 =	vadd.f32 v9, v2  }
0x225: {  	v10 =	vadd.f32 v10, v2;
	v13 =	vadd.f32 v13, v3  }
0x226: {  	v11 =	vadd.f32 v11, v2;
	v14 =	vadd.f32 v14, v3;
	v4 =	vmax.f32 v4, $0.0e+00  }
0x227: {  	v5 =	vmax.f32 v5, $0.0e+00;
	v12 =	vmax.f32 v12, $0.0e+00;
	v6 =	vmax.f32 v6, $0.0e+00  }
0x228: {  	v7 =	vmax.f32 v7, $0.0e+00;
	v8 =	vmax.f32 v8, $0.0e+00;
	v9 =	vmax.f32 v9, $0.0e+00  }
0x229: {  	v15 =	vld [tilespmem:s8+$0xFFFFFFE0];
	v10 =	vmax.f32 v10, $0.0e+00;
	v11 =	vmax.f32 v11, $0.0e+00;
	v13 =	vmax.f32 v13, $0.0e+00  }
0x22a: {  	v16 =	vld [tilespmem:s8+$0xFFFFFFF0];
	v14 =	vmax.f32 v14, $0.0e+00;
	v4 =	vmin.f32 v4, $3.100000000e+01;
	v5 =	vmin.f32 v5, $3.100000000e+01  }
0x22b: {  	v17 =	vld [tilespmem:s8+$0x0];
	v12 =	vmin.f32 v12, $3.100000000e+01;
	v6 =	vmin.f32 v6, $3.100000000e+01;
	v7 =	vmin.f32 v7, $3.100000000e+01  }
0x22c: {  	v18 =	vld [tilespmem:s8+$0x10];
	v8 =	vmin.f32 v8, $3.100000000e+01;
	v9 =	vmin.f32 v9, $3.100000000e+01;
	v4 =	vtrunc.f32 v4  }
0x22d: {  	v19 =	vld [tilespmem:s8+$0x20];
	v10 =	vmin.f32 v10, $3.100000000e+01;
	v5 =	vtrunc.f32 v5;
	v4 =	vcvt.f32.s32 v4  }
0x22e: {  	v11 =	vmin.f32 v11, $3.100000000e+01;
	v12 =	vtrunc.f32 v12;
	v5 =	vcvt.f32.s32 v5  }
0x22f: {  	v6 =	vtrunc.f32 v6;
	v20 =	vtrunc.f32 v8;
	v4 =	vshll.u32 v4, $0x5  }
0x230: {  	v4 =	vadd.s32 v5, v4;
	v5 =	vmul.f32 v15, v1;
	v15 =	vmul.f32 v16, v1  }
0x231: {  	v14 =	vmin.f32 v14, $3.100000000e+01;
	v16 =	vmul.f32 v17, v1;
	v17 =	vmul.f32 v18, v1  }
0x232: {  	v18 =	vmul.f32 v19, v1;
	v5 =	vadd.f32 v5, v3;
	v15 =	vadd.f32 v15, v3  }
0x233: {  	v19 =	vmin.f32 v13, $3.100000000e+01;
	v16 =	vadd.f32 v16, v3;
	v17 =	vadd.f32 v17, v3  }
0x234: {  	v13 =	vtrunc.f32 v7;
	v18 =	vadd.f32 v18, v3;
	v5 =	vmax.f32 v5, $0.0e+00  }
0x235: {  	v15 =	vmax.f32 v15, $0.0e+00;
	v16 =	vmax.f32 v16, $0.0e+00;
	v17 =	vmax.f32 v17, $0.0e+00  }
0x236: {  	v18 =	vmax.f32 v18, $0.0e+00;
	v21 =	vmin.f32 v5, $3.100000000e+01;
	v5 =	vtrunc.f32 v9  }
0x237: {  	v9 =	vtrunc.f32 v10;
	v22 =	vmin.f32 v15, $3.100000000e+01;
	v10 =	vtrunc.f32 v11  }
0x238: {  	v7 =	vmin.f32 v16, $3.100000000e+01;
	v23 =	vld.idx.msk [tilespmem:v4+s22+$0x0], $0xffff;
	v11 =	vcvt.f32.s32 v12;
	v12 =	vcvt.f32.s32 v6  }
0x239: {  	v8 =	vmin.f32 v17, $3.100000000e+01;
	v17 =	vcvt.f32.s32 v13;
	v16 =	vtrunc.f32 v19  }
0x23a: {  	v4 =	vmin.f32 v18, $3.100000000e+01;
	v15 =	vtrunc.f32 v14;
	v13 =	vcvt.f32.s32 v5  }
0x23b: {  	v14 =	vtrunc.f32 v22;
	v6 =	vshll.u32 v11, $0x5;
	v11 =	vcvt.f32.s32 v20  }
0x23c: {  	s9 =	simm.s32 $0x8040;
	v5 =	vshll.u32 v12, $0x5;
	v12 =	vcvt.f32.s32 v9;
	v9 =	vcvt.f32.s32 v10  }
0x23d: {  	s10 =	simm.s32 $0x8040;
	s11 =	simm.s32 $0x0;
	s12 =	simm.s32 $0xC0;
	v10 =	vshll.u32 v17, $0x5;
	v17 =	vtrunc.f32 v21;
	v11 =	vshll.u32 v11, $0x5;
	[tilespmem:s9+$0x30] =	vst v23  }
.LBB2_10:
0x23e: {  	v18 =	vld [tilespmem:s12+$0x30];
	s11 =	sadd.s32 $0x8, s11;
	v7 =	vtrunc.f32 v7;
	v13 =	vshll.u32 v13, $0x5;
	v8 =	vtrunc.f32 v8;
	s8 =	sadd.s32 $0x80, s8  }
0x23f: {  	v16 =	vcvt.f32.s32 v16;
	v12 =	vshll.u32 v12, $0x5;
	v4 =	vtrunc.f32 v4;
	v19 =	vld [tilespmem:s8+$0x30];
	p0 =	slt.u32 s11, $0x1F8  }
0x240: {  	v15 =	vcvt.f32.s32 v15;
	v17 =	vcvt.f32.s32 v17;
	v9 =	vshll.u32 v9, $0x5;
	v20 =	vld [tilespmem:s12+$0xFFFFFFD0]  }
0x241: {  	v14 =	vcvt.f32.s32 v14;
	v7 =	vcvt.f32.s32 v7;
	v6 =	vadd.s32 v16, v6;
	v21 =	vld [tilespmem:s12+$0xFFFFFFE0]  }
0x242: {  	v8 =	vcvt.f32.s32 v8;
	v4 =	vcvt.f32.s32 v4;
	v5 =	vadd.s32 v15, v5;
	v16 =	vld [tilespmem:s12+$0xFFFFFFF0]  }
0x243: {  	v10 =	vadd.s32 v17, v10;
	v11 =	vadd.s32 v14, v11;
	v15 =	vld [tilespmem:s12+$0x0];
	v18 =	vmul.f32 v18, v0  }
0x244: {  	v7 =	vadd.s32 v7, v13;
	v8 =	vadd.s32 v8, v12;
	v14 =	vld [tilespmem:s12+$0x10];
	v17 =	vmul.f32 v19, v1  }
0x245: {  	v4 =	vadd.s32 v4, v9;
	v12 =	vmul.f32 v20, v0;
	v13 =	vld [tilespmem:s12+$0x20];
	v18 =	vadd.f32 v18, v2  }
0x246: {  	v9 =	vld [tilespmem:s12+$0xFFFFFFC0];
	v19 =	vmul.f32 v21, v0;
	v17 =	vadd.f32 v17, v3  }
0x247: {  	v20 =	vld [tilespmem:s8+$0xFFFFFFC0];
	v12 =	vadd.f32 v12, v2;
	v16 =	vmul.f32 v16, v0;
	v18 =	vmax.f32 v18, $0.0e+00  }
0x248: {  	v21 =	vld [tilespmem:s8+$0xFFFFFFD0];
	v15 =	vmul.f32 v15, v0;
	v18 =	vmin.f32 v18, $3.100000000e+01;
	v17 =	vmax.f32 v17, $0.0e+00  }
0x249: {  	v22 =	vld [tilespmem:s8+$0xFFFFFFE0];
	v14 =	vmul.f32 v14, v0;
	v17 =	vmin.f32 v17, $3.100000000e+01;
	v18 =	vtrunc.f32 v18  }
0x24a: {  	v19 =	vadd.f32 v19, v2;
	v23 =	vld [tilespmem:s8+$0xFFFFFFF0];
	v18 =	vcvt.f32.s32 v18;
	v17 =	vtrunc.f32 v17  }
0x24b: {  	v16 =	vadd.f32 v16, v2;
	v9 =	vmul.f32 v9, v0;
	v24 =	vld [tilespmem:s8+$0x0];
	v17 =	vcvt.f32.s32 v17  }
0x24c: {  	v13 =	vmul.f32 v13, v0;
	v20 =	vmul.f32 v20, v1;
	v25 =	vld [tilespmem:s8+$0x10];
	v18 =	vshll.u32 v18, $0x5  }
0x24d: {  	v9 =	vadd.f32 v9, v2;
	v21 =	vmul.f32 v21, v1;
	v26 =	vld [tilespmem:s8+$0x20];
	v17 =	vadd.s32 v17, v18  }
0x24e: {  	v15 =	vadd.f32 v15, v2;
	v14 =	vadd.f32 v14, v2;
	v18 =	vmul.f32 v22, v1;
	v6 =	vld.idx.msk [tilespmem:v6+s22+$0x0], $0xffff  }
0x24f: {  	v13 =	vadd.f32 v13, v2;
	v20 =	vadd.f32 v20, v3;
	v22 =	vmul.f32 v23, v1;
	v5 =	vld.idx.msk [tilespmem:v5+s22+$0x0], $0xffff  }
0x250: {  	v21 =	vadd.f32 v21, v3;
	v18 =	vadd.f32 v18, v3;
	v23 =	vmul.f32 v24, v1;
	v10 =	vld.idx.msk [tilespmem:v10+s22+$0x0], $0xffff  }
0x251: {  	v9 =	vmax.f32 v9, $0.0e+00;
	v22 =	vadd.f32 v22, v3;
	v24 =	vmul.f32 v25, v1;
	v11 =	vld.idx.msk [tilespmem:v11+s22+$0x0], $0xffff  }
0x252: {  	v12 =	vmax.f32 v12, $0.0e+00;
	v23 =	vadd.f32 v23, v3;
	v25 =	vmul.f32 v26, v1;
	v17 =	vld.idx.msk [tilespmem:v17+s22+$0x0], $0xffff  }
0x253: {  	v19 =	vmax.f32 v19, $0.0e+00;
	v16 =	vmax.f32 v16, $0.0e+00;
	v24 =	vadd.f32 v24, v3;
	v7 =	vld.idx.msk [tilespmem:v7+s22+$0x0], $0xffff  }
0x254: {  	v15 =	vmax.f32 v15, $0.0e+00;
	v14 =	vmax.f32 v14, $0.0e+00;
	v25 =	vadd.f32 v25, v3;
	[tilespmem:s9+$0xFFFFFFC0] =	vst v6;
	v6 =	vld.idx.msk [tilespmem:v8+s22+$0x0], $0xffff  }
0x255: {  	v8 =	vmin.f32 v9, $3.100000000e+01;
	v9 =	vmin.f32 v12, $3.100000000e+01;
	v12 =	vmax.f32 v13, $0.0e+00;
	[tilespmem:s9+$0xFFFFFFD0] =	vst v5;
	v4 =	vld.idx.msk [tilespmem:v4+s22+$0x0], $0xffff  }
0x256: {  	v15 =	vmin.f32 v15, $3.100000000e+01;
	v13 =	vmin.f32 v16, $3.100000000e+01;
	v5 =	vmin.f32 v19, $3.100000000e+01;
	[tilespmem:s9+$0xFFFFFFE0] =	vst v10  }
0x257: {  	v14 =	vmin.f32 v14, $3.100000000e+01;
	v12 =	vmin.f32 v12, $3.100000000e+01;
	v10 =	vmax.f32 v20, $0.0e+00;
	s9 =	sadd.s32 $0x80, s9;
	[tilespmem:s10+$0xFFFFFFF0] =	vst v11  }
0x258: {  	v16 =	vmax.f32 v18, $0.0e+00;
	v18 =	vmax.f32 v22, $0.0e+00;
	v11 =	vmax.f32 v21, $0.0e+00;
	[tilespmem:s9+$0x30] =	vst v17  }
0x259: {  	v19 =	vmax.f32 v24, $0.0e+00;
	v20 =	vmax.f32 v25, $0.0e+00;
	v17 =	vmax.f32 v23, $0.0e+00;
	[tilespmem:s10+$0x0] =	vst v7  }
0x25a: {  	v8 =	vtrunc.f32 v8;
	v9 =	vtrunc.f32 v9;
	v10 =	vmin.f32 v10, $3.100000000e+01;
	[tilespmem:s10+$0x10] =	vst v6  }
0x25b: {  	v13 =	vtrunc.f32 v13;
	v5 =	vtrunc.f32 v5;
	v11 =	vmin.f32 v11, $3.100000000e+01;
	[tilespmem:s10+$0x20] =	vst v4;
	s10 =	smov.u32 s9  }
0x25c: {  	v15 =	vtrunc.f32 v15;
	v14 =	vtrunc.f32 v14;
	v21 =	vmin.f32 v16, $3.100000000e+01  }
0x25d: {  	v18 =	vmin.f32 v18, $3.100000000e+01;
	v16 =	vtrunc.f32 v12;
	v7 =	vmin.f32 v17, $3.100000000e+01  }
0x25e: {  	v6 =	vcvt.f32.s32 v8;
	v8 =	vmin.f32 v19, $3.100000000e+01;
	v4 =	vmin.f32 v20, $3.100000000e+01  }
.Ltmp4:
0x25f: {  	v9 =	vcvt.f32.s32 v9;
	v17 =	vcvt.f32.s32 v5;
	(pc) =	sbr.rel @p0 .LBB2_10-.Ltmp4, $4  }
0x260: {  	v19 =	vcvt.f32.s32 v13;
	v13 =	vcvt.f32.s32 v15;
	v6 =	vshll.u32 v6, $0x5  }
0x261: {  	v12 =	vcvt.f32.s32 v14;
	v5 =	vshll.u32 v9, $0x5;
	v9 =	vcvt.f32.s32 v16  }
0x262: {  	v16 =	vtrunc.f32 v10;
	v15 =	vtrunc.f32 v11;
	v10 =	vshll.u32 v17, $0x5  }
0x263: {  	s12 =	sadd.s32 $0x80, s12;
	v14 =	vtrunc.f32 v18;
	v17 =	vtrunc.f32 v21;
	v11 =	vshll.u32 v19, $0x5  }
0x264: {  	v16 =	vcvt.f32.s32 v16  }
0x265: {  	v15 =	vcvt.f32.s32 v15  }
0x266: {  	v7 =	vtrunc.f32 v7;
	v17 =	vcvt.f32.s32 v17;
	v6 =	vadd.s32 v16, v6  }
0x267: {  	v13 =	vshll.u32 v13, $0x5;
	v14 =	vcvt.f32.s32 v14;
	v5 =	vadd.s32 v15, v5  }
0x268: {  	v4 =	vtrunc.f32 v4;
	v7 =	vcvt.f32.s32 v7;
	v10 =	vadd.s32 v17, v10  }
0x269: {  	v8 =	vtrunc.f32 v8;
	v4 =	vcvt.f32.s32 v4;
	v11 =	vadd.s32 v14, v11  }
0x26a: {  	v9 =	vshll.u32 v9, $0x5;
	v8 =	vcvt.f32.s32 v8;
	v7 =	vadd.s32 v7, v13  }
0x26b: {  	v12 =	vshll.u32 v12, $0x5;
	v4 =	vadd.s32 v4, v9;
	v6 =	vld.idx.msk [tilespmem:v6+s22+$0x0], $0xffff  }
0x26c: {  	v8 =	vadd.s32 v8, v12;
	v5 =	vld.idx.msk [tilespmem:v5+s22+$0x0], $0xffff  }
0x26d: {  	v9 =	vld.idx.msk [tilespmem:v10+s22+$0x0], $0xffff  }
0x26e: {  	v10 =	vld.idx.msk [tilespmem:v11+s22+$0x0], $0xffff  }
0x26f: {  	v7 =	vld.idx.msk [tilespmem:v7+s22+$0x0], $0xffff  }
0x270: {  	v4 =	vld.idx.msk [tilespmem:v4+s22+$0x0], $0xffff;
	[tilespmem:s9+$0xFFFFFFC0] =	vst v6  }
0x271: {  	v6 =	vld.idx.msk [tilespmem:v8+s22+$0x0], $0xffff;
	[tilespmem:s9+$0xFFFFFFD0] =	vst v5  }
0x272: {  	[tilespmem:s9+$0xFFFFFFE0] =	vst v9  }
0x273: {  	[tilespmem:s10+$0xFFFFFFF0] =	vst v10  }
0x274: {  	[tilespmem:s10+$0x0] =	vst v7  }
0x275: {  	[tilespmem:s10+$0x20] =	vst v4  }
0x276: {  	[tilespmem:s10+$0x10] =	vst v6  }
0x277: {  	s8 =	sld [smem:$0x7F9];
	_ =	sdelay $0x2  }
0x278: {  	[hbm4b:s8+s1] =	stream.linear.scatter [tilespmem:s0], [sflag:$0x5], $0x2000, $0x38;
	[tilespmem:$0xC600] =	vst v63  }
0x279: {  	s10 =	rddreg [dreg:$0x11]  }
0x27a: {  	[tilespmem:s1], [sflag:$0x1] =	stream.strided.gather [hbm4b:s10+s24], $0x2000, s25, s24, $0x38;
	[tilespmem:$0xC600] =	vst v63  }
0x27b: {  	s11 =	rddreg [dreg:$0x12]  }
0x27c: {  	[tilespmem:s26], [sflag:$0x3] =	stream.strided.gather [hbm4b:s11+s24], $0x2000, s25, s24, $0x38;
	[tilespmem:$0xC600] =	vst v63  }
0x27d: {  	_ =	swait.ge [sflag:s2], $0x2000  }
0x27e: {  	[sflag:s2] =	ssyncset.done $0x0  }
0x27f: {  	[sflag:s2] =	ssyncadd.s32 $0xFFFFE000  }
0x280: {  	_ =	swait.ge [sflag:s3], $0x2000  }
0x281: {  	[sflag:s3] =	ssyncset.done $0x0  }
0x282: {  	[sflag:s3] =	ssyncadd.s32 $0xFFFFE000  }
0x283: {  	_ =	swait.ge [sflag:s6], $0x2000  }
0x284: {  	[sflag:s6] =	ssyncset.done $0x0  }
0x285: {  	s12 =	simm.s32 $0x2040;
	[sflag:s6] =	ssyncadd.s32 $0xFFFFE000  }
0x286: {  	s8 =	simm.s32 $0x6040;
	v4 =	vld [tilespmem:s12+$0x30]  }
0x287: {  	v5 =	vld [tilespmem:s8+$0x30]  }
0x288: {  	v6 =	vld [tilespmem:s12+$0xFFFFFFD0]  }
0x289: {  	v7 =	vld [tilespmem:s12+$0xFFFFFFE0]  }
0x28a: {  	v8 =	vld [tilespmem:s12+$0xFFFFFFF0]  }
0x28b: {  	v9 =	vld [tilespmem:s12+$0x0]  }
0x28c: {  	v10 =	vld [tilespmem:s12+$0x10]  }
0x28d: {  	v12 =	vld [tilespmem:s12+$0xFFFFFFC0]  }
0x28e: {  	v13 =	vld [tilespmem:s8+$0xFFFFFFC0]  }
0x28f: {  	v11 =	vld [tilespmem:s12+$0x20];
	v4 =	vmul.f32 v4, v0;
	v5 =	vmul.f32 v5, v1  }
0x290: {  	v14 =	vld [tilespmem:s8+$0xFFFFFFD0];
	v6 =	vmul.f32 v6, v0;
	v7 =	vmul.f32 v7, v0  }
0x291: {  	v8 =	vmul.f32 v8, v0;
	v9 =	vmul.f32 v9, v0  }
0x292: {  	v10 =	vmul.f32 v10, v0;
	v12 =	vmul.f32 v12, v0;
	v4 =	vadd.f32 v4, v2  }
0x293: {  	v13 =	vmul.f32 v13, v1;
	v5 =	vadd.f32 v5, v3;
	v6 =	vadd.f32 v6, v2  }
0x294: {  	v11 =	vmul.f32 v11, v0;
	v7 =	vadd.f32 v7, v2;
	v8 =	vadd.f32 v8, v2  }
0x295: {  	v14 =	vmul.f32 v14, v1;
	v12 =	vadd.f32 v12, v2;
	v9 =	vadd.f32 v9, v2  }
0x296: {  	v10 =	vadd.f32 v10, v2;
	v13 =	vadd.f32 v13, v3  }
0x297: {  	v11 =	vadd.f32 v11, v2;
	v14 =	vadd.f32 v14, v3;
	v4 =	vmax.f32 v4, $0.0e+00  }
0x298: {  	v5 =	vmax.f32 v5, $0.0e+00;
	v12 =	vmax.f32 v12, $0.0e+00;
	v6 =	vmax.f32 v6, $0.0e+00  }
0x299: {  	v7 =	vmax.f32 v7, $0.0e+00;
	v8 =	vmax.f32 v8, $0.0e+00;
	v9 =	vmax.f32 v9, $0.0e+00  }
0x29a: {  	v15 =	vld [tilespmem:s8+$0xFFFFFFE0];
	v10 =	vmax.f32 v10, $0.0e+00;
	v11 =	vmax.f32 v11, $0.0e+00;
	v13 =	vmax.f32 v13, $0.0e+00  }
0x29b: {  	v16 =	vld [tilespmem:s8+$0xFFFFFFF0];
	v14 =	vmax.f32 v14, $0.0e+00;
	v4 =	vmin.f32 v4, $3.100000000e+01;
	v5 =	vmin.f32 v5, $3.100000000e+01  }
0x29c: {  	v17 =	vld [tilespmem:s8+$0x0];
	v12 =	vmin.f32 v12, $3.100000000e+01;
	v6 =	vmin.f32 v6, $3.100000000e+01;
	v7 =	vmin.f32 v7, $3.100000000e+01  }
0x29d: {  	v18 =	vld [tilespmem:s8+$0x10];
	v8 =	vmin.f32 v8, $3.100000000e+01;
	v9 =	vmin.f32 v9, $3.100000000e+01;
	v4 =	vtrunc.f32 v4  }
0x29e: {  	v19 =	vld [tilespmem:s8+$0x20];
	v10 =	vmin.f32 v10, $3.100000000e+01;
	v5 =	vtrunc.f32 v5;
	v4 =	vcvt.f32.s32 v4  }
0x29f: {  	v11 =	vmin.f32 v11, $3.100000000e+01;
	v12 =	vtrunc.f32 v12;
	v5 =	vcvt.f32.s32 v5  }
0x2a0: {  	v6 =	vtrunc.f32 v6;
	v20 =	vtrunc.f32 v8;
	v4 =	vshll.u32 v4, $0x5  }
0x2a1: {  	v4 =	vadd.s32 v5, v4;
	v5 =	vmul.f32 v15, v1;
	v15 =	vmul.f32 v16, v1  }
0x2a2: {  	v14 =	vmin.f32 v14, $3.100000000e+01;
	v16 =	vmul.f32 v17, v1;
	v17 =	vmul.f32 v18, v1  }
0x2a3: {  	v18 =	vmul.f32 v19, v1;
	v5 =	vadd.f32 v5, v3;
	v15 =	vadd.f32 v15, v3  }
0x2a4: {  	v19 =	vmin.f32 v13, $3.100000000e+01;
	v16 =	vadd.f32 v16, v3;
	v17 =	vadd.f32 v17, v3  }
0x2a5: {  	v13 =	vtrunc.f32 v7;
	v18 =	vadd.f32 v18, v3;
	v5 =	vmax.f32 v5, $0.0e+00  }
0x2a6: {  	v15 =	vmax.f32 v15, $0.0e+00;
	v16 =	vmax.f32 v16, $0.0e+00;
	v17 =	vmax.f32 v17, $0.0e+00  }
0x2a7: {  	v18 =	vmax.f32 v18, $0.0e+00;
	v21 =	vmin.f32 v5, $3.100000000e+01;
	v5 =	vtrunc.f32 v9  }
0x2a8: {  	v9 =	vtrunc.f32 v10;
	v22 =	vmin.f32 v15, $3.100000000e+01;
	v10 =	vtrunc.f32 v11  }
0x2a9: {  	v7 =	vmin.f32 v16, $3.100000000e+01;
	v23 =	vld.idx.msk [tilespmem:v4+s22+$0x0], $0xffff;
	v11 =	vcvt.f32.s32 v12;
	v12 =	vcvt.f32.s32 v6  }
0x2aa: {  	v8 =	vmin.f32 v17, $3.100000000e+01;
	v17 =	vcvt.f32.s32 v13;
	v16 =	vtrunc.f32 v19  }
0x2ab: {  	v4 =	vmin.f32 v18, $3.100000000e+01;
	v15 =	vtrunc.f32 v14;
	v13 =	vcvt.f32.s32 v5  }
0x2ac: {  	v14 =	vtrunc.f32 v22;
	v6 =	vshll.u32 v11, $0x5;
	v11 =	vcvt.f32.s32 v20  }
0x2ad: {  	s9 =	simm.s32 $0xA040;
	v5 =	vshll.u32 v12, $0x5;
	v12 =	vcvt.f32.s32 v9;
	v9 =	vcvt.f32.s32 v10  }
0x2ae: {  	s10 =	simm.s32 $0xA040;
	s11 =	simm.s32 $0x0;
	s12 =	simm.s32 $0x20C0;
	v10 =	vshll.u32 v17, $0x5;
	v17 =	vtrunc.f32 v21;
	v11 =	vshll.u32 v11, $0x5;
	[tilespmem:s9+$0x30] =	vst v23  }
.LBB2_12:
0x2af: {  	v18 =	vld [tilespmem:s12+$0x30];
	s11 =	sadd.s32 $0x8, s11;
	v7 =	vtrunc.f32 v7;
	v13 =	vshll.u32 v13, $0x5;
	v8 =	vtrunc.f32 v8;
	s8 =	sadd.s32 $0x80, s8  }
0x2b0: {  	v16 =	vcvt.f32.s32 v16;
	v12 =	vshll.u32 v12, $0x5;
	v4 =	vtrunc.f32 v4;
	v19 =	vld [tilespmem:s8+$0x30];
	p0 =	slt.u32 s11, $0x1F8  }
0x2b1: {  	v15 =	vcvt.f32.s32 v15;
	v17 =	vcvt.f32.s32 v17;
	v9 =	vshll.u32 v9, $0x5;
	v20 =	vld [tilespmem:s12+$0xFFFFFFD0]  }
0x2b2: {  	v14 =	vcvt.f32.s32 v14;
	v7 =	vcvt.f32.s32 v7;
	v6 =	vadd.s32 v16, v6;
	v21 =	vld [tilespmem:s12+$0xFFFFFFE0]  }
0x2b3: {  	v8 =	vcvt.f32.s32 v8;
	v4 =	vcvt.f32.s32 v4;
	v5 =	vadd.s32 v15, v5;
	v16 =	vld [tilespmem:s12+$0xFFFFFFF0]  }
0x2b4: {  	v10 =	vadd.s32 v17, v10;
	v11 =	vadd.s32 v14, v11;
	v15 =	vld [tilespmem:s12+$0x0];
	v18 =	vmul.f32 v18, v0  }
0x2b5: {  	v7 =	vadd.s32 v7, v13;
	v8 =	vadd.s32 v8, v12;
	v14 =	vld [tilespmem:s12+$0x10];
	v17 =	vmul.f32 v19, v1  }
0x2b6: {  	v4 =	vadd.s32 v4, v9;
	v12 =	vmul.f32 v20, v0;
	v13 =	vld [tilespmem:s12+$0x20];
	v18 =	vadd.f32 v18, v2  }
0x2b7: {  	v9 =	vld [tilespmem:s12+$0xFFFFFFC0];
	v19 =	vmul.f32 v21, v0;
	v17 =	vadd.f32 v17, v3  }
0x2b8: {  	v20 =	vld [tilespmem:s8+$0xFFFFFFC0];
	v12 =	vadd.f32 v12, v2;
	v16 =	vmul.f32 v16, v0;
	v18 =	vmax.f32 v18, $0.0e+00  }
0x2b9: {  	v21 =	vld [tilespmem:s8+$0xFFFFFFD0];
	v15 =	vmul.f32 v15, v0;
	v18 =	vmin.f32 v18, $3.100000000e+01;
	v17 =	vmax.f32 v17, $0.0e+00  }
0x2ba: {  	v22 =	vld [tilespmem:s8+$0xFFFFFFE0];
	v14 =	vmul.f32 v14, v0;
	v17 =	vmin.f32 v17, $3.100000000e+01;
	v18 =	vtrunc.f32 v18  }
0x2bb: {  	v19 =	vadd.f32 v19, v2;
	v23 =	vld [tilespmem:s8+$0xFFFFFFF0];
	v18 =	vcvt.f32.s32 v18;
	v17 =	vtrunc.f32 v17  }
0x2bc: {  	v16 =	vadd.f32 v16, v2;
	v9 =	vmul.f32 v9, v0;
	v24 =	vld [tilespmem:s8+$0x0];
	v17 =	vcvt.f32.s32 v17  }
0x2bd: {  	v13 =	vmul.f32 v13, v0;
	v20 =	vmul.f32 v20, v1;
	v25 =	vld [tilespmem:s8+$0x10];
	v18 =	vshll.u32 v18, $0x5  }
0x2be: {  	v9 =	vadd.f32 v9, v2;
	v21 =	vmul.f32 v21, v1;
	v26 =	vld [tilespmem:s8+$0x20];
	v17 =	vadd.s32 v17, v18  }
0x2bf: {  	v15 =	vadd.f32 v15, v2;
	v14 =	vadd.f32 v14, v2;
	v18 =	vmul.f32 v22, v1;
	v6 =	vld.idx.msk [tilespmem:v6+s22+$0x0], $0xffff  }
0x2c0: {  	v13 =	vadd.f32 v13, v2;
	v20 =	vadd.f32 v20, v3;
	v22 =	vmul.f32 v23, v1;
	v5 =	vld.idx.msk [tilespmem:v5+s22+$0x0], $0xffff  }
0x2c1: {  	v21 =	vadd.f32 v21, v3;
	v18 =	vadd.f32 v18, v3;
	v23 =	vmul.f32 v24, v1;
	v10 =	vld.idx.msk [tilespmem:v10+s22+$0x0], $0xffff  }
0x2c2: {  	v9 =	vmax.f32 v9, $0.0e+00;
	v22 =	vadd.f32 v22, v3;
	v24 =	vmul.f32 v25, v1;
	v11 =	vld.idx.msk [tilespmem:v11+s22+$0x0], $0xffff  }
0x2c3: {  	v12 =	vmax.f32 v12, $0.0e+00;
	v23 =	vadd.f32 v23, v3;
	v25 =	vmul.f32 v26, v1;
	v17 =	vld.idx.msk [tilespmem:v17+s22+$0x0], $0xffff  }
0x2c4: {  	v19 =	vmax.f32 v19, $0.0e+00;
	v16 =	vmax.f32 v16, $0.0e+00;
	v24 =	vadd.f32 v24, v3;
	v7 =	vld.idx.msk [tilespmem:v7+s22+$0x0], $0xffff  }
0x2c5: {  	v15 =	vmax.f32 v15, $0.0e+00;
	v14 =	vmax.f32 v14, $0.0e+00;
	v25 =	vadd.f32 v25, v3;
	[tilespmem:s9+$0xFFFFFFC0] =	vst v6;
	v6 =	vld.idx.msk [tilespmem:v8+s22+$0x0], $0xffff  }
0x2c6: {  	v8 =	vmin.f32 v9, $3.100000000e+01;
	v9 =	vmin.f32 v12, $3.100000000e+01;
	v12 =	vmax.f32 v13, $0.0e+00;
	[tilespmem:s9+$0xFFFFFFD0] =	vst v5;
	v4 =	vld.idx.msk [tilespmem:v4+s22+$0x0], $0xffff  }
0x2c7: {  	v15 =	vmin.f32 v15, $3.100000000e+01;
	v13 =	vmin.f32 v16, $3.100000000e+01;
	v5 =	vmin.f32 v19, $3.100000000e+01;
	[tilespmem:s9+$0xFFFFFFE0] =	vst v10  }
0x2c8: {  	v14 =	vmin.f32 v14, $3.100000000e+01;
	v12 =	vmin.f32 v12, $3.100000000e+01;
	v10 =	vmax.f32 v20, $0.0e+00;
	s9 =	sadd.s32 $0x80, s9;
	[tilespmem:s10+$0xFFFFFFF0] =	vst v11  }
0x2c9: {  	v16 =	vmax.f32 v18, $0.0e+00;
	v18 =	vmax.f32 v22, $0.0e+00;
	v11 =	vmax.f32 v21, $0.0e+00;
	[tilespmem:s9+$0x30] =	vst v17  }
0x2ca: {  	v19 =	vmax.f32 v24, $0.0e+00;
	v20 =	vmax.f32 v25, $0.0e+00;
	v17 =	vmax.f32 v23, $0.0e+00;
	[tilespmem:s10+$0x0] =	vst v7  }
0x2cb: {  	v8 =	vtrunc.f32 v8;
	v9 =	vtrunc.f32 v9;
	v10 =	vmin.f32 v10, $3.100000000e+01;
	[tilespmem:s10+$0x10] =	vst v6  }
0x2cc: {  	v13 =	vtrunc.f32 v13;
	v5 =	vtrunc.f32 v5;
	v11 =	vmin.f32 v11, $3.100000000e+01;
	[tilespmem:s10+$0x20] =	vst v4;
	s10 =	smov.u32 s9  }
0x2cd: {  	v15 =	vtrunc.f32 v15;
	v14 =	vtrunc.f32 v14;
	v21 =	vmin.f32 v16, $3.100000000e+01  }
0x2ce: {  	v18 =	vmin.f32 v18, $3.100000000e+01;
	v16 =	vtrunc.f32 v12;
	v7 =	vmin.f32 v17, $3.100000000e+01  }
0x2cf: {  	v6 =	vcvt.f32.s32 v8;
	v8 =	vmin.f32 v19, $3.100000000e+01;
	v4 =	vmin.f32 v20, $3.100000000e+01  }
.Ltmp5:
0x2d0: {  	v9 =	vcvt.f32.s32 v9;
	v17 =	vcvt.f32.s32 v5;
	(pc) =	sbr.rel @p0 .LBB2_12-.Ltmp5, $4  }
0x2d1: {  	v19 =	vcvt.f32.s32 v13;
	v13 =	vcvt.f32.s32 v15;
	v6 =	vshll.u32 v6, $0x5  }
0x2d2: {  	v12 =	vcvt.f32.s32 v14;
	v5 =	vshll.u32 v9, $0x5;
	v9 =	vcvt.f32.s32 v16  }
0x2d3: {  	v16 =	vtrunc.f32 v10;
	v15 =	vtrunc.f32 v11;
	v10 =	vshll.u32 v17, $0x5  }
0x2d4: {  	s12 =	sadd.s32 $0x80, s12;
	v14 =	vtrunc.f32 v18;
	v17 =	vtrunc.f32 v21;
	v11 =	vshll.u32 v19, $0x5  }
0x2d5: {  	v16 =	vcvt.f32.s32 v16  }
0x2d6: {  	v15 =	vcvt.f32.s32 v15  }
0x2d7: {  	v7 =	vtrunc.f32 v7;
	v17 =	vcvt.f32.s32 v17;
	v6 =	vadd.s32 v16, v6  }
0x2d8: {  	v13 =	vshll.u32 v13, $0x5;
	v14 =	vcvt.f32.s32 v14;
	v5 =	vadd.s32 v15, v5  }
0x2d9: {  	v4 =	vtrunc.f32 v4;
	v7 =	vcvt.f32.s32 v7;
	v10 =	vadd.s32 v17, v10  }
0x2da: {  	v8 =	vtrunc.f32 v8;
	v4 =	vcvt.f32.s32 v4;
	v11 =	vadd.s32 v14, v11  }
0x2db: {  	v9 =	vshll.u32 v9, $0x5;
	v8 =	vcvt.f32.s32 v8;
	v7 =	vadd.s32 v7, v13  }
0x2dc: {  	v12 =	vshll.u32 v12, $0x5;
	v4 =	vadd.s32 v4, v9;
	v6 =	vld.idx.msk [tilespmem:v6+s22+$0x0], $0xffff  }
0x2dd: {  	v8 =	vadd.s32 v8, v12;
	v5 =	vld.idx.msk [tilespmem:v5+s22+$0x0], $0xffff  }
0x2de: {  	v9 =	vld.idx.msk [tilespmem:v10+s22+$0x0], $0xffff  }
0x2df: {  	v10 =	vld.idx.msk [tilespmem:v11+s22+$0x0], $0xffff  }
0x2e0: {  	v7 =	vld.idx.msk [tilespmem:v7+s22+$0x0], $0xffff  }
0x2e1: {  	v4 =	vld.idx.msk [tilespmem:v4+s22+$0x0], $0xffff;
	[tilespmem:s9+$0xFFFFFFC0] =	vst v6  }
0x2e2: {  	v6 =	vld.idx.msk [tilespmem:v8+s22+$0x0], $0xffff;
	[tilespmem:s9+$0xFFFFFFD0] =	vst v5  }
0x2e3: {  	[tilespmem:s9+$0xFFFFFFE0] =	vst v9  }
0x2e4: {  	[tilespmem:s10+$0xFFFFFFF0] =	vst v10  }
0x2e5: {  	[tilespmem:s10+$0x0] =	vst v7  }
0x2e6: {  	[tilespmem:s10+$0x20] =	vst v4  }
0x2e7: {  	[tilespmem:s10+$0x10] =	vst v6  }
0x2e8: {  	s8 =	sld [smem:$0x7FA];
	_ =	sdelay $0x2  }
0x2e9: {  	[hbm4b:s8+s1] =	stream.linear.scatter [tilespmem:s4], [sflag:$0x6], $0x2000, $0x38;
	[tilespmem:$0xC600] =	vst v63  }
0x2ea: {  	s10 =	rddreg [dreg:$0x13]  }
0x2eb: {  	[tilespmem:s28], [sflag:$0x2] =	stream.strided.gather [hbm4b:s10+s24], $0x2000, s25, s24, $0x38;
	[tilespmem:$0xC600] =	vst v63  }
0x2ec: {  	s11 =	rddreg [dreg:$0x14]  }
0x2ed: {  	[tilespmem:s29], [sflag:$0x4] =	stream.strided.gather [hbm4b:s11+s24], $0x2000, s25, s24, $0x38;
	[tilespmem:$0xC600] =	vst v63  }
0x2ee: {  	_ =	swait.ge [sflag:s30], $0x2000  }
0x2ef: {  	[sflag:s30] =	ssyncset.done $0x0  }
0x2f0: {  	[sflag:s30] =	ssyncadd.s32 $0xFFFFE000  }
0x2f1: {  	_ =	swait.ge [sflag:s31], $0x2000  }
0x2f2: {  	[sflag:s31] =	ssyncset.done $0x0  }
0x2f3: {  	[sflag:s31] =	ssyncadd.s32 $0xFFFFE000  }
0x2f4: {  	_ =	swait.ge [sflag:s5], $0x2000  }
0x2f5: {  	[sflag:s5] =	ssyncset.done $0x0  }
0x2f6: {  	s12 =	simm.s32 $0x40;
	[sflag:s5] =	ssyncadd.s32 $0xFFFFE000  }
0x2f7: {  	s8 =	simm.s32 $0x4040;
	v4 =	vld [tilespmem:s12+$0x30]  }
0x2f8: {  	v5 =	vld [tilespmem:s8+$0x30]  }
0x2f9: {  	v6 =	vld [tilespmem:s12+$0xFFFFFFD0]  }
0x2fa: {  	v7 =	vld [tilespmem:s12+$0xFFFFFFE0]  }
0x2fb: {  	v8 =	vld [tilespmem:s12+$0xFFFFFFF0]  }
0x2fc: {  	v9 =	vld [tilespmem:s12+$0x0]  }
0x2fd: {  	v10 =	vld [tilespmem:s12+$0x10]  }
0x2fe: {  	v12 =	vld [tilespmem:s12+$0xFFFFFFC0]  }
0x2ff: {  	v13 =	vld [tilespmem:s8+$0xFFFFFFC0]  }
0x300: {  	v11 =	vld [tilespmem:s12+$0x20];
	v4 =	vmul.f32 v4, v0;
	v5 =	vmul.f32 v5, v1  }
0x301: {  	v14 =	vld [tilespmem:s8+$0xFFFFFFD0];
	v6 =	vmul.f32 v6, v0;
	v7 =	vmul.f32 v7, v0  }
0x302: {  	v8 =	vmul.f32 v8, v0;
	v9 =	vmul.f32 v9, v0  }
0x303: {  	v10 =	vmul.f32 v10, v0;
	v12 =	vmul.f32 v12, v0;
	v4 =	vadd.f32 v4, v2  }
0x304: {  	v13 =	vmul.f32 v13, v1;
	v5 =	vadd.f32 v5, v3;
	v6 =	vadd.f32 v6, v2  }
0x305: {  	v11 =	vmul.f32 v11, v0;
	v7 =	vadd.f32 v7, v2;
	v8 =	vadd.f32 v8, v2  }
0x306: {  	v14 =	vmul.f32 v14, v1;
	v12 =	vadd.f32 v12, v2;
	v9 =	vadd.f32 v9, v2  }
0x307: {  	v10 =	vadd.f32 v10, v2;
	v13 =	vadd.f32 v13, v3  }
0x308: {  	v11 =	vadd.f32 v11, v2;
	v14 =	vadd.f32 v14, v3;
	v4 =	vmax.f32 v4, $0.0e+00  }
0x309: {  	v5 =	vmax.f32 v5, $0.0e+00;
	v12 =	vmax.f32 v12, $0.0e+00;
	v6 =	vmax.f32 v6, $0.0e+00  }
0x30a: {  	v7 =	vmax.f32 v7, $0.0e+00;
	v8 =	vmax.f32 v8, $0.0e+00;
	v9 =	vmax.f32 v9, $0.0e+00  }
0x30b: {  	v15 =	vld [tilespmem:s8+$0xFFFFFFE0];
	v10 =	vmax.f32 v10, $0.0e+00;
	v11 =	vmax.f32 v11, $0.0e+00;
	v13 =	vmax.f32 v13, $0.0e+00  }
0x30c: {  	v16 =	vld [tilespmem:s8+$0xFFFFFFF0];
	v14 =	vmax.f32 v14, $0.0e+00;
	v4 =	vmin.f32 v4, $3.100000000e+01;
	v5 =	vmin.f32 v5, $3.100000000e+01  }
0x30d: {  	v17 =	vld [tilespmem:s8+$0x0];
	v12 =	vmin.f32 v12, $3.100000000e+01;
	v6 =	vmin.f32 v6, $3.100000000e+01;
	v7 =	vmin.f32 v7, $3.100000000e+01  }
0x30e: {  	v18 =	vld [tilespmem:s8+$0x10];
	v8 =	vmin.f32 v8, $3.100000000e+01;
	v9 =	vmin.f32 v9, $3.100000000e+01;
	v4 =	vtrunc.f32 v4  }
0x30f: {  	v19 =	vld [tilespmem:s8+$0x20];
	v10 =	vmin.f32 v10, $3.100000000e+01;
	v5 =	vtrunc.f32 v5;
	v4 =	vcvt.f32.s32 v4  }
0x310: {  	v11 =	vmin.f32 v11, $3.100000000e+01;
	v12 =	vtrunc.f32 v12;
	v5 =	vcvt.f32.s32 v5  }
0x311: {  	v6 =	vtrunc.f32 v6;
	v20 =	vtrunc.f32 v8;
	v4 =	vshll.u32 v4, $0x5  }
0x312: {  	v4 =	vadd.s32 v5, v4;
	v5 =	vmul.f32 v15, v1;
	v15 =	vmul.f32 v16, v1  }
0x313: {  	v14 =	vmin.f32 v14, $3.100000000e+01;
	v16 =	vmul.f32 v17, v1;
	v17 =	vmul.f32 v18, v1  }
0x314: {  	v18 =	vmul.f32 v19, v1;
	v5 =	vadd.f32 v5, v3;
	v15 =	vadd.f32 v15, v3  }
0x315: {  	v19 =	vmin.f32 v13, $3.100000000e+01;
	v16 =	vadd.f32 v16, v3;
	v17 =	vadd.f32 v17, v3  }
0x316: {  	v13 =	vtrunc.f32 v7;
	v18 =	vadd.f32 v18, v3;
	v5 =	vmax.f32 v5, $0.0e+00  }
0x317: {  	v15 =	vmax.f32 v15, $0.0e+00;
	v16 =	vmax.f32 v16, $0.0e+00;
	v17 =	vmax.f32 v17, $0.0e+00  }
0x318: {  	v18 =	vmax.f32 v18, $0.0e+00;
	v21 =	vmin.f32 v5, $3.100000000e+01;
	v5 =	vtrunc.f32 v9  }
0x319: {  	v9 =	vtrunc.f32 v10;
	v22 =	vmin.f32 v15, $3.100000000e+01;
	v10 =	vtrunc.f32 v11  }
0x31a: {  	v7 =	vmin.f32 v16, $3.100000000e+01;
	v23 =	vld.idx.msk [tilespmem:v4+s22+$0x0], $0xffff;
	v11 =	vcvt.f32.s32 v12;
	v12 =	vcvt.f32.s32 v6  }
0x31b: {  	v8 =	vmin.f32 v17, $3.100000000e+01;
	v17 =	vcvt.f32.s32 v13;
	v16 =	vtrunc.f32 v19  }
0x31c: {  	v4 =	vmin.f32 v18, $3.100000000e+01;
	v15 =	vtrunc.f32 v14;
	v13 =	vcvt.f32.s32 v5  }
0x31d: {  	v14 =	vtrunc.f32 v22;
	v6 =	vshll.u32 v11, $0x5;
	v11 =	vcvt.f32.s32 v20  }
0x31e: {  	s9 =	simm.s32 $0x8040;
	v5 =	vshll.u32 v12, $0x5;
	v12 =	vcvt.f32.s32 v9;
	v9 =	vcvt.f32.s32 v10  }
0x31f: {  	s10 =	simm.s32 $0x8040;
	s11 =	simm.s32 $0x0;
	s12 =	simm.s32 $0xC0;
	v10 =	vshll.u32 v17, $0x5;
	v17 =	vtrunc.f32 v21;
	v11 =	vshll.u32 v11, $0x5;
	[tilespmem:s9+$0x30] =	vst v23  }
.LBB2_14:
0x320: {  	v18 =	vld [tilespmem:s12+$0x30];
	s11 =	sadd.s32 $0x8, s11;
	v7 =	vtrunc.f32 v7;
	v13 =	vshll.u32 v13, $0x5;
	v8 =	vtrunc.f32 v8;
	s8 =	sadd.s32 $0x80, s8  }
0x321: {  	v16 =	vcvt.f32.s32 v16;
	v12 =	vshll.u32 v12, $0x5;
	v4 =	vtrunc.f32 v4;
	v19 =	vld [tilespmem:s8+$0x30];
	p0 =	slt.u32 s11, $0x1F8  }
0x322: {  	v15 =	vcvt.f32.s32 v15;
	v17 =	vcvt.f32.s32 v17;
	v9 =	vshll.u32 v9, $0x5;
	v20 =	vld [tilespmem:s12+$0xFFFFFFD0]  }
0x323: {  	v14 =	vcvt.f32.s32 v14;
	v7 =	vcvt.f32.s32 v7;
	v6 =	vadd.s32 v16, v6;
	v21 =	vld [tilespmem:s12+$0xFFFFFFE0]  }
0x324: {  	v8 =	vcvt.f32.s32 v8;
	v4 =	vcvt.f32.s32 v4;
	v5 =	vadd.s32 v15, v5;
	v16 =	vld [tilespmem:s12+$0xFFFFFFF0]  }
0x325: {  	v10 =	vadd.s32 v17, v10;
	v11 =	vadd.s32 v14, v11;
	v15 =	vld [tilespmem:s12+$0x0];
	v18 =	vmul.f32 v18, v0  }
0x326: {  	v7 =	vadd.s32 v7, v13;
	v8 =	vadd.s32 v8, v12;
	v14 =	vld [tilespmem:s12+$0x10];
	v17 =	vmul.f32 v19, v1  }
0x327: {  	v4 =	vadd.s32 v4, v9;
	v12 =	vmul.f32 v20, v0;
	v13 =	vld [tilespmem:s12+$0x20];
	v18 =	vadd.f32 v18, v2  }
0x328: {  	v9 =	vld [tilespmem:s12+$0xFFFFFFC0];
	v19 =	vmul.f32 v21, v0;
	v17 =	vadd.f32 v17, v3  }
0x329: {  	v20 =	vld [tilespmem:s8+$0xFFFFFFC0];
	v12 =	vadd.f32 v12, v2;
	v16 =	vmul.f32 v16, v0;
	v18 =	vmax.f32 v18, $0.0e+00  }
0x32a: {  	v21 =	vld [tilespmem:s8+$0xFFFFFFD0];
	v15 =	vmul.f32 v15, v0;
	v18 =	vmin.f32 v18, $3.100000000e+01;
	v17 =	vmax.f32 v17, $0.0e+00  }
0x32b: {  	v22 =	vld [tilespmem:s8+$0xFFFFFFE0];
	v14 =	vmul.f32 v14, v0;
	v17 =	vmin.f32 v17, $3.100000000e+01;
	v18 =	vtrunc.f32 v18  }
0x32c: {  	v19 =	vadd.f32 v19, v2;
	v23 =	vld [tilespmem:s8+$0xFFFFFFF0];
	v18 =	vcvt.f32.s32 v18;
	v17 =	vtrunc.f32 v17  }
0x32d: {  	v16 =	vadd.f32 v16, v2;
	v9 =	vmul.f32 v9, v0;
	v24 =	vld [tilespmem:s8+$0x0];
	v17 =	vcvt.f32.s32 v17  }
0x32e: {  	v13 =	vmul.f32 v13, v0;
	v20 =	vmul.f32 v20, v1;
	v25 =	vld [tilespmem:s8+$0x10];
	v18 =	vshll.u32 v18, $0x5  }
0x32f: {  	v9 =	vadd.f32 v9, v2;
	v21 =	vmul.f32 v21, v1;
	v26 =	vld [tilespmem:s8+$0x20];
	v17 =	vadd.s32 v17, v18  }
0x330: {  	v15 =	vadd.f32 v15, v2;
	v14 =	vadd.f32 v14, v2;
	v18 =	vmul.f32 v22, v1;
	v6 =	vld.idx.msk [tilespmem:v6+s22+$0x0], $0xffff  }
0x331: {  	v13 =	vadd.f32 v13, v2;
	v20 =	vadd.f32 v20, v3;
	v22 =	vmul.f32 v23, v1;
	v5 =	vld.idx.msk [tilespmem:v5+s22+$0x0], $0xffff  }
0x332: {  	v21 =	vadd.f32 v21, v3;
	v18 =	vadd.f32 v18, v3;
	v23 =	vmul.f32 v24, v1;
	v10 =	vld.idx.msk [tilespmem:v10+s22+$0x0], $0xffff  }
0x333: {  	v9 =	vmax.f32 v9, $0.0e+00;
	v22 =	vadd.f32 v22, v3;
	v24 =	vmul.f32 v25, v1;
	v11 =	vld.idx.msk [tilespmem:v11+s22+$0x0], $0xffff  }
0x334: {  	v12 =	vmax.f32 v12, $0.0e+00;
	v23 =	vadd.f32 v23, v3;
	v25 =	vmul.f32 v26, v1;
	v17 =	vld.idx.msk [tilespmem:v17+s22+$0x0], $0xffff  }
0x335: {  	v19 =	vmax.f32 v19, $0.0e+00;
	v16 =	vmax.f32 v16, $0.0e+00;
	v24 =	vadd.f32 v24, v3;
	v7 =	vld.idx.msk [tilespmem:v7+s22+$0x0], $0xffff  }
0x336: {  	v15 =	vmax.f32 v15, $0.0e+00;
	v14 =	vmax.f32 v14, $0.0e+00;
	v25 =	vadd.f32 v25, v3;
	[tilespmem:s9+$0xFFFFFFC0] =	vst v6;
	v6 =	vld.idx.msk [tilespmem:v8+s22+$0x0], $0xffff  }
0x337: {  	v8 =	vmin.f32 v9, $3.100000000e+01;
	v9 =	vmin.f32 v12, $3.100000000e+01;
	v12 =	vmax.f32 v13, $0.0e+00;
	[tilespmem:s9+$0xFFFFFFD0] =	vst v5;
	v4 =	vld.idx.msk [tilespmem:v4+s22+$0x0], $0xffff  }
0x338: {  	v15 =	vmin.f32 v15, $3.100000000e+01;
	v13 =	vmin.f32 v16, $3.100000000e+01;
	v5 =	vmin.f32 v19, $3.100000000e+01;
	[tilespmem:s9+$0xFFFFFFE0] =	vst v10  }
0x339: {  	v14 =	vmin.f32 v14, $3.100000000e+01;
	v12 =	vmin.f32 v12, $3.100000000e+01;
	v10 =	vmax.f32 v20, $0.0e+00;
	s9 =	sadd.s32 $0x80, s9;
	[tilespmem:s10+$0xFFFFFFF0] =	vst v11  }
0x33a: {  	v16 =	vmax.f32 v18, $0.0e+00;
	v18 =	vmax.f32 v22, $0.0e+00;
	v11 =	vmax.f32 v21, $0.0e+00;
	[tilespmem:s9+$0x30] =	vst v17  }
0x33b: {  	v19 =	vmax.f32 v24, $0.0e+00;
	v20 =	vmax.f32 v25, $0.0e+00;
	v17 =	vmax.f32 v23, $0.0e+00;
	[tilespmem:s10+$0x0] =	vst v7  }
0x33c: {  	v8 =	vtrunc.f32 v8;
	v9 =	vtrunc.f32 v9;
	v10 =	vmin.f32 v10, $3.100000000e+01;
	[tilespmem:s10+$0x10] =	vst v6  }
0x33d: {  	v13 =	vtrunc.f32 v13;
	v5 =	vtrunc.f32 v5;
	v11 =	vmin.f32 v11, $3.100000000e+01;
	[tilespmem:s10+$0x20] =	vst v4;
	s10 =	smov.u32 s9  }
0x33e: {  	v15 =	vtrunc.f32 v15;
	v14 =	vtrunc.f32 v14;
	v21 =	vmin.f32 v16, $3.100000000e+01  }
0x33f: {  	v18 =	vmin.f32 v18, $3.100000000e+01;
	v16 =	vtrunc.f32 v12;
	v7 =	vmin.f32 v17, $3.100000000e+01  }
0x340: {  	v6 =	vcvt.f32.s32 v8;
	v8 =	vmin.f32 v19, $3.100000000e+01;
	v4 =	vmin.f32 v20, $3.100000000e+01  }
.Ltmp6:
0x341: {  	v9 =	vcvt.f32.s32 v9;
	v17 =	vcvt.f32.s32 v5;
	(pc) =	sbr.rel @p0 .LBB2_14-.Ltmp6, $4  }
0x342: {  	v19 =	vcvt.f32.s32 v13;
	v13 =	vcvt.f32.s32 v15;
	v6 =	vshll.u32 v6, $0x5  }
0x343: {  	v12 =	vcvt.f32.s32 v14;
	v5 =	vshll.u32 v9, $0x5;
	v9 =	vcvt.f32.s32 v16  }
0x344: {  	v16 =	vtrunc.f32 v10;
	v15 =	vtrunc.f32 v11;
	v10 =	vshll.u32 v17, $0x5  }
0x345: {  	s12 =	sadd.s32 $0x80, s12;
	v14 =	vtrunc.f32 v18;
	v17 =	vtrunc.f32 v21;
	v11 =	vshll.u32 v19, $0x5  }
0x346: {  	v16 =	vcvt.f32.s32 v16  }
0x347: {  	v15 =	vcvt.f32.s32 v15  }
0x348: {  	v7 =	vtrunc.f32 v7;
	v17 =	vcvt.f32.s32 v17;
	v6 =	vadd.s32 v16, v6  }
0x349: {  	v13 =	vshll.u32 v13, $0x5;
	v14 =	vcvt.f32.s32 v14;
	v5 =	vadd.s32 v15, v5  }
0x34a: {  	v4 =	vtrunc.f32 v4;
	v7 =	vcvt.f32.s32 v7;
	v10 =	vadd.s32 v17, v10  }
0x34b: {  	v8 =	vtrunc.f32 v8;
	v4 =	vcvt.f32.s32 v4;
	v11 =	vadd.s32 v14, v11  }
0x34c: {  	v9 =	vshll.u32 v9, $0x5;
	v8 =	vcvt.f32.s32 v8;
	v7 =	vadd.s32 v7, v13  }
0x34d: {  	v12 =	vshll.u32 v12, $0x5;
	v4 =	vadd.s32 v4, v9;
	v6 =	vld.idx.msk [tilespmem:v6+s22+$0x0], $0xffff  }
0x34e: {  	v8 =	vadd.s32 v8, v12;
	v5 =	vld.idx.msk [tilespmem:v5+s22+$0x0], $0xffff  }
0x34f: {  	v9 =	vld.idx.msk [tilespmem:v10+s22+$0x0], $0xffff  }
0x350: {  	v10 =	vld.idx.msk [tilespmem:v11+s22+$0x0], $0xffff  }
0x351: {  	v7 =	vld.idx.msk [tilespmem:v7+s22+$0x0], $0xffff  }
0x352: {  	v4 =	vld.idx.msk [tilespmem:v4+s22+$0x0], $0xffff;
	[tilespmem:s9+$0xFFFFFFC0] =	vst v6  }
0x353: {  	v6 =	vld.idx.msk [tilespmem:v8+s22+$0x0], $0xffff;
	[tilespmem:s9+$0xFFFFFFD0] =	vst v5  }
0x354: {  	[tilespmem:s9+$0xFFFFFFE0] =	vst v9  }
0x355: {  	[tilespmem:s10+$0xFFFFFFF0] =	vst v10  }
0x356: {  	[tilespmem:s10+$0x0] =	vst v7  }
0x357: {  	[tilespmem:s10+$0x20] =	vst v4  }
0x358: {  	[tilespmem:s10+$0x10] =	vst v6  }
0x359: {  	s8 =	sld [smem:$0x7FB];
	_ =	sdelay $0x2  }
0x35a: {  	[hbm4b:s8+s1] =	stream.linear.scatter [tilespmem:s0], [sflag:$0x5], $0x2000, $0x38;
	[tilespmem:$0xC600] =	vst v63  }
0x35b: {  	s10 =	rddreg [dreg:$0x15]  }
0x35c: {  	[tilespmem:s1], [sflag:$0x1] =	stream.strided.gather [hbm4b:s10+s24], $0x2000, s25, s24, $0x38;
	[tilespmem:$0xC600] =	vst v63  }
0x35d: {  	s11 =	rddreg [dreg:$0x16]  }
0x35e: {  	[tilespmem:s26], [sflag:$0x3] =	stream.strided.gather [hbm4b:s11+s24], $0x2000, s25, s24, $0x38;
	[tilespmem:$0xC600] =	vst v63  }
0x35f: {  	_ =	swait.ge [sflag:s2], $0x2000  }
0x360: {  	[sflag:s2] =	ssyncset.done $0x0  }
0x361: {  	[sflag:s2] =	ssyncadd.s32 $0xFFFFE000  }
0x362: {  	_ =	swait.ge [sflag:s3], $0x2000  }
0x363: {  	[sflag:s3] =	ssyncset.done $0x0  }
0x364: {  	[sflag:s3] =	ssyncadd.s32 $0xFFFFE000  }
0x365: {  	_ =	swait.ge [sflag:s6], $0x2000  }
0x366: {  	[sflag:s6] =	ssyncset.done $0x0  }
0x367: {  	s12 =	simm.s32 $0x2040;
	[sflag:s6] =	ssyncadd.s32 $0xFFFFE000  }
0x368: {  	s8 =	simm.s32 $0x6040;
	v4 =	vld [tilespmem:s12+$0x30]  }
0x369: {  	v5 =	vld [tilespmem:s8+$0x30]  }
0x36a: {  	v6 =	vld [tilespmem:s12+$0xFFFFFFD0]  }
0x36b: {  	v7 =	vld [tilespmem:s12+$0xFFFFFFE0]  }
0x36c: {  	v8 =	vld [tilespmem:s12+$0xFFFFFFF0]  }
0x36d: {  	v9 =	vld [tilespmem:s12+$0x0]  }
0x36e: {  	v10 =	vld [tilespmem:s12+$0x10]  }
0x36f: {  	v12 =	vld [tilespmem:s12+$0xFFFFFFC0]  }
0x370: {  	v13 =	vld [tilespmem:s8+$0xFFFFFFC0]  }
0x371: {  	v11 =	vld [tilespmem:s12+$0x20];
	v4 =	vmul.f32 v4, v0;
	v5 =	vmul.f32 v5, v1  }
0x372: {  	v14 =	vld [tilespmem:s8+$0xFFFFFFD0];
	v6 =	vmul.f32 v6, v0;
	v7 =	vmul.f32 v7, v0  }
0x373: {  	v8 =	vmul.f32 v8, v0;
	v9 =	vmul.f32 v9, v0  }
0x374: {  	v10 =	vmul.f32 v10, v0;
	v12 =	vmul.f32 v12, v0;
	v4 =	vadd.f32 v4, v2  }
0x375: {  	v13 =	vmul.f32 v13, v1;
	v5 =	vadd.f32 v5, v3;
	v6 =	vadd.f32 v6, v2  }
0x376: {  	v11 =	vmul.f32 v11, v0;
	v7 =	vadd.f32 v7, v2;
	v8 =	vadd.f32 v8, v2  }
0x377: {  	v14 =	vmul.f32 v14, v1;
	v12 =	vadd.f32 v12, v2;
	v9 =	vadd.f32 v9, v2  }
0x378: {  	v10 =	vadd.f32 v10, v2;
	v13 =	vadd.f32 v13, v3  }
0x379: {  	v11 =	vadd.f32 v11, v2;
	v14 =	vadd.f32 v14, v3;
	v4 =	vmax.f32 v4, $0.0e+00  }
0x37a: {  	v5 =	vmax.f32 v5, $0.0e+00;
	v12 =	vmax.f32 v12, $0.0e+00;
	v6 =	vmax.f32 v6, $0.0e+00  }
0x37b: {  	v7 =	vmax.f32 v7, $0.0e+00;
	v8 =	vmax.f32 v8, $0.0e+00;
	v9 =	vmax.f32 v9, $0.0e+00  }
0x37c: {  	v15 =	vld [tilespmem:s8+$0xFFFFFFE0];
	v10 =	vmax.f32 v10, $0.0e+00;
	v11 =	vmax.f32 v11, $0.0e+00;
	v13 =	vmax.f32 v13, $0.0e+00  }
0x37d: {  	v16 =	vld [tilespmem:s8+$0xFFFFFFF0];
	v14 =	vmax.f32 v14, $0.0e+00;
	v4 =	vmin.f32 v4, $3.100000000e+01;
	v5 =	vmin.f32 v5, $3.100000000e+01  }
0x37e: {  	v17 =	vld [tilespmem:s8+$0x0];
	v12 =	vmin.f32 v12, $3.100000000e+01;
	v6 =	vmin.f32 v6, $3.100000000e+01;
	v7 =	vmin.f32 v7, $3.100000000e+01  }
0x37f: {  	v18 =	vld [tilespmem:s8+$0x10];
	v8 =	vmin.f32 v8, $3.100000000e+01;
	v9 =	vmin.f32 v9, $3.100000000e+01;
	v4 =	vtrunc.f32 v4  }
0x380: {  	v19 =	vld [tilespmem:s8+$0x20];
	v10 =	vmin.f32 v10, $3.100000000e+01;
	v5 =	vtrunc.f32 v5;
	v4 =	vcvt.f32.s32 v4  }
0x381: {  	v11 =	vmin.f32 v11, $3.100000000e+01;
	v12 =	vtrunc.f32 v12;
	v5 =	vcvt.f32.s32 v5  }
0x382: {  	v6 =	vtrunc.f32 v6;
	v20 =	vtrunc.f32 v8;
	v4 =	vshll.u32 v4, $0x5  }
0x383: {  	v4 =	vadd.s32 v5, v4;
	v5 =	vmul.f32 v15, v1;
	v15 =	vmul.f32 v16, v1  }
0x384: {  	v14 =	vmin.f32 v14, $3.100000000e+01;
	v16 =	vmul.f32 v17, v1;
	v17 =	vmul.f32 v18, v1  }
0x385: {  	v18 =	vmul.f32 v19, v1;
	v5 =	vadd.f32 v5, v3;
	v15 =	vadd.f32 v15, v3  }
0x386: {  	v19 =	vmin.f32 v13, $3.100000000e+01;
	v16 =	vadd.f32 v16, v3;
	v17 =	vadd.f32 v17, v3  }
0x387: {  	v13 =	vtrunc.f32 v7;
	v18 =	vadd.f32 v18, v3;
	v5 =	vmax.f32 v5, $0.0e+00  }
0x388: {  	v15 =	vmax.f32 v15, $0.0e+00;
	v16 =	vmax.f32 v16, $0.0e+00;
	v17 =	vmax.f32 v17, $0.0e+00  }
0x389: {  	v18 =	vmax.f32 v18, $0.0e+00;
	v21 =	vmin.f32 v5, $3.100000000e+01;
	v5 =	vtrunc.f32 v9  }
0x38a: {  	v9 =	vtrunc.f32 v10;
	v22 =	vmin.f32 v15, $3.100000000e+01;
	v10 =	vtrunc.f32 v11  }
0x38b: {  	v7 =	vmin.f32 v16, $3.100000000e+01;
	v23 =	vld.idx.msk [tilespmem:v4+s22+$0x0], $0xffff;
	v11 =	vcvt.f32.s32 v12;
	v12 =	vcvt.f32.s32 v6  }
0x38c: {  	v8 =	vmin.f32 v17, $3.100000000e+01;
	v17 =	vcvt.f32.s32 v13;
	v16 =	vtrunc.f32 v19  }
0x38d: {  	v4 =	vmin.f32 v18, $3.100000000e+01;
	v15 =	vtrunc.f32 v14;
	v13 =	vcvt.f32.s32 v5  }
0x38e: {  	v14 =	vtrunc.f32 v22;
	v6 =	vshll.u32 v11, $0x5;
	v11 =	vcvt.f32.s32 v20  }
0x38f: {  	s9 =	simm.s32 $0xA040;
	v5 =	vshll.u32 v12, $0x5;
	v12 =	vcvt.f32.s32 v9;
	v9 =	vcvt.f32.s32 v10  }
0x390: {  	s10 =	simm.s32 $0xA040;
	s11 =	simm.s32 $0x0;
	s12 =	simm.s32 $0x20C0;
	v10 =	vshll.u32 v17, $0x5;
	v17 =	vtrunc.f32 v21;
	v11 =	vshll.u32 v11, $0x5;
	[tilespmem:s9+$0x30] =	vst v23  }
.LBB2_16:
0x391: {  	v18 =	vld [tilespmem:s12+$0x30];
	s11 =	sadd.s32 $0x8, s11;
	v7 =	vtrunc.f32 v7;
	v13 =	vshll.u32 v13, $0x5;
	v8 =	vtrunc.f32 v8;
	s8 =	sadd.s32 $0x80, s8  }
0x392: {  	v16 =	vcvt.f32.s32 v16;
	v12 =	vshll.u32 v12, $0x5;
	v4 =	vtrunc.f32 v4;
	v19 =	vld [tilespmem:s8+$0x30];
	p0 =	slt.u32 s11, $0x1F8  }
0x393: {  	v15 =	vcvt.f32.s32 v15;
	v17 =	vcvt.f32.s32 v17;
	v9 =	vshll.u32 v9, $0x5;
	v20 =	vld [tilespmem:s12+$0xFFFFFFD0]  }
0x394: {  	v14 =	vcvt.f32.s32 v14;
	v7 =	vcvt.f32.s32 v7;
	v6 =	vadd.s32 v16, v6;
	v21 =	vld [tilespmem:s12+$0xFFFFFFE0]  }
0x395: {  	v8 =	vcvt.f32.s32 v8;
	v4 =	vcvt.f32.s32 v4;
	v5 =	vadd.s32 v15, v5;
	v16 =	vld [tilespmem:s12+$0xFFFFFFF0]  }
0x396: {  	v10 =	vadd.s32 v17, v10;
	v11 =	vadd.s32 v14, v11;
	v15 =	vld [tilespmem:s12+$0x0];
	v18 =	vmul.f32 v18, v0  }
0x397: {  	v7 =	vadd.s32 v7, v13;
	v8 =	vadd.s32 v8, v12;
	v14 =	vld [tilespmem:s12+$0x10];
	v17 =	vmul.f32 v19, v1  }
0x398: {  	v4 =	vadd.s32 v4, v9;
	v12 =	vmul.f32 v20, v0;
	v13 =	vld [tilespmem:s12+$0x20];
	v18 =	vadd.f32 v18, v2  }
0x399: {  	v9 =	vld [tilespmem:s12+$0xFFFFFFC0];
	v19 =	vmul.f32 v21, v0;
	v17 =	vadd.f32 v17, v3  }
0x39a: {  	v20 =	vld [tilespmem:s8+$0xFFFFFFC0];
	v12 =	vadd.f32 v12, v2;
	v16 =	vmul.f32 v16, v0;
	v18 =	vmax.f32 v18, $0.0e+00  }
0x39b: {  	v21 =	vld [tilespmem:s8+$0xFFFFFFD0];
	v15 =	vmul.f32 v15, v0;
	v18 =	vmin.f32 v18, $3.100000000e+01;
	v17 =	vmax.f32 v17, $0.0e+00  }
0x39c: {  	v22 =	vld [tilespmem:s8+$0xFFFFFFE0];
	v14 =	vmul.f32 v14, v0;
	v17 =	vmin.f32 v17, $3.100000000e+01;
	v18 =	vtrunc.f32 v18  }
0x39d: {  	v19 =	vadd.f32 v19, v2;
	v23 =	vld [tilespmem:s8+$0xFFFFFFF0];
	v18 =	vcvt.f32.s32 v18;
	v17 =	vtrunc.f32 v17  }
0x39e: {  	v16 =	vadd.f32 v16, v2;
	v9 =	vmul.f32 v9, v0;
	v24 =	vld [tilespmem:s8+$0x0];
	v17 =	vcvt.f32.s32 v17  }
0x39f: {  	v13 =	vmul.f32 v13, v0;
	v20 =	vmul.f32 v20, v1;
	v25 =	vld [tilespmem:s8+$0x10];
	v18 =	vshll.u32 v18, $0x5  }
0x3a0: {  	v9 =	vadd.f32 v9, v2;
	v21 =	vmul.f32 v21, v1;
	v26 =	vld [tilespmem:s8+$0x20];
	v17 =	vadd.s32 v17, v18  }
0x3a1: {  	v15 =	vadd.f32 v15, v2;
	v14 =	vadd.f32 v14, v2;
	v18 =	vmul.f32 v22, v1;
	v6 =	vld.idx.msk [tilespmem:v6+s22+$0x0], $0xffff  }
0x3a2: {  	v13 =	vadd.f32 v13, v2;
	v20 =	vadd.f32 v20, v3;
	v22 =	vmul.f32 v23, v1;
	v5 =	vld.idx.msk [tilespmem:v5+s22+$0x0], $0xffff  }
0x3a3: {  	v21 =	vadd.f32 v21, v3;
	v18 =	vadd.f32 v18, v3;
	v23 =	vmul.f32 v24, v1;
	v10 =	vld.idx.msk [tilespmem:v10+s22+$0x0], $0xffff  }
0x3a4: {  	v9 =	vmax.f32 v9, $0.0e+00;
	v22 =	vadd.f32 v22, v3;
	v24 =	vmul.f32 v25, v1;
	v11 =	vld.idx.msk [tilespmem:v11+s22+$0x0], $0xffff  }
0x3a5: {  	v12 =	vmax.f32 v12, $0.0e+00;
	v23 =	vadd.f32 v23, v3;
	v25 =	vmul.f32 v26, v1;
	v17 =	vld.idx.msk [tilespmem:v17+s22+$0x0], $0xffff  }
0x3a6: {  	v19 =	vmax.f32 v19, $0.0e+00;
	v16 =	vmax.f32 v16, $0.0e+00;
	v24 =	vadd.f32 v24, v3;
	v7 =	vld.idx.msk [tilespmem:v7+s22+$0x0], $0xffff  }
0x3a7: {  	v15 =	vmax.f32 v15, $0.0e+00;
	v14 =	vmax.f32 v14, $0.0e+00;
	v25 =	vadd.f32 v25, v3;
	[tilespmem:s9+$0xFFFFFFC0] =	vst v6;
	v6 =	vld.idx.msk [tilespmem:v8+s22+$0x0], $0xffff  }
0x3a8: {  	v8 =	vmin.f32 v9, $3.100000000e+01;
	v9 =	vmin.f32 v12, $3.100000000e+01;
	v12 =	vmax.f32 v13, $0.0e+00;
	[tilespmem:s9+$0xFFFFFFD0] =	vst v5;
	v4 =	vld.idx.msk [tilespmem:v4+s22+$0x0], $0xffff  }
0x3a9: {  	v15 =	vmin.f32 v15, $3.100000000e+01;
	v13 =	vmin.f32 v16, $3.100000000e+01;
	v5 =	vmin.f32 v19, $3.100000000e+01;
	[tilespmem:s9+$0xFFFFFFE0] =	vst v10  }
0x3aa: {  	v14 =	vmin.f32 v14, $3.100000000e+01;
	v12 =	vmin.f32 v12, $3.100000000e+01;
	v10 =	vmax.f32 v20, $0.0e+00;
	s9 =	sadd.s32 $0x80, s9;
	[tilespmem:s10+$0xFFFFFFF0] =	vst v11  }
0x3ab: {  	v16 =	vmax.f32 v18, $0.0e+00;
	v18 =	vmax.f32 v22, $0.0e+00;
	v11 =	vmax.f32 v21, $0.0e+00;
	[tilespmem:s9+$0x30] =	vst v17  }
0x3ac: {  	v19 =	vmax.f32 v24, $0.0e+00;
	v20 =	vmax.f32 v25, $0.0e+00;
	v17 =	vmax.f32 v23, $0.0e+00;
	[tilespmem:s10+$0x0] =	vst v7  }
0x3ad: {  	v8 =	vtrunc.f32 v8;
	v9 =	vtrunc.f32 v9;
	v10 =	vmin.f32 v10, $3.100000000e+01;
	[tilespmem:s10+$0x10] =	vst v6  }
0x3ae: {  	v13 =	vtrunc.f32 v13;
	v5 =	vtrunc.f32 v5;
	v11 =	vmin.f32 v11, $3.100000000e+01;
	[tilespmem:s10+$0x20] =	vst v4;
	s10 =	smov.u32 s9  }
0x3af: {  	v15 =	vtrunc.f32 v15;
	v14 =	vtrunc.f32 v14;
	v21 =	vmin.f32 v16, $3.100000000e+01  }
0x3b0: {  	v18 =	vmin.f32 v18, $3.100000000e+01;
	v16 =	vtrunc.f32 v12;
	v7 =	vmin.f32 v17, $3.100000000e+01  }
0x3b1: {  	v6 =	vcvt.f32.s32 v8;
	v8 =	vmin.f32 v19, $3.100000000e+01;
	v4 =	vmin.f32 v20, $3.100000000e+01  }
.Ltmp7:
0x3b2: {  	v9 =	vcvt.f32.s32 v9;
	v17 =	vcvt.f32.s32 v5;
	(pc) =	sbr.rel @p0 .LBB2_16-.Ltmp7, $4  }
0x3b3: {  	v19 =	vcvt.f32.s32 v13;
	v13 =	vcvt.f32.s32 v15;
	v6 =	vshll.u32 v6, $0x5  }
0x3b4: {  	v12 =	vcvt.f32.s32 v14;
	v5 =	vshll.u32 v9, $0x5;
	v9 =	vcvt.f32.s32 v16  }
0x3b5: {  	v16 =	vtrunc.f32 v10;
	v15 =	vtrunc.f32 v11;
	v10 =	vshll.u32 v17, $0x5  }
0x3b6: {  	s12 =	sadd.s32 $0x80, s12;
	v14 =	vtrunc.f32 v18;
	v17 =	vtrunc.f32 v21;
	v11 =	vshll.u32 v19, $0x5  }
0x3b7: {  	v16 =	vcvt.f32.s32 v16  }
0x3b8: {  	v15 =	vcvt.f32.s32 v15  }
0x3b9: {  	v7 =	vtrunc.f32 v7;
	v17 =	vcvt.f32.s32 v17;
	v6 =	vadd.s32 v16, v6  }
0x3ba: {  	v13 =	vshll.u32 v13, $0x5;
	v14 =	vcvt.f32.s32 v14;
	v5 =	vadd.s32 v15, v5  }
0x3bb: {  	v4 =	vtrunc.f32 v4;
	v7 =	vcvt.f32.s32 v7;
	v10 =	vadd.s32 v17, v10  }
0x3bc: {  	v8 =	vtrunc.f32 v8;
	v4 =	vcvt.f32.s32 v4;
	v11 =	vadd.s32 v14, v11  }
0x3bd: {  	v9 =	vshll.u32 v9, $0x5;
	v8 =	vcvt.f32.s32 v8;
	v7 =	vadd.s32 v7, v13  }
0x3be: {  	v12 =	vshll.u32 v12, $0x5;
	v4 =	vadd.s32 v4, v9;
	v6 =	vld.idx.msk [tilespmem:v6+s22+$0x0], $0xffff  }
0x3bf: {  	v8 =	vadd.s32 v8, v12;
	v5 =	vld.idx.msk [tilespmem:v5+s22+$0x0], $0xffff  }
0x3c0: {  	v9 =	vld.idx.msk [tilespmem:v10+s22+$0x0], $0xffff  }
0x3c1: {  	v10 =	vld.idx.msk [tilespmem:v11+s22+$0x0], $0xffff  }
0x3c2: {  	v7 =	vld.idx.msk [tilespmem:v7+s22+$0x0], $0xffff  }
0x3c3: {  	v4 =	vld.idx.msk [tilespmem:v4+s22+$0x0], $0xffff;
	[tilespmem:s9+$0xFFFFFFC0] =	vst v6  }
0x3c4: {  	v6 =	vld.idx.msk [tilespmem:v8+s22+$0x0], $0xffff;
	[tilespmem:s9+$0xFFFFFFD0] =	vst v5  }
0x3c5: {  	[tilespmem:s9+$0xFFFFFFE0] =	vst v9  }
0x3c6: {  	[tilespmem:s10+$0xFFFFFFF0] =	vst v10  }
0x3c7: {  	[tilespmem:s10+$0x0] =	vst v7  }
0x3c8: {  	[tilespmem:s10+$0x20] =	vst v4  }
0x3c9: {  	[tilespmem:s10+$0x10] =	vst v6  }
0x3ca: {  	s8 =	sld [smem:$0x7FC];
	_ =	sdelay $0x2  }
0x3cb: {  	[hbm4b:s8+s1] =	stream.linear.scatter [tilespmem:s4], [sflag:$0x6], $0x2000, $0x38;
	[tilespmem:$0xC600] =	vst v63  }
0x3cc: {  	s10 =	rddreg [dreg:$0x17]  }
0x3cd: {  	[tilespmem:s28], [sflag:$0x2] =	stream.strided.gather [hbm4b:s10+s24], $0x2000, s25, s24, $0x38;
	[tilespmem:$0xC600] =	vst v63  }
0x3ce: {  	s11 =	rddreg [dreg:$0x18]  }
0x3cf: {  	[tilespmem:s29], [sflag:$0x4] =	stream.strided.gather [hbm4b:s11+s24], $0x2000, s25, s24, $0x38;
	[tilespmem:$0xC600] =	vst v63  }
0x3d0: {  	_ =	swait.ge [sflag:s30], $0x2000  }
0x3d1: {  	[sflag:s30] =	ssyncset.done $0x0  }
0x3d2: {  	[sflag:s30] =	ssyncadd.s32 $0xFFFFE000  }
0x3d3: {  	_ =	swait.ge [sflag:s31], $0x2000  }
0x3d4: {  	[sflag:s31] =	ssyncset.done $0x0  }
0x3d5: {  	[sflag:s31] =	ssyncadd.s32 $0xFFFFE000  }
0x3d6: {  	_ =	swait.ge [sflag:s5], $0x2000  }
0x3d7: {  	[sflag:s5] =	ssyncset.done $0x0  }
0x3d8: {  	s12 =	simm.s32 $0x40;
	[sflag:s5] =	ssyncadd.s32 $0xFFFFE000  }
0x3d9: {  	s8 =	simm.s32 $0x4040;
	v4 =	vld [tilespmem:s12+$0x30]  }
0x3da: {  	v5 =	vld [tilespmem:s8+$0x30]  }
0x3db: {  	v6 =	vld [tilespmem:s12+$0xFFFFFFD0]  }
0x3dc: {  	v7 =	vld [tilespmem:s12+$0xFFFFFFE0]  }
0x3dd: {  	v8 =	vld [tilespmem:s12+$0xFFFFFFF0]  }
0x3de: {  	v9 =	vld [tilespmem:s12+$0x0]  }
0x3df: {  	v10 =	vld [tilespmem:s12+$0x10]  }
0x3e0: {  	v12 =	vld [tilespmem:s12+$0xFFFFFFC0]  }
0x3e1: {  	v13 =	vld [tilespmem:s8+$0xFFFFFFC0]  }
0x3e2: {  	v11 =	vld [tilespmem:s12+$0x20];
	v4 =	vmul.f32 v4, v0;
	v5 =	vmul.f32 v5, v1  }
0x3e3: {  	v14 =	vld [tilespmem:s8+$0xFFFFFFD0];
	v6 =	vmul.f32 v6, v0;
	v7 =	vmul.f32 v7, v0  }
0x3e4: {  	v8 =	vmul.f32 v8, v0;
	v9 =	vmul.f32 v9, v0  }
0x3e5: {  	v10 =	vmul.f32 v10, v0;
	v12 =	vmul.f32 v12, v0;
	v4 =	vadd.f32 v4, v2  }
0x3e6: {  	v13 =	vmul.f32 v13, v1;
	v5 =	vadd.f32 v5, v3;
	v6 =	vadd.f32 v6, v2  }
0x3e7: {  	v11 =	vmul.f32 v11, v0;
	v7 =	vadd.f32 v7, v2;
	v8 =	vadd.f32 v8, v2  }
0x3e8: {  	v14 =	vmul.f32 v14, v1;
	v12 =	vadd.f32 v12, v2;
	v9 =	vadd.f32 v9, v2  }
0x3e9: {  	v10 =	vadd.f32 v10, v2;
	v13 =	vadd.f32 v13, v3  }
0x3ea: {  	v11 =	vadd.f32 v11, v2;
	v14 =	vadd.f32 v14, v3;
	v4 =	vmax.f32 v4, $0.0e+00  }
0x3eb: {  	v5 =	vmax.f32 v5, $0.0e+00;
	v12 =	vmax.f32 v12, $0.0e+00;
	v6 =	vmax.f32 v6, $0.0e+00  }
0x3ec: {  	v7 =	vmax.f32 v7, $0.0e+00;
	v8 =	vmax.f32 v8, $0.0e+00;
	v9 =	vmax.f32 v9, $0.0e+00  }
0x3ed: {  	v15 =	vld [tilespmem:s8+$0xFFFFFFE0];
	v10 =	vmax.f32 v10, $0.0e+00;
	v11 =	vmax.f32 v11, $0.0e+00;
	v13 =	vmax.f32 v13, $0.0e+00  }
0x3ee: {  	v16 =	vld [tilespmem:s8+$0xFFFFFFF0];
	v14 =	vmax.f32 v14, $0.0e+00;
	v4 =	vmin.f32 v4, $3.100000000e+01;
	v5 =	vmin.f32 v5, $3.100000000e+01  }
0x3ef: {  	v17 =	vld [tilespmem:s8+$0x0];
	v12 =	vmin.f32 v12, $3.100000000e+01;
	v6 =	vmin.f32 v6, $3.100000000e+01;
	v7 =	vmin.f32 v7, $3.100000000e+01  }
0x3f0: {  	v18 =	vld [tilespmem:s8+$0x10];
	v8 =	vmin.f32 v8, $3.100000000e+01;
	v9 =	vmin.f32 v9, $3.100000000e+01;
	v4 =	vtrunc.f32 v4  }
0x3f1: {  	v19 =	vld [tilespmem:s8+$0x20];
	v10 =	vmin.f32 v10, $3.100000000e+01;
	v5 =	vtrunc.f32 v5;
	v4 =	vcvt.f32.s32 v4  }
0x3f2: {  	v11 =	vmin.f32 v11, $3.100000000e+01;
	v12 =	vtrunc.f32 v12;
	v5 =	vcvt.f32.s32 v5  }
0x3f3: {  	v6 =	vtrunc.f32 v6;
	v20 =	vtrunc.f32 v8;
	v4 =	vshll.u32 v4, $0x5  }
0x3f4: {  	v4 =	vadd.s32 v5, v4;
	v5 =	vmul.f32 v15, v1;
	v15 =	vmul.f32 v16, v1  }
0x3f5: {  	v14 =	vmin.f32 v14, $3.100000000e+01;
	v16 =	vmul.f32 v17, v1;
	v17 =	vmul.f32 v18, v1  }
0x3f6: {  	v18 =	vmul.f32 v19, v1;
	v5 =	vadd.f32 v5, v3;
	v15 =	vadd.f32 v15, v3  }
0x3f7: {  	v19 =	vmin.f32 v13, $3.100000000e+01;
	v16 =	vadd.f32 v16, v3;
	v17 =	vadd.f32 v17, v3  }
0x3f8: {  	v13 =	vtrunc.f32 v7;
	v18 =	vadd.f32 v18, v3;
	v5 =	vmax.f32 v5, $0.0e+00  }
0x3f9: {  	v15 =	vmax.f32 v15, $0.0e+00;
	v16 =	vmax.f32 v16, $0.0e+00;
	v17 =	vmax.f32 v17, $0.0e+00  }
0x3fa: {  	v18 =	vmax.f32 v18, $0.0e+00;
	v21 =	vmin.f32 v5, $3.100000000e+01;
	v5 =	vtrunc.f32 v9  }
0x3fb: {  	v9 =	vtrunc.f32 v10;
	v22 =	vmin.f32 v15, $3.100000000e+01;
	v10 =	vtrunc.f32 v11  }
0x3fc: {  	v7 =	vmin.f32 v16, $3.100000000e+01;
	v23 =	vld.idx.msk [tilespmem:v4+s22+$0x0], $0xffff;
	v11 =	vcvt.f32.s32 v12;
	v12 =	vcvt.f32.s32 v6  }
0x3fd: {  	v8 =	vmin.f32 v17, $3.100000000e+01;
	v17 =	vcvt.f32.s32 v13;
	v16 =	vtrunc.f32 v19  }
0x3fe: {  	v4 =	vmin.f32 v18, $3.100000000e+01;
	v15 =	vtrunc.f32 v14;
	v13 =	vcvt.f32.s32 v5  }
0x3ff: {  	v14 =	vtrunc.f32 v22;
	v6 =	vshll.u32 v11, $0x5;
	v11 =	vcvt.f32.s32 v20  }
0x400: {  	s9 =	simm.s32 $0x8040;
	v5 =	vshll.u32 v12, $0x5;
	v12 =	vcvt.f32.s32 v9;
	v9 =	vcvt.f32.s32 v10  }
0x401: {  	s10 =	simm.s32 $0x8040;
	s11 =	simm.s32 $0x0;
	s12 =	simm.s32 $0xC0;
	v10 =	vshll.u32 v17, $0x5;
	v17 =	vtrunc.f32 v21;
	v11 =	vshll.u32 v11, $0x5;
	[tilespmem:s9+$0x30] =	vst v23  }
.LBB2_18:
0x402: {  	v18 =	vld [tilespmem:s12+$0x30];
	s11 =	sadd.s32 $0x8, s11;
	v7 =	vtrunc.f32 v7;
	v13 =	vshll.u32 v13, $0x5;
	v8 =	vtrunc.f32 v8;
	s8 =	sadd.s32 $0x80, s8  }
0x403: {  	v16 =	vcvt.f32.s32 v16;
	v12 =	vshll.u32 v12, $0x5;
	v4 =	vtrunc.f32 v4;
	v19 =	vld [tilespmem:s8+$0x30];
	p0 =	slt.u32 s11, $0x1F8  }
0x404: {  	v15 =	vcvt.f32.s32 v15;
	v17 =	vcvt.f32.s32 v17;
	v9 =	vshll.u32 v9, $0x5;
	v20 =	vld [tilespmem:s12+$0xFFFFFFD0]  }
0x405: {  	v14 =	vcvt.f32.s32 v14;
	v7 =	vcvt.f32.s32 v7;
	v6 =	vadd.s32 v16, v6;
	v21 =	vld [tilespmem:s12+$0xFFFFFFE0]  }
0x406: {  	v8 =	vcvt.f32.s32 v8;
	v4 =	vcvt.f32.s32 v4;
	v5 =	vadd.s32 v15, v5;
	v16 =	vld [tilespmem:s12+$0xFFFFFFF0]  }
0x407: {  	v10 =	vadd.s32 v17, v10;
	v11 =	vadd.s32 v14, v11;
	v15 =	vld [tilespmem:s12+$0x0];
	v18 =	vmul.f32 v18, v0  }
0x408: {  	v7 =	vadd.s32 v7, v13;
	v8 =	vadd.s32 v8, v12;
	v14 =	vld [tilespmem:s12+$0x10];
	v17 =	vmul.f32 v19, v1  }
0x409: {  	v4 =	vadd.s32 v4, v9;
	v12 =	vmul.f32 v20, v0;
	v13 =	vld [tilespmem:s12+$0x20];
	v18 =	vadd.f32 v18, v2  }
0x40a: {  	v9 =	vld [tilespmem:s12+$0xFFFFFFC0];
	v19 =	vmul.f32 v21, v0;
	v17 =	vadd.f32 v17, v3  }
0x40b: {  	v20 =	vld [tilespmem:s8+$0xFFFFFFC0];
	v12 =	vadd.f32 v12, v2;
	v16 =	vmul.f32 v16, v0;
	v18 =	vmax.f32 v18, $0.0e+00  }
0x40c: {  	v21 =	vld [tilespmem:s8+$0xFFFFFFD0];
	v15 =	vmul.f32 v15, v0;
	v18 =	vmin.f32 v18, $3.100000000e+01;
	v17 =	vmax.f32 v17, $0.0e+00  }
0x40d: {  	v22 =	vld [tilespmem:s8+$0xFFFFFFE0];
	v14 =	vmul.f32 v14, v0;
	v17 =	vmin.f32 v17, $3.100000000e+01;
	v18 =	vtrunc.f32 v18  }
0x40e: {  	v19 =	vadd.f32 v19, v2;
	v23 =	vld [tilespmem:s8+$0xFFFFFFF0];
	v18 =	vcvt.f32.s32 v18;
	v17 =	vtrunc.f32 v17  }
0x40f: {  	v16 =	vadd.f32 v16, v2;
	v9 =	vmul.f32 v9, v0;
	v24 =	vld [tilespmem:s8+$0x0];
	v17 =	vcvt.f32.s32 v17  }
0x410: {  	v13 =	vmul.f32 v13, v0;
	v20 =	vmul.f32 v20, v1;
	v25 =	vld [tilespmem:s8+$0x10];
	v18 =	vshll.u32 v18, $0x5  }
0x411: {  	v9 =	vadd.f32 v9, v2;
	v21 =	vmul.f32 v21, v1;
	v26 =	vld [tilespmem:s8+$0x20];
	v17 =	vadd.s32 v17, v18  }
0x412: {  	v15 =	vadd.f32 v15, v2;
	v14 =	vadd.f32 v14, v2;
	v18 =	vmul.f32 v22, v1;
	v6 =	vld.idx.msk [tilespmem:v6+s22+$0x0], $0xffff  }
0x413: {  	v13 =	vadd.f32 v13, v2;
	v20 =	vadd.f32 v20, v3;
	v22 =	vmul.f32 v23, v1;
	v5 =	vld.idx.msk [tilespmem:v5+s22+$0x0], $0xffff  }
0x414: {  	v21 =	vadd.f32 v21, v3;
	v18 =	vadd.f32 v18, v3;
	v23 =	vmul.f32 v24, v1;
	v10 =	vld.idx.msk [tilespmem:v10+s22+$0x0], $0xffff  }
0x415: {  	v9 =	vmax.f32 v9, $0.0e+00;
	v22 =	vadd.f32 v22, v3;
	v24 =	vmul.f32 v25, v1;
	v11 =	vld.idx.msk [tilespmem:v11+s22+$0x0], $0xffff  }
0x416: {  	v12 =	vmax.f32 v12, $0.0e+00;
	v23 =	vadd.f32 v23, v3;
	v25 =	vmul.f32 v26, v1;
	v17 =	vld.idx.msk [tilespmem:v17+s22+$0x0], $0xffff  }
0x417: {  	v19 =	vmax.f32 v19, $0.0e+00;
	v16 =	vmax.f32 v16, $0.0e+00;
	v24 =	vadd.f32 v24, v3;
	v7 =	vld.idx.msk [tilespmem:v7+s22+$0x0], $0xffff  }
0x418: {  	v15 =	vmax.f32 v15, $0.0e+00;
	v14 =	vmax.f32 v14, $0.0e+00;
	v25 =	vadd.f32 v25, v3;
	[tilespmem:s9+$0xFFFFFFC0] =	vst v6;
	v6 =	vld.idx.msk [tilespmem:v8+s22+$0x0], $0xffff  }
0x419: {  	v8 =	vmin.f32 v9, $3.100000000e+01;
	v9 =	vmin.f32 v12, $3.100000000e+01;
	v12 =	vmax.f32 v13, $0.0e+00;
	[tilespmem:s9+$0xFFFFFFD0] =	vst v5;
	v4 =	vld.idx.msk [tilespmem:v4+s22+$0x0], $0xffff  }
0x41a: {  	v15 =	vmin.f32 v15, $3.100000000e+01;
	v13 =	vmin.f32 v16, $3.100000000e+01;
	v5 =	vmin.f32 v19, $3.100000000e+01;
	[tilespmem:s9+$0xFFFFFFE0] =	vst v10  }
0x41b: {  	v14 =	vmin.f32 v14, $3.100000000e+01;
	v12 =	vmin.f32 v12, $3.100000000e+01;
	v10 =	vmax.f32 v20, $0.0e+00;
	s9 =	sadd.s32 $0x80, s9;
	[tilespmem:s10+$0xFFFFFFF0] =	vst v11  }
0x41c: {  	v16 =	vmax.f32 v18, $0.0e+00;
	v18 =	vmax.f32 v22, $0.0e+00;
	v11 =	vmax.f32 v21, $0.0e+00;
	[tilespmem:s9+$0x30] =	vst v17  }
0x41d: {  	v19 =	vmax.f32 v24, $0.0e+00;
	v20 =	vmax.f32 v25, $0.0e+00;
	v17 =	vmax.f32 v23, $0.0e+00;
	[tilespmem:s10+$0x0] =	vst v7  }
0x41e: {  	v8 =	vtrunc.f32 v8;
	v9 =	vtrunc.f32 v9;
	v10 =	vmin.f32 v10, $3.100000000e+01;
	[tilespmem:s10+$0x10] =	vst v6  }
0x41f: {  	v13 =	vtrunc.f32 v13;
	v5 =	vtrunc.f32 v5;
	v11 =	vmin.f32 v11, $3.100000000e+01;
	[tilespmem:s10+$0x20] =	vst v4;
	s10 =	smov.u32 s9  }
0x420: {  	v15 =	vtrunc.f32 v15;
	v14 =	vtrunc.f32 v14;
	v21 =	vmin.f32 v16, $3.100000000e+01  }
0x421: {  	v18 =	vmin.f32 v18, $3.100000000e+01;
	v16 =	vtrunc.f32 v12;
	v7 =	vmin.f32 v17, $3.100000000e+01  }
0x422: {  	v6 =	vcvt.f32.s32 v8;
	v8 =	vmin.f32 v19, $3.100000000e+01;
	v4 =	vmin.f32 v20, $3.100000000e+01  }
.Ltmp8:
0x423: {  	v9 =	vcvt.f32.s32 v9;
	v17 =	vcvt.f32.s32 v5;
	(pc) =	sbr.rel @p0 .LBB2_18-.Ltmp8, $4  }
0x424: {  	v19 =	vcvt.f32.s32 v13;
	v13 =	vcvt.f32.s32 v15;
	v6 =	vshll.u32 v6, $0x5  }
0x425: {  	v12 =	vcvt.f32.s32 v14;
	v5 =	vshll.u32 v9, $0x5;
	v9 =	vcvt.f32.s32 v16  }
0x426: {  	v16 =	vtrunc.f32 v10;
	v15 =	vtrunc.f32 v11;
	v10 =	vshll.u32 v17, $0x5  }
0x427: {  	s12 =	sadd.s32 $0x80, s12;
	v14 =	vtrunc.f32 v18;
	v17 =	vtrunc.f32 v21;
	v11 =	vshll.u32 v19, $0x5  }
0x428: {  	v16 =	vcvt.f32.s32 v16  }
0x429: {  	v15 =	vcvt.f32.s32 v15  }
0x42a: {  	v7 =	vtrunc.f32 v7;
	v17 =	vcvt.f32.s32 v17;
	v6 =	vadd.s32 v16, v6  }
0x42b: {  	v13 =	vshll.u32 v13, $0x5;
	v14 =	vcvt.f32.s32 v14;
	v5 =	vadd.s32 v15, v5  }
0x42c: {  	v4 =	vtrunc.f32 v4;
	v7 =	vcvt.f32.s32 v7;
	v10 =	vadd.s32 v17, v10  }
0x42d: {  	v8 =	vtrunc.f32 v8;
	v4 =	vcvt.f32.s32 v4;
	v11 =	vadd.s32 v14, v11  }
0x42e: {  	v9 =	vshll.u32 v9, $0x5;
	v8 =	vcvt.f32.s32 v8;
	v7 =	vadd.s32 v7, v13  }
0x42f: {  	v12 =	vshll.u32 v12, $0x5;
	v4 =	vadd.s32 v4, v9;
	v6 =	vld.idx.msk [tilespmem:v6+s22+$0x0], $0xffff  }
0x430: {  	v8 =	vadd.s32 v8, v12;
	v5 =	vld.idx.msk [tilespmem:v5+s22+$0x0], $0xffff  }
0x431: {  	v9 =	vld.idx.msk [tilespmem:v10+s22+$0x0], $0xffff  }
0x432: {  	v10 =	vld.idx.msk [tilespmem:v11+s22+$0x0], $0xffff  }
0x433: {  	v7 =	vld.idx.msk [tilespmem:v7+s22+$0x0], $0xffff  }
0x434: {  	v4 =	vld.idx.msk [tilespmem:v4+s22+$0x0], $0xffff;
	[tilespmem:s9+$0xFFFFFFC0] =	vst v6  }
0x435: {  	v6 =	vld.idx.msk [tilespmem:v8+s22+$0x0], $0xffff;
	[tilespmem:s9+$0xFFFFFFD0] =	vst v5  }
0x436: {  	[tilespmem:s9+$0xFFFFFFE0] =	vst v9  }
0x437: {  	[tilespmem:s10+$0xFFFFFFF0] =	vst v10  }
0x438: {  	[tilespmem:s10+$0x0] =	vst v7  }
0x439: {  	[tilespmem:s10+$0x20] =	vst v4  }
0x43a: {  	[tilespmem:s10+$0x10] =	vst v6  }
0x43b: {  	s8 =	sld [smem:$0x7FD];
	_ =	sdelay $0x2  }
0x43c: {  	[hbm4b:s8+s1] =	stream.linear.scatter [tilespmem:s0], [sflag:$0x5], $0x2000, $0x38;
	[tilespmem:$0xC600] =	vst v63  }
0x43d: {  	s10 =	rddreg [dreg:$0x19]  }
0x43e: {  	[tilespmem:s1], [sflag:$0x1] =	stream.strided.gather [hbm4b:s10+s24], $0x2000, s25, s24, $0x38;
	[tilespmem:$0xC600] =	vst v63  }
0x43f: {  	s11 =	rddreg [dreg:$0x1a]  }
0x440: {  	[tilespmem:s26], [sflag:$0x3] =	stream.strided.gather [hbm4b:s11+s24], $0x2000, s25, s24, $0x38;
	[tilespmem:$0xC600] =	vst v63  }
0x441: {  	_ =	swait.ge [sflag:s2], $0x2000  }
0x442: {  	[sflag:s2] =	ssyncset.done $0x0  }
0x443: {  	[sflag:s2] =	ssyncadd.s32 $0xFFFFE000  }
0x444: {  	_ =	swait.ge [sflag:s3], $0x2000  }
0x445: {  	[sflag:s3] =	ssyncset.done $0x0  }
0x446: {  	[sflag:s3] =	ssyncadd.s32 $0xFFFFE000  }
0x447: {  	_ =	swait.ge [sflag:s6], $0x2000  }
0x448: {  	[sflag:s6] =	ssyncset.done $0x0  }
0x449: {  	s12 =	simm.s32 $0x2040;
	[sflag:s6] =	ssyncadd.s32 $0xFFFFE000  }
0x44a: {  	s8 =	simm.s32 $0x6040;
	v4 =	vld [tilespmem:s12+$0x30]  }
0x44b: {  	v5 =	vld [tilespmem:s8+$0x30]  }
0x44c: {  	v6 =	vld [tilespmem:s12+$0xFFFFFFD0]  }
0x44d: {  	v7 =	vld [tilespmem:s12+$0xFFFFFFE0]  }
0x44e: {  	v8 =	vld [tilespmem:s12+$0xFFFFFFF0]  }
0x44f: {  	v9 =	vld [tilespmem:s12+$0x0]  }
0x450: {  	v10 =	vld [tilespmem:s12+$0x10]  }
0x451: {  	v12 =	vld [tilespmem:s12+$0xFFFFFFC0]  }
0x452: {  	v13 =	vld [tilespmem:s8+$0xFFFFFFC0]  }
0x453: {  	v11 =	vld [tilespmem:s12+$0x20];
	v4 =	vmul.f32 v4, v0;
	v5 =	vmul.f32 v5, v1  }
0x454: {  	v14 =	vld [tilespmem:s8+$0xFFFFFFD0];
	v6 =	vmul.f32 v6, v0;
	v7 =	vmul.f32 v7, v0  }
0x455: {  	v8 =	vmul.f32 v8, v0;
	v9 =	vmul.f32 v9, v0  }
0x456: {  	v10 =	vmul.f32 v10, v0;
	v12 =	vmul.f32 v12, v0;
	v4 =	vadd.f32 v4, v2  }
0x457: {  	v13 =	vmul.f32 v13, v1;
	v5 =	vadd.f32 v5, v3;
	v6 =	vadd.f32 v6, v2  }
0x458: {  	v11 =	vmul.f32 v11, v0;
	v7 =	vadd.f32 v7, v2;
	v8 =	vadd.f32 v8, v2  }
0x459: {  	v14 =	vmul.f32 v14, v1;
	v12 =	vadd.f32 v12, v2;
	v9 =	vadd.f32 v9, v2  }
0x45a: {  	v10 =	vadd.f32 v10, v2;
	v13 =	vadd.f32 v13, v3  }
0x45b: {  	v11 =	vadd.f32 v11, v2;
	v14 =	vadd.f32 v14, v3;
	v4 =	vmax.f32 v4, $0.0e+00  }
0x45c: {  	v5 =	vmax.f32 v5, $0.0e+00;
	v12 =	vmax.f32 v12, $0.0e+00;
	v6 =	vmax.f32 v6, $0.0e+00  }
0x45d: {  	v7 =	vmax.f32 v7, $0.0e+00;
	v8 =	vmax.f32 v8, $0.0e+00;
	v9 =	vmax.f32 v9, $0.0e+00  }
0x45e: {  	v15 =	vld [tilespmem:s8+$0xFFFFFFE0];
	v10 =	vmax.f32 v10, $0.0e+00;
	v11 =	vmax.f32 v11, $0.0e+00;
	v13 =	vmax.f32 v13, $0.0e+00  }
0x45f: {  	v16 =	vld [tilespmem:s8+$0xFFFFFFF0];
	v14 =	vmax.f32 v14, $0.0e+00;
	v4 =	vmin.f32 v4, $3.100000000e+01;
	v5 =	vmin.f32 v5, $3.100000000e+01  }
0x460: {  	v17 =	vld [tilespmem:s8+$0x0];
	v12 =	vmin.f32 v12, $3.100000000e+01;
	v6 =	vmin.f32 v6, $3.100000000e+01;
	v7 =	vmin.f32 v7, $3.100000000e+01  }
0x461: {  	v18 =	vld [tilespmem:s8+$0x10];
	v8 =	vmin.f32 v8, $3.100000000e+01;
	v9 =	vmin.f32 v9, $3.100000000e+01;
	v4 =	vtrunc.f32 v4  }
0x462: {  	v19 =	vld [tilespmem:s8+$0x20];
	v10 =	vmin.f32 v10, $3.100000000e+01;
	v5 =	vtrunc.f32 v5;
	v4 =	vcvt.f32.s32 v4  }
0x463: {  	v11 =	vmin.f32 v11, $3.100000000e+01;
	v12 =	vtrunc.f32 v12;
	v5 =	vcvt.f32.s32 v5  }
0x464: {  	v6 =	vtrunc.f32 v6;
	v20 =	vtrunc.f32 v8;
	v4 =	vshll.u32 v4, $0x5  }
0x465: {  	v4 =	vadd.s32 v5, v4;
	v5 =	vmul.f32 v15, v1;
	v15 =	vmul.f32 v16, v1  }
0x466: {  	v14 =	vmin.f32 v14, $3.100000000e+01;
	v16 =	vmul.f32 v17, v1;
	v17 =	vmul.f32 v18, v1  }
0x467: {  	v18 =	vmul.f32 v19, v1;
	v5 =	vadd.f32 v5, v3;
	v15 =	vadd.f32 v15, v3  }
0x468: {  	v19 =	vmin.f32 v13, $3.100000000e+01;
	v16 =	vadd.f32 v16, v3;
	v17 =	vadd.f32 v17, v3  }
0x469: {  	v13 =	vtrunc.f32 v7;
	v18 =	vadd.f32 v18, v3;
	v5 =	vmax.f32 v5, $0.0e+00  }
0x46a: {  	v15 =	vmax.f32 v15, $0.0e+00;
	v16 =	vmax.f32 v16, $0.0e+00;
	v17 =	vmax.f32 v17, $0.0e+00  }
0x46b: {  	v18 =	vmax.f32 v18, $0.0e+00;
	v21 =	vmin.f32 v5, $3.100000000e+01;
	v5 =	vtrunc.f32 v9  }
0x46c: {  	v9 =	vtrunc.f32 v10;
	v22 =	vmin.f32 v15, $3.100000000e+01;
	v10 =	vtrunc.f32 v11  }
0x46d: {  	v7 =	vmin.f32 v16, $3.100000000e+01;
	v23 =	vld.idx.msk [tilespmem:v4+s22+$0x0], $0xffff;
	v11 =	vcvt.f32.s32 v12;
	v12 =	vcvt.f32.s32 v6  }
0x46e: {  	v8 =	vmin.f32 v17, $3.100000000e+01;
	v17 =	vcvt.f32.s32 v13;
	v16 =	vtrunc.f32 v19  }
0x46f: {  	v4 =	vmin.f32 v18, $3.100000000e+01;
	v15 =	vtrunc.f32 v14;
	v13 =	vcvt.f32.s32 v5  }
0x470: {  	v14 =	vtrunc.f32 v22;
	v6 =	vshll.u32 v11, $0x5;
	v11 =	vcvt.f32.s32 v20  }
0x471: {  	s9 =	simm.s32 $0xA040;
	v5 =	vshll.u32 v12, $0x5;
	v12 =	vcvt.f32.s32 v9;
	v9 =	vcvt.f32.s32 v10  }
0x472: {  	s10 =	simm.s32 $0xA040;
	s11 =	simm.s32 $0x0;
	s12 =	simm.s32 $0x20C0;
	v10 =	vshll.u32 v17, $0x5;
	v17 =	vtrunc.f32 v21;
	v11 =	vshll.u32 v11, $0x5;
	[tilespmem:s9+$0x30] =	vst v23  }
.LBB2_20:
0x473: {  	v18 =	vld [tilespmem:s12+$0x30];
	s11 =	sadd.s32 $0x8, s11;
	v7 =	vtrunc.f32 v7;
	v13 =	vshll.u32 v13, $0x5;
	v8 =	vtrunc.f32 v8;
	s8 =	sadd.s32 $0x80, s8  }
0x474: {  	v16 =	vcvt.f32.s32 v16;
	v12 =	vshll.u32 v12, $0x5;
	v4 =	vtrunc.f32 v4;
	v19 =	vld [tilespmem:s8+$0x30];
	p0 =	slt.u32 s11, $0x1F8  }
0x475: {  	v15 =	vcvt.f32.s32 v15;
	v17 =	vcvt.f32.s32 v17;
	v9 =	vshll.u32 v9, $0x5;
	v20 =	vld [tilespmem:s12+$0xFFFFFFD0]  }
0x476: {  	v14 =	vcvt.f32.s32 v14;
	v7 =	vcvt.f32.s32 v7;
	v6 =	vadd.s32 v16, v6;
	v21 =	vld [tilespmem:s12+$0xFFFFFFE0]  }
0x477: {  	v8 =	vcvt.f32.s32 v8;
	v4 =	vcvt.f32.s32 v4;
	v5 =	vadd.s32 v15, v5;
	v16 =	vld [tilespmem:s12+$0xFFFFFFF0]  }
0x478: {  	v10 =	vadd.s32 v17, v10;
	v11 =	vadd.s32 v14, v11;
	v15 =	vld [tilespmem:s12+$0x0];
	v18 =	vmul.f32 v18, v0  }
0x479: {  	v7 =	vadd.s32 v7, v13;
	v8 =	vadd.s32 v8, v12;
	v14 =	vld [tilespmem:s12+$0x10];
	v17 =	vmul.f32 v19, v1  }
0x47a: {  	v4 =	vadd.s32 v4, v9;
	v12 =	vmul.f32 v20, v0;
	v13 =	vld [tilespmem:s12+$0x20];
	v18 =	vadd.f32 v18, v2  }
0x47b: {  	v9 =	vld [tilespmem:s12+$0xFFFFFFC0];
	v19 =	vmul.f32 v21, v0;
	v17 =	vadd.f32 v17, v3  }
0x47c: {  	v20 =	vld [tilespmem:s8+$0xFFFFFFC0];
	v12 =	vadd.f32 v12, v2;
	v16 =	vmul.f32 v16, v0;
	v18 =	vmax.f32 v18, $0.0e+00  }
0x47d: {  	v21 =	vld [tilespmem:s8+$0xFFFFFFD0];
	v15 =	vmul.f32 v15, v0;
	v18 =	vmin.f32 v18, $3.100000000e+01;
	v17 =	vmax.f32 v17, $0.0e+00  }
0x47e: {  	v22 =	vld [tilespmem:s8+$0xFFFFFFE0];
	v14 =	vmul.f32 v14, v0;
	v17 =	vmin.f32 v17, $3.100000000e+01;
	v18 =	vtrunc.f32 v18  }
0x47f: {  	v19 =	vadd.f32 v19, v2;
	v23 =	vld [tilespmem:s8+$0xFFFFFFF0];
	v18 =	vcvt.f32.s32 v18;
	v17 =	vtrunc.f32 v17  }
0x480: {  	v16 =	vadd.f32 v16, v2;
	v9 =	vmul.f32 v9, v0;
	v24 =	vld [tilespmem:s8+$0x0];
	v17 =	vcvt.f32.s32 v17  }
0x481: {  	v13 =	vmul.f32 v13, v0;
	v20 =	vmul.f32 v20, v1;
	v25 =	vld [tilespmem:s8+$0x10];
	v18 =	vshll.u32 v18, $0x5  }
0x482: {  	v9 =	vadd.f32 v9, v2;
	v21 =	vmul.f32 v21, v1;
	v26 =	vld [tilespmem:s8+$0x20];
	v17 =	vadd.s32 v17, v18  }
0x483: {  	v15 =	vadd.f32 v15, v2;
	v14 =	vadd.f32 v14, v2;
	v18 =	vmul.f32 v22, v1;
	v6 =	vld.idx.msk [tilespmem:v6+s22+$0x0], $0xffff  }
0x484: {  	v13 =	vadd.f32 v13, v2;
	v20 =	vadd.f32 v20, v3;
	v22 =	vmul.f32 v23, v1;
	v5 =	vld.idx.msk [tilespmem:v5+s22+$0x0], $0xffff  }
0x485: {  	v21 =	vadd.f32 v21, v3;
	v18 =	vadd.f32 v18, v3;
	v23 =	vmul.f32 v24, v1;
	v10 =	vld.idx.msk [tilespmem:v10+s22+$0x0], $0xffff  }
0x486: {  	v9 =	vmax.f32 v9, $0.0e+00;
	v22 =	vadd.f32 v22, v3;
	v24 =	vmul.f32 v25, v1;
	v11 =	vld.idx.msk [tilespmem:v11+s22+$0x0], $0xffff  }
0x487: {  	v12 =	vmax.f32 v12, $0.0e+00;
	v23 =	vadd.f32 v23, v3;
	v25 =	vmul.f32 v26, v1;
	v17 =	vld.idx.msk [tilespmem:v17+s22+$0x0], $0xffff  }
0x488: {  	v19 =	vmax.f32 v19, $0.0e+00;
	v16 =	vmax.f32 v16, $0.0e+00;
	v24 =	vadd.f32 v24, v3;
	v7 =	vld.idx.msk [tilespmem:v7+s22+$0x0], $0xffff  }
0x489: {  	v15 =	vmax.f32 v15, $0.0e+00;
	v14 =	vmax.f32 v14, $0.0e+00;
	v25 =	vadd.f32 v25, v3;
	[tilespmem:s9+$0xFFFFFFC0] =	vst v6;
	v6 =	vld.idx.msk [tilespmem:v8+s22+$0x0], $0xffff  }
0x48a: {  	v8 =	vmin.f32 v9, $3.100000000e+01;
	v9 =	vmin.f32 v12, $3.100000000e+01;
	v12 =	vmax.f32 v13, $0.0e+00;
	[tilespmem:s9+$0xFFFFFFD0] =	vst v5;
	v4 =	vld.idx.msk [tilespmem:v4+s22+$0x0], $0xffff  }
0x48b: {  	v15 =	vmin.f32 v15, $3.100000000e+01;
	v13 =	vmin.f32 v16, $3.100000000e+01;
	v5 =	vmin.f32 v19, $3.100000000e+01;
	[tilespmem:s9+$0xFFFFFFE0] =	vst v10  }
0x48c: {  	v14 =	vmin.f32 v14, $3.100000000e+01;
	v12 =	vmin.f32 v12, $3.100000000e+01;
	v10 =	vmax.f32 v20, $0.0e+00;
	s9 =	sadd.s32 $0x80, s9;
	[tilespmem:s10+$0xFFFFFFF0] =	vst v11  }
0x48d: {  	v16 =	vmax.f32 v18, $0.0e+00;
	v18 =	vmax.f32 v22, $0.0e+00;
	v11 =	vmax.f32 v21, $0.0e+00;
	[tilespmem:s9+$0x30] =	vst v17  }
0x48e: {  	v19 =	vmax.f32 v24, $0.0e+00;
	v20 =	vmax.f32 v25, $0.0e+00;
	v17 =	vmax.f32 v23, $0.0e+00;
	[tilespmem:s10+$0x0] =	vst v7  }
0x48f: {  	v8 =	vtrunc.f32 v8;
	v9 =	vtrunc.f32 v9;
	v10 =	vmin.f32 v10, $3.100000000e+01;
	[tilespmem:s10+$0x10] =	vst v6  }
0x490: {  	v13 =	vtrunc.f32 v13;
	v5 =	vtrunc.f32 v5;
	v11 =	vmin.f32 v11, $3.100000000e+01;
	[tilespmem:s10+$0x20] =	vst v4;
	s10 =	smov.u32 s9  }
0x491: {  	v15 =	vtrunc.f32 v15;
	v14 =	vtrunc.f32 v14;
	v21 =	vmin.f32 v16, $3.100000000e+01  }
0x492: {  	v18 =	vmin.f32 v18, $3.100000000e+01;
	v16 =	vtrunc.f32 v12;
	v7 =	vmin.f32 v17, $3.100000000e+01  }
0x493: {  	v6 =	vcvt.f32.s32 v8;
	v8 =	vmin.f32 v19, $3.100000000e+01;
	v4 =	vmin.f32 v20, $3.100000000e+01  }
.Ltmp9:
0x494: {  	v9 =	vcvt.f32.s32 v9;
	v17 =	vcvt.f32.s32 v5;
	(pc) =	sbr.rel @p0 .LBB2_20-.Ltmp9, $4  }
0x495: {  	v19 =	vcvt.f32.s32 v13;
	v13 =	vcvt.f32.s32 v15;
	v6 =	vshll.u32 v6, $0x5  }
0x496: {  	v12 =	vcvt.f32.s32 v14;
	v5 =	vshll.u32 v9, $0x5;
	v9 =	vcvt.f32.s32 v16  }
0x497: {  	v16 =	vtrunc.f32 v10;
	v15 =	vtrunc.f32 v11;
	v10 =	vshll.u32 v17, $0x5  }
0x498: {  	s12 =	sadd.s32 $0x80, s12;
	v14 =	vtrunc.f32 v18;
	v17 =	vtrunc.f32 v21;
	v11 =	vshll.u32 v19, $0x5  }
0x499: {  	v16 =	vcvt.f32.s32 v16  }
0x49a: {  	v15 =	vcvt.f32.s32 v15  }
0x49b: {  	v7 =	vtrunc.f32 v7;
	v17 =	vcvt.f32.s32 v17;
	v6 =	vadd.s32 v16, v6  }
0x49c: {  	v13 =	vshll.u32 v13, $0x5;
	v14 =	vcvt.f32.s32 v14;
	v5 =	vadd.s32 v15, v5  }
0x49d: {  	v4 =	vtrunc.f32 v4;
	v7 =	vcvt.f32.s32 v7;
	v10 =	vadd.s32 v17, v10  }
0x49e: {  	v8 =	vtrunc.f32 v8;
	v4 =	vcvt.f32.s32 v4;
	v11 =	vadd.s32 v14, v11  }
0x49f: {  	v9 =	vshll.u32 v9, $0x5;
	v8 =	vcvt.f32.s32 v8;
	v7 =	vadd.s32 v7, v13  }
0x4a0: {  	v12 =	vshll.u32 v12, $0x5;
	v4 =	vadd.s32 v4, v9;
	v6 =	vld.idx.msk [tilespmem:v6+s22+$0x0], $0xffff  }
0x4a1: {  	v8 =	vadd.s32 v8, v12;
	v5 =	vld.idx.msk [tilespmem:v5+s22+$0x0], $0xffff  }
0x4a2: {  	v9 =	vld.idx.msk [tilespmem:v10+s22+$0x0], $0xffff  }
0x4a3: {  	v10 =	vld.idx.msk [tilespmem:v11+s22+$0x0], $0xffff  }
0x4a4: {  	v7 =	vld.idx.msk [tilespmem:v7+s22+$0x0], $0xffff  }
0x4a5: {  	v4 =	vld.idx.msk [tilespmem:v4+s22+$0x0], $0xffff;
	[tilespmem:s9+$0xFFFFFFC0] =	vst v6  }
0x4a6: {  	v6 =	vld.idx.msk [tilespmem:v8+s22+$0x0], $0xffff;
	[tilespmem:s9+$0xFFFFFFD0] =	vst v5  }
0x4a7: {  	[tilespmem:s9+$0xFFFFFFE0] =	vst v9  }
0x4a8: {  	[tilespmem:s10+$0xFFFFFFF0] =	vst v10  }
0x4a9: {  	[tilespmem:s10+$0x0] =	vst v7  }
0x4aa: {  	[tilespmem:s10+$0x20] =	vst v4  }
0x4ab: {  	[tilespmem:s10+$0x10] =	vst v6  }
0x4ac: {  	[hbm4b:s13+s1] =	stream.linear.scatter [tilespmem:s4], [sflag:$0x6], $0x2000, $0x38;
	[tilespmem:$0xC600] =	vst v63  }
0x4ad: {  	s8 =	rddreg [dreg:$0x1b]  }
0x4ae: {  	[tilespmem:s28], [sflag:$0x2] =	stream.strided.gather [hbm4b:s8+s24], $0x2000, s25, s24, $0x38;
	[tilespmem:$0xC600] =	vst v63  }
0x4af: {  	s11 =	rddreg [dreg:$0x1c]  }
0x4b0: {  	[tilespmem:s29], [sflag:$0x4] =	stream.strided.gather [hbm4b:s11+s24], $0x2000, s25, s24, $0x38;
	[tilespmem:$0xC600] =	vst v63  }
0x4b1: {  	_ =	swait.ge [sflag:s30], $0x2000  }
0x4b2: {  	[sflag:s30] =	ssyncset.done $0x0  }
0x4b3: {  	[sflag:s30] =	ssyncadd.s32 $0xFFFFE000  }
0x4b4: {  	_ =	swait.ge [sflag:s31], $0x2000  }
0x4b5: {  	[sflag:s31] =	ssyncset.done $0x0  }
0x4b6: {  	[sflag:s31] =	ssyncadd.s32 $0xFFFFE000  }
0x4b7: {  	_ =	swait.ge [sflag:s5], $0x2000  }
0x4b8: {  	[sflag:s5] =	ssyncset.done $0x0  }
0x4b9: {  	s12 =	simm.s32 $0x40;
	[sflag:s5] =	ssyncadd.s32 $0xFFFFE000  }
0x4ba: {  	s8 =	simm.s32 $0x4040;
	v4 =	vld [tilespmem:s12+$0x30]  }
0x4bb: {  	v5 =	vld [tilespmem:s8+$0x30]  }
0x4bc: {  	v6 =	vld [tilespmem:s12+$0xFFFFFFD0]  }
0x4bd: {  	v7 =	vld [tilespmem:s12+$0xFFFFFFE0]  }
0x4be: {  	v8 =	vld [tilespmem:s12+$0xFFFFFFF0]  }
0x4bf: {  	v9 =	vld [tilespmem:s12+$0x0]  }
0x4c0: {  	v10 =	vld [tilespmem:s12+$0x10]  }
0x4c1: {  	v12 =	vld [tilespmem:s12+$0xFFFFFFC0]  }
0x4c2: {  	v13 =	vld [tilespmem:s8+$0xFFFFFFC0]  }
0x4c3: {  	v11 =	vld [tilespmem:s12+$0x20];
	v4 =	vmul.f32 v4, v0;
	v5 =	vmul.f32 v5, v1  }
0x4c4: {  	v14 =	vld [tilespmem:s8+$0xFFFFFFD0];
	v6 =	vmul.f32 v6, v0;
	v7 =	vmul.f32 v7, v0  }
0x4c5: {  	v8 =	vmul.f32 v8, v0;
	v9 =	vmul.f32 v9, v0  }
0x4c6: {  	v10 =	vmul.f32 v10, v0;
	v12 =	vmul.f32 v12, v0;
	v4 =	vadd.f32 v4, v2  }
0x4c7: {  	v13 =	vmul.f32 v13, v1;
	v5 =	vadd.f32 v5, v3;
	v6 =	vadd.f32 v6, v2  }
0x4c8: {  	v11 =	vmul.f32 v11, v0;
	v7 =	vadd.f32 v7, v2;
	v8 =	vadd.f32 v8, v2  }
0x4c9: {  	v14 =	vmul.f32 v14, v1;
	v12 =	vadd.f32 v12, v2;
	v9 =	vadd.f32 v9, v2  }
0x4ca: {  	v10 =	vadd.f32 v10, v2;
	v13 =	vadd.f32 v13, v3  }
0x4cb: {  	v11 =	vadd.f32 v11, v2;
	v14 =	vadd.f32 v14, v3;
	v4 =	vmax.f32 v4, $0.0e+00  }
0x4cc: {  	v5 =	vmax.f32 v5, $0.0e+00;
	v12 =	vmax.f32 v12, $0.0e+00;
	v6 =	vmax.f32 v6, $0.0e+00  }
0x4cd: {  	v7 =	vmax.f32 v7, $0.0e+00;
	v8 =	vmax.f32 v8, $0.0e+00;
	v9 =	vmax.f32 v9, $0.0e+00  }
0x4ce: {  	v15 =	vld [tilespmem:s8+$0xFFFFFFE0];
	v10 =	vmax.f32 v10, $0.0e+00;
	v11 =	vmax.f32 v11, $0.0e+00;
	v13 =	vmax.f32 v13, $0.0e+00  }
0x4cf: {  	v16 =	vld [tilespmem:s8+$0xFFFFFFF0];
	v14 =	vmax.f32 v14, $0.0e+00;
	v4 =	vmin.f32 v4, $3.100000000e+01;
	v5 =	vmin.f32 v5, $3.100000000e+01  }
0x4d0: {  	v17 =	vld [tilespmem:s8+$0x0];
	v12 =	vmin.f32 v12, $3.100000000e+01;
	v6 =	vmin.f32 v6, $3.100000000e+01;
	v7 =	vmin.f32 v7, $3.100000000e+01  }
0x4d1: {  	v18 =	vld [tilespmem:s8+$0x10];
	v8 =	vmin.f32 v8, $3.100000000e+01;
	v9 =	vmin.f32 v9, $3.100000000e+01;
	v4 =	vtrunc.f32 v4  }
0x4d2: {  	v19 =	vld [tilespmem:s8+$0x20];
	v10 =	vmin.f32 v10, $3.100000000e+01;
	v5 =	vtrunc.f32 v5;
	v4 =	vcvt.f32.s32 v4  }
0x4d3: {  	v11 =	vmin.f32 v11, $3.100000000e+01;
	v12 =	vtrunc.f32 v12;
	v5 =	vcvt.f32.s32 v5  }
0x4d4: {  	v6 =	vtrunc.f32 v6;
	v20 =	vtrunc.f32 v8;
	v4 =	vshll.u32 v4, $0x5  }
0x4d5: {  	v4 =	vadd.s32 v5, v4;
	v5 =	vmul.f32 v15, v1;
	v15 =	vmul.f32 v16, v1  }
0x4d6: {  	v14 =	vmin.f32 v14, $3.100000000e+01;
	v16 =	vmul.f32 v17, v1;
	v17 =	vmul.f32 v18, v1  }
0x4d7: {  	v18 =	vmul.f32 v19, v1;
	v5 =	vadd.f32 v5, v3;
	v15 =	vadd.f32 v15, v3  }
0x4d8: {  	v19 =	vmin.f32 v13, $3.100000000e+01;
	v16 =	vadd.f32 v16, v3;
	v17 =	vadd.f32 v17, v3  }
0x4d9: {  	v13 =	vtrunc.f32 v7;
	v18 =	vadd.f32 v18, v3;
	v5 =	vmax.f32 v5, $0.0e+00  }
0x4da: {  	v15 =	vmax.f32 v15, $0.0e+00;
	v16 =	vmax.f32 v16, $0.0e+00;
	v17 =	vmax.f32 v17, $0.0e+00  }
0x4db: {  	v18 =	vmax.f32 v18, $0.0e+00;
	v21 =	vmin.f32 v5, $3.100000000e+01;
	v5 =	vtrunc.f32 v9  }
0x4dc: {  	v9 =	vtrunc.f32 v10;
	v22 =	vmin.f32 v15, $3.100000000e+01;
	v10 =	vtrunc.f32 v11  }
0x4dd: {  	v7 =	vmin.f32 v16, $3.100000000e+01;
	v23 =	vld.idx.msk [tilespmem:v4+s22+$0x0], $0xffff;
	v11 =	vcvt.f32.s32 v12;
	v12 =	vcvt.f32.s32 v6  }
0x4de: {  	v8 =	vmin.f32 v17, $3.100000000e+01;
	v17 =	vcvt.f32.s32 v13;
	v16 =	vtrunc.f32 v19  }
0x4df: {  	v4 =	vmin.f32 v18, $3.100000000e+01;
	v15 =	vtrunc.f32 v14;
	v13 =	vcvt.f32.s32 v5  }
0x4e0: {  	v14 =	vtrunc.f32 v22;
	v6 =	vshll.u32 v11, $0x5;
	v11 =	vcvt.f32.s32 v20  }
0x4e1: {  	s9 =	simm.s32 $0x8040;
	v5 =	vshll.u32 v12, $0x5;
	v12 =	vcvt.f32.s32 v9;
	v9 =	vcvt.f32.s32 v10  }
0x4e2: {  	s10 =	simm.s32 $0x8040;
	s11 =	simm.s32 $0x0;
	s12 =	simm.s32 $0xC0;
	v10 =	vshll.u32 v17, $0x5;
	v17 =	vtrunc.f32 v21;
	v11 =	vshll.u32 v11, $0x5;
	[tilespmem:s9+$0x30] =	vst v23  }
.LBB2_22:
0x4e3: {  	v18 =	vld [tilespmem:s12+$0x30];
	s11 =	sadd.s32 $0x8, s11;
	v7 =	vtrunc.f32 v7;
	v13 =	vshll.u32 v13, $0x5;
	v8 =	vtrunc.f32 v8;
	s8 =	sadd.s32 $0x80, s8  }
0x4e4: {  	v16 =	vcvt.f32.s32 v16;
	v12 =	vshll.u32 v12, $0x5;
	v4 =	vtrunc.f32 v4;
	v19 =	vld [tilespmem:s8+$0x30];
	p0 =	slt.u32 s11, $0x1F8  }
0x4e5: {  	v15 =	vcvt.f32.s32 v15;
	v17 =	vcvt.f32.s32 v17;
	v9 =	vshll.u32 v9, $0x5;
	v20 =	vld [tilespmem:s12+$0xFFFFFFD0]  }
0x4e6: {  	v14 =	vcvt.f32.s32 v14;
	v7 =	vcvt.f32.s32 v7;
	v6 =	vadd.s32 v16, v6;
	v21 =	vld [tilespmem:s12+$0xFFFFFFE0]  }
0x4e7: {  	v8 =	vcvt.f32.s32 v8;
	v4 =	vcvt.f32.s32 v4;
	v5 =	vadd.s32 v15, v5;
	v16 =	vld [tilespmem:s12+$0xFFFFFFF0]  }
0x4e8: {  	v10 =	vadd.s32 v17, v10;
	v11 =	vadd.s32 v14, v11;
	v15 =	vld [tilespmem:s12+$0x0];
	v18 =	vmul.f32 v18, v0  }
0x4e9: {  	v7 =	vadd.s32 v7, v13;
	v8 =	vadd.s32 v8, v12;
	v14 =	vld [tilespmem:s12+$0x10];
	v17 =	vmul.f32 v19, v1  }
0x4ea: {  	v4 =	vadd.s32 v4, v9;
	v12 =	vmul.f32 v20, v0;
	v13 =	vld [tilespmem:s12+$0x20];
	v18 =	vadd.f32 v18, v2  }
0x4eb: {  	v9 =	vld [tilespmem:s12+$0xFFFFFFC0];
	v19 =	vmul.f32 v21, v0;
	v17 =	vadd.f32 v17, v3  }
0x4ec: {  	v20 =	vld [tilespmem:s8+$0xFFFFFFC0];
	v12 =	vadd.f32 v12, v2;
	v16 =	vmul.f32 v16, v0;
	v18 =	vmax.f32 v18, $0.0e+00  }
0x4ed: {  	v21 =	vld [tilespmem:s8+$0xFFFFFFD0];
	v15 =	vmul.f32 v15, v0;
	v18 =	vmin.f32 v18, $3.100000000e+01;
	v17 =	vmax.f32 v17, $0.0e+00  }
0x4ee: {  	v22 =	vld [tilespmem:s8+$0xFFFFFFE0];
	v14 =	vmul.f32 v14, v0;
	v17 =	vmin.f32 v17, $3.100000000e+01;
	v18 =	vtrunc.f32 v18  }
0x4ef: {  	v19 =	vadd.f32 v19, v2;
	v23 =	vld [tilespmem:s8+$0xFFFFFFF0];
	v18 =	vcvt.f32.s32 v18;
	v17 =	vtrunc.f32 v17  }
0x4f0: {  	v16 =	vadd.f32 v16, v2;
	v9 =	vmul.f32 v9, v0;
	v24 =	vld [tilespmem:s8+$0x0];
	v17 =	vcvt.f32.s32 v17  }
0x4f1: {  	v13 =	vmul.f32 v13, v0;
	v20 =	vmul.f32 v20, v1;
	v25 =	vld [tilespmem:s8+$0x10];
	v18 =	vshll.u32 v18, $0x5  }
0x4f2: {  	v9 =	vadd.f32 v9, v2;
	v21 =	vmul.f32 v21, v1;
	v26 =	vld [tilespmem:s8+$0x20];
	v17 =	vadd.s32 v17, v18  }
0x4f3: {  	v15 =	vadd.f32 v15, v2;
	v14 =	vadd.f32 v14, v2;
	v18 =	vmul.f32 v22, v1;
	v6 =	vld.idx.msk [tilespmem:v6+s22+$0x0], $0xffff  }
0x4f4: {  	v13 =	vadd.f32 v13, v2;
	v20 =	vadd.f32 v20, v3;
	v22 =	vmul.f32 v23, v1;
	v5 =	vld.idx.msk [tilespmem:v5+s22+$0x0], $0xffff  }
0x4f5: {  	v21 =	vadd.f32 v21, v3;
	v18 =	vadd.f32 v18, v3;
	v23 =	vmul.f32 v24, v1;
	v10 =	vld.idx.msk [tilespmem:v10+s22+$0x0], $0xffff  }
0x4f6: {  	v9 =	vmax.f32 v9, $0.0e+00;
	v22 =	vadd.f32 v22, v3;
	v24 =	vmul.f32 v25, v1;
	v11 =	vld.idx.msk [tilespmem:v11+s22+$0x0], $0xffff  }
0x4f7: {  	v12 =	vmax.f32 v12, $0.0e+00;
	v23 =	vadd.f32 v23, v3;
	v25 =	vmul.f32 v26, v1;
	v17 =	vld.idx.msk [tilespmem:v17+s22+$0x0], $0xffff  }
0x4f8: {  	v19 =	vmax.f32 v19, $0.0e+00;
	v16 =	vmax.f32 v16, $0.0e+00;
	v24 =	vadd.f32 v24, v3;
	v7 =	vld.idx.msk [tilespmem:v7+s22+$0x0], $0xffff  }
0x4f9: {  	v15 =	vmax.f32 v15, $0.0e+00;
	v14 =	vmax.f32 v14, $0.0e+00;
	v25 =	vadd.f32 v25, v3;
	[tilespmem:s9+$0xFFFFFFC0] =	vst v6;
	v6 =	vld.idx.msk [tilespmem:v8+s22+$0x0], $0xffff  }
0x4fa: {  	v8 =	vmin.f32 v9, $3.100000000e+01;
	v9 =	vmin.f32 v12, $3.100000000e+01;
	v12 =	vmax.f32 v13, $0.0e+00;
	[tilespmem:s9+$0xFFFFFFD0] =	vst v5;
	v4 =	vld.idx.msk [tilespmem:v4+s22+$0x0], $0xffff  }
0x4fb: {  	v15 =	vmin.f32 v15, $3.100000000e+01;
	v13 =	vmin.f32 v16, $3.100000000e+01;
	v5 =	vmin.f32 v19, $3.100000000e+01;
	[tilespmem:s9+$0xFFFFFFE0] =	vst v10  }
0x4fc: {  	v14 =	vmin.f32 v14, $3.100000000e+01;
	v12 =	vmin.f32 v12, $3.100000000e+01;
	v10 =	vmax.f32 v20, $0.0e+00;
	s9 =	sadd.s32 $0x80, s9;
	[tilespmem:s10+$0xFFFFFFF0] =	vst v11  }
0x4fd: {  	v16 =	vmax.f32 v18, $0.0e+00;
	v18 =	vmax.f32 v22, $0.0e+00;
	v11 =	vmax.f32 v21, $0.0e+00;
	[tilespmem:s9+$0x30] =	vst v17  }
0x4fe: {  	v19 =	vmax.f32 v24, $0.0e+00;
	v20 =	vmax.f32 v25, $0.0e+00;
	v17 =	vmax.f32 v23, $0.0e+00;
	[tilespmem:s10+$0x0] =	vst v7  }
0x4ff: {  	v8 =	vtrunc.f32 v8;
	v9 =	vtrunc.f32 v9;
	v10 =	vmin.f32 v10, $3.100000000e+01;
	[tilespmem:s10+$0x10] =	vst v6  }
0x500: {  	v13 =	vtrunc.f32 v13;
	v5 =	vtrunc.f32 v5;
	v11 =	vmin.f32 v11, $3.100000000e+01;
	[tilespmem:s10+$0x20] =	vst v4;
	s10 =	smov.u32 s9  }
0x501: {  	v15 =	vtrunc.f32 v15;
	v14 =	vtrunc.f32 v14;
	v21 =	vmin.f32 v16, $3.100000000e+01  }
0x502: {  	v18 =	vmin.f32 v18, $3.100000000e+01;
	v16 =	vtrunc.f32 v12;
	v7 =	vmin.f32 v17, $3.100000000e+01  }
0x503: {  	v6 =	vcvt.f32.s32 v8;
	v8 =	vmin.f32 v19, $3.100000000e+01;
	v4 =	vmin.f32 v20, $3.100000000e+01  }
.Ltmp10:
0x504: {  	v9 =	vcvt.f32.s32 v9;
	v17 =	vcvt.f32.s32 v5;
	(pc) =	sbr.rel @p0 .LBB2_22-.Ltmp10, $4  }
0x505: {  	v19 =	vcvt.f32.s32 v13;
	v13 =	vcvt.f32.s32 v15;
	v6 =	vshll.u32 v6, $0x5  }
0x506: {  	v12 =	vcvt.f32.s32 v14;
	v5 =	vshll.u32 v9, $0x5;
	v9 =	vcvt.f32.s32 v16  }
0x507: {  	v16 =	vtrunc.f32 v10;
	v15 =	vtrunc.f32 v11;
	v10 =	vshll.u32 v17, $0x5  }
0x508: {  	s12 =	sadd.s32 $0x80, s12;
	v14 =	vtrunc.f32 v18;
	v17 =	vtrunc.f32 v21;
	v11 =	vshll.u32 v19, $0x5  }
0x509: {  	v16 =	vcvt.f32.s32 v16  }
0x50a: {  	v15 =	vcvt.f32.s32 v15  }
0x50b: {  	v7 =	vtrunc.f32 v7;
	v17 =	vcvt.f32.s32 v17;
	v6 =	vadd.s32 v16, v6  }
0x50c: {  	v13 =	vshll.u32 v13, $0x5;
	v14 =	vcvt.f32.s32 v14;
	v5 =	vadd.s32 v15, v5  }
0x50d: {  	v4 =	vtrunc.f32 v4;
	v7 =	vcvt.f32.s32 v7;
	v10 =	vadd.s32 v17, v10  }
0x50e: {  	v8 =	vtrunc.f32 v8;
	v4 =	vcvt.f32.s32 v4;
	v11 =	vadd.s32 v14, v11  }
0x50f: {  	v9 =	vshll.u32 v9, $0x5;
	v8 =	vcvt.f32.s32 v8;
	v7 =	vadd.s32 v7, v13  }
0x510: {  	v12 =	vshll.u32 v12, $0x5;
	v4 =	vadd.s32 v4, v9;
	v6 =	vld.idx.msk [tilespmem:v6+s22+$0x0], $0xffff  }
0x511: {  	v8 =	vadd.s32 v8, v12;
	v5 =	vld.idx.msk [tilespmem:v5+s22+$0x0], $0xffff  }
0x512: {  	v9 =	vld.idx.msk [tilespmem:v10+s22+$0x0], $0xffff  }
0x513: {  	v10 =	vld.idx.msk [tilespmem:v11+s22+$0x0], $0xffff  }
0x514: {  	v7 =	vld.idx.msk [tilespmem:v7+s22+$0x0], $0xffff  }
0x515: {  	v4 =	vld.idx.msk [tilespmem:v4+s22+$0x0], $0xffff;
	[tilespmem:s9+$0xFFFFFFC0] =	vst v6  }
0x516: {  	v6 =	vld.idx.msk [tilespmem:v8+s22+$0x0], $0xffff;
	[tilespmem:s9+$0xFFFFFFD0] =	vst v5  }
0x517: {  	[tilespmem:s9+$0xFFFFFFE0] =	vst v9  }
0x518: {  	[tilespmem:s10+$0xFFFFFFF0] =	vst v10  }
0x519: {  	[tilespmem:s10+$0x0] =	vst v7  }
0x51a: {  	[tilespmem:s10+$0x20] =	vst v4  }
0x51b: {  	[tilespmem:s10+$0x10] =	vst v6  }
0x51c: {  	[hbm4b:s14+s1] =	stream.linear.scatter [tilespmem:s0], [sflag:$0x5], $0x2000, $0x38;
	[tilespmem:$0xC600] =	vst v63  }
0x51d: {  	s8 =	rddreg [dreg:$0x1d]  }
0x51e: {  	[tilespmem:s1], [sflag:$0x1] =	stream.strided.gather [hbm4b:s8+s24], $0x2000, s25, s24, $0x38;
	[tilespmem:$0xC600] =	vst v63  }
0x51f: {  	s11 =	rddreg [dreg:$0x1e]  }
0x520: {  	[tilespmem:s26], [sflag:$0x3] =	stream.strided.gather [hbm4b:s11+s24], $0x2000, s25, s24, $0x38;
	[tilespmem:$0xC600] =	vst v63  }
0x521: {  	_ =	swait.ge [sflag:s2], $0x2000  }
0x522: {  	[sflag:s2] =	ssyncset.done $0x0  }
0x523: {  	[sflag:s2] =	ssyncadd.s32 $0xFFFFE000  }
0x524: {  	_ =	swait.ge [sflag:s3], $0x2000  }
0x525: {  	[sflag:s3] =	ssyncset.done $0x0  }
0x526: {  	[sflag:s3] =	ssyncadd.s32 $0xFFFFE000  }
0x527: {  	_ =	swait.ge [sflag:s6], $0x2000  }
0x528: {  	[sflag:s6] =	ssyncset.done $0x0  }
0x529: {  	s12 =	simm.s32 $0x2040;
	[sflag:s6] =	ssyncadd.s32 $0xFFFFE000  }
0x52a: {  	s8 =	simm.s32 $0x6040;
	v4 =	vld [tilespmem:s12+$0x30]  }
0x52b: {  	v5 =	vld [tilespmem:s8+$0x30]  }
0x52c: {  	v6 =	vld [tilespmem:s12+$0xFFFFFFD0]  }
0x52d: {  	v7 =	vld [tilespmem:s12+$0xFFFFFFE0]  }
0x52e: {  	v8 =	vld [tilespmem:s12+$0xFFFFFFF0]  }
0x52f: {  	v9 =	vld [tilespmem:s12+$0x0]  }
0x530: {  	v10 =	vld [tilespmem:s12+$0x10]  }
0x531: {  	v12 =	vld [tilespmem:s12+$0xFFFFFFC0]  }
0x532: {  	v13 =	vld [tilespmem:s8+$0xFFFFFFC0]  }
0x533: {  	v11 =	vld [tilespmem:s12+$0x20];
	v4 =	vmul.f32 v4, v0;
	v5 =	vmul.f32 v5, v1  }
0x534: {  	v14 =	vld [tilespmem:s8+$0xFFFFFFD0];
	v6 =	vmul.f32 v6, v0;
	v7 =	vmul.f32 v7, v0  }
0x535: {  	v8 =	vmul.f32 v8, v0;
	v9 =	vmul.f32 v9, v0  }
0x536: {  	v10 =	vmul.f32 v10, v0;
	v12 =	vmul.f32 v12, v0;
	v4 =	vadd.f32 v4, v2  }
0x537: {  	v13 =	vmul.f32 v13, v1;
	v5 =	vadd.f32 v5, v3;
	v6 =	vadd.f32 v6, v2  }
0x538: {  	v11 =	vmul.f32 v11, v0;
	v7 =	vadd.f32 v7, v2;
	v8 =	vadd.f32 v8, v2  }
0x539: {  	v14 =	vmul.f32 v14, v1;
	v12 =	vadd.f32 v12, v2;
	v9 =	vadd.f32 v9, v2  }
0x53a: {  	v10 =	vadd.f32 v10, v2;
	v13 =	vadd.f32 v13, v3  }
0x53b: {  	v11 =	vadd.f32 v11, v2;
	v14 =	vadd.f32 v14, v3;
	v4 =	vmax.f32 v4, $0.0e+00  }
0x53c: {  	v5 =	vmax.f32 v5, $0.0e+00;
	v12 =	vmax.f32 v12, $0.0e+00;
	v6 =	vmax.f32 v6, $0.0e+00  }
0x53d: {  	v7 =	vmax.f32 v7, $0.0e+00;
	v8 =	vmax.f32 v8, $0.0e+00;
	v9 =	vmax.f32 v9, $0.0e+00  }
0x53e: {  	v15 =	vld [tilespmem:s8+$0xFFFFFFE0];
	v10 =	vmax.f32 v10, $0.0e+00;
	v11 =	vmax.f32 v11, $0.0e+00;
	v13 =	vmax.f32 v13, $0.0e+00  }
0x53f: {  	v16 =	vld [tilespmem:s8+$0xFFFFFFF0];
	v14 =	vmax.f32 v14, $0.0e+00;
	v4 =	vmin.f32 v4, $3.100000000e+01;
	v5 =	vmin.f32 v5, $3.100000000e+01  }
0x540: {  	v17 =	vld [tilespmem:s8+$0x0];
	v12 =	vmin.f32 v12, $3.100000000e+01;
	v6 =	vmin.f32 v6, $3.100000000e+01;
	v7 =	vmin.f32 v7, $3.100000000e+01  }
0x541: {  	v18 =	vld [tilespmem:s8+$0x10];
	v8 =	vmin.f32 v8, $3.100000000e+01;
	v9 =	vmin.f32 v9, $3.100000000e+01;
	v4 =	vtrunc.f32 v4  }
0x542: {  	v19 =	vld [tilespmem:s8+$0x20];
	v10 =	vmin.f32 v10, $3.100000000e+01;
	v5 =	vtrunc.f32 v5;
	v4 =	vcvt.f32.s32 v4  }
0x543: {  	v11 =	vmin.f32 v11, $3.100000000e+01;
	v12 =	vtrunc.f32 v12;
	v5 =	vcvt.f32.s32 v5  }
0x544: {  	v6 =	vtrunc.f32 v6;
	v20 =	vtrunc.f32 v8;
	v4 =	vshll.u32 v4, $0x5  }
0x545: {  	v4 =	vadd.s32 v5, v4;
	v5 =	vmul.f32 v15, v1;
	v15 =	vmul.f32 v16, v1  }
0x546: {  	v14 =	vmin.f32 v14, $3.100000000e+01;
	v16 =	vmul.f32 v17, v1;
	v17 =	vmul.f32 v18, v1  }
0x547: {  	v18 =	vmul.f32 v19, v1;
	v5 =	vadd.f32 v5, v3;
	v15 =	vadd.f32 v15, v3  }
0x548: {  	v19 =	vmin.f32 v13, $3.100000000e+01;
	v16 =	vadd.f32 v16, v3;
	v17 =	vadd.f32 v17, v3  }
0x549: {  	v13 =	vtrunc.f32 v7;
	v18 =	vadd.f32 v18, v3;
	v5 =	vmax.f32 v5, $0.0e+00  }
0x54a: {  	v15 =	vmax.f32 v15, $0.0e+00;
	v16 =	vmax.f32 v16, $0.0e+00;
	v17 =	vmax.f32 v17, $0.0e+00  }
0x54b: {  	v18 =	vmax.f32 v18, $0.0e+00;
	v21 =	vmin.f32 v5, $3.100000000e+01;
	v5 =	vtrunc.f32 v9  }
0x54c: {  	v9 =	vtrunc.f32 v10;
	v22 =	vmin.f32 v15, $3.100000000e+01;
	v10 =	vtrunc.f32 v11  }
0x54d: {  	v7 =	vmin.f32 v16, $3.100000000e+01;
	v23 =	vld.idx.msk [tilespmem:v4+s22+$0x0], $0xffff;
	v11 =	vcvt.f32.s32 v12;
	v12 =	vcvt.f32.s32 v6  }
0x54e: {  	v8 =	vmin.f32 v17, $3.100000000e+01;
	v17 =	vcvt.f32.s32 v13;
	v16 =	vtrunc.f32 v19  }
0x54f: {  	v4 =	vmin.f32 v18, $3.100000000e+01;
	v15 =	vtrunc.f32 v14;
	v13 =	vcvt.f32.s32 v5  }
0x550: {  	v14 =	vtrunc.f32 v22;
	v6 =	vshll.u32 v11, $0x5;
	v11 =	vcvt.f32.s32 v20  }
0x551: {  	s9 =	simm.s32 $0xA040;
	v5 =	vshll.u32 v12, $0x5;
	v12 =	vcvt.f32.s32 v9;
	v9 =	vcvt.f32.s32 v10  }
0x552: {  	s10 =	simm.s32 $0xA040;
	s11 =	simm.s32 $0x0;
	s12 =	simm.s32 $0x20C0;
	v10 =	vshll.u32 v17, $0x5;
	v17 =	vtrunc.f32 v21;
	v11 =	vshll.u32 v11, $0x5;
	[tilespmem:s9+$0x30] =	vst v23  }
.LBB2_24:
0x553: {  	v18 =	vld [tilespmem:s12+$0x30];
	s11 =	sadd.s32 $0x8, s11;
	v7 =	vtrunc.f32 v7;
	v13 =	vshll.u32 v13, $0x5;
	v8 =	vtrunc.f32 v8;
	s8 =	sadd.s32 $0x80, s8  }
0x554: {  	v16 =	vcvt.f32.s32 v16;
	v12 =	vshll.u32 v12, $0x5;
	v4 =	vtrunc.f32 v4;
	v19 =	vld [tilespmem:s8+$0x30];
	p0 =	slt.u32 s11, $0x1F8  }
0x555: {  	v15 =	vcvt.f32.s32 v15;
	v17 =	vcvt.f32.s32 v17;
	v9 =	vshll.u32 v9, $0x5;
	v20 =	vld [tilespmem:s12+$0xFFFFFFD0]  }
0x556: {  	v14 =	vcvt.f32.s32 v14;
	v7 =	vcvt.f32.s32 v7;
	v6 =	vadd.s32 v16, v6;
	v21 =	vld [tilespmem:s12+$0xFFFFFFE0]  }
0x557: {  	v8 =	vcvt.f32.s32 v8;
	v4 =	vcvt.f32.s32 v4;
	v5 =	vadd.s32 v15, v5;
	v16 =	vld [tilespmem:s12+$0xFFFFFFF0]  }
0x558: {  	v10 =	vadd.s32 v17, v10;
	v11 =	vadd.s32 v14, v11;
	v15 =	vld [tilespmem:s12+$0x0];
	v18 =	vmul.f32 v18, v0  }
0x559: {  	v7 =	vadd.s32 v7, v13;
	v8 =	vadd.s32 v8, v12;
	v14 =	vld [tilespmem:s12+$0x10];
	v17 =	vmul.f32 v19, v1  }
0x55a: {  	v4 =	vadd.s32 v4, v9;
	v12 =	vmul.f32 v20, v0;
	v13 =	vld [tilespmem:s12+$0x20];
	v18 =	vadd.f32 v18, v2  }
0x55b: {  	v9 =	vld [tilespmem:s12+$0xFFFFFFC0];
	v19 =	vmul.f32 v21, v0;
	v17 =	vadd.f32 v17, v3  }
0x55c: {  	v20 =	vld [tilespmem:s8+$0xFFFFFFC0];
	v12 =	vadd.f32 v12, v2;
	v16 =	vmul.f32 v16, v0;
	v18 =	vmax.f32 v18, $0.0e+00  }
0x55d: {  	v21 =	vld [tilespmem:s8+$0xFFFFFFD0];
	v15 =	vmul.f32 v15, v0;
	v18 =	vmin.f32 v18, $3.100000000e+01;
	v17 =	vmax.f32 v17, $0.0e+00  }
0x55e: {  	v22 =	vld [tilespmem:s8+$0xFFFFFFE0];
	v14 =	vmul.f32 v14, v0;
	v17 =	vmin.f32 v17, $3.100000000e+01;
	v18 =	vtrunc.f32 v18  }
0x55f: {  	v19 =	vadd.f32 v19, v2;
	v23 =	vld [tilespmem:s8+$0xFFFFFFF0];
	v18 =	vcvt.f32.s32 v18;
	v17 =	vtrunc.f32 v17  }
0x560: {  	v16 =	vadd.f32 v16, v2;
	v9 =	vmul.f32 v9, v0;
	v24 =	vld [tilespmem:s8+$0x0];
	v17 =	vcvt.f32.s32 v17  }
0x561: {  	v13 =	vmul.f32 v13, v0;
	v20 =	vmul.f32 v20, v1;
	v25 =	vld [tilespmem:s8+$0x10];
	v18 =	vshll.u32 v18, $0x5  }
0x562: {  	v9 =	vadd.f32 v9, v2;
	v21 =	vmul.f32 v21, v1;
	v26 =	vld [tilespmem:s8+$0x20];
	v17 =	vadd.s32 v17, v18  }
0x563: {  	v15 =	vadd.f32 v15, v2;
	v14 =	vadd.f32 v14, v2;
	v18 =	vmul.f32 v22, v1;
	v6 =	vld.idx.msk [tilespmem:v6+s22+$0x0], $0xffff  }
0x564: {  	v13 =	vadd.f32 v13, v2;
	v20 =	vadd.f32 v20, v3;
	v22 =	vmul.f32 v23, v1;
	v5 =	vld.idx.msk [tilespmem:v5+s22+$0x0], $0xffff  }
0x565: {  	v21 =	vadd.f32 v21, v3;
	v18 =	vadd.f32 v18, v3;
	v23 =	vmul.f32 v24, v1;
	v10 =	vld.idx.msk [tilespmem:v10+s22+$0x0], $0xffff  }
0x566: {  	v9 =	vmax.f32 v9, $0.0e+00;
	v22 =	vadd.f32 v22, v3;
	v24 =	vmul.f32 v25, v1;
	v11 =	vld.idx.msk [tilespmem:v11+s22+$0x0], $0xffff  }
0x567: {  	v12 =	vmax.f32 v12, $0.0e+00;
	v23 =	vadd.f32 v23, v3;
	v25 =	vmul.f32 v26, v1;
	v17 =	vld.idx.msk [tilespmem:v17+s22+$0x0], $0xffff  }
0x568: {  	v19 =	vmax.f32 v19, $0.0e+00;
	v16 =	vmax.f32 v16, $0.0e+00;
	v24 =	vadd.f32 v24, v3;
	v7 =	vld.idx.msk [tilespmem:v7+s22+$0x0], $0xffff  }
0x569: {  	v15 =	vmax.f32 v15, $0.0e+00;
	v14 =	vmax.f32 v14, $0.0e+00;
	v25 =	vadd.f32 v25, v3;
	[tilespmem:s9+$0xFFFFFFC0] =	vst v6;
	v6 =	vld.idx.msk [tilespmem:v8+s22+$0x0], $0xffff  }
0x56a: {  	v8 =	vmin.f32 v9, $3.100000000e+01;
	v9 =	vmin.f32 v12, $3.100000000e+01;
	v12 =	vmax.f32 v13, $0.0e+00;
	[tilespmem:s9+$0xFFFFFFD0] =	vst v5;
	v4 =	vld.idx.msk [tilespmem:v4+s22+$0x0], $0xffff  }
0x56b: {  	v15 =	vmin.f32 v15, $3.100000000e+01;
	v13 =	vmin.f32 v16, $3.100000000e+01;
	v5 =	vmin.f32 v19, $3.100000000e+01;
	[tilespmem:s9+$0xFFFFFFE0] =	vst v10  }
0x56c: {  	v14 =	vmin.f32 v14, $3.100000000e+01;
	v12 =	vmin.f32 v12, $3.100000000e+01;
	v10 =	vmax.f32 v20, $0.0e+00;
	s9 =	sadd.s32 $0x80, s9;
	[tilespmem:s10+$0xFFFFFFF0] =	vst v11  }
0x56d: {  	v16 =	vmax.f32 v18, $0.0e+00;
	v18 =	vmax.f32 v22, $0.0e+00;
	v11 =	vmax.f32 v21, $0.0e+00;
	[tilespmem:s9+$0x30] =	vst v17  }
0x56e: {  	v19 =	vmax.f32 v24, $0.0e+00;
	v20 =	vmax.f32 v25, $0.0e+00;
	v17 =	vmax.f32 v23, $0.0e+00;
	[tilespmem:s10+$0x0] =	vst v7  }
0x56f: {  	v8 =	vtrunc.f32 v8;
	v9 =	vtrunc.f32 v9;
	v10 =	vmin.f32 v10, $3.100000000e+01;
	[tilespmem:s10+$0x10] =	vst v6  }
0x570: {  	v13 =	vtrunc.f32 v13;
	v5 =	vtrunc.f32 v5;
	v11 =	vmin.f32 v11, $3.100000000e+01;
	[tilespmem:s10+$0x20] =	vst v4;
	s10 =	smov.u32 s9  }
0x571: {  	v15 =	vtrunc.f32 v15;
	v14 =	vtrunc.f32 v14;
	v21 =	vmin.f32 v16, $3.100000000e+01  }
0x572: {  	v18 =	vmin.f32 v18, $3.100000000e+01;
	v16 =	vtrunc.f32 v12;
	v7 =	vmin.f32 v17, $3.100000000e+01  }
0x573: {  	v6 =	vcvt.f32.s32 v8;
	v8 =	vmin.f32 v19, $3.100000000e+01;
	v4 =	vmin.f32 v20, $3.100000000e+01  }
.Ltmp11:
0x574: {  	v9 =	vcvt.f32.s32 v9;
	v17 =	vcvt.f32.s32 v5;
	(pc) =	sbr.rel @p0 .LBB2_24-.Ltmp11, $4  }
0x575: {  	v19 =	vcvt.f32.s32 v13;
	v13 =	vcvt.f32.s32 v15;
	v6 =	vshll.u32 v6, $0x5  }
0x576: {  	v12 =	vcvt.f32.s32 v14;
	v5 =	vshll.u32 v9, $0x5;
	v9 =	vcvt.f32.s32 v16  }
0x577: {  	v16 =	vtrunc.f32 v10;
	v15 =	vtrunc.f32 v11;
	v10 =	vshll.u32 v17, $0x5  }
0x578: {  	s12 =	sadd.s32 $0x80, s12;
	v14 =	vtrunc.f32 v18;
	v17 =	vtrunc.f32 v21;
	v11 =	vshll.u32 v19, $0x5  }
0x579: {  	v16 =	vcvt.f32.s32 v16  }
0x57a: {  	v15 =	vcvt.f32.s32 v15  }
0x57b: {  	v7 =	vtrunc.f32 v7;
	v17 =	vcvt.f32.s32 v17;
	v6 =	vadd.s32 v16, v6  }
0x57c: {  	v13 =	vshll.u32 v13, $0x5;
	v14 =	vcvt.f32.s32 v14;
	v5 =	vadd.s32 v15, v5  }
0x57d: {  	v4 =	vtrunc.f32 v4;
	v7 =	vcvt.f32.s32 v7;
	v10 =	vadd.s32 v17, v10  }
0x57e: {  	v8 =	vtrunc.f32 v8;
	v4 =	vcvt.f32.s32 v4;
	v11 =	vadd.s32 v14, v11  }
0x57f: {  	v9 =	vshll.u32 v9, $0x5;
	v8 =	vcvt.f32.s32 v8;
	v7 =	vadd.s32 v7, v13  }
0x580: {  	v12 =	vshll.u32 v12, $0x5;
	v4 =	vadd.s32 v4, v9;
	v6 =	vld.idx.msk [tilespmem:v6+s22+$0x0], $0xffff  }
0x581: {  	v8 =	vadd.s32 v8, v12;
	v5 =	vld.idx.msk [tilespmem:v5+s22+$0x0], $0xffff  }
0x582: {  	v9 =	vld.idx.msk [tilespmem:v10+s22+$0x0], $0xffff  }
0x583: {  	v10 =	vld.idx.msk [tilespmem:v11+s22+$0x0], $0xffff  }
0x584: {  	v7 =	vld.idx.msk [tilespmem:v7+s22+$0x0], $0xffff  }
0x585: {  	v4 =	vld.idx.msk [tilespmem:v4+s22+$0x0], $0xffff;
	[tilespmem:s9+$0xFFFFFFC0] =	vst v6  }
0x586: {  	v6 =	vld.idx.msk [tilespmem:v8+s22+$0x0], $0xffff;
	[tilespmem:s9+$0xFFFFFFD0] =	vst v5  }
0x587: {  	[tilespmem:s9+$0xFFFFFFE0] =	vst v9  }
0x588: {  	[tilespmem:s10+$0xFFFFFFF0] =	vst v10  }
0x589: {  	[tilespmem:s10+$0x0] =	vst v7  }
0x58a: {  	[tilespmem:s10+$0x20] =	vst v4  }
0x58b: {  	[tilespmem:s10+$0x10] =	vst v6  }
0x58c: {  	[hbm4b:s15+s1] =	stream.linear.scatter [tilespmem:s4], [sflag:$0x6], $0x2000, $0x38;
	[tilespmem:$0xC600] =	vst v63  }
0x58d: {  	s8 =	rddreg [dreg:$0x1f]  }
0x58e: {  	s11 =	sld [smem:$0x7F0]  }
0x58f: {  	[tilespmem:s28], [sflag:$0x2] =	stream.strided.gather [hbm4b:s8+s24], $0x2000, s25, s24, $0x38;
	[tilespmem:$0xC600] =	vst v63  }
0x590: {  	_ = 	snop  }
0x591: {  	[tilespmem:s29], [sflag:$0x4] =	stream.strided.gather [hbm4b:s11+s24], $0x2000, s25, s24, $0x38;
	[tilespmem:$0xC600] =	vst v63  }
0x592: {  	_ =	swait.ge [sflag:s30], $0x2000  }
0x593: {  	[sflag:s30] =	ssyncset.done $0x0  }
0x594: {  	[sflag:s30] =	ssyncadd.s32 $0xFFFFE000  }
0x595: {  	_ =	swait.ge [sflag:s31], $0x2000  }
0x596: {  	[sflag:s31] =	ssyncset.done $0x0  }
0x597: {  	[sflag:s31] =	ssyncadd.s32 $0xFFFFE000  }
0x598: {  	_ =	swait.ge [sflag:s5], $0x2000  }
0x599: {  	[sflag:s5] =	ssyncset.done $0x0  }
0x59a: {  	s12 =	simm.s32 $0x40;
	[sflag:s5] =	ssyncadd.s32 $0xFFFFE000  }
0x59b: {  	s8 =	simm.s32 $0x4040;
	v4 =	vld [tilespmem:s12+$0x30]  }
0x59c: {  	v5 =	vld [tilespmem:s8+$0x30]  }
0x59d: {  	v6 =	vld [tilespmem:s12+$0xFFFFFFD0]  }
0x59e: {  	v7 =	vld [tilespmem:s12+$0xFFFFFFE0]  }
0x59f: {  	v8 =	vld [tilespmem:s12+$0xFFFFFFF0]  }
0x5a0: {  	v9 =	vld [tilespmem:s12+$0x0]  }
0x5a1: {  	v10 =	vld [tilespmem:s12+$0x10]  }
0x5a2: {  	v12 =	vld [tilespmem:s12+$0xFFFFFFC0]  }
0x5a3: {  	v13 =	vld [tilespmem:s8+$0xFFFFFFC0]  }
0x5a4: {  	v11 =	vld [tilespmem:s12+$0x20];
	v4 =	vmul.f32 v4, v0;
	v5 =	vmul.f32 v5, v1  }
0x5a5: {  	v14 =	vld [tilespmem:s8+$0xFFFFFFD0];
	v6 =	vmul.f32 v6, v0;
	v7 =	vmul.f32 v7, v0  }
0x5a6: {  	v8 =	vmul.f32 v8, v0;
	v9 =	vmul.f32 v9, v0  }
0x5a7: {  	v10 =	vmul.f32 v10, v0;
	v12 =	vmul.f32 v12, v0;
	v4 =	vadd.f32 v4, v2  }
0x5a8: {  	v13 =	vmul.f32 v13, v1;
	v5 =	vadd.f32 v5, v3;
	v6 =	vadd.f32 v6, v2  }
0x5a9: {  	v11 =	vmul.f32 v11, v0;
	v7 =	vadd.f32 v7, v2;
	v8 =	vadd.f32 v8, v2  }
0x5aa: {  	v14 =	vmul.f32 v14, v1;
	v12 =	vadd.f32 v12, v2;
	v9 =	vadd.f32 v9, v2  }
0x5ab: {  	v10 =	vadd.f32 v10, v2;
	v13 =	vadd.f32 v13, v3  }
0x5ac: {  	v11 =	vadd.f32 v11, v2;
	v14 =	vadd.f32 v14, v3;
	v4 =	vmax.f32 v4, $0.0e+00  }
0x5ad: {  	v5 =	vmax.f32 v5, $0.0e+00;
	v12 =	vmax.f32 v12, $0.0e+00;
	v6 =	vmax.f32 v6, $0.0e+00  }
0x5ae: {  	v7 =	vmax.f32 v7, $0.0e+00;
	v8 =	vmax.f32 v8, $0.0e+00;
	v9 =	vmax.f32 v9, $0.0e+00  }
0x5af: {  	v15 =	vld [tilespmem:s8+$0xFFFFFFE0];
	v10 =	vmax.f32 v10, $0.0e+00;
	v11 =	vmax.f32 v11, $0.0e+00;
	v13 =	vmax.f32 v13, $0.0e+00  }
0x5b0: {  	v16 =	vld [tilespmem:s8+$0xFFFFFFF0];
	v14 =	vmax.f32 v14, $0.0e+00;
	v4 =	vmin.f32 v4, $3.100000000e+01;
	v5 =	vmin.f32 v5, $3.100000000e+01  }
0x5b1: {  	v17 =	vld [tilespmem:s8+$0x0];
	v12 =	vmin.f32 v12, $3.100000000e+01;
	v6 =	vmin.f32 v6, $3.100000000e+01;
	v7 =	vmin.f32 v7, $3.100000000e+01  }
0x5b2: {  	v18 =	vld [tilespmem:s8+$0x10];
	v8 =	vmin.f32 v8, $3.100000000e+01;
	v9 =	vmin.f32 v9, $3.100000000e+01;
	v4 =	vtrunc.f32 v4  }
0x5b3: {  	v19 =	vld [tilespmem:s8+$0x20];
	v10 =	vmin.f32 v10, $3.100000000e+01;
	v5 =	vtrunc.f32 v5;
	v4 =	vcvt.f32.s32 v4  }
0x5b4: {  	v11 =	vmin.f32 v11, $3.100000000e+01;
	v12 =	vtrunc.f32 v12;
	v5 =	vcvt.f32.s32 v5  }
0x5b5: {  	v6 =	vtrunc.f32 v6;
	v20 =	vtrunc.f32 v8;
	v4 =	vshll.u32 v4, $0x5  }
0x5b6: {  	v4 =	vadd.s32 v5, v4;
	v5 =	vmul.f32 v15, v1;
	v15 =	vmul.f32 v16, v1  }
0x5b7: {  	v14 =	vmin.f32 v14, $3.100000000e+01;
	v16 =	vmul.f32 v17, v1;
	v17 =	vmul.f32 v18, v1  }
0x5b8: {  	v18 =	vmul.f32 v19, v1;
	v5 =	vadd.f32 v5, v3;
	v15 =	vadd.f32 v15, v3  }
0x5b9: {  	v19 =	vmin.f32 v13, $3.100000000e+01;
	v16 =	vadd.f32 v16, v3;
	v17 =	vadd.f32 v17, v3  }
0x5ba: {  	v13 =	vtrunc.f32 v7;
	v18 =	vadd.f32 v18, v3;
	v5 =	vmax.f32 v5, $0.0e+00  }
0x5bb: {  	v15 =	vmax.f32 v15, $0.0e+00;
	v16 =	vmax.f32 v16, $0.0e+00;
	v17 =	vmax.f32 v17, $0.0e+00  }
0x5bc: {  	v18 =	vmax.f32 v18, $0.0e+00;
	v21 =	vmin.f32 v5, $3.100000000e+01;
	v5 =	vtrunc.f32 v9  }
0x5bd: {  	v9 =	vtrunc.f32 v10;
	v22 =	vmin.f32 v15, $3.100000000e+01;
	v10 =	vtrunc.f32 v11  }
0x5be: {  	v7 =	vmin.f32 v16, $3.100000000e+01;
	v23 =	vld.idx.msk [tilespmem:v4+s22+$0x0], $0xffff;
	v11 =	vcvt.f32.s32 v12;
	v12 =	vcvt.f32.s32 v6  }
0x5bf: {  	v8 =	vmin.f32 v17, $3.100000000e+01;
	v17 =	vcvt.f32.s32 v13;
	v16 =	vtrunc.f32 v19  }
0x5c0: {  	v4 =	vmin.f32 v18, $3.100000000e+01;
	v15 =	vtrunc.f32 v14;
	v13 =	vcvt.f32.s32 v5  }
0x5c1: {  	v14 =	vtrunc.f32 v22;
	v6 =	vshll.u32 v11, $0x5;
	v11 =	vcvt.f32.s32 v20  }
0x5c2: {  	s9 =	simm.s32 $0x8040;
	v5 =	vshll.u32 v12, $0x5;
	v12 =	vcvt.f32.s32 v9;
	v9 =	vcvt.f32.s32 v10  }
0x5c3: {  	s10 =	simm.s32 $0x8040;
	s11 =	simm.s32 $0x0;
	s12 =	simm.s32 $0xC0;
	v10 =	vshll.u32 v17, $0x5;
	v17 =	vtrunc.f32 v21;
	v11 =	vshll.u32 v11, $0x5;
	[tilespmem:s9+$0x30] =	vst v23  }
.LBB2_26:
0x5c4: {  	v18 =	vld [tilespmem:s12+$0x30];
	s11 =	sadd.s32 $0x8, s11;
	v7 =	vtrunc.f32 v7;
	v13 =	vshll.u32 v13, $0x5;
	v8 =	vtrunc.f32 v8;
	s8 =	sadd.s32 $0x80, s8  }
0x5c5: {  	v16 =	vcvt.f32.s32 v16;
	v12 =	vshll.u32 v12, $0x5;
	v4 =	vtrunc.f32 v4;
	v19 =	vld [tilespmem:s8+$0x30];
	p0 =	slt.u32 s11, $0x1F8  }
0x5c6: {  	v15 =	vcvt.f32.s32 v15;
	v17 =	vcvt.f32.s32 v17;
	v9 =	vshll.u32 v9, $0x5;
	v20 =	vld [tilespmem:s12+$0xFFFFFFD0]  }
0x5c7: {  	v14 =	vcvt.f32.s32 v14;
	v7 =	vcvt.f32.s32 v7;
	v6 =	vadd.s32 v16, v6;
	v21 =	vld [tilespmem:s12+$0xFFFFFFE0]  }
0x5c8: {  	v8 =	vcvt.f32.s32 v8;
	v4 =	vcvt.f32.s32 v4;
	v5 =	vadd.s32 v15, v5;
	v16 =	vld [tilespmem:s12+$0xFFFFFFF0]  }
0x5c9: {  	v10 =	vadd.s32 v17, v10;
	v11 =	vadd.s32 v14, v11;
	v15 =	vld [tilespmem:s12+$0x0];
	v18 =	vmul.f32 v18, v0  }
0x5ca: {  	v7 =	vadd.s32 v7, v13;
	v8 =	vadd.s32 v8, v12;
	v14 =	vld [tilespmem:s12+$0x10];
	v17 =	vmul.f32 v19, v1  }
0x5cb: {  	v4 =	vadd.s32 v4, v9;
	v12 =	vmul.f32 v20, v0;
	v13 =	vld [tilespmem:s12+$0x20];
	v18 =	vadd.f32 v18, v2  }
0x5cc: {  	v9 =	vld [tilespmem:s12+$0xFFFFFFC0];
	v19 =	vmul.f32 v21, v0;
	v17 =	vadd.f32 v17, v3  }
0x5cd: {  	v20 =	vld [tilespmem:s8+$0xFFFFFFC0];
	v12 =	vadd.f32 v12, v2;
	v16 =	vmul.f32 v16, v0;
	v18 =	vmax.f32 v18, $0.0e+00  }
0x5ce: {  	v21 =	vld [tilespmem:s8+$0xFFFFFFD0];
	v15 =	vmul.f32 v15, v0;
	v18 =	vmin.f32 v18, $3.100000000e+01;
	v17 =	vmax.f32 v17, $0.0e+00  }
0x5cf: {  	v22 =	vld [tilespmem:s8+$0xFFFFFFE0];
	v14 =	vmul.f32 v14, v0;
	v17 =	vmin.f32 v17, $3.100000000e+01;
	v18 =	vtrunc.f32 v18  }
0x5d0: {  	v19 =	vadd.f32 v19, v2;
	v23 =	vld [tilespmem:s8+$0xFFFFFFF0];
	v18 =	vcvt.f32.s32 v18;
	v17 =	vtrunc.f32 v17  }
0x5d1: {  	v16 =	vadd.f32 v16, v2;
	v9 =	vmul.f32 v9, v0;
	v24 =	vld [tilespmem:s8+$0x0];
	v17 =	vcvt.f32.s32 v17  }
0x5d2: {  	v13 =	vmul.f32 v13, v0;
	v20 =	vmul.f32 v20, v1;
	v25 =	vld [tilespmem:s8+$0x10];
	v18 =	vshll.u32 v18, $0x5  }
0x5d3: {  	v9 =	vadd.f32 v9, v2;
	v21 =	vmul.f32 v21, v1;
	v26 =	vld [tilespmem:s8+$0x20];
	v17 =	vadd.s32 v17, v18  }
0x5d4: {  	v15 =	vadd.f32 v15, v2;
	v14 =	vadd.f32 v14, v2;
	v18 =	vmul.f32 v22, v1;
	v6 =	vld.idx.msk [tilespmem:v6+s22+$0x0], $0xffff  }
0x5d5: {  	v13 =	vadd.f32 v13, v2;
	v20 =	vadd.f32 v20, v3;
	v22 =	vmul.f32 v23, v1;
	v5 =	vld.idx.msk [tilespmem:v5+s22+$0x0], $0xffff  }
0x5d6: {  	v21 =	vadd.f32 v21, v3;
	v18 =	vadd.f32 v18, v3;
	v23 =	vmul.f32 v24, v1;
	v10 =	vld.idx.msk [tilespmem:v10+s22+$0x0], $0xffff  }
0x5d7: {  	v9 =	vmax.f32 v9, $0.0e+00;
	v22 =	vadd.f32 v22, v3;
	v24 =	vmul.f32 v25, v1;
	v11 =	vld.idx.msk [tilespmem:v11+s22+$0x0], $0xffff  }
0x5d8: {  	v12 =	vmax.f32 v12, $0.0e+00;
	v23 =	vadd.f32 v23, v3;
	v25 =	vmul.f32 v26, v1;
	v17 =	vld.idx.msk [tilespmem:v17+s22+$0x0], $0xffff  }
0x5d9: {  	v19 =	vmax.f32 v19, $0.0e+00;
	v16 =	vmax.f32 v16, $0.0e+00;
	v24 =	vadd.f32 v24, v3;
	v7 =	vld.idx.msk [tilespmem:v7+s22+$0x0], $0xffff  }
0x5da: {  	v15 =	vmax.f32 v15, $0.0e+00;
	v14 =	vmax.f32 v14, $0.0e+00;
	v25 =	vadd.f32 v25, v3;
	[tilespmem:s9+$0xFFFFFFC0] =	vst v6;
	v6 =	vld.idx.msk [tilespmem:v8+s22+$0x0], $0xffff  }
0x5db: {  	v8 =	vmin.f32 v9, $3.100000000e+01;
	v9 =	vmin.f32 v12, $3.100000000e+01;
	v12 =	vmax.f32 v13, $0.0e+00;
	[tilespmem:s9+$0xFFFFFFD0] =	vst v5;
	v4 =	vld.idx.msk [tilespmem:v4+s22+$0x0], $0xffff  }
0x5dc: {  	v15 =	vmin.f32 v15, $3.100000000e+01;
	v13 =	vmin.f32 v16, $3.100000000e+01;
	v5 =	vmin.f32 v19, $3.100000000e+01;
	[tilespmem:s9+$0xFFFFFFE0] =	vst v10  }
0x5dd: {  	v14 =	vmin.f32 v14, $3.100000000e+01;
	v12 =	vmin.f32 v12, $3.100000000e+01;
	v10 =	vmax.f32 v20, $0.0e+00;
	s9 =	sadd.s32 $0x80, s9;
	[tilespmem:s10+$0xFFFFFFF0] =	vst v11  }
0x5de: {  	v16 =	vmax.f32 v18, $0.0e+00;
	v18 =	vmax.f32 v22, $0.0e+00;
	v11 =	vmax.f32 v21, $0.0e+00;
	[tilespmem:s9+$0x30] =	vst v17  }
0x5df: {  	v19 =	vmax.f32 v24, $0.0e+00;
	v20 =	vmax.f32 v25, $0.0e+00;
	v17 =	vmax.f32 v23, $0.0e+00;
	[tilespmem:s10+$0x0] =	vst v7  }
0x5e0: {  	v8 =	vtrunc.f32 v8;
	v9 =	vtrunc.f32 v9;
	v10 =	vmin.f32 v10, $3.100000000e+01;
	[tilespmem:s10+$0x10] =	vst v6  }
0x5e1: {  	v13 =	vtrunc.f32 v13;
	v5 =	vtrunc.f32 v5;
	v11 =	vmin.f32 v11, $3.100000000e+01;
	[tilespmem:s10+$0x20] =	vst v4;
	s10 =	smov.u32 s9  }
0x5e2: {  	v15 =	vtrunc.f32 v15;
	v14 =	vtrunc.f32 v14;
	v21 =	vmin.f32 v16, $3.100000000e+01  }
0x5e3: {  	v18 =	vmin.f32 v18, $3.100000000e+01;
	v16 =	vtrunc.f32 v12;
	v7 =	vmin.f32 v17, $3.100000000e+01  }
0x5e4: {  	v6 =	vcvt.f32.s32 v8;
	v8 =	vmin.f32 v19, $3.100000000e+01;
	v4 =	vmin.f32 v20, $3.100000000e+01  }
.Ltmp12:
0x5e5: {  	v9 =	vcvt.f32.s32 v9;
	v17 =	vcvt.f32.s32 v5;
	(pc) =	sbr.rel @p0 .LBB2_26-.Ltmp12, $4  }
0x5e6: {  	v19 =	vcvt.f32.s32 v13;
	v13 =	vcvt.f32.s32 v15;
	v6 =	vshll.u32 v6, $0x5  }
0x5e7: {  	v12 =	vcvt.f32.s32 v14;
	v5 =	vshll.u32 v9, $0x5;
	v9 =	vcvt.f32.s32 v16  }
0x5e8: {  	v16 =	vtrunc.f32 v10;
	v15 =	vtrunc.f32 v11;
	v10 =	vshll.u32 v17, $0x5  }
0x5e9: {  	s12 =	sadd.s32 $0x80, s12;
	v14 =	vtrunc.f32 v18;
	v17 =	vtrunc.f32 v21;
	v11 =	vshll.u32 v19, $0x5  }
0x5ea: {  	v16 =	vcvt.f32.s32 v16  }
0x5eb: {  	v15 =	vcvt.f32.s32 v15  }
0x5ec: {  	v7 =	vtrunc.f32 v7;
	v17 =	vcvt.f32.s32 v17;
	v6 =	vadd.s32 v16, v6  }
0x5ed: {  	v13 =	vshll.u32 v13, $0x5;
	v14 =	vcvt.f32.s32 v14;
	v5 =	vadd.s32 v15, v5  }
0x5ee: {  	v4 =	vtrunc.f32 v4;
	v7 =	vcvt.f32.s32 v7;
	v10 =	vadd.s32 v17, v10  }
0x5ef: {  	v8 =	vtrunc.f32 v8;
	v4 =	vcvt.f32.s32 v4;
	v11 =	vadd.s32 v14, v11  }
0x5f0: {  	v9 =	vshll.u32 v9, $0x5;
	v8 =	vcvt.f32.s32 v8;
	v7 =	vadd.s32 v7, v13  }
0x5f1: {  	v12 =	vshll.u32 v12, $0x5;
	v4 =	vadd.s32 v4, v9;
	v6 =	vld.idx.msk [tilespmem:v6+s22+$0x0], $0xffff  }
0x5f2: {  	v8 =	vadd.s32 v8, v12;
	v5 =	vld.idx.msk [tilespmem:v5+s22+$0x0], $0xffff  }
0x5f3: {  	v9 =	vld.idx.msk [tilespmem:v10+s22+$0x0], $0xffff  }
0x5f4: {  	v10 =	vld.idx.msk [tilespmem:v11+s22+$0x0], $0xffff  }
0x5f5: {  	v7 =	vld.idx.msk [tilespmem:v7+s22+$0x0], $0xffff  }
0x5f6: {  	v4 =	vld.idx.msk [tilespmem:v4+s22+$0x0], $0xffff;
	[tilespmem:s9+$0xFFFFFFC0] =	vst v6  }
0x5f7: {  	v6 =	vld.idx.msk [tilespmem:v8+s22+$0x0], $0xffff;
	[tilespmem:s9+$0xFFFFFFD0] =	vst v5  }
0x5f8: {  	[tilespmem:s9+$0xFFFFFFE0] =	vst v9  }
0x5f9: {  	[tilespmem:s10+$0xFFFFFFF0] =	vst v10  }
0x5fa: {  	[tilespmem:s10+$0x0] =	vst v7  }
0x5fb: {  	[tilespmem:s10+$0x20] =	vst v4  }
0x5fc: {  	[tilespmem:s10+$0x10] =	vst v6  }
0x5fd: {  	s8 =	sld [smem:$0x7F1]  }
0x5fe: {  	[hbm4b:s16+s1] =	stream.linear.scatter [tilespmem:s0], [sflag:$0x5], $0x2000, $0x38;
	[tilespmem:$0xC600] =	vst v63  }
0x5ff: {  	s11 =	sld [smem:$0x7F2]  }
0x600: {  	[tilespmem:s1], [sflag:$0x1] =	stream.strided.gather [hbm4b:s8+s24], $0x2000, s25, s24, $0x38;
	[tilespmem:$0xC600] =	vst v63  }
0x601: {  	_ = 	snop  }
0x602: {  	[tilespmem:s26], [sflag:$0x3] =	stream.strided.gather [hbm4b:s11+s24], $0x2000, s25, s24, $0x38;
	[tilespmem:$0xC600] =	vst v63  }
0x603: {  	_ =	swait.ge [sflag:s2], $0x2000  }
0x604: {  	[sflag:s2] =	ssyncset.done $0x0  }
0x605: {  	[sflag:s2] =	ssyncadd.s32 $0xFFFFE000  }
0x606: {  	_ =	swait.ge [sflag:s3], $0x2000  }
0x607: {  	[sflag:s3] =	ssyncset.done $0x0  }
0x608: {  	[sflag:s3] =	ssyncadd.s32 $0xFFFFE000  }
0x609: {  	_ =	swait.ge [sflag:s6], $0x2000  }
0x60a: {  	[sflag:s6] =	ssyncset.done $0x0  }
0x60b: {  	s12 =	simm.s32 $0x2040;
	[sflag:s6] =	ssyncadd.s32 $0xFFFFE000  }
0x60c: {  	s8 =	simm.s32 $0x6040;
	v4 =	vld [tilespmem:s12+$0x30]  }
0x60d: {  	v5 =	vld [tilespmem:s8+$0x30]  }
0x60e: {  	v6 =	vld [tilespmem:s12+$0xFFFFFFD0]  }
0x60f: {  	v7 =	vld [tilespmem:s12+$0xFFFFFFE0]  }
0x610: {  	v8 =	vld [tilespmem:s12+$0xFFFFFFF0]  }
0x611: {  	v9 =	vld [tilespmem:s12+$0x0]  }
0x612: {  	v10 =	vld [tilespmem:s12+$0x10]  }
0x613: {  	v12 =	vld [tilespmem:s12+$0xFFFFFFC0]  }
0x614: {  	v13 =	vld [tilespmem:s8+$0xFFFFFFC0]  }
0x615: {  	v11 =	vld [tilespmem:s12+$0x20];
	v4 =	vmul.f32 v4, v0;
	v5 =	vmul.f32 v5, v1  }
0x616: {  	v14 =	vld [tilespmem:s8+$0xFFFFFFD0];
	v6 =	vmul.f32 v6, v0;
	v7 =	vmul.f32 v7, v0  }
0x617: {  	v8 =	vmul.f32 v8, v0;
	v9 =	vmul.f32 v9, v0  }
0x618: {  	v10 =	vmul.f32 v10, v0;
	v12 =	vmul.f32 v12, v0;
	v4 =	vadd.f32 v4, v2  }
0x619: {  	v13 =	vmul.f32 v13, v1;
	v5 =	vadd.f32 v5, v3;
	v6 =	vadd.f32 v6, v2  }
0x61a: {  	v11 =	vmul.f32 v11, v0;
	v7 =	vadd.f32 v7, v2;
	v8 =	vadd.f32 v8, v2  }
0x61b: {  	v14 =	vmul.f32 v14, v1;
	v12 =	vadd.f32 v12, v2;
	v9 =	vadd.f32 v9, v2  }
0x61c: {  	v10 =	vadd.f32 v10, v2;
	v13 =	vadd.f32 v13, v3  }
0x61d: {  	v11 =	vadd.f32 v11, v2;
	v14 =	vadd.f32 v14, v3;
	v4 =	vmax.f32 v4, $0.0e+00  }
0x61e: {  	v5 =	vmax.f32 v5, $0.0e+00;
	v12 =	vmax.f32 v12, $0.0e+00;
	v6 =	vmax.f32 v6, $0.0e+00  }
0x61f: {  	v7 =	vmax.f32 v7, $0.0e+00;
	v8 =	vmax.f32 v8, $0.0e+00;
	v9 =	vmax.f32 v9, $0.0e+00  }
0x620: {  	v15 =	vld [tilespmem:s8+$0xFFFFFFE0];
	v10 =	vmax.f32 v10, $0.0e+00;
	v11 =	vmax.f32 v11, $0.0e+00;
	v13 =	vmax.f32 v13, $0.0e+00  }
0x621: {  	v16 =	vld [tilespmem:s8+$0xFFFFFFF0];
	v14 =	vmax.f32 v14, $0.0e+00;
	v4 =	vmin.f32 v4, $3.100000000e+01;
	v5 =	vmin.f32 v5, $3.100000000e+01  }
0x622: {  	v17 =	vld [tilespmem:s8+$0x0];
	v12 =	vmin.f32 v12, $3.100000000e+01;
	v6 =	vmin.f32 v6, $3.100000000e+01;
	v7 =	vmin.f32 v7, $3.100000000e+01  }
0x623: {  	v18 =	vld [tilespmem:s8+$0x10];
	v8 =	vmin.f32 v8, $3.100000000e+01;
	v9 =	vmin.f32 v9, $3.100000000e+01;
	v4 =	vtrunc.f32 v4  }
0x624: {  	v19 =	vld [tilespmem:s8+$0x20];
	v10 =	vmin.f32 v10, $3.100000000e+01;
	v5 =	vtrunc.f32 v5;
	v4 =	vcvt.f32.s32 v4  }
0x625: {  	v11 =	vmin.f32 v11, $3.100000000e+01;
	v12 =	vtrunc.f32 v12;
	v5 =	vcvt.f32.s32 v5  }
0x626: {  	v6 =	vtrunc.f32 v6;
	v20 =	vtrunc.f32 v8;
	v4 =	vshll.u32 v4, $0x5  }
0x627: {  	v4 =	vadd.s32 v5, v4;
	v5 =	vmul.f32 v15, v1;
	v15 =	vmul.f32 v16, v1  }
0x628: {  	v14 =	vmin.f32 v14, $3.100000000e+01;
	v16 =	vmul.f32 v17, v1;
	v17 =	vmul.f32 v18, v1  }
0x629: {  	v18 =	vmul.f32 v19, v1;
	v5 =	vadd.f32 v5, v3;
	v15 =	vadd.f32 v15, v3  }
0x62a: {  	v19 =	vmin.f32 v13, $3.100000000e+01;
	v16 =	vadd.f32 v16, v3;
	v17 =	vadd.f32 v17, v3  }
0x62b: {  	v13 =	vtrunc.f32 v7;
	v18 =	vadd.f32 v18, v3;
	v5 =	vmax.f32 v5, $0.0e+00  }
0x62c: {  	v15 =	vmax.f32 v15, $0.0e+00;
	v16 =	vmax.f32 v16, $0.0e+00;
	v17 =	vmax.f32 v17, $0.0e+00  }
0x62d: {  	v18 =	vmax.f32 v18, $0.0e+00;
	v21 =	vmin.f32 v5, $3.100000000e+01;
	v5 =	vtrunc.f32 v9  }
0x62e: {  	v9 =	vtrunc.f32 v10;
	v22 =	vmin.f32 v15, $3.100000000e+01;
	v10 =	vtrunc.f32 v11  }
0x62f: {  	v7 =	vmin.f32 v16, $3.100000000e+01;
	v23 =	vld.idx.msk [tilespmem:v4+s22+$0x0], $0xffff;
	v11 =	vcvt.f32.s32 v12;
	v12 =	vcvt.f32.s32 v6  }
0x630: {  	v8 =	vmin.f32 v17, $3.100000000e+01;
	v17 =	vcvt.f32.s32 v13;
	v16 =	vtrunc.f32 v19  }
0x631: {  	v4 =	vmin.f32 v18, $3.100000000e+01;
	v15 =	vtrunc.f32 v14;
	v13 =	vcvt.f32.s32 v5  }
0x632: {  	v14 =	vtrunc.f32 v22;
	v6 =	vshll.u32 v11, $0x5;
	v11 =	vcvt.f32.s32 v20  }
0x633: {  	s9 =	simm.s32 $0xA040;
	v5 =	vshll.u32 v12, $0x5;
	v12 =	vcvt.f32.s32 v9;
	v9 =	vcvt.f32.s32 v10  }
0x634: {  	s10 =	simm.s32 $0xA040;
	s11 =	simm.s32 $0x0;
	s12 =	simm.s32 $0x20C0;
	v10 =	vshll.u32 v17, $0x5;
	v17 =	vtrunc.f32 v21;
	v11 =	vshll.u32 v11, $0x5;
	[tilespmem:s9+$0x30] =	vst v23  }
.LBB2_28:
0x635: {  	v18 =	vld [tilespmem:s12+$0x30];
	s11 =	sadd.s32 $0x8, s11;
	v7 =	vtrunc.f32 v7;
	v13 =	vshll.u32 v13, $0x5;
	v8 =	vtrunc.f32 v8;
	s8 =	sadd.s32 $0x80, s8  }
0x636: {  	v16 =	vcvt.f32.s32 v16;
	v12 =	vshll.u32 v12, $0x5;
	v4 =	vtrunc.f32 v4;
	v19 =	vld [tilespmem:s8+$0x30];
	p0 =	slt.u32 s11, $0x1F8  }
0x637: {  	v15 =	vcvt.f32.s32 v15;
	v17 =	vcvt.f32.s32 v17;
	v9 =	vshll.u32 v9, $0x5;
	v20 =	vld [tilespmem:s12+$0xFFFFFFD0]  }
0x638: {  	v14 =	vcvt.f32.s32 v14;
	v7 =	vcvt.f32.s32 v7;
	v6 =	vadd.s32 v16, v6;
	v21 =	vld [tilespmem:s12+$0xFFFFFFE0]  }
0x639: {  	v8 =	vcvt.f32.s32 v8;
	v4 =	vcvt.f32.s32 v4;
	v5 =	vadd.s32 v15, v5;
	v16 =	vld [tilespmem:s12+$0xFFFFFFF0]  }
0x63a: {  	v10 =	vadd.s32 v17, v10;
	v11 =	vadd.s32 v14, v11;
	v15 =	vld [tilespmem:s12+$0x0];
	v18 =	vmul.f32 v18, v0  }
0x63b: {  	v7 =	vadd.s32 v7, v13;
	v8 =	vadd.s32 v8, v12;
	v14 =	vld [tilespmem:s12+$0x10];
	v17 =	vmul.f32 v19, v1  }
0x63c: {  	v4 =	vadd.s32 v4, v9;
	v12 =	vmul.f32 v20, v0;
	v13 =	vld [tilespmem:s12+$0x20];
	v18 =	vadd.f32 v18, v2  }
0x63d: {  	v9 =	vld [tilespmem:s12+$0xFFFFFFC0];
	v19 =	vmul.f32 v21, v0;
	v17 =	vadd.f32 v17, v3  }
0x63e: {  	v20 =	vld [tilespmem:s8+$0xFFFFFFC0];
	v12 =	vadd.f32 v12, v2;
	v16 =	vmul.f32 v16, v0;
	v18 =	vmax.f32 v18, $0.0e+00  }
0x63f: {  	v21 =	vld [tilespmem:s8+$0xFFFFFFD0];
	v15 =	vmul.f32 v15, v0;
	v18 =	vmin.f32 v18, $3.100000000e+01;
	v17 =	vmax.f32 v17, $0.0e+00  }
0x640: {  	v22 =	vld [tilespmem:s8+$0xFFFFFFE0];
	v14 =	vmul.f32 v14, v0;
	v17 =	vmin.f32 v17, $3.100000000e+01;
	v18 =	vtrunc.f32 v18  }
0x641: {  	v19 =	vadd.f32 v19, v2;
	v23 =	vld [tilespmem:s8+$0xFFFFFFF0];
	v18 =	vcvt.f32.s32 v18;
	v17 =	vtrunc.f32 v17  }
0x642: {  	v16 =	vadd.f32 v16, v2;
	v9 =	vmul.f32 v9, v0;
	v24 =	vld [tilespmem:s8+$0x0];
	v17 =	vcvt.f32.s32 v17  }
0x643: {  	v13 =	vmul.f32 v13, v0;
	v20 =	vmul.f32 v20, v1;
	v25 =	vld [tilespmem:s8+$0x10];
	v18 =	vshll.u32 v18, $0x5  }
0x644: {  	v9 =	vadd.f32 v9, v2;
	v21 =	vmul.f32 v21, v1;
	v26 =	vld [tilespmem:s8+$0x20];
	v17 =	vadd.s32 v17, v18  }
0x645: {  	v15 =	vadd.f32 v15, v2;
	v14 =	vadd.f32 v14, v2;
	v18 =	vmul.f32 v22, v1;
	v6 =	vld.idx.msk [tilespmem:v6+s22+$0x0], $0xffff  }
0x646: {  	v13 =	vadd.f32 v13, v2;
	v20 =	vadd.f32 v20, v3;
	v22 =	vmul.f32 v23, v1;
	v5 =	vld.idx.msk [tilespmem:v5+s22+$0x0], $0xffff  }
0x647: {  	v21 =	vadd.f32 v21, v3;
	v18 =	vadd.f32 v18, v3;
	v23 =	vmul.f32 v24, v1;
	v10 =	vld.idx.msk [tilespmem:v10+s22+$0x0], $0xffff  }
0x648: {  	v9 =	vmax.f32 v9, $0.0e+00;
	v22 =	vadd.f32 v22, v3;
	v24 =	vmul.f32 v25, v1;
	v11 =	vld.idx.msk [tilespmem:v11+s22+$0x0], $0xffff  }
0x649: {  	v12 =	vmax.f32 v12, $0.0e+00;
	v23 =	vadd.f32 v23, v3;
	v25 =	vmul.f32 v26, v1;
	v17 =	vld.idx.msk [tilespmem:v17+s22+$0x0], $0xffff  }
0x64a: {  	v19 =	vmax.f32 v19, $0.0e+00;
	v16 =	vmax.f32 v16, $0.0e+00;
	v24 =	vadd.f32 v24, v3;
	v7 =	vld.idx.msk [tilespmem:v7+s22+$0x0], $0xffff  }
0x64b: {  	v15 =	vmax.f32 v15, $0.0e+00;
	v14 =	vmax.f32 v14, $0.0e+00;
	v25 =	vadd.f32 v25, v3;
	[tilespmem:s9+$0xFFFFFFC0] =	vst v6;
	v6 =	vld.idx.msk [tilespmem:v8+s22+$0x0], $0xffff  }
0x64c: {  	v8 =	vmin.f32 v9, $3.100000000e+01;
	v9 =	vmin.f32 v12, $3.100000000e+01;
	v12 =	vmax.f32 v13, $0.0e+00;
	[tilespmem:s9+$0xFFFFFFD0] =	vst v5;
	v4 =	vld.idx.msk [tilespmem:v4+s22+$0x0], $0xffff  }
0x64d: {  	v15 =	vmin.f32 v15, $3.100000000e+01;
	v13 =	vmin.f32 v16, $3.100000000e+01;
	v5 =	vmin.f32 v19, $3.100000000e+01;
	[tilespmem:s9+$0xFFFFFFE0] =	vst v10  }
0x64e: {  	v14 =	vmin.f32 v14, $3.100000000e+01;
	v12 =	vmin.f32 v12, $3.100000000e+01;
	v10 =	vmax.f32 v20, $0.0e+00;
	s9 =	sadd.s32 $0x80, s9;
	[tilespmem:s10+$0xFFFFFFF0] =	vst v11  }
0x64f: {  	v16 =	vmax.f32 v18, $0.0e+00;
	v18 =	vmax.f32 v22, $0.0e+00;
	v11 =	vmax.f32 v21, $0.0e+00;
	[tilespmem:s9+$0x30] =	vst v17  }
0x650: {  	v19 =	vmax.f32 v24, $0.0e+00;
	v20 =	vmax.f32 v25, $0.0e+00;
	v17 =	vmax.f32 v23, $0.0e+00;
	[tilespmem:s10+$0x0] =	vst v7  }
0x651: {  	v8 =	vtrunc.f32 v8;
	v9 =	vtrunc.f32 v9;
	v10 =	vmin.f32 v10, $3.100000000e+01;
	[tilespmem:s10+$0x10] =	vst v6  }
0x652: {  	v13 =	vtrunc.f32 v13;
	v5 =	vtrunc.f32 v5;
	v11 =	vmin.f32 v11, $3.100000000e+01;
	[tilespmem:s10+$0x20] =	vst v4;
	s10 =	smov.u32 s9  }
0x653: {  	v15 =	vtrunc.f32 v15;
	v14 =	vtrunc.f32 v14;
	v21 =	vmin.f32 v16, $3.100000000e+01  }
0x654: {  	v18 =	vmin.f32 v18, $3.100000000e+01;
	v16 =	vtrunc.f32 v12;
	v7 =	vmin.f32 v17, $3.100000000e+01  }
0x655: {  	v6 =	vcvt.f32.s32 v8;
	v8 =	vmin.f32 v19, $3.100000000e+01;
	v4 =	vmin.f32 v20, $3.100000000e+01  }
.Ltmp13:
0x656: {  	v9 =	vcvt.f32.s32 v9;
	v17 =	vcvt.f32.s32 v5;
	(pc) =	sbr.rel @p0 .LBB2_28-.Ltmp13, $4  }
0x657: {  	v19 =	vcvt.f32.s32 v13;
	v13 =	vcvt.f32.s32 v15;
	v6 =	vshll.u32 v6, $0x5  }
0x658: {  	v12 =	vcvt.f32.s32 v14;
	v5 =	vshll.u32 v9, $0x5;
	v9 =	vcvt.f32.s32 v16  }
0x659: {  	v16 =	vtrunc.f32 v10;
	v15 =	vtrunc.f32 v11;
	v10 =	vshll.u32 v17, $0x5  }
0x65a: {  	s12 =	sadd.s32 $0x80, s12;
	v14 =	vtrunc.f32 v18;
	v17 =	vtrunc.f32 v21;
	v11 =	vshll.u32 v19, $0x5  }
0x65b: {  	v16 =	vcvt.f32.s32 v16  }
0x65c: {  	v15 =	vcvt.f32.s32 v15  }
0x65d: {  	v7 =	vtrunc.f32 v7;
	v17 =	vcvt.f32.s32 v17;
	v6 =	vadd.s32 v16, v6  }
0x65e: {  	v13 =	vshll.u32 v13, $0x5;
	v14 =	vcvt.f32.s32 v14;
	v5 =	vadd.s32 v15, v5  }
0x65f: {  	v4 =	vtrunc.f32 v4;
	v7 =	vcvt.f32.s32 v7;
	v10 =	vadd.s32 v17, v10  }
0x660: {  	v8 =	vtrunc.f32 v8;
	v4 =	vcvt.f32.s32 v4;
	v11 =	vadd.s32 v14, v11  }
0x661: {  	v9 =	vshll.u32 v9, $0x5;
	v8 =	vcvt.f32.s32 v8;
	v7 =	vadd.s32 v7, v13  }
0x662: {  	v12 =	vshll.u32 v12, $0x5;
	v4 =	vadd.s32 v4, v9;
	v6 =	vld.idx.msk [tilespmem:v6+s22+$0x0], $0xffff  }
0x663: {  	v8 =	vadd.s32 v8, v12;
	v5 =	vld.idx.msk [tilespmem:v5+s22+$0x0], $0xffff  }
0x664: {  	v9 =	vld.idx.msk [tilespmem:v10+s22+$0x0], $0xffff  }
0x665: {  	v10 =	vld.idx.msk [tilespmem:v11+s22+$0x0], $0xffff  }
0x666: {  	v7 =	vld.idx.msk [tilespmem:v7+s22+$0x0], $0xffff  }
0x667: {  	v4 =	vld.idx.msk [tilespmem:v4+s22+$0x0], $0xffff;
	[tilespmem:s9+$0xFFFFFFC0] =	vst v6  }
0x668: {  	v6 =	vld.idx.msk [tilespmem:v8+s22+$0x0], $0xffff;
	[tilespmem:s9+$0xFFFFFFD0] =	vst v5  }
0x669: {  	[tilespmem:s9+$0xFFFFFFE0] =	vst v9  }
0x66a: {  	[tilespmem:s10+$0xFFFFFFF0] =	vst v10  }
0x66b: {  	[tilespmem:s10+$0x0] =	vst v7  }
0x66c: {  	[tilespmem:s10+$0x20] =	vst v4  }
0x66d: {  	[tilespmem:s10+$0x10] =	vst v6  }
0x66e: {  	s8 =	sld [smem:$0x7F3]  }
0x66f: {  	[hbm4b:s17+s1] =	stream.linear.scatter [tilespmem:s4], [sflag:$0x6], $0x2000, $0x38;
	[tilespmem:$0xC600] =	vst v63  }
0x670: {  	s11 =	sld [smem:$0x7F4]  }
0x671: {  	[tilespmem:s28], [sflag:$0x2] =	stream.strided.gather [hbm4b:s8+s24], $0x2000, s25, s24, $0x38;
	[tilespmem:$0xC600] =	vst v63  }
0x672: {  	_ = 	snop  }
0x673: {  	[tilespmem:s29], [sflag:$0x4] =	stream.strided.gather [hbm4b:s11+s24], $0x2000, s25, s24, $0x38;
	[tilespmem:$0xC600] =	vst v63  }
0x674: {  	_ =	swait.ge [sflag:s30], $0x2000  }
0x675: {  	[sflag:s30] =	ssyncset.done $0x0  }
0x676: {  	[sflag:s30] =	ssyncadd.s32 $0xFFFFE000  }
0x677: {  	_ =	swait.ge [sflag:s31], $0x2000  }
0x678: {  	[sflag:s31] =	ssyncset.done $0x0  }
0x679: {  	[sflag:s31] =	ssyncadd.s32 $0xFFFFE000  }
0x67a: {  	_ =	swait.ge [sflag:s5], $0x2000  }
0x67b: {  	[sflag:s5] =	ssyncset.done $0x0  }
0x67c: {  	s12 =	simm.s32 $0x40;
	[sflag:s5] =	ssyncadd.s32 $0xFFFFE000  }
0x67d: {  	s8 =	simm.s32 $0x4040;
	v4 =	vld [tilespmem:s12+$0x30]  }
0x67e: {  	v5 =	vld [tilespmem:s8+$0x30]  }
0x67f: {  	v6 =	vld [tilespmem:s12+$0xFFFFFFD0]  }
0x680: {  	v7 =	vld [tilespmem:s12+$0xFFFFFFE0]  }
0x681: {  	v8 =	vld [tilespmem:s12+$0xFFFFFFF0]  }
0x682: {  	v9 =	vld [tilespmem:s12+$0x0]  }
0x683: {  	v10 =	vld [tilespmem:s12+$0x10]  }
0x684: {  	v12 =	vld [tilespmem:s12+$0xFFFFFFC0]  }
0x685: {  	v13 =	vld [tilespmem:s8+$0xFFFFFFC0]  }
0x686: {  	v11 =	vld [tilespmem:s12+$0x20];
	v4 =	vmul.f32 v4, v0;
	v5 =	vmul.f32 v5, v1  }
0x687: {  	v14 =	vld [tilespmem:s8+$0xFFFFFFD0];
	v6 =	vmul.f32 v6, v0;
	v7 =	vmul.f32 v7, v0  }
0x688: {  	v8 =	vmul.f32 v8, v0;
	v9 =	vmul.f32 v9, v0  }
0x689: {  	v10 =	vmul.f32 v10, v0;
	v12 =	vmul.f32 v12, v0;
	v4 =	vadd.f32 v4, v2  }
0x68a: {  	v13 =	vmul.f32 v13, v1;
	v5 =	vadd.f32 v5, v3;
	v6 =	vadd.f32 v6, v2  }
0x68b: {  	v11 =	vmul.f32 v11, v0;
	v7 =	vadd.f32 v7, v2;
	v8 =	vadd.f32 v8, v2  }
0x68c: {  	v14 =	vmul.f32 v14, v1;
	v12 =	vadd.f32 v12, v2;
	v9 =	vadd.f32 v9, v2  }
0x68d: {  	v10 =	vadd.f32 v10, v2;
	v13 =	vadd.f32 v13, v3  }
0x68e: {  	v11 =	vadd.f32 v11, v2;
	v14 =	vadd.f32 v14, v3;
	v4 =	vmax.f32 v4, $0.0e+00  }
0x68f: {  	v5 =	vmax.f32 v5, $0.0e+00;
	v12 =	vmax.f32 v12, $0.0e+00;
	v6 =	vmax.f32 v6, $0.0e+00  }
0x690: {  	v7 =	vmax.f32 v7, $0.0e+00;
	v8 =	vmax.f32 v8, $0.0e+00;
	v9 =	vmax.f32 v9, $0.0e+00  }
0x691: {  	v15 =	vld [tilespmem:s8+$0xFFFFFFE0];
	v10 =	vmax.f32 v10, $0.0e+00;
	v11 =	vmax.f32 v11, $0.0e+00;
	v13 =	vmax.f32 v13, $0.0e+00  }
0x692: {  	v16 =	vld [tilespmem:s8+$0xFFFFFFF0];
	v14 =	vmax.f32 v14, $0.0e+00;
	v4 =	vmin.f32 v4, $3.100000000e+01;
	v5 =	vmin.f32 v5, $3.100000000e+01  }
0x693: {  	v17 =	vld [tilespmem:s8+$0x0];
	v12 =	vmin.f32 v12, $3.100000000e+01;
	v6 =	vmin.f32 v6, $3.100000000e+01;
	v7 =	vmin.f32 v7, $3.100000000e+01  }
0x694: {  	v18 =	vld [tilespmem:s8+$0x10];
	v8 =	vmin.f32 v8, $3.100000000e+01;
	v9 =	vmin.f32 v9, $3.100000000e+01;
	v4 =	vtrunc.f32 v4  }
0x695: {  	v19 =	vld [tilespmem:s8+$0x20];
	v10 =	vmin.f32 v10, $3.100000000e+01;
	v5 =	vtrunc.f32 v5;
	v4 =	vcvt.f32.s32 v4  }
0x696: {  	v11 =	vmin.f32 v11, $3.100000000e+01;
	v12 =	vtrunc.f32 v12;
	v5 =	vcvt.f32.s32 v5  }
0x697: {  	v6 =	vtrunc.f32 v6;
	v20 =	vtrunc.f32 v8;
	v4 =	vshll.u32 v4, $0x5  }
0x698: {  	v4 =	vadd.s32 v5, v4;
	v5 =	vmul.f32 v15, v1;
	v15 =	vmul.f32 v16, v1  }
0x699: {  	v14 =	vmin.f32 v14, $3.100000000e+01;
	v16 =	vmul.f32 v17, v1;
	v17 =	vmul.f32 v18, v1  }
0x69a: {  	v18 =	vmul.f32 v19, v1;
	v5 =	vadd.f32 v5, v3;
	v15 =	vadd.f32 v15, v3  }
0x69b: {  	v19 =	vmin.f32 v13, $3.100000000e+01;
	v16 =	vadd.f32 v16, v3;
	v17 =	vadd.f32 v17, v3  }
0x69c: {  	v13 =	vtrunc.f32 v7;
	v18 =	vadd.f32 v18, v3;
	v5 =	vmax.f32 v5, $0.0e+00  }
0x69d: {  	v15 =	vmax.f32 v15, $0.0e+00;
	v16 =	vmax.f32 v16, $0.0e+00;
	v17 =	vmax.f32 v17, $0.0e+00  }
0x69e: {  	v18 =	vmax.f32 v18, $0.0e+00;
	v21 =	vmin.f32 v5, $3.100000000e+01;
	v5 =	vtrunc.f32 v9  }
0x69f: {  	v9 =	vtrunc.f32 v10;
	v22 =	vmin.f32 v15, $3.100000000e+01;
	v10 =	vtrunc.f32 v11  }
0x6a0: {  	v7 =	vmin.f32 v16, $3.100000000e+01;
	v23 =	vld.idx.msk [tilespmem:v4+s22+$0x0], $0xffff;
	v11 =	vcvt.f32.s32 v12;
	v12 =	vcvt.f32.s32 v6  }
0x6a1: {  	v8 =	vmin.f32 v17, $3.100000000e+01;
	v17 =	vcvt.f32.s32 v13;
	v16 =	vtrunc.f32 v19  }
0x6a2: {  	v4 =	vmin.f32 v18, $3.100000000e+01;
	v15 =	vtrunc.f32 v14;
	v13 =	vcvt.f32.s32 v5  }
0x6a3: {  	v14 =	vtrunc.f32 v22;
	v6 =	vshll.u32 v11, $0x5;
	v11 =	vcvt.f32.s32 v20  }
0x6a4: {  	s9 =	simm.s32 $0x8040;
	v5 =	vshll.u32 v12, $0x5;
	v12 =	vcvt.f32.s32 v9;
	v9 =	vcvt.f32.s32 v10  }
0x6a5: {  	s10 =	simm.s32 $0x8040;
	s11 =	simm.s32 $0x0;
	s12 =	simm.s32 $0xC0;
	v10 =	vshll.u32 v17, $0x5;
	v17 =	vtrunc.f32 v21;
	v11 =	vshll.u32 v11, $0x5;
	[tilespmem:s9+$0x30] =	vst v23  }
.LBB2_30:
0x6a6: {  	v18 =	vld [tilespmem:s12+$0x30];
	s11 =	sadd.s32 $0x8, s11;
	v7 =	vtrunc.f32 v7;
	v13 =	vshll.u32 v13, $0x5;
	v8 =	vtrunc.f32 v8;
	s8 =	sadd.s32 $0x80, s8  }
0x6a7: {  	v16 =	vcvt.f32.s32 v16;
	v12 =	vshll.u32 v12, $0x5;
	v4 =	vtrunc.f32 v4;
	v19 =	vld [tilespmem:s8+$0x30];
	p0 =	slt.u32 s11, $0x1F8  }
0x6a8: {  	v15 =	vcvt.f32.s32 v15;
	v17 =	vcvt.f32.s32 v17;
	v9 =	vshll.u32 v9, $0x5;
	v20 =	vld [tilespmem:s12+$0xFFFFFFD0]  }
0x6a9: {  	v14 =	vcvt.f32.s32 v14;
	v7 =	vcvt.f32.s32 v7;
	v6 =	vadd.s32 v16, v6;
	v21 =	vld [tilespmem:s12+$0xFFFFFFE0]  }
0x6aa: {  	v8 =	vcvt.f32.s32 v8;
	v4 =	vcvt.f32.s32 v4;
	v5 =	vadd.s32 v15, v5;
	v16 =	vld [tilespmem:s12+$0xFFFFFFF0]  }
0x6ab: {  	v10 =	vadd.s32 v17, v10;
	v11 =	vadd.s32 v14, v11;
	v15 =	vld [tilespmem:s12+$0x0];
	v18 =	vmul.f32 v18, v0  }
0x6ac: {  	v7 =	vadd.s32 v7, v13;
	v8 =	vadd.s32 v8, v12;
	v14 =	vld [tilespmem:s12+$0x10];
	v17 =	vmul.f32 v19, v1  }
0x6ad: {  	v4 =	vadd.s32 v4, v9;
	v12 =	vmul.f32 v20, v0;
	v13 =	vld [tilespmem:s12+$0x20];
	v18 =	vadd.f32 v18, v2  }
0x6ae: {  	v9 =	vld [tilespmem:s12+$0xFFFFFFC0];
	v19 =	vmul.f32 v21, v0;
	v17 =	vadd.f32 v17, v3  }
0x6af: {  	v20 =	vld [tilespmem:s8+$0xFFFFFFC0];
	v12 =	vadd.f32 v12, v2;
	v16 =	vmul.f32 v16, v0;
	v18 =	vmax.f32 v18, $0.0e+00  }
0x6b0: {  	v21 =	vld [tilespmem:s8+$0xFFFFFFD0];
	v15 =	vmul.f32 v15, v0;
	v18 =	vmin.f32 v18, $3.100000000e+01;
	v17 =	vmax.f32 v17, $0.0e+00  }
0x6b1: {  	v22 =	vld [tilespmem:s8+$0xFFFFFFE0];
	v14 =	vmul.f32 v14, v0;
	v17 =	vmin.f32 v17, $3.100000000e+01;
	v18 =	vtrunc.f32 v18  }
0x6b2: {  	v19 =	vadd.f32 v19, v2;
	v23 =	vld [tilespmem:s8+$0xFFFFFFF0];
	v18 =	vcvt.f32.s32 v18;
	v17 =	vtrunc.f32 v17  }
0x6b3: {  	v16 =	vadd.f32 v16, v2;
	v9 =	vmul.f32 v9, v0;
	v24 =	vld [tilespmem:s8+$0x0];
	v17 =	vcvt.f32.s32 v17  }
0x6b4: {  	v13 =	vmul.f32 v13, v0;
	v20 =	vmul.f32 v20, v1;
	v25 =	vld [tilespmem:s8+$0x10];
	v18 =	vshll.u32 v18, $0x5  }
0x6b5: {  	v9 =	vadd.f32 v9, v2;
	v21 =	vmul.f32 v21, v1;
	v26 =	vld [tilespmem:s8+$0x20];
	v17 =	vadd.s32 v17, v18  }
0x6b6: {  	v15 =	vadd.f32 v15, v2;
	v14 =	vadd.f32 v14, v2;
	v18 =	vmul.f32 v22, v1;
	v6 =	vld.idx.msk [tilespmem:v6+s22+$0x0], $0xffff  }
0x6b7: {  	v13 =	vadd.f32 v13, v2;
	v20 =	vadd.f32 v20, v3;
	v22 =	vmul.f32 v23, v1;
	v5 =	vld.idx.msk [tilespmem:v5+s22+$0x0], $0xffff  }
0x6b8: {  	v21 =	vadd.f32 v21, v3;
	v18 =	vadd.f32 v18, v3;
	v23 =	vmul.f32 v24, v1;
	v10 =	vld.idx.msk [tilespmem:v10+s22+$0x0], $0xffff  }
0x6b9: {  	v9 =	vmax.f32 v9, $0.0e+00;
	v22 =	vadd.f32 v22, v3;
	v24 =	vmul.f32 v25, v1;
	v11 =	vld.idx.msk [tilespmem:v11+s22+$0x0], $0xffff  }
0x6ba: {  	v12 =	vmax.f32 v12, $0.0e+00;
	v23 =	vadd.f32 v23, v3;
	v25 =	vmul.f32 v26, v1;
	v17 =	vld.idx.msk [tilespmem:v17+s22+$0x0], $0xffff  }
0x6bb: {  	v19 =	vmax.f32 v19, $0.0e+00;
	v16 =	vmax.f32 v16, $0.0e+00;
	v24 =	vadd.f32 v24, v3;
	v7 =	vld.idx.msk [tilespmem:v7+s22+$0x0], $0xffff  }
0x6bc: {  	v15 =	vmax.f32 v15, $0.0e+00;
	v14 =	vmax.f32 v14, $0.0e+00;
	v25 =	vadd.f32 v25, v3;
	[tilespmem:s9+$0xFFFFFFC0] =	vst v6;
	v6 =	vld.idx.msk [tilespmem:v8+s22+$0x0], $0xffff  }
0x6bd: {  	v8 =	vmin.f32 v9, $3.100000000e+01;
	v9 =	vmin.f32 v12, $3.100000000e+01;
	v12 =	vmax.f32 v13, $0.0e+00;
	[tilespmem:s9+$0xFFFFFFD0] =	vst v5;
	v4 =	vld.idx.msk [tilespmem:v4+s22+$0x0], $0xffff  }
0x6be: {  	v15 =	vmin.f32 v15, $3.100000000e+01;
	v13 =	vmin.f32 v16, $3.100000000e+01;
	v5 =	vmin.f32 v19, $3.100000000e+01;
	[tilespmem:s9+$0xFFFFFFE0] =	vst v10  }
0x6bf: {  	v14 =	vmin.f32 v14, $3.100000000e+01;
	v12 =	vmin.f32 v12, $3.100000000e+01;
	v10 =	vmax.f32 v20, $0.0e+00;
	s9 =	sadd.s32 $0x80, s9;
	[tilespmem:s10+$0xFFFFFFF0] =	vst v11  }
0x6c0: {  	v16 =	vmax.f32 v18, $0.0e+00;
	v18 =	vmax.f32 v22, $0.0e+00;
	v11 =	vmax.f32 v21, $0.0e+00;
	[tilespmem:s9+$0x30] =	vst v17  }
0x6c1: {  	v19 =	vmax.f32 v24, $0.0e+00;
	v20 =	vmax.f32 v25, $0.0e+00;
	v17 =	vmax.f32 v23, $0.0e+00;
	[tilespmem:s10+$0x0] =	vst v7  }
0x6c2: {  	v8 =	vtrunc.f32 v8;
	v9 =	vtrunc.f32 v9;
	v10 =	vmin.f32 v10, $3.100000000e+01;
	[tilespmem:s10+$0x10] =	vst v6  }
0x6c3: {  	v13 =	vtrunc.f32 v13;
	v5 =	vtrunc.f32 v5;
	v11 =	vmin.f32 v11, $3.100000000e+01;
	[tilespmem:s10+$0x20] =	vst v4;
	s10 =	smov.u32 s9  }
0x6c4: {  	v15 =	vtrunc.f32 v15;
	v14 =	vtrunc.f32 v14;
	v21 =	vmin.f32 v16, $3.100000000e+01  }
0x6c5: {  	v18 =	vmin.f32 v18, $3.100000000e+01;
	v16 =	vtrunc.f32 v12;
	v7 =	vmin.f32 v17, $3.100000000e+01  }
0x6c6: {  	v6 =	vcvt.f32.s32 v8;
	v8 =	vmin.f32 v19, $3.100000000e+01;
	v4 =	vmin.f32 v20, $3.100000000e+01  }
.Ltmp14:
0x6c7: {  	v9 =	vcvt.f32.s32 v9;
	v17 =	vcvt.f32.s32 v5;
	(pc) =	sbr.rel @p0 .LBB2_30-.Ltmp14, $4  }
0x6c8: {  	v19 =	vcvt.f32.s32 v13;
	v13 =	vcvt.f32.s32 v15;
	v6 =	vshll.u32 v6, $0x5  }
0x6c9: {  	v12 =	vcvt.f32.s32 v14;
	v5 =	vshll.u32 v9, $0x5;
	v9 =	vcvt.f32.s32 v16  }
0x6ca: {  	v16 =	vtrunc.f32 v10;
	v15 =	vtrunc.f32 v11;
	v10 =	vshll.u32 v17, $0x5  }
0x6cb: {  	s12 =	sadd.s32 $0x80, s12;
	v14 =	vtrunc.f32 v18;
	v17 =	vtrunc.f32 v21;
	v11 =	vshll.u32 v19, $0x5  }
0x6cc: {  	v16 =	vcvt.f32.s32 v16  }
0x6cd: {  	v15 =	vcvt.f32.s32 v15  }
0x6ce: {  	v7 =	vtrunc.f32 v7;
	v17 =	vcvt.f32.s32 v17;
	v6 =	vadd.s32 v16, v6  }
0x6cf: {  	v13 =	vshll.u32 v13, $0x5;
	v14 =	vcvt.f32.s32 v14;
	v5 =	vadd.s32 v15, v5  }
0x6d0: {  	v4 =	vtrunc.f32 v4;
	v7 =	vcvt.f32.s32 v7;
	v10 =	vadd.s32 v17, v10  }
0x6d1: {  	v8 =	vtrunc.f32 v8;
	v4 =	vcvt.f32.s32 v4;
	v11 =	vadd.s32 v14, v11  }
0x6d2: {  	v9 =	vshll.u32 v9, $0x5;
	v8 =	vcvt.f32.s32 v8;
	v7 =	vadd.s32 v7, v13  }
0x6d3: {  	v12 =	vshll.u32 v12, $0x5;
	v4 =	vadd.s32 v4, v9;
	v6 =	vld.idx.msk [tilespmem:v6+s22+$0x0], $0xffff  }
0x6d4: {  	v8 =	vadd.s32 v8, v12;
	v5 =	vld.idx.msk [tilespmem:v5+s22+$0x0], $0xffff  }
0x6d5: {  	v9 =	vld.idx.msk [tilespmem:v10+s22+$0x0], $0xffff  }
0x6d6: {  	v10 =	vld.idx.msk [tilespmem:v11+s22+$0x0], $0xffff  }
0x6d7: {  	v7 =	vld.idx.msk [tilespmem:v7+s22+$0x0], $0xffff  }
0x6d8: {  	v4 =	vld.idx.msk [tilespmem:v4+s22+$0x0], $0xffff;
	[tilespmem:s9+$0xFFFFFFC0] =	vst v6  }
0x6d9: {  	v6 =	vld.idx.msk [tilespmem:v8+s22+$0x0], $0xffff;
	[tilespmem:s9+$0xFFFFFFD0] =	vst v5  }
0x6da: {  	[tilespmem:s9+$0xFFFFFFE0] =	vst v9  }
0x6db: {  	[tilespmem:s10+$0xFFFFFFF0] =	vst v10  }
0x6dc: {  	[tilespmem:s10+$0x0] =	vst v7  }
0x6dd: {  	[tilespmem:s10+$0x20] =	vst v4  }
0x6de: {  	[tilespmem:s10+$0x10] =	vst v6  }
0x6df: {  	[hbm4b:s18+s1] =	stream.linear.scatter [tilespmem:s0], [sflag:$0x5], $0x2000, $0x38;
	[tilespmem:$0xC600] =	vst v63  }
0x6e0: {  	_ =	swait.ge [sflag:s2], $0x2000  }
0x6e1: {  	[sflag:s2] =	ssyncset.done $0x0  }
0x6e2: {  	[sflag:s2] =	ssyncadd.s32 $0xFFFFE000  }
0x6e3: {  	_ =	swait.ge [sflag:s3], $0x2000  }
0x6e4: {  	[sflag:s3] =	ssyncset.done $0x0  }
0x6e5: {  	[sflag:s3] =	ssyncadd.s32 $0xFFFFE000  }
0x6e6: {  	_ =	swait.ge [sflag:s6], $0x2000  }
0x6e7: {  	[sflag:s6] =	ssyncset.done $0x0  }
0x6e8: {  	s12 =	simm.s32 $0x2040;
	[sflag:s6] =	ssyncadd.s32 $0xFFFFE000  }
0x6e9: {  	s8 =	simm.s32 $0x6040;
	v4 =	vld [tilespmem:s12+$0x30]  }
0x6ea: {  	v5 =	vld [tilespmem:s8+$0x30]  }
0x6eb: {  	v6 =	vld [tilespmem:s12+$0xFFFFFFD0]  }
0x6ec: {  	v7 =	vld [tilespmem:s12+$0xFFFFFFE0]  }
0x6ed: {  	v8 =	vld [tilespmem:s12+$0xFFFFFFF0]  }
0x6ee: {  	v9 =	vld [tilespmem:s12+$0x0]  }
0x6ef: {  	v10 =	vld [tilespmem:s12+$0x10]  }
0x6f0: {  	v12 =	vld [tilespmem:s12+$0xFFFFFFC0]  }
0x6f1: {  	v13 =	vld [tilespmem:s8+$0xFFFFFFC0]  }
0x6f2: {  	v11 =	vld [tilespmem:s12+$0x20];
	v4 =	vmul.f32 v4, v0;
	v5 =	vmul.f32 v5, v1  }
0x6f3: {  	v14 =	vld [tilespmem:s8+$0xFFFFFFD0];
	v6 =	vmul.f32 v6, v0;
	v7 =	vmul.f32 v7, v0  }
0x6f4: {  	v8 =	vmul.f32 v8, v0;
	v9 =	vmul.f32 v9, v0  }
0x6f5: {  	v10 =	vmul.f32 v10, v0;
	v12 =	vmul.f32 v12, v0;
	v4 =	vadd.f32 v4, v2  }
0x6f6: {  	v13 =	vmul.f32 v13, v1;
	v5 =	vadd.f32 v5, v3;
	v6 =	vadd.f32 v6, v2  }
0x6f7: {  	v11 =	vmul.f32 v11, v0;
	v7 =	vadd.f32 v7, v2;
	v8 =	vadd.f32 v8, v2  }
0x6f8: {  	v14 =	vmul.f32 v14, v1;
	v12 =	vadd.f32 v12, v2;
	v9 =	vadd.f32 v9, v2  }
0x6f9: {  	v10 =	vadd.f32 v10, v2;
	v13 =	vadd.f32 v13, v3  }
0x6fa: {  	v11 =	vadd.f32 v11, v2;
	v14 =	vadd.f32 v14, v3;
	v4 =	vmax.f32 v4, $0.0e+00  }
0x6fb: {  	v5 =	vmax.f32 v5, $0.0e+00;
	v12 =	vmax.f32 v12, $0.0e+00;
	v6 =	vmax.f32 v6, $0.0e+00  }
0x6fc: {  	v7 =	vmax.f32 v7, $0.0e+00;
	v8 =	vmax.f32 v8, $0.0e+00;
	v9 =	vmax.f32 v9, $0.0e+00  }
0x6fd: {  	v15 =	vld [tilespmem:s8+$0xFFFFFFE0];
	v10 =	vmax.f32 v10, $0.0e+00;
	v11 =	vmax.f32 v11, $0.0e+00;
	v13 =	vmax.f32 v13, $0.0e+00  }
0x6fe: {  	v16 =	vld [tilespmem:s8+$0xFFFFFFF0];
	v14 =	vmax.f32 v14, $0.0e+00;
	v4 =	vmin.f32 v4, $3.100000000e+01;
	v5 =	vmin.f32 v5, $3.100000000e+01  }
0x6ff: {  	v17 =	vld [tilespmem:s8+$0x0];
	v12 =	vmin.f32 v12, $3.100000000e+01;
	v6 =	vmin.f32 v6, $3.100000000e+01;
	v7 =	vmin.f32 v7, $3.100000000e+01  }
0x700: {  	v18 =	vld [tilespmem:s8+$0x10];
	v8 =	vmin.f32 v8, $3.100000000e+01;
	v9 =	vmin.f32 v9, $3.100000000e+01;
	v4 =	vtrunc.f32 v4  }
0x701: {  	v19 =	vld [tilespmem:s8+$0x20];
	v10 =	vmin.f32 v10, $3.100000000e+01;
	v5 =	vtrunc.f32 v5;
	v4 =	vcvt.f32.s32 v4  }
0x702: {  	v11 =	vmin.f32 v11, $3.100000000e+01;
	v12 =	vtrunc.f32 v12;
	v5 =	vcvt.f32.s32 v5  }
0x703: {  	v6 =	vtrunc.f32 v6;
	v20 =	vtrunc.f32 v8;
	v4 =	vshll.u32 v4, $0x5  }
0x704: {  	v4 =	vadd.s32 v5, v4;
	v5 =	vmul.f32 v15, v1;
	v15 =	vmul.f32 v16, v1  }
0x705: {  	v14 =	vmin.f32 v14, $3.100000000e+01;
	v16 =	vmul.f32 v17, v1;
	v17 =	vmul.f32 v18, v1  }
0x706: {  	v18 =	vmul.f32 v19, v1;
	v5 =	vadd.f32 v5, v3;
	v15 =	vadd.f32 v15, v3  }
0x707: {  	v19 =	vmin.f32 v13, $3.100000000e+01;
	v16 =	vadd.f32 v16, v3;
	v17 =	vadd.f32 v17, v3  }
0x708: {  	v13 =	vtrunc.f32 v7;
	v18 =	vadd.f32 v18, v3;
	v5 =	vmax.f32 v5, $0.0e+00  }
0x709: {  	v15 =	vmax.f32 v15, $0.0e+00;
	v16 =	vmax.f32 v16, $0.0e+00;
	v17 =	vmax.f32 v17, $0.0e+00  }
0x70a: {  	v18 =	vmax.f32 v18, $0.0e+00;
	v21 =	vmin.f32 v5, $3.100000000e+01;
	v5 =	vtrunc.f32 v9  }
0x70b: {  	v9 =	vtrunc.f32 v10;
	v22 =	vmin.f32 v15, $3.100000000e+01;
	v10 =	vtrunc.f32 v11  }
0x70c: {  	v7 =	vmin.f32 v16, $3.100000000e+01;
	v23 =	vld.idx.msk [tilespmem:v4+s22+$0x0], $0xffff;
	v11 =	vcvt.f32.s32 v12;
	v12 =	vcvt.f32.s32 v6  }
0x70d: {  	v8 =	vmin.f32 v17, $3.100000000e+01;
	v17 =	vcvt.f32.s32 v13;
	v16 =	vtrunc.f32 v19  }
0x70e: {  	v4 =	vmin.f32 v18, $3.100000000e+01;
	v15 =	vtrunc.f32 v14;
	v13 =	vcvt.f32.s32 v5  }
0x70f: {  	v14 =	vtrunc.f32 v22;
	v6 =	vshll.u32 v11, $0x5;
	v11 =	vcvt.f32.s32 v20  }
0x710: {  	s9 =	simm.s32 $0xA040;
	v5 =	vshll.u32 v12, $0x5;
	v12 =	vcvt.f32.s32 v9;
	v9 =	vcvt.f32.s32 v10  }
0x711: {  	s11 =	simm.s32 $0x0;
	s10 =	simm.s32 $0xA040;
	s12 =	simm.s32 $0x20C0;
	v10 =	vshll.u32 v17, $0x5;
	v17 =	vtrunc.f32 v21;
	v11 =	vshll.u32 v11, $0x5;
	[tilespmem:s9+$0x30] =	vst v23  }
.LBB2_32:
0x712: {  	v18 =	vld [tilespmem:s12+$0x30];
	s11 =	sadd.s32 $0x8, s11;
	v7 =	vtrunc.f32 v7;
	v13 =	vshll.u32 v13, $0x5;
	v8 =	vtrunc.f32 v8;
	s8 =	sadd.s32 $0x80, s8  }
0x713: {  	v16 =	vcvt.f32.s32 v16;
	v12 =	vshll.u32 v12, $0x5;
	v4 =	vtrunc.f32 v4;
	v19 =	vld [tilespmem:s8+$0x30];
	p0 =	slt.u32 s11, $0x1F8  }
0x714: {  	v15 =	vcvt.f32.s32 v15;
	v17 =	vcvt.f32.s32 v17;
	v9 =	vshll.u32 v9, $0x5;
	v20 =	vld [tilespmem:s12+$0xFFFFFFD0]  }
0x715: {  	v14 =	vcvt.f32.s32 v14;
	v7 =	vcvt.f32.s32 v7;
	v6 =	vadd.s32 v16, v6;
	v21 =	vld [tilespmem:s12+$0xFFFFFFE0]  }
0x716: {  	v8 =	vcvt.f32.s32 v8;
	v4 =	vcvt.f32.s32 v4;
	v5 =	vadd.s32 v15, v5;
	v16 =	vld [tilespmem:s12+$0xFFFFFFF0]  }
0x717: {  	v10 =	vadd.s32 v17, v10;
	v11 =	vadd.s32 v14, v11;
	v15 =	vld [tilespmem:s12+$0x0];
	v18 =	vmul.f32 v18, v0  }
0x718: {  	v7 =	vadd.s32 v7, v13;
	v8 =	vadd.s32 v8, v12;
	v14 =	vld [tilespmem:s12+$0x10];
	v17 =	vmul.f32 v19, v1  }
0x719: {  	v4 =	vadd.s32 v4, v9;
	v12 =	vmul.f32 v20, v0;
	v13 =	vld [tilespmem:s12+$0x20];
	v18 =	vadd.f32 v18, v2  }
0x71a: {  	v9 =	vld [tilespmem:s12+$0xFFFFFFC0];
	v19 =	vmul.f32 v21, v0;
	v17 =	vadd.f32 v17, v3  }
0x71b: {  	v20 =	vld [tilespmem:s8+$0xFFFFFFC0];
	v12 =	vadd.f32 v12, v2;
	v16 =	vmul.f32 v16, v0;
	v18 =	vmax.f32 v18, $0.0e+00  }
0x71c: {  	v21 =	vld [tilespmem:s8+$0xFFFFFFD0];
	v15 =	vmul.f32 v15, v0;
	v18 =	vmin.f32 v18, $3.100000000e+01;
	v17 =	vmax.f32 v17, $0.0e+00  }
0x71d: {  	v22 =	vld [tilespmem:s8+$0xFFFFFFE0];
	v14 =	vmul.f32 v14, v0;
	v17 =	vmin.f32 v17, $3.100000000e+01;
	v18 =	vtrunc.f32 v18  }
0x71e: {  	v19 =	vadd.f32 v19, v2;
	v23 =	vld [tilespmem:s8+$0xFFFFFFF0];
	v18 =	vcvt.f32.s32 v18;
	v17 =	vtrunc.f32 v17  }
0x71f: {  	v16 =	vadd.f32 v16, v2;
	v9 =	vmul.f32 v9, v0;
	v24 =	vld [tilespmem:s8+$0x0];
	v17 =	vcvt.f32.s32 v17  }
0x720: {  	v13 =	vmul.f32 v13, v0;
	v20 =	vmul.f32 v20, v1;
	v25 =	vld [tilespmem:s8+$0x10];
	v18 =	vshll.u32 v18, $0x5  }
0x721: {  	v9 =	vadd.f32 v9, v2;
	v21 =	vmul.f32 v21, v1;
	v26 =	vld [tilespmem:s8+$0x20];
	v17 =	vadd.s32 v17, v18  }
0x722: {  	v15 =	vadd.f32 v15, v2;
	v14 =	vadd.f32 v14, v2;
	v18 =	vmul.f32 v22, v1;
	v6 =	vld.idx.msk [tilespmem:v6+s22+$0x0], $0xffff  }
0x723: {  	v13 =	vadd.f32 v13, v2;
	v20 =	vadd.f32 v20, v3;
	v22 =	vmul.f32 v23, v1;
	v5 =	vld.idx.msk [tilespmem:v5+s22+$0x0], $0xffff  }
0x724: {  	v21 =	vadd.f32 v21, v3;
	v18 =	vadd.f32 v18, v3;
	v23 =	vmul.f32 v24, v1;
	v10 =	vld.idx.msk [tilespmem:v10+s22+$0x0], $0xffff  }
0x725: {  	v9 =	vmax.f32 v9, $0.0e+00;
	v22 =	vadd.f32 v22, v3;
	v24 =	vmul.f32 v25, v1;
	v11 =	vld.idx.msk [tilespmem:v11+s22+$0x0], $0xffff  }
0x726: {  	v12 =	vmax.f32 v12, $0.0e+00;
	v23 =	vadd.f32 v23, v3;
	v25 =	vmul.f32 v26, v1;
	v17 =	vld.idx.msk [tilespmem:v17+s22+$0x0], $0xffff  }
0x727: {  	v19 =	vmax.f32 v19, $0.0e+00;
	v16 =	vmax.f32 v16, $0.0e+00;
	v24 =	vadd.f32 v24, v3;
	v7 =	vld.idx.msk [tilespmem:v7+s22+$0x0], $0xffff  }
0x728: {  	v15 =	vmax.f32 v15, $0.0e+00;
	v14 =	vmax.f32 v14, $0.0e+00;
	v25 =	vadd.f32 v25, v3;
	[tilespmem:s9+$0xFFFFFFC0] =	vst v6;
	v6 =	vld.idx.msk [tilespmem:v8+s22+$0x0], $0xffff  }
0x729: {  	v8 =	vmin.f32 v9, $3.100000000e+01;
	v9 =	vmin.f32 v12, $3.100000000e+01;
	v12 =	vmax.f32 v13, $0.0e+00;
	[tilespmem:s9+$0xFFFFFFD0] =	vst v5;
	v4 =	vld.idx.msk [tilespmem:v4+s22+$0x0], $0xffff  }
0x72a: {  	v15 =	vmin.f32 v15, $3.100000000e+01;
	v13 =	vmin.f32 v16, $3.100000000e+01;
	v5 =	vmin.f32 v19, $3.100000000e+01;
	[tilespmem:s9+$0xFFFFFFE0] =	vst v10  }
0x72b: {  	v14 =	vmin.f32 v14, $3.100000000e+01;
	v12 =	vmin.f32 v12, $3.100000000e+01;
	v10 =	vmax.f32 v20, $0.0e+00;
	s9 =	sadd.s32 $0x80, s9;
	[tilespmem:s10+$0xFFFFFFF0] =	vst v11  }
0x72c: {  	v16 =	vmax.f32 v18, $0.0e+00;
	v18 =	vmax.f32 v22, $0.0e+00;
	v11 =	vmax.f32 v21, $0.0e+00;
	[tilespmem:s9+$0x30] =	vst v17  }
0x72d: {  	v19 =	vmax.f32 v24, $0.0e+00;
	v20 =	vmax.f32 v25, $0.0e+00;
	v17 =	vmax.f32 v23, $0.0e+00;
	[tilespmem:s10+$0x0] =	vst v7  }
0x72e: {  	v8 =	vtrunc.f32 v8;
	v9 =	vtrunc.f32 v9;
	v10 =	vmin.f32 v10, $3.100000000e+01;
	[tilespmem:s10+$0x10] =	vst v6  }
0x72f: {  	v13 =	vtrunc.f32 v13;
	v5 =	vtrunc.f32 v5;
	v11 =	vmin.f32 v11, $3.100000000e+01;
	[tilespmem:s10+$0x20] =	vst v4;
	s10 =	smov.u32 s9  }
0x730: {  	v15 =	vtrunc.f32 v15;
	v14 =	vtrunc.f32 v14;
	v21 =	vmin.f32 v16, $3.100000000e+01  }
0x731: {  	v18 =	vmin.f32 v18, $3.100000000e+01;
	v16 =	vtrunc.f32 v12;
	v7 =	vmin.f32 v17, $3.100000000e+01  }
0x732: {  	v6 =	vcvt.f32.s32 v8;
	v8 =	vmin.f32 v19, $3.100000000e+01;
	v4 =	vmin.f32 v20, $3.100000000e+01  }
.Ltmp15:
0x733: {  	v9 =	vcvt.f32.s32 v9;
	v17 =	vcvt.f32.s32 v5;
	(pc) =	sbr.rel @p0 .LBB2_32-.Ltmp15, $4  }
0x734: {  	v19 =	vcvt.f32.s32 v13;
	v13 =	vcvt.f32.s32 v15;
	v6 =	vshll.u32 v6, $0x5  }
0x735: {  	v12 =	vcvt.f32.s32 v14;
	v5 =	vshll.u32 v9, $0x5;
	v9 =	vcvt.f32.s32 v16  }
0x736: {  	v16 =	vtrunc.f32 v10;
	v15 =	vtrunc.f32 v11;
	v10 =	vshll.u32 v17, $0x5  }
0x737: {  	s12 =	sadd.s32 $0x80, s12;
	v14 =	vtrunc.f32 v18;
	v17 =	vtrunc.f32 v21;
	v11 =	vshll.u32 v19, $0x5  }
0x738: {  	v0 =	vcvt.f32.s32 v16  }
0x739: {  	v1 =	vcvt.f32.s32 v15  }
0x73a: {  	v2 =	vtrunc.f32 v7;
	v3 =	vcvt.f32.s32 v17;
	v0 =	vadd.s32 v0, v6  }
0x73b: {  	v56 =	vshll.u32 v13, $0x5;
	v57 =	vcvt.f32.s32 v14;
	v1 =	vadd.s32 v1, v5  }
0x73c: {  	v4 =	vtrunc.f32 v4;
	v2 =	vcvt.f32.s32 v2;
	v3 =	vadd.s32 v3, v10  }
0x73d: {  	v58 =	vtrunc.f32 v8;
	v4 =	vcvt.f32.s32 v4;
	v7 =	vadd.s32 v57, v11  }
0x73e: {  	v60 =	vshll.u32 v9, $0x5;
	v5 =	vcvt.f32.s32 v58;
	v2 =	vadd.s32 v2, v56  }
0x73f: {  	v59 =	vshll.u32 v12, $0x5;
	v4 =	vadd.s32 v4, v60;
	v0 =	vld.idx.msk [tilespmem:v0+s22+$0x0], $0xffff  }
0x740: {  	v5 =	vadd.s32 v5, v59;
	v1 =	vld.idx.msk [tilespmem:v1+s22+$0x0], $0xffff  }
0x741: {  	v3 =	vld.idx.msk [tilespmem:v3+s22+$0x0], $0xffff  }
0x742: {  	v61 =	vld.idx.msk [tilespmem:v7+s22+$0x0], $0xffff  }
0x743: {  	v2 =	vld.idx.msk [tilespmem:v2+s22+$0x0], $0xffff  }
0x744: {  	v63 =	vld.idx.msk [tilespmem:v4+s22+$0x0], $0xffff;
	[tilespmem:s9+$0xFFFFFFC0] =	vst v0  }
0x745: {  	v62 =	vld.idx.msk [tilespmem:v5+s22+$0x0], $0xffff;
	[tilespmem:s9+$0xFFFFFFD0] =	vst v1  }
0x746: {  	[tilespmem:s9+$0xFFFFFFE0] =	vst v3  }
0x747: {  	[tilespmem:s10+$0xFFFFFFF0] =	vst v61  }
0x748: {  	[tilespmem:s10+$0x0] =	vst v2  }
0x749: {  	[tilespmem:s10+$0x20] =	vst v63  }
0x74a: {  	s7 =	sadd.s32 $0x1, s7;
	[tilespmem:s10+$0x10] =	vst v62  }
0x74b: {  	[hbm4b:s19+s1] =	stream.linear.scatter [tilespmem:s4], [sflag:$0x6], $0x2000, $0x38;
	[tilespmem:$0xC600] =	vst v63  }
0x74c: {  	p0 =	sne.s32 s7, s21;
	_ =	swait.ge [sflag:s5], $0x2000  }
.Ltmp16:
0x74d: {  	[sflag:s5] =	ssyncset.done $0x0;
	(pc) =	sbr.rel @p0 .LBB2_1-.Ltmp16, $4  }
0x74e: {  	[sflag:s5] =	ssyncadd.s32 $0xFFFFE000  }
0x74f: {  	_ =	swait.ge [sflag:s6], $0x2000  }
0x750: {  	[sflag:s6] =	ssyncset.done $0x0  }
0x751: {  	[sflag:s6] =	ssyncadd.s32 $0xFFFFE000  }
0x752: {  	_ =	sfence.sel $0x180000  }
0x753: {  	[bflag:$0x0] =	sbarrier.arrive $0xFFFF  }
0x754: {  	_ =	strace $0x90000047  }
0x755: {  	s0 =	stileid.u32;
	[bflag:$0x2] =	sbarrier.arrive $0xFFFF  }
0x756: {  	p0 =	sne.s32 s0, $0x0;
	s0 =	rddreg [dreg:$0x4]  }
0x757: {  	s0 =	sadd.s32 @!p0 $0x100000, s0  }
0x758: {  	[sflag:s0] =	ssyncadd.tile.s32 @!p0 $0x1;
	_ =	shalt  }
.Lfunc_end2:
_tile_overlayer_lowered:
.L_overlay_start_2:
0x759: {  	(tag) =	ssettag $0x2  }
0x75a: {  	s0 =	rddreg [dreg:$0x0];
	s2 =	stileid.u32  }
0x75b: {  	s1 =	rddreg [dreg:$0x1];
	p0 =	sne.s32 s2, $0x0  }
0x75c: {  	s3 =	rddreg [dreg:$0x2];
	[bflag:$0x3] =	sbarrier.arrive $0xFFFF;
	s2 =	simm.s32 @!p0 $0x1C07  }
0x75d: {  	[timem:s3], [sflag:s2] =	dma.local @!p0 [hbm:s0], s1  }
0x75e: {  	s0 =	simm.s32 @!p0 $0x7  }
0x75f: {  	_ =	swait.ge @!p0 [sflag:s0], s1  }
0x760: {  	s1 =	ssub.s32 @!p0 $0x0, s1;
	[sflag:s0] =	ssyncset.done @!p0 $0x0  }
0x761: {  	[sflag:s0] =	ssyncadd.s32 @!p0 s1  }
0x762: {  	[bflag:$0x3] =	sbarrier.arrive $0xFFFF  }
0x763: {  	_ =	shalt  }

</sc_bundles>
